<compile_context>
chip_gen: v7x
topology: tpu7x:2x2x1
jax: 0.10.2.dev20260603
libtpu: 0.0.44.dev20260713+nightly
codegen_flags: <defaults>
</compile_context>

<pallas_src>
import functools

import jax
import jax.numpy as jnp
from jax import lax
from jax.experimental import pallas as pl
from jax.experimental.pallas import tpu as pltpu
from jax.experimental.pallas import tpu_sc as plsc

_BATCH = 16384
_NF = 26
_VOCAB = 100000
_EMB = 16

_NC = 2
_NS = 16
_NW = _NC * _NS
_NPLANE = _NF * _EMB
_TPW = _NPLANE // _NW
_QB = _BATCH // 4


@functools.partial(
    pl.kernel,
    out_type=jax.ShapeDtypeStruct((_NPLANE, _BATCH), jnp.float32),
    mesh=plsc.VectorSubcoreMesh(core_axis_name="c", subcore_axis_name="s"),
    compiler_params=pltpu.CompilerParams(
        use_tc_tiling_on_sc=True, needs_layout_passes=False),
    scratch_types=[
        pltpu.VMEM((_VOCAB,), jnp.float32),
        pltpu.VMEM((_BATCH,), jnp.int32),
        pltpu.VMEM((_QB,), jnp.float32),
        pltpu.VMEM((_QB,), jnp.float32),
        pltpu.SemaphoreType.DMA,
        pltpu.SemaphoreType.DMA,
        pltpu.SemaphoreType.DMA,
    ],
)
def _sc_plane_gather(tabt, xt, out, planebuf, idxbuf, qbuf0, qbuf1, semp, sem0, sem1):
    wid = lax.axis_index("s") * _NC + lax.axis_index("c")
    qbufs, sems = (qbuf0, qbuf1), (sem0, sem1)
    inflight = [None, None]
    qcount = 0

    for t in range(_TPW):
        pid = wid * _TPW + t
        f = pid // _EMB
        e = pid % _EMB
        plane_cp = pltpu.async_copy(tabt.at[f, e], planebuf, semp)
        if t == 0:
            pltpu.sync_copy(xt.at[f], idxbuf)
        else:
            f_prev = (pid - 1) // _EMB
            @pl.when(f != f_prev)
            def _load_idx():
                pltpu.sync_copy(xt.at[f], idxbuf)
        plane_cp.wait()
        for q in range(4):
            qb = qcount % 2
            if inflight[qb] is not None:
                inflight[qb].wait()
            outbuf = qbufs[qb]

            @plsc.parallel_loop(0, _QB, 16, unroll=8)
            def gat(i):
                iv = idxbuf[pl.ds(q * _QB + i, 16)]
                outbuf[pl.ds(i, 16)] = plsc.load_gather(planebuf, [iv])

            inflight[qb] = pltpu.async_copy(
                outbuf, out.at[pid, pl.ds(q * _QB, _QB)], sems[qb])
            qcount += 1
    for cp in inflight:
        if cp is not None:
            cp.wait()


def kernel(x, tables):
    tabt = tables.transpose(0, 2, 1)
    xt = x.astype(jnp.int32).T
    out_t = _sc_plane_gather(tabt, xt)
    return out_t.T

# --- scband reference (transcript-rebuilt; emitter-appended) ---
"""Pipeline reference for scband-entity-embedding-34368328303386 (READ-ONLY COPY).

The authoritative reference and input builder live on the scoring server;
editing this copy changes nothing except your own understanding.
"""

import jax, jax.numpy as jnp
import numpy as np

BATCH = 16384
N_FIELDS = 26
VOCAB = 100000
EMB_DIM = 16


def setup_inputs(seed: int = 0) -> dict:
    key = jax.random.key(seed)
    k_idx, k_tab = jax.random.split(key)
    x = jax.random.randint(k_idx, (BATCH, N_FIELDS), 0, VOCAB, dtype=jnp.int64 if jax.config.jax_enable_x64 else jnp.int32)
    # 26 embedding tables, all [VOCAB, EMB_DIM]; stacked into one array since
    # all vocab sizes and embedding dims are equal.
    tables = jax.random.normal(k_tab, (N_FIELDS, VOCAB, EMB_DIM), dtype=jnp.float32) * 0.05
    return {"x": x, "tables": tables}


def reference(x, tables):
    # For each field i: embedding lookup tables[i][x[:, i]] -> [B, EMB_DIM]
    # then concatenate along last axis -> [B, N_FIELDS * EMB_DIM]
    gathered = jax.vmap(lambda t, idx: jnp.take(t, idx, axis=0), in_axes=(0, 1), out_axes=1)(tables, x)
    # gathered: [B, N_FIELDS, EMB_DIM]; concat along -1 == reshape
    out = gathered.reshape(x.shape[0], N_FIELDS * EMB_DIM)
    return out

if __name__ == "__main__":
    import jax
    _d = setup_inputs()
    print(jax.jit(kernel)(*tuple(_d.values())))

</pallas_src>

<mosaic_0001>
#map = affine_map<(d0, d1) -> (0, 0, 0)>
#map1 = affine_map<(d0, d1) -> (0, 0)>
module attributes {stable_mosaic.version = 14 : i64} {
  func.func @_sc_plane_gather(%arg0: i32, %arg1: i32, %arg2: memref<26x16x100000xf32, #tpu.memory_space<hbm>>, %arg3: memref<26x16384xi32, #tpu.memory_space<hbm>>, %arg4: memref<416x16384xf32, #tpu.memory_space<hbm>>, %arg5: memref<100000xf32, #tpu.memory_space<vmem>>, %arg6: memref<16384xi32, #tpu.memory_space<vmem>>, %arg7: memref<4096xf32, #tpu.memory_space<vmem>>, %arg8: memref<4096xf32, #tpu.memory_space<vmem>>, %arg9: memref<!tpu.dma_semaphore, #tpu.memory_space<semaphore_mem>>, %arg10: memref<!tpu.dma_semaphore, #tpu.memory_space<semaphore_mem>>, %arg11: memref<!tpu.dma_semaphore, #tpu.memory_space<semaphore_mem>>) attributes {dimension_semantics = [#tpu.dimension_semantics<core_parallel>, #tpu.dimension_semantics<subcore_parallel>], iteration_bounds = array<i64: 2, 16>, scalar_prefetch = 0 : i64, scratch_operands = 7 : i64, tpu.core_type = #tpu.core_type<sc_vector_subcore>, window_params = [{transform_indices = #map}, {transform_indices = #map1}, {transform_indices = #map1}]} {
    %mul3A = arith.constant 2 : i32
    %mul3A_0 = arith.muli %arg1, %mul3A : i32
    %add3A = arith.addi %mul3A_0, %arg0 : i32
    %mul3A_1 = arith.constant 13 : i32
    %mul3A_2 = arith.muli %add3A, %mul3A_1 : i32
    %add3A_3 = arith.constant 0 : i32
    %add3A_4 = arith.addi %mul3A_2, %add3A_3 : i32
    %jit3A = arith.constant 16 : i32
    %div3A = arith.divsi %add3A_4, %jit3A : i32
    %sign3A = arith.constant 0 : i32
    %sign3A_5 = arith.cmpi sgt, %add3A_4, %sign3A : i32
    %sign3A_6 = arith.extui %sign3A_5 : i1 to i32
    %sign3A_7 = arith.constant 0 : i32
    %sign3A_8 = arith.cmpi slt, %add3A_4, %sign3A_7 : i32
    %sign3A_9 = arith.extui %sign3A_8 : i1 to i32
    %sign3A_10 = arith.subi %sign3A_6, %sign3A_9 : i32
    %sign3A_11 = arith.constant 0 : i32
    %sign3A_12 = arith.cmpi sgt, %jit3A, %sign3A_11 : i32
    %sign3A_13 = arith.extui %sign3A_12 : i1 to i32
    %sign3A_14 = arith.constant 0 : i32
    %sign3A_15 = arith.cmpi slt, %jit3A, %sign3A_14 : i32
    %sign3A_16 = arith.extui %sign3A_15 : i1 to i32
    %sign3A_17 = arith.subi %sign3A_13, %sign3A_16 : i32
    %ne3A = arith.cmpi ne, %sign3A_10, %sign3A_17 : i32
    %rem3A = arith.remsi %add3A_4, %jit3A : i32
    %ne3A_18 = arith.constant 0 : i32
    %ne3A_19 = arith.cmpi ne, %rem3A, %ne3A_18 : i32
    %and3A = arith.andi %ne3A, %ne3A_19 : i1
    %sub3A = arith.constant 1 : i32
    %sub3A_20 = arith.subi %div3A, %sub3A : i32
    %select_n3A = arith.select %and3A, %sub3A_20, %div3A : i32
    %jit3A_21 = arith.constant 16 : i32
    %eq3A = arith.constant 0 : i32
    %eq3A_22 = arith.cmpi eq, %jit3A_21, %eq3A : i32
    %jit3A_23 = arith.constant 1 : i32
    %select_n3A_24 = arith.select %eq3A_22, %jit3A_23, %jit3A_21 : i32
    %rem3A_25 = arith.remsi %add3A_4, %select_n3A_24 : i32
    %ne3A_26 = arith.constant 0 : i32
    %ne3A_27 = arith.cmpi ne, %rem3A_25, %ne3A_26 : i32
    %lt3A = arith.constant 0 : i32
    %lt3A_28 = arith.cmpi slt, %rem3A_25, %lt3A : i32
    %lt3A_29 = arith.constant 0 : i32
    %lt3A_30 = arith.cmpi slt, %select_n3A_24, %lt3A_29 : i32
    %ne3A_31 = arith.xori %lt3A_28, %lt3A_30 : i1
    %and3A_32 = arith.andi %ne3A_31, %ne3A_27 : i1
    %add3A_33 = arith.addi %rem3A_25, %select_n3A_24 : i32
    %select_n3A_34 = arith.select %and3A_32, %add3A_33, %rem3A_25 : i32
    %dma_start3A = arith.constant 0 : i32
    %dma_start3A_35 = tpu.memref_slice %arg2[%select_n3A, %select_n3A_34, %dma_start3A] : memref<26x16x100000xf32, #tpu.memory_space<hbm>> -> memref<1x1x100000xf32, #tpu.memory_space<hbm>>
    %dma_start3A_36 = tpu.memref_squeeze %dma_start3A_35 : memref<1x1x100000xf32, #tpu.memory_space<hbm>> -> memref<100000xf32, #tpu.memory_space<hbm>>
    %dma_start3A_37 = arith.constant 0 : i32
    %dma_start3A_38 = tpu.memref_slice %arg2[%select_n3A, %select_n3A_34, %dma_start3A_37] : memref<26x16x100000xf32, #tpu.memory_space<hbm>> -> memref<1x1x100000xf32, #tpu.memory_space<hbm>>
    %dma_start3A_39 = tpu.memref_squeeze %dma_start3A_38 : memref<1x1x100000xf32, #tpu.memory_space<hbm>> -> memref<100000xf32, #tpu.memory_space<hbm>>
    tpu.enqueue_dma source(%dma_start3A_39 : memref<100000xf32, #tpu.memory_space<hbm>>) target(%arg5 : memref<100000xf32, #tpu.memory_space<vmem>>) target_semaphore(%arg9 : memref<!tpu.dma_semaphore, #tpu.memory_space<semaphore_mem>>)
    "tpu.region"() ({
      %run_scoped3A = tpu.sem_alloc : memref<!tpu.dma_semaphore, #tpu.memory_space<semaphore_mem>>
      %dma_start3A_1854 = arith.constant 0 : i32
      %dma_start3A_1855 = tpu.memref_slice %arg3[%select_n3A, %dma_start3A_1854] : memref<26x16384xi32, #tpu.memory_space<hbm>> -> memref<1x16384xi32, #tpu.memory_space<hbm>>
      %dma_start3A_1856 = tpu.memref_squeeze %dma_start3A_1855 : memref<1x16384xi32, #tpu.memory_space<hbm>> -> memref<16384xi32, #tpu.memory_space<hbm>>
      %dma_start3A_1857 = arith.constant 0 : i32
      %dma_start3A_1858 = tpu.memref_slice %arg3[%select_n3A, %dma_start3A_1857] : memref<26x16384xi32, #tpu.memory_space<hbm>> -> memref<1x16384xi32, #tpu.memory_space<hbm>>
      %dma_start3A_1859 = tpu.memref_squeeze %dma_start3A_1858 : memref<1x16384xi32, #tpu.memory_space<hbm>> -> memref<16384xi32, #tpu.memory_space<hbm>>
      tpu.enqueue_dma source(%dma_start3A_1859 : memref<16384xi32, #tpu.memory_space<hbm>>) target(%arg6 : memref<16384xi32, #tpu.memory_space<vmem>>) target_semaphore(%run_scoped3A : memref<!tpu.dma_semaphore, #tpu.memory_space<semaphore_mem>>)
      %dma_wait3A_1860 = arith.constant 0 : i32
      %dma_wait3A_1861 = tpu.memref_slice %arg3[%select_n3A, %dma_wait3A_1860] : memref<26x16384xi32, #tpu.memory_space<hbm>> -> memref<1x16384xi32, #tpu.memory_space<hbm>>
      %dma_wait3A_1862 = tpu.memref_squeeze %dma_wait3A_1861 : memref<1x16384xi32, #tpu.memory_space<hbm>> -> memref<16384xi32, #tpu.memory_space<hbm>>
      %dma_wait3A_1863 = arith.constant 0 : i32
      %dma_wait3A_1864 = tpu.memref_slice %arg3[%select_n3A, %dma_wait3A_1863] : memref<26x16384xi32, #tpu.memory_space<hbm>> -> memref<1x16384xi32, #tpu.memory_space<hbm>>
      %dma_wait3A_1865 = tpu.memref_squeeze %dma_wait3A_1864 : memref<1x16384xi32, #tpu.memory_space<hbm>> -> memref<16384xi32, #tpu.memory_space<hbm>>
      tpu.wait_dma2 semaphore(%run_scoped3A : memref<!tpu.dma_semaphore, #tpu.memory_space<semaphore_mem>>) src(%dma_wait3A_1865 : memref<16384xi32, #tpu.memory_space<hbm>>) dst(%arg6 : memref<16384xi32, #tpu.memory_space<vmem>>)
      tpu.yield
    }) : () -> ()
    %dma_wait3A = arith.constant 0 : i32
    %dma_wait3A_40 = tpu.memref_slice %arg2[%select_n3A, %select_n3A_34, %dma_wait3A] : memref<26x16x100000xf32, #tpu.memory_space<hbm>> -> memref<1x1x100000xf32, #tpu.memory_space<hbm>>
    %dma_wait3A_41 = tpu.memref_squeeze %dma_wait3A_40 : memref<1x1x100000xf32, #tpu.memory_space<hbm>> -> memref<100000xf32, #tpu.memory_space<hbm>>
    %dma_wait3A_42 = arith.constant 0 : i32
    %dma_wait3A_43 = tpu.memref_slice %arg2[%select_n3A, %select_n3A_34, %dma_wait3A_42] : memref<26x16x100000xf32, #tpu.memory_space<hbm>> -> memref<1x1x100000xf32, #tpu.memory_space<hbm>>
    %dma_wait3A_44 = tpu.memref_squeeze %dma_wait3A_43 : memref<1x1x100000xf32, #tpu.memory_space<hbm>> -> memref<100000xf32, #tpu.memory_space<hbm>>
    tpu.wait_dma2 semaphore(%arg9 : memref<!tpu.dma_semaphore, #tpu.memory_space<semaphore_mem>>) src(%dma_wait3A_44 : memref<100000xf32, #tpu.memory_space<hbm>>) dst(%arg5 : memref<100000xf32, #tpu.memory_space<vmem>>)
    %parallel_loop3A = arith.constant 0 : i32
    %parallel_loop3A_45 = arith.constant 4096 : i32
    %parallel_loop3A_46 = arith.constant 16 : i32
    scf.for %parallel_loop3A_1854 = %parallel_loop3A to %parallel_loop3A_45 step %parallel_loop3A_46  : i32 {
      %parallel_loop3A_1855 = arith.constant 0 : i32
      %parallel_loop3A_1856 = arith.addi %parallel_loop3A_1855, %parallel_loop3A_1854 : i32
      %parallel_loop3A_1857 = arith.index_cast %parallel_loop3A_1856 : i32 to index
      %parallel_loop3A_1858 = tpu.vector_load %arg6[%parallel_loop3A_1857] {strides = array<i32>} : memref<16384xi32, #tpu.memory_space<vmem>>, vector<16xi32>,
      %parallel_loop3A_1859 = tpu.vector_load_idx %arg5[%parallel_loop3A_1858] : memref<100000xf32, #tpu.memory_space<vmem>>[vector<16xi32>], vector<16xf32>,
      %parallel_loop3A_1860 = arith.index_cast %parallel_loop3A_1854 : i32 to index
      %parallel_loop3A_1861 = tpu.vector_load %arg7[%parallel_loop3A_1860] {strides = array<i32>} : memref<4096xf32, #tpu.memory_space<vmem>>, vector<16xf32>,
      tpu.vector_store %arg7[%parallel_loop3A_1860], %parallel_loop3A_1859 {strides = array<i32>} : memref<4096xf32, #tpu.memory_space<vmem>>, vector<16xf32>,
    } {sc.loop_unroll_factor = 8 : i64, sc.parallel_access}
    %dma_start3A_47 = arith.constant 0 : i32
    %dma_start3A_48 = tpu.memref_slice %arg4[%add3A_4, %dma_start3A_47] : memref<416x16384xf32, #tpu.memory_space<hbm>> -> memref<1x4096xf32, #tpu.memory_space<hbm>>
    %dma_start3A_49 = tpu.memref_squeeze %dma_start3A_48 : memref<1x4096xf32, #tpu.memory_space<hbm>> -> memref<4096xf32, #tpu.memory_space<hbm>>
    %dma_start3A_50 = arith.constant 0 : i32
    %dma_start3A_51 = tpu.memref_slice %arg4[%add3A_4, %dma_start3A_50] : memref<416x16384xf32, #tpu.memory_space<hbm>> -> memref<1x4096xf32, #tpu.memory_space<hbm>>
    %dma_start3A_52 = tpu.memref_squeeze %dma_start3A_51 : memref<1x4096xf32, #tpu.memory_space<hbm>> -> memref<4096xf32, #tpu.memory_space<hbm>>
    tpu.enqueue_dma source(%arg7 : memref<4096xf32, #tpu.memory_space<vmem>>) target(%dma_start3A_52 : memref<4096xf32, #tpu.memory_space<hbm>>) target_semaphore(%arg10 : memref<!tpu.dma_semaphore, #tpu.memory_space<semaphore_mem>>)
    %parallel_loop3A_53 = arith.constant 0 : i32
    %parallel_loop3A_54 = arith.constant 4096 : i32
    %parallel_loop3A_55 = arith.constant 16 : i32
    scf.for %parallel_loop3A_1854 = %parallel_loop3A_53 to %parallel_loop3A_54 step %parallel_loop3A_55  : i32 {
      %parallel_loop3A_1855 = arith.constant 4096 : i32
      %parallel_loop3A_1856 = arith.addi %parallel_loop3A_1855, %parallel_loop3A_1854 : i32
      %parallel_loop3A_1857 = arith.index_cast %parallel_loop3A_1856 : i32 to index
      %parallel_loop3A_1858 = tpu.vector_load %arg6[%parallel_loop3A_1857] {strides = array<i32>} : memref<16384xi32, #tpu.memory_space<vmem>>, vector<16xi32>,
      %parallel_loop3A_1859 = tpu.vector_load_idx %arg5[%parallel_loop3A_1858] : memref<100000xf32, #tpu.memory_space<vmem>>[vector<16xi32>], vector<16xf32>,
      %parallel_loop3A_1860 = arith.index_cast %parallel_loop3A_1854 : i32 to index
      %parallel_loop3A_1861 = tpu.vector_load %arg8[%parallel_loop3A_1860] {strides = array<i32>} : memref<4096xf32, #tpu.memory_space<vmem>>, vector<16xf32>,
      tpu.vector_store %arg8[%parallel_loop3A_1860], %parallel_loop3A_1859 {strides = array<i32>} : memref<4096xf32, #tpu.memory_space<vmem>>, vector<16xf32>,
    } {sc.loop_unroll_factor = 8 : i64, sc.parallel_access}
    %dma_start3A_56 = arith.constant 4096 : i32
    %dma_start3A_57 = tpu.memref_slice %arg4[%add3A_4, %dma_start3A_56] : memref<416x16384xf32, #tpu.memory_space<hbm>> -> memref<1x4096xf32, #tpu.memory_space<hbm>>
    %dma_start3A_58 = tpu.memref_squeeze %dma_start3A_57 : memref<1x4096xf32, #tpu.memory_space<hbm>> -> memref<4096xf32, #tpu.memory_space<hbm>>
    %dma_start3A_59 = arith.constant 4096 : i32
    %dma_start3A_60 = tpu.memref_slice %arg4[%add3A_4, %dma_start3A_59] : memref<416x16384xf32, #tpu.memory_space<hbm>> -> memref<1x4096xf32, #tpu.memory_space<hbm>>
    %dma_start3A_61 = tpu.memref_squeeze %dma_start3A_60 : memref<1x4096xf32, #tpu.memory_space<hbm>> -> memref<4096xf32, #tpu.memory_space<hbm>>
    tpu.enqueue_dma source(%arg8 : memref<4096xf32, #tpu.memory_space<vmem>>) target(%dma_start3A_61 : memref<4096xf32, #tpu.memory_space<hbm>>) target_semaphore(%arg11 : memref<!tpu.dma_semaphore, #tpu.memory_space<semaphore_mem>>)
    %dma_wait3A_62 = arith.constant 0 : i32
    %dma_wait3A_63 = tpu.memref_slice %arg4[%add3A_4, %dma_wait3A_62] : memref<416x16384xf32, #tpu.memory_space<hbm>> -> memref<1x4096xf32, #tpu.memory_space<hbm>>
    %dma_wait3A_64 = tpu.memref_squeeze %dma_wait3A_63 : memref<1x4096xf32, #tpu.memory_space<hbm>> -> memref<4096xf32, #tpu.memory_space<hbm>>
    %dma_wait3A_65 = arith.constant 0 : i32
    %dma_wait3A_66 = tpu.memref_slice %arg4[%add3A_4, %dma_wait3A_65] : memref<416x16384xf32, #tpu.memory_space<hbm>> -> memref<1x4096xf32, #tpu.memory_space<hbm>>
    %dma_wait3A_67 = tpu.memref_squeeze %dma_wait3A_66 : memref<1x4096xf32, #tpu.memory_space<hbm>> -> memref<4096xf32, #tpu.memory_space<hbm>>
    tpu.wait_dma2 semaphore(%arg10 : memref<!tpu.dma_semaphore, #tpu.memory_space<semaphore_mem>>) src(%arg7 : memref<4096xf32, #tpu.memory_space<vmem>>) dst(%dma_wait3A_67 : memref<4096xf32, #tpu.memory_space<hbm>>)
    %parallel_loop3A_68 = arith.constant 0 : i32
    %parallel_loop3A_69 = arith.constant 4096 : i32
    %parallel_loop3A_70 = arith.constant 16 : i32
    scf.for %parallel_loop3A_1854 = %parallel_loop3A_68 to %parallel_loop3A_69 step %parallel_loop3A_70  : i32 {
      %parallel_loop3A_1855 = arith.constant 8192 : i32
      %parallel_loop3A_1856 = arith.addi %parallel_loop3A_1855, %parallel_loop3A_1854 : i32
      %parallel_loop3A_1857 = arith.index_cast %parallel_loop3A_1856 : i32 to index
      %parallel_loop3A_1858 = tpu.vector_load %arg6[%parallel_loop3A_1857] {strides = array<i32>} : memref<16384xi32, #tpu.memory_space<vmem>>, vector<16xi32>,
      %parallel_loop3A_1859 = tpu.vector_load_idx %arg5[%parallel_loop3A_1858] : memref<100000xf32, #tpu.memory_space<vmem>>[vector<16xi32>], vector<16xf32>,
      %parallel_loop3A_1860 = arith.index_cast %parallel_loop3A_1854 : i32 to index
      %parallel_loop3A_1861 = tpu.vector_load %arg7[%parallel_loop3A_1860] {strides = array<i32>} : memref<4096xf32, #tpu.memory_space<vmem>>, vector<16xf32>,
      tpu.vector_store %arg7[%parallel_loop3A_1860], %parallel_loop3A_1859 {strides = array<i32>} : memref<4096xf32, #tpu.memory_space<vmem>>, vector<16xf32>,
    } {sc.loop_unroll_factor = 8 : i64, sc.parallel_access}
    %dma_start3A_71 = arith.constant 8192 : i32
    %dma_start3A_72 = tpu.memref_slice %arg4[%add3A_4, %dma_start3A_71] : memref<416x16384xf32, #tpu.memory_space<hbm>> -> memref<1x4096xf32, #tpu.memory_space<hbm>>
    %dma_start3A_73 = tpu.memref_squeeze %dma_start3A_72 : memref<1x4096xf32, #tpu.memory_space<hbm>> -> memref<4096xf32, #tpu.memory_space<hbm>>
    %dma_start3A_74 = arith.constant 8192 : i32
    %dma_start3A_75 = tpu.memref_slice %arg4[%add3A_4, %dma_start3A_74] : memref<416x16384xf32, #tpu.memory_space<hbm>> -> memref<1x4096xf32, #tpu.memory_space<hbm>>
    %dma_start3A_76 = tpu.memref_squeeze %dma_start3A_75 : memref<1x4096xf32, #tpu.memory_space<hbm>> -> memref<4096xf32, #tpu.memory_space<hbm>>
    tpu.enqueue_dma source(%arg7 : memref<4096xf32, #tpu.memory_space<vmem>>) target(%dma_start3A_76 : memref<4096xf32, #tpu.memory_space<hbm>>) target_semaphore(%arg10 : memref<!tpu.dma_semaphore, #tpu.memory_space<semaphore_mem>>)
    %dma_wait3A_77 = arith.constant 4096 : i32
    %dma_wait3A_78 = tpu.memref_slice %arg4[%add3A_4, %dma_wait3A_77] : memref<416x16384xf32, #tpu.memory_space<hbm>> -> memref<1x4096xf32, #tpu.memory_space<hbm>>
    %dma_wait3A_79 = tpu.memref_squeeze %dma_wait3A_78 : memref<1x4096xf32, #tpu.memory_space<hbm>> -> memref<4096xf32, #tpu.memory_space<hbm>>
    %dma_wait3A_80 = arith.constant 4096 : i32
    %dma_wait3A_81 = tpu.memref_slice %arg4[%add3A_4, %dma_wait3A_80] : memref<416x16384xf32, #tpu.memory_space<hbm>> -> memref<1x4096xf32, #tpu.memory_space<hbm>>
    %dma_wait3A_82 = tpu.memref_squeeze %dma_wait3A_81 : memref<1x4096xf32, #tpu.memory_space<hbm>> -> memref<4096xf32, #tpu.memory_space<hbm>>
    tpu.wait_dma2 semaphore(%arg11 : memref<!tpu.dma_semaphore, #tpu.memory_space<semaphore_mem>>) src(%arg8 : memref<4096xf32, #tpu.memory_space<vmem>>) dst(%dma_wait3A_82 : memref<4096xf32, #tpu.memory_space<hbm>>)
    %parallel_loop3A_83 = arith.constant 0 : i32
    %parallel_loop3A_84 = arith.constant 4096 : i32
    %parallel_loop3A_85 = arith.constant 16 : i32
    scf.for %parallel_loop3A_1854 = %parallel_loop3A_83 to %parallel_loop3A_84 step %parallel_loop3A_85  : i32 {
      %parallel_loop3A_1855 = arith.constant 12288 : i32
      %parallel_loop3A_1856 = arith.addi %parallel_loop3A_1855, %parallel_loop3A_1854 : i32
      %parallel_loop3A_1857 = arith.index_cast %parallel_loop3A_1856 : i32 to index
      %parallel_loop3A_1858 = tpu.vector_load %arg6[%parallel_loop3A_1857] {strides = array<i32>} : memref<16384xi32, #tpu.memory_space<vmem>>, vector<16xi32>,
      %parallel_loop3A_1859 = tpu.vector_load_idx %arg5[%parallel_loop3A_1858] : memref<100000xf32, #tpu.memory_space<vmem>>[vector<16xi32>], vector<16xf32>,
      %parallel_loop3A_1860 = arith.index_cast %parallel_loop3A_1854 : i32 to index
      %parallel_loop3A_1861 = tpu.vector_load %arg8[%parallel_loop3A_1860] {strides = array<i32>} : memref<4096xf32, #tpu.memory_space<vmem>>, vector<16xf32>,
      tpu.vector_store %arg8[%parallel_loop3A_1860], %parallel_loop3A_1859 {strides = array<i32>} : memref<4096xf32, #tpu.memory_space<vmem>>, vector<16xf32>,
    } {sc.loop_unroll_factor = 8 : i64, sc.parallel_access}
    %dma_start3A_86 = arith.constant 12288 : i32
    %dma_start3A_87 = tpu.memref_slice %arg4[%add3A_4, %dma_start3A_86] : memref<416x16384xf32, #tpu.memory_space<hbm>> -> memref<1x4096xf32, #tpu.memory_space<hbm>>
    %dma_start3A_88 = tpu.memref_squeeze %dma_start3A_87 : memref<1x4096xf32, #tpu.memory_space<hbm>> -> memref<4096xf32, #tpu.memory_space<hbm>>
    %dma_start3A_89 = arith.constant 12288 : i32
    %dma_start3A_90 = tpu.memref_slice %arg4[%add3A_4, %dma_start3A_89] : memref<416x16384xf32, #tpu.memory_space<hbm>> -> memref<1x4096xf32, #tpu.memory_space<hbm>>
    %dma_start3A_91 = tpu.memref_squeeze %dma_start3A_90 : memref<1x4096xf32, #tpu.memory_space<hbm>> -> memref<4096xf32, #tpu.memory_space<hbm>>
    tpu.enqueue_dma source(%arg8 : memref<4096xf32, #tpu.memory_space<vmem>>) target(%dma_start3A_91 : memref<4096xf32, #tpu.memory_space<hbm>>) target_semaphore(%arg11 : memref<!tpu.dma_semaphore, #tpu.memory_space<semaphore_mem>>)
    %mul3A_92 = arith.constant 13 : i32
    %mul3A_93 = arith.muli %add3A, %mul3A_92 : i32
    %add3A_94 = arith.constant 1 : i32
    %add3A_95 = arith.addi %mul3A_93, %add3A_94 : i32
    %jit3A_96 = arith.constant 16 : i32
    %div3A_97 = arith.divsi %add3A_95, %jit3A_96 : i32
    %sign3A_98 = arith.constant 0 : i32
    %sign3A_99 = arith.cmpi sgt, %add3A_95, %sign3A_98 : i32
    %sign3A_100 = arith.extui %sign3A_99 : i1 to i32
    %sign3A_101 = arith.constant 0 : i32
    %sign3A_102 = arith.cmpi slt, %add3A_95, %sign3A_101 : i32
    %sign3A_103 = arith.extui %sign3A_102 : i1 to i32
    %sign3A_104 = arith.subi %sign3A_100, %sign3A_103 : i32
    %sign3A_105 = arith.constant 0 : i32
    %sign3A_106 = arith.cmpi sgt, %jit3A_96, %sign3A_105 : i32
    %sign3A_107 = arith.extui %sign3A_106 : i1 to i32
    %sign3A_108 = arith.constant 0 : i32
    %sign3A_109 = arith.cmpi slt, %jit3A_96, %sign3A_108 : i32
    %sign3A_110 = arith.extui %sign3A_109 : i1 to i32
    %sign3A_111 = arith.subi %sign3A_107, %sign3A_110 : i32
    %ne3A_112 = arith.cmpi ne, %sign3A_104, %sign3A_111 : i32
    %rem3A_113 = arith.remsi %add3A_95, %jit3A_96 : i32
    %ne3A_114 = arith.constant 0 : i32
    %ne3A_115 = arith.cmpi ne, %rem3A_113, %ne3A_114 : i32
    %and3A_116 = arith.andi %ne3A_112, %ne3A_115 : i1
    %sub3A_117 = arith.constant 1 : i32
    %sub3A_118 = arith.subi %div3A_97, %sub3A_117 : i32
    %select_n3A_119 = arith.select %and3A_116, %sub3A_118, %div3A_97 : i32
    %jit3A_120 = arith.constant 16 : i32
    %eq3A_121 = arith.constant 0 : i32
    %eq3A_122 = arith.cmpi eq, %jit3A_120, %eq3A_121 : i32
    %jit3A_123 = arith.constant 1 : i32
    %select_n3A_124 = arith.select %eq3A_122, %jit3A_123, %jit3A_120 : i32
    %rem3A_125 = arith.remsi %add3A_95, %select_n3A_124 : i32
    %ne3A_126 = arith.constant 0 : i32
    %ne3A_127 = arith.cmpi ne, %rem3A_125, %ne3A_126 : i32
    %lt3A_128 = arith.constant 0 : i32
    %lt3A_129 = arith.cmpi slt, %rem3A_125, %lt3A_128 : i32
    %lt3A_130 = arith.constant 0 : i32
    %lt3A_131 = arith.cmpi slt, %select_n3A_124, %lt3A_130 : i32
    %ne3A_132 = arith.xori %lt3A_129, %lt3A_131 : i1
    %and3A_133 = arith.andi %ne3A_132, %ne3A_127 : i1
    %add3A_134 = arith.addi %rem3A_125, %select_n3A_124 : i32
    %select_n3A_135 = arith.select %and3A_133, %add3A_134, %rem3A_125 : i32
    %dma_start3A_136 = arith.constant 0 : i32
    %dma_start3A_137 = tpu.memref_slice %arg2[%select_n3A_119, %select_n3A_135, %dma_start3A_136] : memref<26x16x100000xf32, #tpu.memory_space<hbm>> -> memref<1x1x100000xf32, #tpu.memory_space<hbm>>
    %dma_start3A_138 = tpu.memref_squeeze %dma_start3A_137 : memref<1x1x100000xf32, #tpu.memory_space<hbm>> -> memref<100000xf32, #tpu.memory_space<hbm>>
    %dma_start3A_139 = arith.constant 0 : i32
    %dma_start3A_140 = tpu.memref_slice %arg2[%select_n3A_119, %select_n3A_135, %dma_start3A_139] : memref<26x16x100000xf32, #tpu.memory_space<hbm>> -> memref<1x1x100000xf32, #tpu.memory_space<hbm>>
    %dma_start3A_141 = tpu.memref_squeeze %dma_start3A_140 : memref<1x1x100000xf32, #tpu.memory_space<hbm>> -> memref<100000xf32, #tpu.memory_space<hbm>>
    tpu.enqueue_dma source(%dma_start3A_141 : memref<100000xf32, #tpu.memory_space<hbm>>) target(%arg5 : memref<100000xf32, #tpu.memory_space<vmem>>) target_semaphore(%arg9 : memref<!tpu.dma_semaphore, #tpu.memory_space<semaphore_mem>>)
    %sub3A_142 = arith.constant 1 : i32
    %sub3A_143 = arith.subi %add3A_95, %sub3A_142 : i32
    %jit3A_144 = arith.constant 16 : i32
    %div3A_145 = arith.divsi %sub3A_143, %jit3A_144 : i32
    %sign3A_146 = arith.constant 0 : i32
    %sign3A_147 = arith.cmpi sgt, %sub3A_143, %sign3A_146 : i32
    %sign3A_148 = arith.extui %sign3A_147 : i1 to i32
    %sign3A_149 = arith.constant 0 : i32
    %sign3A_150 = arith.cmpi slt, %sub3A_143, %sign3A_149 : i32
    %sign3A_151 = arith.extui %sign3A_150 : i1 to i32
    %sign3A_152 = arith.subi %sign3A_148, %sign3A_151 : i32
    %sign3A_153 = arith.constant 0 : i32
    %sign3A_154 = arith.cmpi sgt, %jit3A_144, %sign3A_153 : i32
    %sign3A_155 = arith.extui %sign3A_154 : i1 to i32
    %sign3A_156 = arith.constant 0 : i32
    %sign3A_157 = arith.cmpi slt, %jit3A_144, %sign3A_156 : i32
    %sign3A_158 = arith.extui %sign3A_157 : i1 to i32
    %sign3A_159 = arith.subi %sign3A_155, %sign3A_158 : i32
    %ne3A_160 = arith.cmpi ne, %sign3A_152, %sign3A_159 : i32
    %rem3A_161 = arith.remsi %sub3A_143, %jit3A_144 : i32
    %ne3A_162 = arith.constant 0 : i32
    %ne3A_163 = arith.cmpi ne, %rem3A_161, %ne3A_162 : i32
    %and3A_164 = arith.andi %ne3A_160, %ne3A_163 : i1
    %sub3A_165 = arith.constant 1 : i32
    %sub3A_166 = arith.subi %div3A_145, %sub3A_165 : i32
    %select_n3A_167 = arith.select %and3A_164, %sub3A_166, %div3A_145 : i32
    %ne3A_168 = arith.cmpi ne, %select_n3A_119, %select_n3A_167 : i32
    %convert_element_type3A = arith.extui %ne3A_168 : i1 to i32
    %cond3A = arith.constant 0 : i32
    %cond3A_169 = arith.cmpi ne, %convert_element_type3A, %cond3A : i32
    scf.if %cond3A_169 {
      "tpu.region"() ({
        %run_scoped3A = tpu.sem_alloc : memref<!tpu.dma_semaphore, #tpu.memory_space<semaphore_mem>>
        %dma_start3A_1854 = arith.constant 0 : i32
        %dma_start3A_1855 = tpu.memref_slice %arg3[%select_n3A_119, %dma_start3A_1854] : memref<26x16384xi32, #tpu.memory_space<hbm>> -> memref<1x16384xi32, #tpu.memory_space<hbm>>
        %dma_start3A_1856 = tpu.memref_squeeze %dma_start3A_1855 : memref<1x16384xi32, #tpu.memory_space<hbm>> -> memref<16384xi32, #tpu.memory_space<hbm>>
        %dma_start3A_1857 = arith.constant 0 : i32
        %dma_start3A_1858 = tpu.memref_slice %arg3[%select_n3A_119, %dma_start3A_1857] : memref<26x16384xi32, #tpu.memory_space<hbm>> -> memref<1x16384xi32, #tpu.memory_space<hbm>>
        %dma_start3A_1859 = tpu.memref_squeeze %dma_start3A_1858 : memref<1x16384xi32, #tpu.memory_space<hbm>> -> memref<16384xi32, #tpu.memory_space<hbm>>
        tpu.enqueue_dma source(%dma_start3A_1859 : memref<16384xi32, #tpu.memory_space<hbm>>) target(%arg6 : memref<16384xi32, #tpu.memory_space<vmem>>) target_semaphore(%run_scoped3A : memref<!tpu.dma_semaphore, #tpu.memory_space<semaphore_mem>>)
        %dma_wait3A_1860 = arith.constant 0 : i32
        %dma_wait3A_1861 = tpu.memref_slice %arg3[%select_n3A_119, %dma_wait3A_1860] : memref<26x16384xi32, #tpu.memory_space<hbm>> -> memref<1x16384xi32, #tpu.memory_space<hbm>>
        %dma_wait3A_1862 = tpu.memref_squeeze %dma_wait3A_1861 : memref<1x16384xi32, #tpu.memory_space<hbm>> -> memref<16384xi32, #tpu.memory_space<hbm>>
        %dma_wait3A_1863 = arith.constant 0 : i32
        %dma_wait3A_1864 = tpu.memref_slice %arg3[%select_n3A_119, %dma_wait3A_1863] : memref<26x16384xi32, #tpu.memory_space<hbm>> -> memref<1x16384xi32, #tpu.memory_space<hbm>>
        %dma_wait3A_1865 = tpu.memref_squeeze %dma_wait3A_1864 : memref<1x16384xi32, #tpu.memory_space<hbm>> -> memref<16384xi32, #tpu.memory_space<hbm>>
        tpu.wait_dma2 semaphore(%run_scoped3A : memref<!tpu.dma_semaphore, #tpu.memory_space<semaphore_mem>>) src(%dma_wait3A_1865 : memref<16384xi32, #tpu.memory_space<hbm>>) dst(%arg6 : memref<16384xi32, #tpu.memory_space<vmem>>)
        tpu.yield
      }) : () -> ()
    } else {
    }
    %dma_wait3A_170 = arith.constant 0 : i32
    %dma_wait3A_171 = tpu.memref_slice %arg2[%select_n3A_119, %select_n3A_135, %dma_wait3A_170] : memref<26x16x100000xf32, #tpu.memory_space<hbm>> -> memref<1x1x100000xf32, #tpu.memory_space<hbm>>
    %dma_wait3A_172 = tpu.memref_squeeze %dma_wait3A_171 : memref<1x1x100000xf32, #tpu.memory_space<hbm>> -> memref<100000xf32, #tpu.memory_space<hbm>>
    %dma_wait3A_173 = arith.constant 0 : i32
    %dma_wait3A_174 = tpu.memref_slice %arg2[%select_n3A_119, %select_n3A_135, %dma_wait3A_173] : memref<26x16x100000xf32, #tpu.memory_space<hbm>> -> memref<1x1x100000xf32, #tpu.memory_space<hbm>>
    %dma_wait3A_175 = tpu.memref_squeeze %dma_wait3A_174 : memref<1x1x100000xf32, #tpu.memory_space<hbm>> -> memref<100000xf32, #tpu.memory_space<hbm>>
    tpu.wait_dma2 semaphore(%arg9 : memref<!tpu.dma_semaphore, #tpu.memory_space<semaphore_mem>>) src(%dma_wait3A_175 : memref<100000xf32, #tpu.memory_space<hbm>>) dst(%arg5 : memref<100000xf32, #tpu.memory_space<vmem>>)
    %dma_wait3A_176 = arith.constant 8192 : i32
    %dma_wait3A_177 = tpu.memref_slice %arg4[%add3A_4, %dma_wait3A_176] : memref<416x16384xf32, #tpu.memory_space<hbm>> -> memref<1x4096xf32, #tpu.memory_space<hbm>>
    %dma_wait3A_178 = tpu.memref_squeeze %dma_wait3A_177 : memref<1x4096xf32, #tpu.memory_space<hbm>> -> memref<4096xf32, #tpu.memory_space<hbm>>
    %dma_wait3A_179 = arith.constant 8192 : i32
    %dma_wait3A_180 = tpu.memref_slice %arg4[%add3A_4, %dma_wait3A_179] : memref<416x16384xf32, #tpu.memory_space<hbm>> -> memref<1x4096xf32, #tpu.memory_space<hbm>>
    %dma_wait3A_181 = tpu.memref_squeeze %dma_wait3A_180 : memref<1x4096xf32, #tpu.memory_space<hbm>> -> memref<4096xf32, #tpu.memory_space<hbm>>
    tpu.wait_dma2 semaphore(%arg10 : memref<!tpu.dma_semaphore, #tpu.memory_space<semaphore_mem>>) src(%arg7 : memref<4096xf32, #tpu.memory_space<vmem>>) dst(%dma_wait3A_181 : memref<4096xf32, #tpu.memory_space<hbm>>)
    %parallel_loop3A_182 = arith.constant 0 : i32
    %parallel_loop3A_183 = arith.constant 4096 : i32
    %parallel_loop3A_184 = arith.constant 16 : i32
    scf.for %parallel_loop3A_1854 = %parallel_loop3A_182 to %parallel_loop3A_183 step %parallel_loop3A_184  : i32 {
      %parallel_loop3A_1855 = arith.constant 0 : i32
      %parallel_loop3A_1856 = arith.addi %parallel_loop3A_1855, %parallel_loop3A_1854 : i32
      %parallel_loop3A_1857 = arith.index_cast %parallel_loop3A_1856 : i32 to index
      %parallel_loop3A_1858 = tpu.vector_load %arg6[%parallel_loop3A_1857] {strides = array<i32>} : memref<16384xi32, #tpu.memory_space<vmem>>, vector<16xi32>,
      %parallel_loop3A_1859 = tpu.vector_load_idx %arg5[%parallel_loop3A_1858] : memref<100000xf32, #tpu.memory_space<vmem>>[vector<16xi32>], vector<16xf32>,
      %parallel_loop3A_1860 = arith.index_cast %parallel_loop3A_1854 : i32 to index
      %parallel_loop3A_1861 = tpu.vector_load %arg7[%parallel_loop3A_1860] {strides = array<i32>} : memref<4096xf32, #tpu.memory_space<vmem>>, vector<16xf32>,
      tpu.vector_store %arg7[%parallel_loop3A_1860], %parallel_loop3A_1859 {strides = array<i32>} : memref<4096xf32, #tpu.memory_space<vmem>>, vector<16xf32>,
    } {sc.loop_unroll_factor = 8 : i64, sc.parallel_access}
    %dma_start3A_185 = arith.constant 0 : i32
    %dma_start3A_186 = tpu.memref_slice %arg4[%add3A_95, %dma_start3A_185] : memref<416x16384xf32, #tpu.memory_space<hbm>> -> memref<1x4096xf32, #tpu.memory_space<hbm>>
    %dma_start3A_187 = tpu.memref_squeeze %dma_start3A_186 : memref<1x4096xf32, #tpu.memory_space<hbm>> -> memref<4096xf32, #tpu.memory_space<hbm>>
    %dma_start3A_188 = arith.constant 0 : i32
    %dma_start3A_189 = tpu.memref_slice %arg4[%add3A_95, %dma_start3A_188] : memref<416x16384xf32, #tpu.memory_space<hbm>> -> memref<1x4096xf32, #tpu.memory_space<hbm>>
    %dma_start3A_190 = tpu.memref_squeeze %dma_start3A_189 : memref<1x4096xf32, #tpu.memory_space<hbm>> -> memref<4096xf32, #tpu.memory_space<hbm>>
    tpu.enqueue_dma source(%arg7 : memref<4096xf32, #tpu.memory_space<vmem>>) target(%dma_start3A_190 : memref<4096xf32, #tpu.memory_space<hbm>>) target_semaphore(%arg10 : memref<!tpu.dma_semaphore, #tpu.memory_space<semaphore_mem>>)
    %dma_wait3A_191 = arith.constant 12288 : i32
    %dma_wait3A_192 = tpu.memref_slice %arg4[%add3A_4, %dma_wait3A_191] : memref<416x16384xf32, #tpu.memory_space<hbm>> -> memref<1x4096xf32, #tpu.memory_space<hbm>>
    %dma_wait3A_193 = tpu.memref_squeeze %dma_wait3A_192 : memref<1x4096xf32, #tpu.memory_space<hbm>> -> memref<4096xf32, #tpu.memory_space<hbm>>
    %dma_wait3A_194 = arith.constant 12288 : i32
    %dma_wait3A_195 = tpu.memref_slice %arg4[%add3A_4, %dma_wait3A_194] : memref<416x16384xf32, #tpu.memory_space<hbm>> -> memref<1x4096xf32, #tpu.memory_space<hbm>>
    %dma_wait3A_196 = tpu.memref_squeeze %dma_wait3A_195 : memref<1x4096xf32, #tpu.memory_space<hbm>> -> memref<4096xf32, #tpu.memory_space<hbm>>
    tpu.wait_dma2 semaphore(%arg11 : memref<!tpu.dma_semaphore, #tpu.memory_space<semaphore_mem>>) src(%arg8 : memref<4096xf32, #tpu.memory_space<vmem>>) dst(%dma_wait3A_196 : memref<4096xf32, #tpu.memory_space<hbm>>)
    %parallel_loop3A_197 = arith.constant 0 : i32
    %parallel_loop3A_198 = arith.constant 4096 : i32
    %parallel_loop3A_199 = arith.constant 16 : i32
    scf.for %parallel_loop3A_1854 = %parallel_loop3A_197 to %parallel_loop3A_198 step %parallel_loop3A_199  : i32 {
      %parallel_loop3A_1855 = arith.constant 4096 : i32
      %parallel_loop3A_1856 = arith.addi %parallel_loop3A_1855, %parallel_loop3A_1854 : i32
      %parallel_loop3A_1857 = arith.index_cast %parallel_loop3A_1856 : i32 to index
      %parallel_loop3A_1858 = tpu.vector_load %arg6[%parallel_loop3A_1857] {strides = array<i32>} : memref<16384xi32, #tpu.memory_space<vmem>>, vector<16xi32>,
      %parallel_loop3A_1859 = tpu.vector_load_idx %arg5[%parallel_loop3A_1858] : memref<100000xf32, #tpu.memory_space<vmem>>[vector<16xi32>], vector<16xf32>,
      %parallel_loop3A_1860 = arith.index_cast %parallel_loop3A_1854 : i32 to index
      %parallel_loop3A_1861 = tpu.vector_load %arg8[%parallel_loop3A_1860] {strides = array<i32>} : memref<4096xf32, #tpu.memory_space<vmem>>, vector<16xf32>,
      tpu.vector_store %arg8[%parallel_loop3A_1860], %parallel_loop3A_1859 {strides = array<i32>} : memref<4096xf32, #tpu.memory_space<vmem>>, vector<16xf32>,
    } {sc.loop_unroll_factor = 8 : i64, sc.parallel_access}
    %dma_start3A_200 = arith.constant 4096 : i32
    %dma_start3A_201 = tpu.memref_slice %arg4[%add3A_95, %dma_start3A_200] : memref<416x16384xf32, #tpu.memory_space<hbm>> -> memref<1x4096xf32, #tpu.memory_space<hbm>>
    %dma_start3A_202 = tpu.memref_squeeze %dma_start3A_201 : memref<1x4096xf32, #tpu.memory_space<hbm>> -> memref<4096xf32, #tpu.memory_space<hbm>>
    %dma_start3A_203 = arith.constant 4096 : i32
    %dma_start3A_204 = tpu.memref_slice %arg4[%add3A_95, %dma_start3A_203] : memref<416x16384xf32, #tpu.memory_space<hbm>> -> memref<1x4096xf32, #tpu.memory_space<hbm>>
    %dma_start3A_205 = tpu.memref_squeeze %dma_start3A_204 : memref<1x4096xf32, #tpu.memory_space<hbm>> -> memref<4096xf32, #tpu.memory_space<hbm>>
    tpu.enqueue_dma source(%arg8 : memref<4096xf32, #tpu.memory_space<vmem>>) target(%dma_start3A_205 : memref<4096xf32, #tpu.memory_space<hbm>>) target_semaphore(%arg11 : memref<!tpu.dma_semaphore, #tpu.memory_space<semaphore_mem>>)
    %dma_wait3A_206 = arith.constant 0 : i32
    %dma_wait3A_207 = tpu.memref_slice %arg4[%add3A_95, %dma_wait3A_206] : memref<416x16384xf32, #tpu.memory_space<hbm>> -> memref<1x4096xf32, #tpu.memory_space<hbm>>
    %dma_wait3A_208 = tpu.memref_squeeze %dma_wait3A_207 : memref<1x4096xf32, #tpu.memory_space<hbm>> -> memref<4096xf32, #tpu.memory_space<hbm>>
    %dma_wait3A_209 = arith.constant 0 : i32
    %dma_wait3A_210 = tpu.memref_slice %arg4[%add3A_95, %dma_wait3A_209] : memref<416x16384xf32, #tpu.memory_space<hbm>> -> memref<1x4096xf32, #tpu.memory_space<hbm>>
    %dma_wait3A_211 = tpu.memref_squeeze %dma_wait3A_210 : memref<1x4096xf32, #tpu.memory_space<hbm>> -> memref<4096xf32, #tpu.memory_space<hbm>>
    tpu.wait_dma2 semaphore(%arg10 : memref<!tpu.dma_semaphore, #tpu.memory_space<semaphore_mem>>) src(%arg7 : memref<4096xf32, #tpu.memory_space<vmem>>) dst(%dma_wait3A_211 : memref<4096xf32, #tpu.memory_space<hbm>>)
    %parallel_loop3A_212 = arith.constant 0 : i32
    %parallel_loop3A_213 = arith.constant 4096 : i32
    %parallel_loop3A_214 = arith.constant 16 : i32
    scf.for %parallel_loop3A_1854 = %parallel_loop3A_212 to %parallel_loop3A_213 step %parallel_loop3A_214  : i32 {
      %parallel_loop3A_1855 = arith.constant 8192 : i32
      %parallel_loop3A_1856 = arith.addi %parallel_loop3A_1855, %parallel_loop3A_1854 : i32
      %parallel_loop3A_1857 = arith.index_cast %parallel_loop3A_1856 : i32 to index
      %parallel_loop3A_1858 = tpu.vector_load %arg6[%parallel_loop3A_1857] {strides = array<i32>} : memref<16384xi32, #tpu.memory_space<vmem>>, vector<16xi32>,
      %parallel_loop3A_1859 = tpu.vector_load_idx %arg5[%parallel_loop3A_1858] : memref<100000xf32, #tpu.memory_space<vmem>>[vector<16xi32>], vector<16xf32>,
      %parallel_loop3A_1860 = arith.index_cast %parallel_loop3A_1854 : i32 to index
      %parallel_loop3A_1861 = tpu.vector_load %arg7[%parallel_loop3A_1860] {strides = array<i32>} : memref<4096xf32, #tpu.memory_space<vmem>>, vector<16xf32>,
      tpu.vector_store %arg7[%parallel_loop3A_1860], %parallel_loop3A_1859 {strides = array<i32>} : memref<4096xf32, #tpu.memory_space<vmem>>, vector<16xf32>,
    } {sc.loop_unroll_factor = 8 : i64, sc.parallel_access}
    %dma_start3A_215 = arith.constant 8192 : i32
    %dma_start3A_216 = tpu.memref_slice %arg4[%add3A_95, %dma_start3A_215] : memref<416x16384xf32, #tpu.memory_space<hbm>> -> memref<1x4096xf32, #tpu.memory_space<hbm>>
    %dma_start3A_217 = tpu.memref_squeeze %dma_start3A_216 : memref<1x4096xf32, #tpu.memory_space<hbm>> -> memref<4096xf32, #tpu.memory_space<hbm>>
    %dma_start3A_218 = arith.constant 8192 : i32
    %dma_start3A_219 = tpu.memref_slice %arg4[%add3A_95, %dma_start3A_218] : memref<416x16384xf32, #tpu.memory_space<hbm>> -> memref<1x4096xf32, #tpu.memory_space<hbm>>
    %dma_start3A_220 = tpu.memref_squeeze %dma_start3A_219 : memref<1x4096xf32, #tpu.memory_space<hbm>> -> memref<4096xf32, #tpu.memory_space<hbm>>
    tpu.enqueue_dma source(%arg7 : memref<4096xf32, #tpu.memory_space<vmem>>) target(%dma_start3A_220 : memref<4096xf32, #tpu.memory_space<hbm>>) target_semaphore(%arg10 : memref<!tpu.dma_semaphore, #tpu.memory_space<semaphore_mem>>)
    %dma_wait3A_221 = arith.constant 4096 : i32
    %dma_wait3A_222 = tpu.memref_slice %arg4[%add3A_95, %dma_wait3A_221] : memref<416x16384xf32, #tpu.memory_space<hbm>> -> memref<1x4096xf32, #tpu.memory_space<hbm>>
    %dma_wait3A_223 = tpu.memref_squeeze %dma_wait3A_222 : memref<1x4096xf32, #tpu.memory_space<hbm>> -> memref<4096xf32, #tpu.memory_space<hbm>>
    %dma_wait3A_224 = arith.constant 4096 : i32
    %dma_wait3A_225 = tpu.memref_slice %arg4[%add3A_95, %dma_wait3A_224] : memref<416x16384xf32, #tpu.memory_space<hbm>> -> memref<1x4096xf32, #tpu.memory_space<hbm>>
    %dma_wait3A_226 = tpu.memref_squeeze %dma_wait3A_225 : memref<1x4096xf32, #tpu.memory_space<hbm>> -> memref<4096xf32, #tpu.memory_space<hbm>>
    tpu.wait_dma2 semaphore(%arg11 : memref<!tpu.dma_semaphore, #tpu.memory_space<semaphore_mem>>) src(%arg8 : memref<4096xf32, #tpu.memory_space<vmem>>) dst(%dma_wait3A_226 : memref<4096xf32, #tpu.memory_space<hbm>>)
    %parallel_loop3A_227 = arith.constant 0 : i32
    %parallel_loop3A_228 = arith.constant 4096 : i32
    %parallel_loop3A_229 = arith.constant 16 : i32
    scf.for %parallel_loop3A_1854 = %parallel_loop3A_227 to %parallel_loop3A_228 step %parallel_loop3A_229  : i32 {
      %parallel_loop3A_1855 = arith.constant 12288 : i32
      %parallel_loop3A_1856 = arith.addi %parallel_loop3A_1855, %parallel_loop3A_1854 : i32
      %parallel_loop3A_1857 = arith.index_cast %parallel_loop3A_1856 : i32 to index
      %parallel_loop3A_1858 = tpu.vector_load %arg6[%parallel_loop3A_1857] {strides = array<i32>} : memref<16384xi32, #tpu.memory_space<vmem>>, vector<16xi32>,
      %parallel_loop3A_1859 = tpu.vector_load_idx %arg5[%parallel_loop3A_1858] : memref<100000xf32, #tpu.memory_space<vmem>>[vector<16xi32>], vector<16xf32>,
      %parallel_loop3A_1860 = arith.index_cast %parallel_loop3A_1854 : i32 to index
      %parallel_loop3A_1861 = tpu.vector_load %arg8[%parallel_loop3A_1860] {strides = array<i32>} : memref<4096xf32, #tpu.memory_space<vmem>>, vector<16xf32>,
      tpu.vector_store %arg8[%parallel_loop3A_1860], %parallel_loop3A_1859 {strides = array<i32>} : memref<4096xf32, #tpu.memory_space<vmem>>, vector<16xf32>,
    } {sc.loop_unroll_factor = 8 : i64, sc.parallel_access}
    %dma_start3A_230 = arith.constant 12288 : i32
    %dma_start3A_231 = tpu.memref_slice %arg4[%add3A_95, %dma_start3A_230] : memref<416x16384xf32, #tpu.memory_space<hbm>> -> memref<1x4096xf32, #tpu.memory_space<hbm>>
    %dma_start3A_232 = tpu.memref_squeeze %dma_start3A_231 : memref<1x4096xf32, #tpu.memory_space<hbm>> -> memref<4096xf32, #tpu.memory_space<hbm>>
    %dma_start3A_233 = arith.constant 12288 : i32
    %dma_start3A_234 = tpu.memref_slice %arg4[%add3A_95, %dma_start3A_233] : memref<416x16384xf32, #tpu.memory_space<hbm>> -> memref<1x4096xf32, #tpu.memory_space<hbm>>
    %dma_start3A_235 = tpu.memref_squeeze %dma_start3A_234 : memref<1x4096xf32, #tpu.memory_space<hbm>> -> memref<4096xf32, #tpu.memory_space<hbm>>
    tpu.enqueue_dma source(%arg8 : memref<4096xf32, #tpu.memory_space<vmem>>) target(%dma_start3A_235 : memref<4096xf32, #tpu.memory_space<hbm>>) target_semaphore(%arg11 : memref<!tpu.dma_semaphore, #tpu.memory_space<semaphore_mem>>)
    %mul3A_236 = arith.constant 13 : i32
    %mul3A_237 = arith.muli %add3A, %mul3A_236 : i32
    %add3A_238 = arith.constant 2 : i32
    %add3A_239 = arith.addi %mul3A_237, %add3A_238 : i32
    %jit3A_240 = arith.constant 16 : i32
    %div3A_241 = arith.divsi %add3A_239, %jit3A_240 : i32
    %sign3A_242 = arith.constant 0 : i32
    %sign3A_243 = arith.cmpi sgt, %add3A_239, %sign3A_242 : i32
    %sign3A_244 = arith.extui %sign3A_243 : i1 to i32
    %sign3A_245 = arith.constant 0 : i32
    %sign3A_246 = arith.cmpi slt, %add3A_239, %sign3A_245 : i32
    %sign3A_247 = arith.extui %sign3A_246 : i1 to i32
    %sign3A_248 = arith.subi %sign3A_244, %sign3A_247 : i32
    %sign3A_249 = arith.constant 0 : i32
    %sign3A_250 = arith.cmpi sgt, %jit3A_240, %sign3A_249 : i32
    %sign3A_251 = arith.extui %sign3A_250 : i1 to i32
    %sign3A_252 = arith.constant 0 : i32
    %sign3A_253 = arith.cmpi slt, %jit3A_240, %sign3A_252 : i32
    %sign3A_254 = arith.extui %sign3A_253 : i1 to i32
    %sign3A_255 = arith.subi %sign3A_251, %sign3A_254 : i32
    %ne3A_256 = arith.cmpi ne, %sign3A_248, %sign3A_255 : i32
    %rem3A_257 = arith.remsi %add3A_239, %jit3A_240 : i32
    %ne3A_258 = arith.constant 0 : i32
    %ne3A_259 = arith.cmpi ne, %rem3A_257, %ne3A_258 : i32
    %and3A_260 = arith.andi %ne3A_256, %ne3A_259 : i1
    %sub3A_261 = arith.constant 1 : i32
    %sub3A_262 = arith.subi %div3A_241, %sub3A_261 : i32
    %select_n3A_263 = arith.select %and3A_260, %sub3A_262, %div3A_241 : i32
    %jit3A_264 = arith.constant 16 : i32
    %eq3A_265 = arith.constant 0 : i32
    %eq3A_266 = arith.cmpi eq, %jit3A_264, %eq3A_265 : i32
    %jit3A_267 = arith.constant 1 : i32
    %select_n3A_268 = arith.select %eq3A_266, %jit3A_267, %jit3A_264 : i32
    %rem3A_269 = arith.remsi %add3A_239, %select_n3A_268 : i32
    %ne3A_270 = arith.constant 0 : i32
    %ne3A_271 = arith.cmpi ne, %rem3A_269, %ne3A_270 : i32
    %lt3A_272 = arith.constant 0 : i32
    %lt3A_273 = arith.cmpi slt, %rem3A_269, %lt3A_272 : i32
    %lt3A_274 = arith.constant 0 : i32
    %lt3A_275 = arith.cmpi slt, %select_n3A_268, %lt3A_274 : i32
    %ne3A_276 = arith.xori %lt3A_273, %lt3A_275 : i1
    %and3A_277 = arith.andi %ne3A_276, %ne3A_271 : i1
    %add3A_278 = arith.addi %rem3A_269, %select_n3A_268 : i32
    %select_n3A_279 = arith.select %and3A_277, %add3A_278, %rem3A_269 : i32
    %dma_start3A_280 = arith.constant 0 : i32
    %dma_start3A_281 = tpu.memref_slice %arg2[%select_n3A_263, %select_n3A_279, %dma_start3A_280] : memref<26x16x100000xf32, #tpu.memory_space<hbm>> -> memref<1x1x100000xf32, #tpu.memory_space<hbm>>
    %dma_start3A_282 = tpu.memref_squeeze %dma_start3A_281 : memref<1x1x100000xf32, #tpu.memory_space<hbm>> -> memref<100000xf32, #tpu.memory_space<hbm>>
    %dma_start3A_283 = arith.constant 0 : i32
    %dma_start3A_284 = tpu.memref_slice %arg2[%select_n3A_263, %select_n3A_279, %dma_start3A_283] : memref<26x16x100000xf32, #tpu.memory_space<hbm>> -> memref<1x1x100000xf32, #tpu.memory_space<hbm>>
    %dma_start3A_285 = tpu.memref_squeeze %dma_start3A_284 : memref<1x1x100000xf32, #tpu.memory_space<hbm>> -> memref<100000xf32, #tpu.memory_space<hbm>>
    tpu.enqueue_dma source(%dma_start3A_285 : memref<100000xf32, #tpu.memory_space<hbm>>) target(%arg5 : memref<100000xf32, #tpu.memory_space<vmem>>) target_semaphore(%arg9 : memref<!tpu.dma_semaphore, #tpu.memory_space<semaphore_mem>>)
    %sub3A_286 = arith.constant 1 : i32
    %sub3A_287 = arith.subi %add3A_239, %sub3A_286 : i32
    %jit3A_288 = arith.constant 16 : i32
    %div3A_289 = arith.divsi %sub3A_287, %jit3A_288 : i32
    %sign3A_290 = arith.constant 0 : i32
    %sign3A_291 = arith.cmpi sgt, %sub3A_287, %sign3A_290 : i32
    %sign3A_292 = arith.extui %sign3A_291 : i1 to i32
    %sign3A_293 = arith.constant 0 : i32
    %sign3A_294 = arith.cmpi slt, %sub3A_287, %sign3A_293 : i32
    %sign3A_295 = arith.extui %sign3A_294 : i1 to i32
    %sign3A_296 = arith.subi %sign3A_292, %sign3A_295 : i32
    %sign3A_297 = arith.constant 0 : i32
    %sign3A_298 = arith.cmpi sgt, %jit3A_288, %sign3A_297 : i32
    %sign3A_299 = arith.extui %sign3A_298 : i1 to i32
    %sign3A_300 = arith.constant 0 : i32
    %sign3A_301 = arith.cmpi slt, %jit3A_288, %sign3A_300 : i32
    %sign3A_302 = arith.extui %sign3A_301 : i1 to i32
    %sign3A_303 = arith.subi %sign3A_299, %sign3A_302 : i32
    %ne3A_304 = arith.cmpi ne, %sign3A_296, %sign3A_303 : i32
    %rem3A_305 = arith.remsi %sub3A_287, %jit3A_288 : i32
    %ne3A_306 = arith.constant 0 : i32
    %ne3A_307 = arith.cmpi ne, %rem3A_305, %ne3A_306 : i32
    %and3A_308 = arith.andi %ne3A_304, %ne3A_307 : i1
    %sub3A_309 = arith.constant 1 : i32
    %sub3A_310 = arith.subi %div3A_289, %sub3A_309 : i32
    %select_n3A_311 = arith.select %and3A_308, %sub3A_310, %div3A_289 : i32
    %ne3A_312 = arith.cmpi ne, %select_n3A_263, %select_n3A_311 : i32
    %convert_element_type3A_313 = arith.extui %ne3A_312 : i1 to i32
    %cond3A_314 = arith.constant 0 : i32
    %cond3A_315 = arith.cmpi ne, %convert_element_type3A_313, %cond3A_314 : i32
    scf.if %cond3A_315 {
      "tpu.region"() ({
        %run_scoped3A = tpu.sem_alloc : memref<!tpu.dma_semaphore, #tpu.memory_space<semaphore_mem>>
        %dma_start3A_1854 = arith.constant 0 : i32
        %dma_start3A_1855 = tpu.memref_slice %arg3[%select_n3A_263, %dma_start3A_1854] : memref<26x16384xi32, #tpu.memory_space<hbm>> -> memref<1x16384xi32, #tpu.memory_space<hbm>>
        %dma_start3A_1856 = tpu.memref_squeeze %dma_start3A_1855 : memref<1x16384xi32, #tpu.memory_space<hbm>> -> memref<16384xi32, #tpu.memory_space<hbm>>
        %dma_start3A_1857 = arith.constant 0 : i32
        %dma_start3A_1858 = tpu.memref_slice %arg3[%select_n3A_263, %dma_start3A_1857] : memref<26x16384xi32, #tpu.memory_space<hbm>> -> memref<1x16384xi32, #tpu.memory_space<hbm>>
        %dma_start3A_1859 = tpu.memref_squeeze %dma_start3A_1858 : memref<1x16384xi32, #tpu.memory_space<hbm>> -> memref<16384xi32, #tpu.memory_space<hbm>>
        tpu.enqueue_dma source(%dma_start3A_1859 : memref<16384xi32, #tpu.memory_space<hbm>>) target(%arg6 : memref<16384xi32, #tpu.memory_space<vmem>>) target_semaphore(%run_scoped3A : memref<!tpu.dma_semaphore, #tpu.memory_space<semaphore_mem>>)
        %dma_wait3A_1860 = arith.constant 0 : i32
        %dma_wait3A_1861 = tpu.memref_slice %arg3[%select_n3A_263, %dma_wait3A_1860] : memref<26x16384xi32, #tpu.memory_space<hbm>> -> memref<1x16384xi32, #tpu.memory_space<hbm>>
        %dma_wait3A_1862 = tpu.memref_squeeze %dma_wait3A_1861 : memref<1x16384xi32, #tpu.memory_space<hbm>> -> memref<16384xi32, #tpu.memory_space<hbm>>
        %dma_wait3A_1863 = arith.constant 0 : i32
        %dma_wait3A_1864 = tpu.memref_slice %arg3[%select_n3A_263, %dma_wait3A_1863] : memref<26x16384xi32, #tpu.memory_space<hbm>> -> memref<1x16384xi32, #tpu.memory_space<hbm>>
        %dma_wait3A_1865 = tpu.memref_squeeze %dma_wait3A_1864 : memref<1x16384xi32, #tpu.memory_space<hbm>> -> memref<16384xi32, #tpu.memory_space<hbm>>
        tpu.wait_dma2 semaphore(%run_scoped3A : memref<!tpu.dma_semaphore, #tpu.memory_space<semaphore_mem>>) src(%dma_wait3A_1865 : memref<16384xi32, #tpu.memory_space<hbm>>) dst(%arg6 : memref<16384xi32, #tpu.memory_space<vmem>>)
        tpu.yield
      }) : () -> ()
    } else {
    }
    %dma_wait3A_316 = arith.constant 0 : i32
    %dma_wait3A_317 = tpu.memref_slice %arg2[%select_n3A_263, %select_n3A_279, %dma_wait3A_316] : memref<26x16x100000xf32, #tpu.memory_space<hbm>> -> memref<1x1x100000xf32, #tpu.memory_space<hbm>>
    %dma_wait3A_318 = tpu.memref_squeeze %dma_wait3A_317 : memref<1x1x100000xf32, #tpu.memory_space<hbm>> -> memref<100000xf32, #tpu.memory_space<hbm>>
    %dma_wait3A_319 = arith.constant 0 : i32
    %dma_wait3A_320 = tpu.memref_slice %arg2[%select_n3A_263, %select_n3A_279, %dma_wait3A_319] : memref<26x16x100000xf32, #tpu.memory_space<hbm>> -> memref<1x1x100000xf32, #tpu.memory_space<hbm>>
    %dma_wait3A_321 = tpu.memref_squeeze %dma_wait3A_320 : memref<1x1x100000xf32, #tpu.memory_space<hbm>> -> memref<100000xf32, #tpu.memory_space<hbm>>
    tpu.wait_dma2 semaphore(%arg9 : memref<!tpu.dma_semaphore, #tpu.memory_space<semaphore_mem>>) src(%dma_wait3A_321 : memref<100000xf32, #tpu.memory_space<hbm>>) dst(%arg5 : memref<100000xf32, #tpu.memory_space<vmem>>)
    %dma_wait3A_322 = arith.constant 8192 : i32
    %dma_wait3A_323 = tpu.memref_slice %arg4[%add3A_95, %dma_wait3A_322] : memref<416x16384xf32, #tpu.memory_space<hbm>> -> memref<1x4096xf32, #tpu.memory_space<hbm>>
    %dma_wait3A_324 = tpu.memref_squeeze %dma_wait3A_323 : memref<1x4096xf32, #tpu.memory_space<hbm>> -> memref<4096xf32, #tpu.memory_space<hbm>>
    %dma_wait3A_325 = arith.constant 8192 : i32
    %dma_wait3A_326 = tpu.memref_slice %arg4[%add3A_95, %dma_wait3A_325] : memref<416x16384xf32, #tpu.memory_space<hbm>> -> memref<1x4096xf32, #tpu.memory_space<hbm>>
    %dma_wait3A_327 = tpu.memref_squeeze %dma_wait3A_326 : memref<1x4096xf32, #tpu.memory_space<hbm>> -> memref<4096xf32, #tpu.memory_space<hbm>>
    tpu.wait_dma2 semaphore(%arg10 : memref<!tpu.dma_semaphore, #tpu.memory_space<semaphore_mem>>) src(%arg7 : memref<4096xf32, #tpu.memory_space<vmem>>) dst(%dma_wait3A_327 : memref<4096xf32, #tpu.memory_space<hbm>>)
    %parallel_loop3A_328 = arith.constant 0 : i32
    %parallel_loop3A_329 = arith.constant 4096 : i32
    %parallel_loop3A_330 = arith.constant 16 : i32
    scf.for %parallel_loop3A_1854 = %parallel_loop3A_328 to %parallel_loop3A_329 step %parallel_loop3A_330  : i32 {
      %parallel_loop3A_1855 = arith.constant 0 : i32
      %parallel_loop3A_1856 = arith.addi %parallel_loop3A_1855, %parallel_loop3A_1854 : i32
      %parallel_loop3A_1857 = arith.index_cast %parallel_loop3A_1856 : i32 to index
      %parallel_loop3A_1858 = tpu.vector_load %arg6[%parallel_loop3A_1857] {strides = array<i32>} : memref<16384xi32, #tpu.memory_space<vmem>>, vector<16xi32>,
      %parallel_loop3A_1859 = tpu.vector_load_idx %arg5[%parallel_loop3A_1858] : memref<100000xf32, #tpu.memory_space<vmem>>[vector<16xi32>], vector<16xf32>,
      %parallel_loop3A_1860 = arith.index_cast %parallel_loop3A_1854 : i32 to index
      %parallel_loop3A_1861 = tpu.vector_load %arg7[%parallel_loop3A_1860] {strides = array<i32>} : memref<4096xf32, #tpu.memory_space<vmem>>, vector<16xf32>,
      tpu.vector_store %arg7[%parallel_loop3A_1860], %parallel_loop3A_1859 {strides = array<i32>} : memref<4096xf32, #tpu.memory_space<vmem>>, vector<16xf32>,
    } {sc.loop_unroll_factor = 8 : i64, sc.parallel_access}
    %dma_start3A_331 = arith.constant 0 : i32
    %dma_start3A_332 = tpu.memref_slice %arg4[%add3A_239, %dma_start3A_331] : memref<416x16384xf32, #tpu.memory_space<hbm>> -> memref<1x4096xf32, #tpu.memory_space<hbm>>
    %dma_start3A_333 = tpu.memref_squeeze %dma_start3A_332 : memref<1x4096xf32, #tpu.memory_space<hbm>> -> memref<4096xf32, #tpu.memory_space<hbm>>
    %dma_start3A_334 = arith.constant 0 : i32
    %dma_start3A_335 = tpu.memref_slice %arg4[%add3A_239, %dma_start3A_334] : memref<416x16384xf32, #tpu.memory_space<hbm>> -> memref<1x4096xf32, #tpu.memory_space<hbm>>
    %dma_start3A_336 = tpu.memref_squeeze %dma_start3A_335 : memref<1x4096xf32, #tpu.memory_space<hbm>> -> memref<4096xf32, #tpu.memory_space<hbm>>
    tpu.enqueue_dma source(%arg7 : memref<4096xf32, #tpu.memory_space<vmem>>) target(%dma_start3A_336 : memref<4096xf32, #tpu.memory_space<hbm>>) target_semaphore(%arg10 : memref<!tpu.dma_semaphore, #tpu.memory_space<semaphore_mem>>)
    %dma_wait3A_337 = arith.constant 12288 : i32
    %dma_wait3A_338 = tpu.memref_slice %arg4[%add3A_95, %dma_wait3A_337] : memref<416x16384xf32, #tpu.memory_space<hbm>> -> memref<1x4096xf32, #tpu.memory_space<hbm>>
    %dma_wait3A_339 = tpu.memref_squeeze %dma_wait3A_338 : memref<1x4096xf32, #tpu.memory_space<hbm>> -> memref<4096xf32, #tpu.memory_space<hbm>>
    %dma_wait3A_340 = arith.constant 12288 : i32
    %dma_wait3A_341 = tpu.memref_slice %arg4[%add3A_95, %dma_wait3A_340] : memref<416x16384xf32, #tpu.memory_space<hbm>> -> memref<1x4096xf32, #tpu.memory_space<hbm>>
    %dma_wait3A_342 = tpu.memref_squeeze %dma_wait3A_341 : memref<1x4096xf32, #tpu.memory_space<hbm>> -> memref<4096xf32, #tpu.memory_space<hbm>>
    tpu.wait_dma2 semaphore(%arg11 : memref<!tpu.dma_semaphore, #tpu.memory_space<semaphore_mem>>) src(%arg8 : memref<4096xf32, #tpu.memory_space<vmem>>) dst(%dma_wait3A_342 : memref<4096xf32, #tpu.memory_space<hbm>>)
    %parallel_loop3A_343 = arith.constant 0 : i32
    %parallel_loop3A_344 = arith.constant 4096 : i32
    %parallel_loop3A_345 = arith.constant 16 : i32
    scf.for %parallel_loop3A_1854 = %parallel_loop3A_343 to %parallel_loop3A_344 step %parallel_loop3A_345  : i32 {
      %parallel_loop3A_1855 = arith.constant 4096 : i32
      %parallel_loop3A_1856 = arith.addi %parallel_loop3A_1855, %parallel_loop3A_1854 : i32
      %parallel_loop3A_1857 = arith.index_cast %parallel_loop3A_1856 : i32 to index
      %parallel_loop3A_1858 = tpu.vector_load %arg6[%parallel_loop3A_1857] {strides = array<i32>} : memref<16384xi32, #tpu.memory_space<vmem>>, vector<16xi32>,
      %parallel_loop3A_1859 = tpu.vector_load_idx %arg5[%parallel_loop3A_1858] : memref<100000xf32, #tpu.memory_space<vmem>>[vector<16xi32>], vector<16xf32>,
      %parallel_loop3A_1860 = arith.index_cast %parallel_loop3A_1854 : i32 to index
      %parallel_loop3A_1861 = tpu.vector_load %arg8[%parallel_loop3A_1860] {strides = array<i32>} : memref<4096xf32, #tpu.memory_space<vmem>>, vector<16xf32>,
      tpu.vector_store %arg8[%parallel_loop3A_1860], %parallel_loop3A_1859 {strides = array<i32>} : memref<4096xf32, #tpu.memory_space<vmem>>, vector<16xf32>,
    } {sc.loop_unroll_factor = 8 : i64, sc.parallel_access}
    %dma_start3A_346 = arith.constant 4096 : i32
    %dma_start3A_347 = tpu.memref_slice %arg4[%add3A_239, %dma_start3A_346] : memref<416x16384xf32, #tpu.memory_space<hbm>> -> memref<1x4096xf32, #tpu.memory_space<hbm>>
    %dma_start3A_348 = tpu.memref_squeeze %dma_start3A_347 : memref<1x4096xf32, #tpu.memory_space<hbm>> -> memref<4096xf32, #tpu.memory_space<hbm>>
    %dma_start3A_349 = arith.constant 4096 : i32
    %dma_start3A_350 = tpu.memref_slice %arg4[%add3A_239, %dma_start3A_349] : memref<416x16384xf32, #tpu.memory_space<hbm>> -> memref<1x4096xf32, #tpu.memory_space<hbm>>
    %dma_start3A_351 = tpu.memref_squeeze %dma_start3A_350 : memref<1x4096xf32, #tpu.memory_space<hbm>> -> memref<4096xf32, #tpu.memory_space<hbm>>
    tpu.enqueue_dma source(%arg8 : memref<4096xf32, #tpu.memory_space<vmem>>) target(%dma_start3A_351 : memref<4096xf32, #tpu.memory_space<hbm>>) target_semaphore(%arg11 : memref<!tpu.dma_semaphore, #tpu.memory_space<semaphore_mem>>)
    %dma_wait3A_352 = arith.constant 0 : i32
    %dma_wait3A_353 = tpu.memref_slice %arg4[%add3A_239, %dma_wait3A_352] : memref<416x16384xf32, #tpu.memory_space<hbm>> -> memref<1x4096xf32, #tpu.memory_space<hbm>>
    %dma_wait3A_354 = tpu.memref_squeeze %dma_wait3A_353 : memref<1x4096xf32, #tpu.memory_space<hbm>> -> memref<4096xf32, #tpu.memory_space<hbm>>
    %dma_wait3A_355 = arith.constant 0 : i32
    %dma_wait3A_356 = tpu.memref_slice %arg4[%add3A_239, %dma_wait3A_355] : memref<416x16384xf32, #tpu.memory_space<hbm>> -> memref<1x4096xf32, #tpu.memory_space<hbm>>
    %dma_wait3A_357 = tpu.memref_squeeze %dma_wait3A_356 : memref<1x4096xf32, #tpu.memory_space<hbm>> -> memref<4096xf32, #tpu.memory_space<hbm>>
    tpu.wait_dma2 semaphore(%arg10 : memref<!tpu.dma_semaphore, #tpu.memory_space<semaphore_mem>>) src(%arg7 : memref<4096xf32, #tpu.memory_space<vmem>>) dst(%dma_wait3A_357 : memref<4096xf32, #tpu.memory_space<hbm>>)
    %parallel_loop3A_358 = arith.constant 0 : i32
    %parallel_loop3A_359 = arith.constant 4096 : i32
    %parallel_loop3A_360 = arith.constant 16 : i32
    scf.for %parallel_loop3A_1854 = %parallel_loop3A_358 to %parallel_loop3A_359 step %parallel_loop3A_360  : i32 {
      %parallel_loop3A_1855 = arith.constant 8192 : i32
      %parallel_loop3A_1856 = arith.addi %parallel_loop3A_1855, %parallel_loop3A_1854 : i32
      %parallel_loop3A_1857 = arith.index_cast %parallel_loop3A_1856 : i32 to index
      %parallel_loop3A_1858 = tpu.vector_load %arg6[%parallel_loop3A_1857] {strides = array<i32>} : memref<16384xi32, #tpu.memory_space<vmem>>, vector<16xi32>,
      %parallel_loop3A_1859 = tpu.vector_load_idx %arg5[%parallel_loop3A_1858] : memref<100000xf32, #tpu.memory_space<vmem>>[vector<16xi32>], vector<16xf32>,
      %parallel_loop3A_1860 = arith.index_cast %parallel_loop3A_1854 : i32 to index
      %parallel_loop3A_1861 = tpu.vector_load %arg7[%parallel_loop3A_1860] {strides = array<i32>} : memref<4096xf32, #tpu.memory_space<vmem>>, vector<16xf32>,
      tpu.vector_store %arg7[%parallel_loop3A_1860], %parallel_loop3A_1859 {strides = array<i32>} : memref<4096xf32, #tpu.memory_space<vmem>>, vector<16xf32>,
    } {sc.loop_unroll_factor = 8 : i64, sc.parallel_access}
    %dma_start3A_361 = arith.constant 8192 : i32
    %dma_start3A_362 = tpu.memref_slice %arg4[%add3A_239, %dma_start3A_361] : memref<416x16384xf32, #tpu.memory_space<hbm>> -> memref<1x4096xf32, #tpu.memory_space<hbm>>
    %dma_start3A_363 = tpu.memref_squeeze %dma_start3A_362 : memref<1x4096xf32, #tpu.memory_space<hbm>> -> memref<4096xf32, #tpu.memory_space<hbm>>
    %dma_start3A_364 = arith.constant 8192 : i32
    %dma_start3A_365 = tpu.memref_slice %arg4[%add3A_239, %dma_start3A_364] : memref<416x16384xf32, #tpu.memory_space<hbm>> -> memref<1x4096xf32, #tpu.memory_space<hbm>>
    %dma_start3A_366 = tpu.memref_squeeze %dma_start3A_365 : memref<1x4096xf32, #tpu.memory_space<hbm>> -> memref<4096xf32, #tpu.memory_space<hbm>>
    tpu.enqueue_dma source(%arg7 : memref<4096xf32, #tpu.memory_space<vmem>>) target(%dma_start3A_366 : memref<4096xf32, #tpu.memory_space<hbm>>) target_semaphore(%arg10 : memref<!tpu.dma_semaphore, #tpu.memory_space<semaphore_mem>>)
    %dma_wait3A_367 = arith.constant 4096 : i32
    %dma_wait3A_368 = tpu.memref_slice %arg4[%add3A_239, %dma_wait3A_367] : memref<416x16384xf32, #tpu.memory_space<hbm>> -> memref<1x4096xf32, #tpu.memory_space<hbm>>
    %dma_wait3A_369 = tpu.memref_squeeze %dma_wait3A_368 : memref<1x4096xf32, #tpu.memory_space<hbm>> -> memref<4096xf32, #tpu.memory_space<hbm>>
    %dma_wait3A_370 = arith.constant 4096 : i32
    %dma_wait3A_371 = tpu.memref_slice %arg4[%add3A_239, %dma_wait3A_370] : memref<416x16384xf32, #tpu.memory_space<hbm>> -> memref<1x4096xf32, #tpu.memory_space<hbm>>
    %dma_wait3A_372 = tpu.memref_squeeze %dma_wait3A_371 : memref<1x4096xf32, #tpu.memory_space<hbm>> -> memref<4096xf32, #tpu.memory_space<hbm>>
    tpu.wait_dma2 semaphore(%arg11 : memref<!tpu.dma_semaphore, #tpu.memory_space<semaphore_mem>>) src(%arg8 : memref<4096xf32, #tpu.memory_space<vmem>>) dst(%dma_wait3A_372 : memref<4096xf32, #tpu.memory_space<hbm>>)
    %parallel_loop3A_373 = arith.constant 0 : i32
    %parallel_loop3A_374 = arith.constant 4096 : i32
    %parallel_loop3A_375 = arith.constant 16 : i32
    scf.for %parallel_loop3A_1854 = %parallel_loop3A_373 to %parallel_loop3A_374 step %parallel_loop3A_375  : i32 {
      %parallel_loop3A_1855 = arith.constant 12288 : i32
      %parallel_loop3A_1856 = arith.addi %parallel_loop3A_1855, %parallel_loop3A_1854 : i32
      %parallel_loop3A_1857 = arith.index_cast %parallel_loop3A_1856 : i32 to index
      %parallel_loop3A_1858 = tpu.vector_load %arg6[%parallel_loop3A_1857] {strides = array<i32>} : memref<16384xi32, #tpu.memory_space<vmem>>, vector<16xi32>,
      %parallel_loop3A_1859 = tpu.vector_load_idx %arg5[%parallel_loop3A_1858] : memref<100000xf32, #tpu.memory_space<vmem>>[vector<16xi32>], vector<16xf32>,
      %parallel_loop3A_1860 = arith.index_cast %parallel_loop3A_1854 : i32 to index
      %parallel_loop3A_1861 = tpu.vector_load %arg8[%parallel_loop3A_1860] {strides = array<i32>} : memref<4096xf32, #tpu.memory_space<vmem>>, vector<16xf32>,
      tpu.vector_store %arg8[%parallel_loop3A_1860], %parallel_loop3A_1859 {strides = array<i32>} : memref<4096xf32, #tpu.memory_space<vmem>>, vector<16xf32>,
    } {sc.loop_unroll_factor = 8 : i64, sc.parallel_access}
    %dma_start3A_376 = arith.constant 12288 : i32
    %dma_start3A_377 = tpu.memref_slice %arg4[%add3A_239, %dma_start3A_376] : memref<416x16384xf32, #tpu.memory_space<hbm>> -> memref<1x4096xf32, #tpu.memory_space<hbm>>
    %dma_start3A_378 = tpu.memref_squeeze %dma_start3A_377 : memref<1x4096xf32, #tpu.memory_space<hbm>> -> memref<4096xf32, #tpu.memory_space<hbm>>
    %dma_start3A_379 = arith.constant 12288 : i32
    %dma_start3A_380 = tpu.memref_slice %arg4[%add3A_239, %dma_start3A_379] : memref<416x16384xf32, #tpu.memory_space<hbm>> -> memref<1x4096xf32, #tpu.memory_space<hbm>>
    %dma_start3A_381 = tpu.memref_squeeze %dma_start3A_380 : memref<1x4096xf32, #tpu.memory_space<hbm>> -> memref<4096xf32, #tpu.memory_space<hbm>>
    tpu.enqueue_dma source(%arg8 : memref<4096xf32, #tpu.memory_space<vmem>>) target(%dma_start3A_381 : memref<4096xf32, #tpu.memory_space<hbm>>) target_semaphore(%arg11 : memref<!tpu.dma_semaphore, #tpu.memory_space<semaphore_mem>>)
    %mul3A_382 = arith.constant 13 : i32
    %mul3A_383 = arith.muli %add3A, %mul3A_382 : i32
    %add3A_384 = arith.constant 3 : i32
    %add3A_385 = arith.addi %mul3A_383, %add3A_384 : i32
    %jit3A_386 = arith.constant 16 : i32
    %div3A_387 = arith.divsi %add3A_385, %jit3A_386 : i32
    %sign3A_388 = arith.constant 0 : i32
    %sign3A_389 = arith.cmpi sgt, %add3A_385, %sign3A_388 : i32
    %sign3A_390 = arith.extui %sign3A_389 : i1 to i32
    %sign3A_391 = arith.constant 0 : i32
    %sign3A_392 = arith.cmpi slt, %add3A_385, %sign3A_391 : i32
    %sign3A_393 = arith.extui %sign3A_392 : i1 to i32
    %sign3A_394 = arith.subi %sign3A_390, %sign3A_393 : i32
    %sign3A_395 = arith.constant 0 : i32
    %sign3A_396 = arith.cmpi sgt, %jit3A_386, %sign3A_395 : i32
    %sign3A_397 = arith.extui %sign3A_396 : i1 to i32
    %sign3A_398 = arith.constant 0 : i32
    %sign3A_399 = arith.cmpi slt, %jit3A_386, %sign3A_398 : i32
    %sign3A_400 = arith.extui %sign3A_399 : i1 to i32
    %sign3A_401 = arith.subi %sign3A_397, %sign3A_400 : i32
    %ne3A_402 = arith.cmpi ne, %sign3A_394, %sign3A_401 : i32
    %rem3A_403 = arith.remsi %add3A_385, %jit3A_386 : i32
    %ne3A_404 = arith.constant 0 : i32
    %ne3A_405 = arith.cmpi ne, %rem3A_403, %ne3A_404 : i32
    %and3A_406 = arith.andi %ne3A_402, %ne3A_405 : i1
    %sub3A_407 = arith.constant 1 : i32
    %sub3A_408 = arith.subi %div3A_387, %sub3A_407 : i32
    %select_n3A_409 = arith.select %and3A_406, %sub3A_408, %div3A_387 : i32
    %jit3A_410 = arith.constant 16 : i32
    %eq3A_411 = arith.constant 0 : i32
    %eq3A_412 = arith.cmpi eq, %jit3A_410, %eq3A_411 : i32
    %jit3A_413 = arith.constant 1 : i32
    %select_n3A_414 = arith.select %eq3A_412, %jit3A_413, %jit3A_410 : i32
    %rem3A_415 = arith.remsi %add3A_385, %select_n3A_414 : i32
    %ne3A_416 = arith.constant 0 : i32
    %ne3A_417 = arith.cmpi ne, %rem3A_415, %ne3A_416 : i32
    %lt3A_418 = arith.constant 0 : i32
    %lt3A_419 = arith.cmpi slt, %rem3A_415, %lt3A_418 : i32
    %lt3A_420 = arith.constant 0 : i32
    %lt3A_421 = arith.cmpi slt, %select_n3A_414, %lt3A_420 : i32
    %ne3A_422 = arith.xori %lt3A_419, %lt3A_421 : i1
    %and3A_423 = arith.andi %ne3A_422, %ne3A_417 : i1
    %add3A_424 = arith.addi %rem3A_415, %select_n3A_414 : i32
    %select_n3A_425 = arith.select %and3A_423, %add3A_424, %rem3A_415 : i32
    %dma_start3A_426 = arith.constant 0 : i32
    %dma_start3A_427 = tpu.memref_slice %arg2[%select_n3A_409, %select_n3A_425, %dma_start3A_426] : memref<26x16x100000xf32, #tpu.memory_space<hbm>> -> memref<1x1x100000xf32, #tpu.memory_space<hbm>>
    %dma_start3A_428 = tpu.memref_squeeze %dma_start3A_427 : memref<1x1x100000xf32, #tpu.memory_space<hbm>> -> memref<100000xf32, #tpu.memory_space<hbm>>
    %dma_start3A_429 = arith.constant 0 : i32
    %dma_start3A_430 = tpu.memref_slice %arg2[%select_n3A_409, %select_n3A_425, %dma_start3A_429] : memref<26x16x100000xf32, #tpu.memory_space<hbm>> -> memref<1x1x100000xf32, #tpu.memory_space<hbm>>
    %dma_start3A_431 = tpu.memref_squeeze %dma_start3A_430 : memref<1x1x100000xf32, #tpu.memory_space<hbm>> -> memref<100000xf32, #tpu.memory_space<hbm>>
    tpu.enqueue_dma source(%dma_start3A_431 : memref<100000xf32, #tpu.memory_space<hbm>>) target(%arg5 : memref<100000xf32, #tpu.memory_space<vmem>>) target_semaphore(%arg9 : memref<!tpu.dma_semaphore, #tpu.memory_space<semaphore_mem>>)
    %sub3A_432 = arith.constant 1 : i32
    %sub3A_433 = arith.subi %add3A_385, %sub3A_432 : i32
    %jit3A_434 = arith.constant 16 : i32
    %div3A_435 = arith.divsi %sub3A_433, %jit3A_434 : i32
    %sign3A_436 = arith.constant 0 : i32
    %sign3A_437 = arith.cmpi sgt, %sub3A_433, %sign3A_436 : i32
    %sign3A_438 = arith.extui %sign3A_437 : i1 to i32
    %sign3A_439 = arith.constant 0 : i32
    %sign3A_440 = arith.cmpi slt, %sub3A_433, %sign3A_439 : i32
    %sign3A_441 = arith.extui %sign3A_440 : i1 to i32
    %sign3A_442 = arith.subi %sign3A_438, %sign3A_441 : i32
    %sign3A_443 = arith.constant 0 : i32
    %sign3A_444 = arith.cmpi sgt, %jit3A_434, %sign3A_443 : i32
    %sign3A_445 = arith.extui %sign3A_444 : i1 to i32
    %sign3A_446 = arith.constant 0 : i32
    %sign3A_447 = arith.cmpi slt, %jit3A_434, %sign3A_446 : i32
    %sign3A_448 = arith.extui %sign3A_447 : i1 to i32
    %sign3A_449 = arith.subi %sign3A_445, %sign3A_448 : i32
    %ne3A_450 = arith.cmpi ne, %sign3A_442, %sign3A_449 : i32
    %rem3A_451 = arith.remsi %sub3A_433, %jit3A_434 : i32
    %ne3A_452 = arith.constant 0 : i32
    %ne3A_453 = arith.cmpi ne, %rem3A_451, %ne3A_452 : i32
    %and3A_454 = arith.andi %ne3A_450, %ne3A_453 : i1
    %sub3A_455 = arith.constant 1 : i32
    %sub3A_456 = arith.subi %div3A_435, %sub3A_455 : i32
    %select_n3A_457 = arith.select %and3A_454, %sub3A_456, %div3A_435 : i32
    %ne3A_458 = arith.cmpi ne, %select_n3A_409, %select_n3A_457 : i32
    %convert_element_type3A_459 = arith.extui %ne3A_458 : i1 to i32
    %cond3A_460 = arith.constant 0 : i32
    %cond3A_461 = arith.cmpi ne, %convert_element_type3A_459, %cond3A_460 : i32
    scf.if %cond3A_461 {
      "tpu.region"() ({
        %run_scoped3A = tpu.sem_alloc : memref<!tpu.dma_semaphore, #tpu.memory_space<semaphore_mem>>
        %dma_start3A_1854 = arith.constant 0 : i32
        %dma_start3A_1855 = tpu.memref_slice %arg3[%select_n3A_409, %dma_start3A_1854] : memref<26x16384xi32, #tpu.memory_space<hbm>> -> memref<1x16384xi32, #tpu.memory_space<hbm>>
        %dma_start3A_1856 = tpu.memref_squeeze %dma_start3A_1855 : memref<1x16384xi32, #tpu.memory_space<hbm>> -> memref<16384xi32, #tpu.memory_space<hbm>>
        %dma_start3A_1857 = arith.constant 0 : i32
        %dma_start3A_1858 = tpu.memref_slice %arg3[%select_n3A_409, %dma_start3A_1857] : memref<26x16384xi32, #tpu.memory_space<hbm>> -> memref<1x16384xi32, #tpu.memory_space<hbm>>
        %dma_start3A_1859 = tpu.memref_squeeze %dma_start3A_1858 : memref<1x16384xi32, #tpu.memory_space<hbm>> -> memref<16384xi32, #tpu.memory_space<hbm>>
        tpu.enqueue_dma source(%dma_start3A_1859 : memref<16384xi32, #tpu.memory_space<hbm>>) target(%arg6 : memref<16384xi32, #tpu.memory_space<vmem>>) target_semaphore(%run_scoped3A : memref<!tpu.dma_semaphore, #tpu.memory_space<semaphore_mem>>)
        %dma_wait3A_1860 = arith.constant 0 : i32
        %dma_wait3A_1861 = tpu.memref_slice %arg3[%select_n3A_409, %dma_wait3A_1860] : memref<26x16384xi32, #tpu.memory_space<hbm>> -> memref<1x16384xi32, #tpu.memory_space<hbm>>
        %dma_wait3A_1862 = tpu.memref_squeeze %dma_wait3A_1861 : memref<1x16384xi32, #tpu.memory_space<hbm>> -> memref<16384xi32, #tpu.memory_space<hbm>>
        %dma_wait3A_1863 = arith.constant 0 : i32
        %dma_wait3A_1864 = tpu.memref_slice %arg3[%select_n3A_409, %dma_wait3A_1863] : memref<26x16384xi32, #tpu.memory_space<hbm>> -> memref<1x16384xi32, #tpu.memory_space<hbm>>
        %dma_wait3A_1865 = tpu.memref_squeeze %dma_wait3A_1864 : memref<1x16384xi32, #tpu.memory_space<hbm>> -> memref<16384xi32, #tpu.memory_space<hbm>>
        tpu.wait_dma2 semaphore(%run_scoped3A : memref<!tpu.dma_semaphore, #tpu.memory_space<semaphore_mem>>) src(%dma_wait3A_1865 : memref<16384xi32, #tpu.memory_space<hbm>>) dst(%arg6 : memref<16384xi32, #tpu.memory_space<vmem>>)
        tpu.yield
      }) : () -> ()
    } else {
    }
    %dma_wait3A_462 = arith.constant 0 : i32
    %dma_wait3A_463 = tpu.memref_slice %arg2[%select_n3A_409, %select_n3A_425, %dma_wait3A_462] : memref<26x16x100000xf32, #tpu.memory_space<hbm>> -> memref<1x1x100000xf32, #tpu.memory_space<hbm>>
    %dma_wait3A_464 = tpu.memref_squeeze %dma_wait3A_463 : memref<1x1x100000xf32, #tpu.memory_space<hbm>> -> memref<100000xf32, #tpu.memory_space<hbm>>
    %dma_wait3A_465 = arith.constant 0 : i32
    %dma_wait3A_466 = tpu.memref_slice %arg2[%select_n3A_409, %select_n3A_425, %dma_wait3A_465] : memref<26x16x100000xf32, #tpu.memory_space<hbm>> -> memref<1x1x100000xf32, #tpu.memory_space<hbm>>
    %dma_wait3A_467 = tpu.memref_squeeze %dma_wait3A_466 : memref<1x1x100000xf32, #tpu.memory_space<hbm>> -> memref<100000xf32, #tpu.memory_space<hbm>>
    tpu.wait_dma2 semaphore(%arg9 : memref<!tpu.dma_semaphore, #tpu.memory_space<semaphore_mem>>) src(%dma_wait3A_467 : memref<100000xf32, #tpu.memory_space<hbm>>) dst(%arg5 : memref<100000xf32, #tpu.memory_space<vmem>>)
    %dma_wait3A_468 = arith.constant 8192 : i32
    %dma_wait3A_469 = tpu.memref_slice %arg4[%add3A_239, %dma_wait3A_468] : memref<416x16384xf32, #tpu.memory_space<hbm>> -> memref<1x4096xf32, #tpu.memory_space<hbm>>
    %dma_wait3A_470 = tpu.memref_squeeze %dma_wait3A_469 : memref<1x4096xf32, #tpu.memory_space<hbm>> -> memref<4096xf32, #tpu.memory_space<hbm>>
    %dma_wait3A_471 = arith.constant 8192 : i32
    %dma_wait3A_472 = tpu.memref_slice %arg4[%add3A_239, %dma_wait3A_471] : memref<416x16384xf32, #tpu.memory_space<hbm>> -> memref<1x4096xf32, #tpu.memory_space<hbm>>
    %dma_wait3A_473 = tpu.memref_squeeze %dma_wait3A_472 : memref<1x4096xf32, #tpu.memory_space<hbm>> -> memref<4096xf32, #tpu.memory_space<hbm>>
    tpu.wait_dma2 semaphore(%arg10 : memref<!tpu.dma_semaphore, #tpu.memory_space<semaphore_mem>>) src(%arg7 : memref<4096xf32, #tpu.memory_space<vmem>>) dst(%dma_wait3A_473 : memref<4096xf32, #tpu.memory_space<hbm>>)
    %parallel_loop3A_474 = arith.constant 0 : i32
    %parallel_loop3A_475 = arith.constant 4096 : i32
    %parallel_loop3A_476 = arith.constant 16 : i32
    scf.for %parallel_loop3A_1854 = %parallel_loop3A_474 to %parallel_loop3A_475 step %parallel_loop3A_476  : i32 {
      %parallel_loop3A_1855 = arith.constant 0 : i32
      %parallel_loop3A_1856 = arith.addi %parallel_loop3A_1855, %parallel_loop3A_1854 : i32
      %parallel_loop3A_1857 = arith.index_cast %parallel_loop3A_1856 : i32 to index
      %parallel_loop3A_1858 = tpu.vector_load %arg6[%parallel_loop3A_1857] {strides = array<i32>} : memref<16384xi32, #tpu.memory_space<vmem>>, vector<16xi32>,
      %parallel_loop3A_1859 = tpu.vector_load_idx %arg5[%parallel_loop3A_1858] : memref<100000xf32, #tpu.memory_space<vmem>>[vector<16xi32>], vector<16xf32>,
      %parallel_loop3A_1860 = arith.index_cast %parallel_loop3A_1854 : i32 to index
      %parallel_loop3A_1861 = tpu.vector_load %arg7[%parallel_loop3A_1860] {strides = array<i32>} : memref<4096xf32, #tpu.memory_space<vmem>>, vector<16xf32>,
      tpu.vector_store %arg7[%parallel_loop3A_1860], %parallel_loop3A_1859 {strides = array<i32>} : memref<4096xf32, #tpu.memory_space<vmem>>, vector<16xf32>,
    } {sc.loop_unroll_factor = 8 : i64, sc.parallel_access}
    %dma_start3A_477 = arith.constant 0 : i32
    %dma_start3A_478 = tpu.memref_slice %arg4[%add3A_385, %dma_start3A_477] : memref<416x16384xf32, #tpu.memory_space<hbm>> -> memref<1x4096xf32, #tpu.memory_space<hbm>>
    %dma_start3A_479 = tpu.memref_squeeze %dma_start3A_478 : memref<1x4096xf32, #tpu.memory_space<hbm>> -> memref<4096xf32, #tpu.memory_space<hbm>>
    %dma_start3A_480 = arith.constant 0 : i32
    %dma_start3A_481 = tpu.memref_slice %arg4[%add3A_385, %dma_start3A_480] : memref<416x16384xf32, #tpu.memory_space<hbm>> -> memref<1x4096xf32, #tpu.memory_space<hbm>>
    %dma_start3A_482 = tpu.memref_squeeze %dma_start3A_481 : memref<1x4096xf32, #tpu.memory_space<hbm>> -> memref<4096xf32, #tpu.memory_space<hbm>>
    tpu.enqueue_dma source(%arg7 : memref<4096xf32, #tpu.memory_space<vmem>>) target(%dma_start3A_482 : memref<4096xf32, #tpu.memory_space<hbm>>) target_semaphore(%arg10 : memref<!tpu.dma_semaphore, #tpu.memory_space<semaphore_mem>>)
    %dma_wait3A_483 = arith.constant 12288 : i32
    %dma_wait3A_484 = tpu.memref_slice %arg4[%add3A_239, %dma_wait3A_483] : memref<416x16384xf32, #tpu.memory_space<hbm>> -> memref<1x4096xf32, #tpu.memory_space<hbm>>
    %dma_wait3A_485 = tpu.memref_squeeze %dma_wait3A_484 : memref<1x4096xf32, #tpu.memory_space<hbm>> -> memref<4096xf32, #tpu.memory_space<hbm>>
    %dma_wait3A_486 = arith.constant 12288 : i32
    %dma_wait3A_487 = tpu.memref_slice %arg4[%add3A_239, %dma_wait3A_486] : memref<416x16384xf32, #tpu.memory_space<hbm>> -> memref<1x4096xf32, #tpu.memory_space<hbm>>
    %dma_wait3A_488 = tpu.memref_squeeze %dma_wait3A_487 : memref<1x4096xf32, #tpu.memory_space<hbm>> -> memref<4096xf32, #tpu.memory_space<hbm>>
    tpu.wait_dma2 semaphore(%arg11 : memref<!tpu.dma_semaphore, #tpu.memory_space<semaphore_mem>>) src(%arg8 : memref<4096xf32, #tpu.memory_space<vmem>>) dst(%dma_wait3A_488 : memref<4096xf32, #tpu.memory_space<hbm>>)
    %parallel_loop3A_489 = arith.constant 0 : i32
    %parallel_loop3A_490 = arith.constant 4096 : i32
    %parallel_loop3A_491 = arith.constant 16 : i32
    scf.for %parallel_loop3A_1854 = %parallel_loop3A_489 to %parallel_loop3A_490 step %parallel_loop3A_491  : i32 {
      %parallel_loop3A_1855 = arith.constant 4096 : i32
      %parallel_loop3A_1856 = arith.addi %parallel_loop3A_1855, %parallel_loop3A_1854 : i32
      %parallel_loop3A_1857 = arith.index_cast %parallel_loop3A_1856 : i32 to index
      %parallel_loop3A_1858 = tpu.vector_load %arg6[%parallel_loop3A_1857] {strides = array<i32>} : memref<16384xi32, #tpu.memory_space<vmem>>, vector<16xi32>,
      %parallel_loop3A_1859 = tpu.vector_load_idx %arg5[%parallel_loop3A_1858] : memref<100000xf32, #tpu.memory_space<vmem>>[vector<16xi32>], vector<16xf32>,
      %parallel_loop3A_1860 = arith.index_cast %parallel_loop3A_1854 : i32 to index
      %parallel_loop3A_1861 = tpu.vector_load %arg8[%parallel_loop3A_1860] {strides = array<i32>} : memref<4096xf32, #tpu.memory_space<vmem>>, vector<16xf32>,
      tpu.vector_store %arg8[%parallel_loop3A_1860], %parallel_loop3A_1859 {strides = array<i32>} : memref<4096xf32, #tpu.memory_space<vmem>>, vector<16xf32>,
    } {sc.loop_unroll_factor = 8 : i64, sc.parallel_access}
    %dma_start3A_492 = arith.constant 4096 : i32
    %dma_start3A_493 = tpu.memref_slice %arg4[%add3A_385, %dma_start3A_492] : memref<416x16384xf32, #tpu.memory_space<hbm>> -> memref<1x4096xf32, #tpu.memory_space<hbm>>
    %dma_start3A_494 = tpu.memref_squeeze %dma_start3A_493 : memref<1x4096xf32, #tpu.memory_space<hbm>> -> memref<4096xf32, #tpu.memory_space<hbm>>
    %dma_start3A_495 = arith.constant 4096 : i32
    %dma_start3A_496 = tpu.memref_slice %arg4[%add3A_385, %dma_start3A_495] : memref<416x16384xf32, #tpu.memory_space<hbm>> -> memref<1x4096xf32, #tpu.memory_space<hbm>>
    %dma_start3A_497 = tpu.memref_squeeze %dma_start3A_496 : memref<1x4096xf32, #tpu.memory_space<hbm>> -> memref<4096xf32, #tpu.memory_space<hbm>>
    tpu.enqueue_dma source(%arg8 : memref<4096xf32, #tpu.memory_space<vmem>>) target(%dma_start3A_497 : memref<4096xf32, #tpu.memory_space<hbm>>) target_semaphore(%arg11 : memref<!tpu.dma_semaphore, #tpu.memory_space<semaphore_mem>>)
    %dma_wait3A_498 = arith.constant 0 : i32
    %dma_wait3A_499 = tpu.memref_slice %arg4[%add3A_385, %dma_wait3A_498] : memref<416x16384xf32, #tpu.memory_space<hbm>> -> memref<1x4096xf32, #tpu.memory_space<hbm>>
    %dma_wait3A_500 = tpu.memref_squeeze %dma_wait3A_499 : memref<1x4096xf32, #tpu.memory_space<hbm>> -> memref<4096xf32, #tpu.memory_space<hbm>>
    %dma_wait3A_501 = arith.constant 0 : i32
    %dma_wait3A_502 = tpu.memref_slice %arg4[%add3A_385, %dma_wait3A_501] : memref<416x16384xf32, #tpu.memory_space<hbm>> -> memref<1x4096xf32, #tpu.memory_space<hbm>>
    %dma_wait3A_503 = tpu.memref_squeeze %dma_wait3A_502 : memref<1x4096xf32, #tpu.memory_space<hbm>> -> memref<4096xf32, #tpu.memory_space<hbm>>
    tpu.wait_dma2 semaphore(%arg10 : memref<!tpu.dma_semaphore, #tpu.memory_space<semaphore_mem>>) src(%arg7 : memref<4096xf32, #tpu.memory_space<vmem>>) dst(%dma_wait3A_503 : memref<4096xf32, #tpu.memory_space<hbm>>)
    %parallel_loop3A_504 = arith.constant 0 : i32
    %parallel_loop3A_505 = arith.constant 4096 : i32
    %parallel_loop3A_506 = arith.constant 16 : i32
    scf.for %parallel_loop3A_1854 = %parallel_loop3A_504 to %parallel_loop3A_505 step %parallel_loop3A_506  : i32 {
      %parallel_loop3A_1855 = arith.constant 8192 : i32
      %parallel_loop3A_1856 = arith.addi %parallel_loop3A_1855, %parallel_loop3A_1854 : i32
      %parallel_loop3A_1857 = arith.index_cast %parallel_loop3A_1856 : i32 to index
      %parallel_loop3A_1858 = tpu.vector_load %arg6[%parallel_loop3A_1857] {strides = array<i32>} : memref<16384xi32, #tpu.memory_space<vmem>>, vector<16xi32>,
      %parallel_loop3A_1859 = tpu.vector_load_idx %arg5[%parallel_loop3A_1858] : memref<100000xf32, #tpu.memory_space<vmem>>[vector<16xi32>], vector<16xf32>,
      %parallel_loop3A_1860 = arith.index_cast %parallel_loop3A_1854 : i32 to index
      %parallel_loop3A_1861 = tpu.vector_load %arg7[%parallel_loop3A_1860] {strides = array<i32>} : memref<4096xf32, #tpu.memory_space<vmem>>, vector<16xf32>,
      tpu.vector_store %arg7[%parallel_loop3A_1860], %parallel_loop3A_1859 {strides = array<i32>} : memref<4096xf32, #tpu.memory_space<vmem>>, vector<16xf32>,
    } {sc.loop_unroll_factor = 8 : i64, sc.parallel_access}
    %dma_start3A_507 = arith.constant 8192 : i32
    %dma_start3A_508 = tpu.memref_slice %arg4[%add3A_385, %dma_start3A_507] : memref<416x16384xf32, #tpu.memory_space<hbm>> -> memref<1x4096xf32, #tpu.memory_space<hbm>>
    %dma_start3A_509 = tpu.memref_squeeze %dma_start3A_508 : memref<1x4096xf32, #tpu.memory_space<hbm>> -> memref<4096xf32, #tpu.memory_space<hbm>>
    %dma_start3A_510 = arith.constant 8192 : i32
    %dma_start3A_511 = tpu.memref_slice %arg4[%add3A_385, %dma_start3A_510] : memref<416x16384xf32, #tpu.memory_space<hbm>> -> memref<1x4096xf32, #tpu.memory_space<hbm>>
    %dma_start3A_512 = tpu.memref_squeeze %dma_start3A_511 : memref<1x4096xf32, #tpu.memory_space<hbm>> -> memref<4096xf32, #tpu.memory_space<hbm>>
    tpu.enqueue_dma source(%arg7 : memref<4096xf32, #tpu.memory_space<vmem>>) target(%dma_start3A_512 : memref<4096xf32, #tpu.memory_space<hbm>>) target_semaphore(%arg10 : memref<!tpu.dma_semaphore, #tpu.memory_space<semaphore_mem>>)
    %dma_wait3A_513 = arith.constant 4096 : i32
    %dma_wait3A_514 = tpu.memref_slice %arg4[%add3A_385, %dma_wait3A_513] : memref<416x16384xf32, #tpu.memory_space<hbm>> -> memref<1x4096xf32, #tpu.memory_space<hbm>>
    %dma_wait3A_515 = tpu.memref_squeeze %dma_wait3A_514 : memref<1x4096xf32, #tpu.memory_space<hbm>> -> memref<4096xf32, #tpu.memory_space<hbm>>
    %dma_wait3A_516 = arith.constant 4096 : i32
    %dma_wait3A_517 = tpu.memref_slice %arg4[%add3A_385, %dma_wait3A_516] : memref<416x16384xf32, #tpu.memory_space<hbm>> -> memref<1x4096xf32, #tpu.memory_space<hbm>>
    %dma_wait3A_518 = tpu.memref_squeeze %dma_wait3A_517 : memref<1x4096xf32, #tpu.memory_space<hbm>> -> memref<4096xf32, #tpu.memory_space<hbm>>
    tpu.wait_dma2 semaphore(%arg11 : memref<!tpu.dma_semaphore, #tpu.memory_space<semaphore_mem>>) src(%arg8 : memref<4096xf32, #tpu.memory_space<vmem>>) dst(%dma_wait3A_518 : memref<4096xf32, #tpu.memory_space<hbm>>)
    %parallel_loop3A_519 = arith.constant 0 : i32
    %parallel_loop3A_520 = arith.constant 4096 : i32
    %parallel_loop3A_521 = arith.constant 16 : i32
    scf.for %parallel_loop3A_1854 = %parallel_loop3A_519 to %parallel_loop3A_520 step %parallel_loop3A_521  : i32 {
      %parallel_loop3A_1855 = arith.constant 12288 : i32
      %parallel_loop3A_1856 = arith.addi %parallel_loop3A_1855, %parallel_loop3A_1854 : i32
      %parallel_loop3A_1857 = arith.index_cast %parallel_loop3A_1856 : i32 to index
      %parallel_loop3A_1858 = tpu.vector_load %arg6[%parallel_loop3A_1857] {strides = array<i32>} : memref<16384xi32, #tpu.memory_space<vmem>>, vector<16xi32>,
      %parallel_loop3A_1859 = tpu.vector_load_idx %arg5[%parallel_loop3A_1858] : memref<100000xf32, #tpu.memory_space<vmem>>[vector<16xi32>], vector<16xf32>,
      %parallel_loop3A_1860 = arith.index_cast %parallel_loop3A_1854 : i32 to index
      %parallel_loop3A_1861 = tpu.vector_load %arg8[%parallel_loop3A_1860] {strides = array<i32>} : memref<4096xf32, #tpu.memory_space<vmem>>, vector<16xf32>,
      tpu.vector_store %arg8[%parallel_loop3A_1860], %parallel_loop3A_1859 {strides = array<i32>} : memref<4096xf32, #tpu.memory_space<vmem>>, vector<16xf32>,
    } {sc.loop_unroll_factor = 8 : i64, sc.parallel_access}
    %dma_start3A_522 = arith.constant 12288 : i32
    %dma_start3A_523 = tpu.memref_slice %arg4[%add3A_385, %dma_start3A_522] : memref<416x16384xf32, #tpu.memory_space<hbm>> -> memref<1x4096xf32, #tpu.memory_space<hbm>>
    %dma_start3A_524 = tpu.memref_squeeze %dma_start3A_523 : memref<1x4096xf32, #tpu.memory_space<hbm>> -> memref<4096xf32, #tpu.memory_space<hbm>>
    %dma_start3A_525 = arith.constant 12288 : i32
    %dma_start3A_526 = tpu.memref_slice %arg4[%add3A_385, %dma_start3A_525] : memref<416x16384xf32, #tpu.memory_space<hbm>> -> memref<1x4096xf32, #tpu.memory_space<hbm>>
    %dma_start3A_527 = tpu.memref_squeeze %dma_start3A_526 : memref<1x4096xf32, #tpu.memory_space<hbm>> -> memref<4096xf32, #tpu.memory_space<hbm>>
    tpu.enqueue_dma source(%arg8 : memref<4096xf32, #tpu.memory_space<vmem>>) target(%dma_start3A_527 : memref<4096xf32, #tpu.memory_space<hbm>>) target_semaphore(%arg11 : memref<!tpu.dma_semaphore, #tpu.memory_space<semaphore_mem>>)
    %mul3A_528 = arith.constant 13 : i32
    %mul3A_529 = arith.muli %add3A, %mul3A_528 : i32
    %add3A_530 = arith.constant 4 : i32
    %add3A_531 = arith.addi %mul3A_529, %add3A_530 : i32
    %jit3A_532 = arith.constant 16 : i32
    %div3A_533 = arith.divsi %add3A_531, %jit3A_532 : i32
    %sign3A_534 = arith.constant 0 : i32
    %sign3A_535 = arith.cmpi sgt, %add3A_531, %sign3A_534 : i32
    %sign3A_536 = arith.extui %sign3A_535 : i1 to i32
    %sign3A_537 = arith.constant 0 : i32
    %sign3A_538 = arith.cmpi slt, %add3A_531, %sign3A_537 : i32
    %sign3A_539 = arith.extui %sign3A_538 : i1 to i32
    %sign3A_540 = arith.subi %sign3A_536, %sign3A_539 : i32
    %sign3A_541 = arith.constant 0 : i32
    %sign3A_542 = arith.cmpi sgt, %jit3A_532, %sign3A_541 : i32
    %sign3A_543 = arith.extui %sign3A_542 : i1 to i32
    %sign3A_544 = arith.constant 0 : i32
    %sign3A_545 = arith.cmpi slt, %jit3A_532, %sign3A_544 : i32
    %sign3A_546 = arith.extui %sign3A_545 : i1 to i32
    %sign3A_547 = arith.subi %sign3A_543, %sign3A_546 : i32
    %ne3A_548 = arith.cmpi ne, %sign3A_540, %sign3A_547 : i32
    %rem3A_549 = arith.remsi %add3A_531, %jit3A_532 : i32
    %ne3A_550 = arith.constant 0 : i32
    %ne3A_551 = arith.cmpi ne, %rem3A_549, %ne3A_550 : i32
    %and3A_552 = arith.andi %ne3A_548, %ne3A_551 : i1
    %sub3A_553 = arith.constant 1 : i32
    %sub3A_554 = arith.subi %div3A_533, %sub3A_553 : i32
    %select_n3A_555 = arith.select %and3A_552, %sub3A_554, %div3A_533 : i32
    %jit3A_556 = arith.constant 16 : i32
    %eq3A_557 = arith.constant 0 : i32
    %eq3A_558 = arith.cmpi eq, %jit3A_556, %eq3A_557 : i32
    %jit3A_559 = arith.constant 1 : i32
    %select_n3A_560 = arith.select %eq3A_558, %jit3A_559, %jit3A_556 : i32
    %rem3A_561 = arith.remsi %add3A_531, %select_n3A_560 : i32
    %ne3A_562 = arith.constant 0 : i32
    %ne3A_563 = arith.cmpi ne, %rem3A_561, %ne3A_562 : i32
    %lt3A_564 = arith.constant 0 : i32
    %lt3A_565 = arith.cmpi slt, %rem3A_561, %lt3A_564 : i32
    %lt3A_566 = arith.constant 0 : i32
    %lt3A_567 = arith.cmpi slt, %select_n3A_560, %lt3A_566 : i32
    %ne3A_568 = arith.xori %lt3A_565, %lt3A_567 : i1
    %and3A_569 = arith.andi %ne3A_568, %ne3A_563 : i1
    %add3A_570 = arith.addi %rem3A_561, %select_n3A_560 : i32
    %select_n3A_571 = arith.select %and3A_569, %add3A_570, %rem3A_561 : i32
    %dma_start3A_572 = arith.constant 0 : i32
    %dma_start3A_573 = tpu.memref_slice %arg2[%select_n3A_555, %select_n3A_571, %dma_start3A_572] : memref<26x16x100000xf32, #tpu.memory_space<hbm>> -> memref<1x1x100000xf32, #tpu.memory_space<hbm>>
    %dma_start3A_574 = tpu.memref_squeeze %dma_start3A_573 : memref<1x1x100000xf32, #tpu.memory_space<hbm>> -> memref<100000xf32, #tpu.memory_space<hbm>>
    %dma_start3A_575 = arith.constant 0 : i32
    %dma_start3A_576 = tpu.memref_slice %arg2[%select_n3A_555, %select_n3A_571, %dma_start3A_575] : memref<26x16x100000xf32, #tpu.memory_space<hbm>> -> memref<1x1x100000xf32, #tpu.memory_space<hbm>>
    %dma_start3A_577 = tpu.memref_squeeze %dma_start3A_576 : memref<1x1x100000xf32, #tpu.memory_space<hbm>> -> memref<100000xf32, #tpu.memory_space<hbm>>
    tpu.enqueue_dma source(%dma_start3A_577 : memref<100000xf32, #tpu.memory_space<hbm>>) target(%arg5 : memref<100000xf32, #tpu.memory_space<vmem>>) target_semaphore(%arg9 : memref<!tpu.dma_semaphore, #tpu.memory_space<semaphore_mem>>)
    %sub3A_578 = arith.constant 1 : i32
    %sub3A_579 = arith.subi %add3A_531, %sub3A_578 : i32
    %jit3A_580 = arith.constant 16 : i32
    %div3A_581 = arith.divsi %sub3A_579, %jit3A_580 : i32
    %sign3A_582 = arith.constant 0 : i32
    %sign3A_583 = arith.cmpi sgt, %sub3A_579, %sign3A_582 : i32
    %sign3A_584 = arith.extui %sign3A_583 : i1 to i32
    %sign3A_585 = arith.constant 0 : i32
    %sign3A_586 = arith.cmpi slt, %sub3A_579, %sign3A_585 : i32
    %sign3A_587 = arith.extui %sign3A_586 : i1 to i32
    %sign3A_588 = arith.subi %sign3A_584, %sign3A_587 : i32
    %sign3A_589 = arith.constant 0 : i32
    %sign3A_590 = arith.cmpi sgt, %jit3A_580, %sign3A_589 : i32
    %sign3A_591 = arith.extui %sign3A_590 : i1 to i32
    %sign3A_592 = arith.constant 0 : i32
    %sign3A_593 = arith.cmpi slt, %jit3A_580, %sign3A_592 : i32
    %sign3A_594 = arith.extui %sign3A_593 : i1 to i32
    %sign3A_595 = arith.subi %sign3A_591, %sign3A_594 : i32
    %ne3A_596 = arith.cmpi ne, %sign3A_588, %sign3A_595 : i32
    %rem3A_597 = arith.remsi %sub3A_579, %jit3A_580 : i32
    %ne3A_598 = arith.constant 0 : i32
    %ne3A_599 = arith.cmpi ne, %rem3A_597, %ne3A_598 : i32
    %and3A_600 = arith.andi %ne3A_596, %ne3A_599 : i1
    %sub3A_601 = arith.constant 1 : i32
    %sub3A_602 = arith.subi %div3A_581, %sub3A_601 : i32
    %select_n3A_603 = arith.select %and3A_600, %sub3A_602, %div3A_581 : i32
    %ne3A_604 = arith.cmpi ne, %select_n3A_555, %select_n3A_603 : i32
    %convert_element_type3A_605 = arith.extui %ne3A_604 : i1 to i32
    %cond3A_606 = arith.constant 0 : i32
    %cond3A_607 = arith.cmpi ne, %convert_element_type3A_605, %cond3A_606 : i32
    scf.if %cond3A_607 {
      "tpu.region"() ({
        %run_scoped3A = tpu.sem_alloc : memref<!tpu.dma_semaphore, #tpu.memory_space<semaphore_mem>>
        %dma_start3A_1854 = arith.constant 0 : i32
        %dma_start3A_1855 = tpu.memref_slice %arg3[%select_n3A_555, %dma_start3A_1854] : memref<26x16384xi32, #tpu.memory_space<hbm>> -> memref<1x16384xi32, #tpu.memory_space<hbm>>
        %dma_start3A_1856 = tpu.memref_squeeze %dma_start3A_1855 : memref<1x16384xi32, #tpu.memory_space<hbm>> -> memref<16384xi32, #tpu.memory_space<hbm>>
        %dma_start3A_1857 = arith.constant 0 : i32
        %dma_start3A_1858 = tpu.memref_slice %arg3[%select_n3A_555, %dma_start3A_1857] : memref<26x16384xi32, #tpu.memory_space<hbm>> -> memref<1x16384xi32, #tpu.memory_space<hbm>>
        %dma_start3A_1859 = tpu.memref_squeeze %dma_start3A_1858 : memref<1x16384xi32, #tpu.memory_space<hbm>> -> memref<16384xi32, #tpu.memory_space<hbm>>
        tpu.enqueue_dma source(%dma_start3A_1859 : memref<16384xi32, #tpu.memory_space<hbm>>) target(%arg6 : memref<16384xi32, #tpu.memory_space<vmem>>) target_semaphore(%run_scoped3A : memref<!tpu.dma_semaphore, #tpu.memory_space<semaphore_mem>>)
        %dma_wait3A_1860 = arith.constant 0 : i32
        %dma_wait3A_1861 = tpu.memref_slice %arg3[%select_n3A_555, %dma_wait3A_1860] : memref<26x16384xi32, #tpu.memory_space<hbm>> -> memref<1x16384xi32, #tpu.memory_space<hbm>>
        %dma_wait3A_1862 = tpu.memref_squeeze %dma_wait3A_1861 : memref<1x16384xi32, #tpu.memory_space<hbm>> -> memref<16384xi32, #tpu.memory_space<hbm>>
        %dma_wait3A_1863 = arith.constant 0 : i32
        %dma_wait3A_1864 = tpu.memref_slice %arg3[%select_n3A_555, %dma_wait3A_1863] : memref<26x16384xi32, #tpu.memory_space<hbm>> -> memref<1x16384xi32, #tpu.memory_space<hbm>>
        %dma_wait3A_1865 = tpu.memref_squeeze %dma_wait3A_1864 : memref<1x16384xi32, #tpu.memory_space<hbm>> -> memref<16384xi32, #tpu.memory_space<hbm>>
        tpu.wait_dma2 semaphore(%run_scoped3A : memref<!tpu.dma_semaphore, #tpu.memory_space<semaphore_mem>>) src(%dma_wait3A_1865 : memref<16384xi32, #tpu.memory_space<hbm>>) dst(%arg6 : memref<16384xi32, #tpu.memory_space<vmem>>)
        tpu.yield
      }) : () -> ()
    } else {
    }
    %dma_wait3A_608 = arith.constant 0 : i32
    %dma_wait3A_609 = tpu.memref_slice %arg2[%select_n3A_555, %select_n3A_571, %dma_wait3A_608] : memref<26x16x100000xf32, #tpu.memory_space<hbm>> -> memref<1x1x100000xf32, #tpu.memory_space<hbm>>
    %dma_wait3A_610 = tpu.memref_squeeze %dma_wait3A_609 : memref<1x1x100000xf32, #tpu.memory_space<hbm>> -> memref<100000xf32, #tpu.memory_space<hbm>>
    %dma_wait3A_611 = arith.constant 0 : i32
    %dma_wait3A_612 = tpu.memref_slice %arg2[%select_n3A_555, %select_n3A_571, %dma_wait3A_611] : memref<26x16x100000xf32, #tpu.memory_space<hbm>> -> memref<1x1x100000xf32, #tpu.memory_space<hbm>>
    %dma_wait3A_613 = tpu.memref_squeeze %dma_wait3A_612 : memref<1x1x100000xf32, #tpu.memory_space<hbm>> -> memref<100000xf32, #tpu.memory_space<hbm>>
    tpu.wait_dma2 semaphore(%arg9 : memref<!tpu.dma_semaphore, #tpu.memory_space<semaphore_mem>>) src(%dma_wait3A_613 : memref<100000xf32, #tpu.memory_space<hbm>>) dst(%arg5 : memref<100000xf32, #tpu.memory_space<vmem>>)
    %dma_wait3A_614 = arith.constant 8192 : i32
    %dma_wait3A_615 = tpu.memref_slice %arg4[%add3A_385, %dma_wait3A_614] : memref<416x16384xf32, #tpu.memory_space<hbm>> -> memref<1x4096xf32, #tpu.memory_space<hbm>>
    %dma_wait3A_616 = tpu.memref_squeeze %dma_wait3A_615 : memref<1x4096xf32, #tpu.memory_space<hbm>> -> memref<4096xf32, #tpu.memory_space<hbm>>
    %dma_wait3A_617 = arith.constant 8192 : i32
    %dma_wait3A_618 = tpu.memref_slice %arg4[%add3A_385, %dma_wait3A_617] : memref<416x16384xf32, #tpu.memory_space<hbm>> -> memref<1x4096xf32, #tpu.memory_space<hbm>>
    %dma_wait3A_619 = tpu.memref_squeeze %dma_wait3A_618 : memref<1x4096xf32, #tpu.memory_space<hbm>> -> memref<4096xf32, #tpu.memory_space<hbm>>
    tpu.wait_dma2 semaphore(%arg10 : memref<!tpu.dma_semaphore, #tpu.memory_space<semaphore_mem>>) src(%arg7 : memref<4096xf32, #tpu.memory_space<vmem>>) dst(%dma_wait3A_619 : memref<4096xf32, #tpu.memory_space<hbm>>)
    %parallel_loop3A_620 = arith.constant 0 : i32
    %parallel_loop3A_621 = arith.constant 4096 : i32
    %parallel_loop3A_622 = arith.constant 16 : i32
    scf.for %parallel_loop3A_1854 = %parallel_loop3A_620 to %parallel_loop3A_621 step %parallel_loop3A_622  : i32 {
      %parallel_loop3A_1855 = arith.constant 0 : i32
      %parallel_loop3A_1856 = arith.addi %parallel_loop3A_1855, %parallel_loop3A_1854 : i32
      %parallel_loop3A_1857 = arith.index_cast %parallel_loop3A_1856 : i32 to index
      %parallel_loop3A_1858 = tpu.vector_load %arg6[%parallel_loop3A_1857] {strides = array<i32>} : memref<16384xi32, #tpu.memory_space<vmem>>, vector<16xi32>,
      %parallel_loop3A_1859 = tpu.vector_load_idx %arg5[%parallel_loop3A_1858] : memref<100000xf32, #tpu.memory_space<vmem>>[vector<16xi32>], vector<16xf32>,
      %parallel_loop3A_1860 = arith.index_cast %parallel_loop3A_1854 : i32 to index
      %parallel_loop3A_1861 = tpu.vector_load %arg7[%parallel_loop3A_1860] {strides = array<i32>} : memref<4096xf32, #tpu.memory_space<vmem>>, vector<16xf32>,
      tpu.vector_store %arg7[%parallel_loop3A_1860], %parallel_loop3A_1859 {strides = array<i32>} : memref<4096xf32, #tpu.memory_space<vmem>>, vector<16xf32>,
    } {sc.loop_unroll_factor = 8 : i64, sc.parallel_access}
    %dma_start3A_623 = arith.constant 0 : i32
    %dma_start3A_624 = tpu.memref_slice %arg4[%add3A_531, %dma_start3A_623] : memref<416x16384xf32, #tpu.memory_space<hbm>> -> memref<1x4096xf32, #tpu.memory_space<hbm>>
    %dma_start3A_625 = tpu.memref_squeeze %dma_start3A_624 : memref<1x4096xf32, #tpu.memory_space<hbm>> -> memref<4096xf32, #tpu.memory_space<hbm>>
    %dma_start3A_626 = arith.constant 0 : i32
    %dma_start3A_627 = tpu.memref_slice %arg4[%add3A_531, %dma_start3A_626] : memref<416x16384xf32, #tpu.memory_space<hbm>> -> memref<1x4096xf32, #tpu.memory_space<hbm>>
    %dma_start3A_628 = tpu.memref_squeeze %dma_start3A_627 : memref<1x4096xf32, #tpu.memory_space<hbm>> -> memref<4096xf32, #tpu.memory_space<hbm>>
    tpu.enqueue_dma source(%arg7 : memref<4096xf32, #tpu.memory_space<vmem>>) target(%dma_start3A_628 : memref<4096xf32, #tpu.memory_space<hbm>>) target_semaphore(%arg10 : memref<!tpu.dma_semaphore, #tpu.memory_space<semaphore_mem>>)
    %dma_wait3A_629 = arith.constant 12288 : i32
    %dma_wait3A_630 = tpu.memref_slice %arg4[%add3A_385, %dma_wait3A_629] : memref<416x16384xf32, #tpu.memory_space<hbm>> -> memref<1x4096xf32, #tpu.memory_space<hbm>>
    %dma_wait3A_631 = tpu.memref_squeeze %dma_wait3A_630 : memref<1x4096xf32, #tpu.memory_space<hbm>> -> memref<4096xf32, #tpu.memory_space<hbm>>
    %dma_wait3A_632 = arith.constant 12288 : i32
    %dma_wait3A_633 = tpu.memref_slice %arg4[%add3A_385, %dma_wait3A_632] : memref<416x16384xf32, #tpu.memory_space<hbm>> -> memref<1x4096xf32, #tpu.memory_space<hbm>>
    %dma_wait3A_634 = tpu.memref_squeeze %dma_wait3A_633 : memref<1x4096xf32, #tpu.memory_space<hbm>> -> memref<4096xf32, #tpu.memory_space<hbm>>
    tpu.wait_dma2 semaphore(%arg11 : memref<!tpu.dma_semaphore, #tpu.memory_space<semaphore_mem>>) src(%arg8 : memref<4096xf32, #tpu.memory_space<vmem>>) dst(%dma_wait3A_634 : memref<4096xf32, #tpu.memory_space<hbm>>)
    %parallel_loop3A_635 = arith.constant 0 : i32
    %parallel_loop3A_636 = arith.constant 4096 : i32
    %parallel_loop3A_637 = arith.constant 16 : i32
    scf.for %parallel_loop3A_1854 = %parallel_loop3A_635 to %parallel_loop3A_636 step %parallel_loop3A_637  : i32 {
      %parallel_loop3A_1855 = arith.constant 4096 : i32
      %parallel_loop3A_1856 = arith.addi %parallel_loop3A_1855, %parallel_loop3A_1854 : i32
      %parallel_loop3A_1857 = arith.index_cast %parallel_loop3A_1856 : i32 to index
      %parallel_loop3A_1858 = tpu.vector_load %arg6[%parallel_loop3A_1857] {strides = array<i32>} : memref<16384xi32, #tpu.memory_space<vmem>>, vector<16xi32>,
      %parallel_loop3A_1859 = tpu.vector_load_idx %arg5[%parallel_loop3A_1858] : memref<100000xf32, #tpu.memory_space<vmem>>[vector<16xi32>], vector<16xf32>,
      %parallel_loop3A_1860 = arith.index_cast %parallel_loop3A_1854 : i32 to index
      %parallel_loop3A_1861 = tpu.vector_load %arg8[%parallel_loop3A_1860] {strides = array<i32>} : memref<4096xf32, #tpu.memory_space<vmem>>, vector<16xf32>,
      tpu.vector_store %arg8[%parallel_loop3A_1860], %parallel_loop3A_1859 {strides = array<i32>} : memref<4096xf32, #tpu.memory_space<vmem>>, vector<16xf32>,
    } {sc.loop_unroll_factor = 8 : i64, sc.parallel_access}
    %dma_start3A_638 = arith.constant 4096 : i32
    %dma_start3A_639 = tpu.memref_slice %arg4[%add3A_531, %dma_start3A_638] : memref<416x16384xf32, #tpu.memory_space<hbm>> -> memref<1x4096xf32, #tpu.memory_space<hbm>>
    %dma_start3A_640 = tpu.memref_squeeze %dma_start3A_639 : memref<1x4096xf32, #tpu.memory_space<hbm>> -> memref<4096xf32, #tpu.memory_space<hbm>>
    %dma_start3A_641 = arith.constant 4096 : i32
    %dma_start3A_642 = tpu.memref_slice %arg4[%add3A_531, %dma_start3A_641] : memref<416x16384xf32, #tpu.memory_space<hbm>> -> memref<1x4096xf32, #tpu.memory_space<hbm>>
    %dma_start3A_643 = tpu.memref_squeeze %dma_start3A_642 : memref<1x4096xf32, #tpu.memory_space<hbm>> -> memref<4096xf32, #tpu.memory_space<hbm>>
    tpu.enqueue_dma source(%arg8 : memref<4096xf32, #tpu.memory_space<vmem>>) target(%dma_start3A_643 : memref<4096xf32, #tpu.memory_space<hbm>>) target_semaphore(%arg11 : memref<!tpu.dma_semaphore, #tpu.memory_space<semaphore_mem>>)
    %dma_wait3A_644 = arith.constant 0 : i32
    %dma_wait3A_645 = tpu.memref_slice %arg4[%add3A_531, %dma_wait3A_644] : memref<416x16384xf32, #tpu.memory_space<hbm>> -> memref<1x4096xf32, #tpu.memory_space<hbm>>
    %dma_wait3A_646 = tpu.memref_squeeze %dma_wait3A_645 : memref<1x4096xf32, #tpu.memory_space<hbm>> -> memref<4096xf32, #tpu.memory_space<hbm>>
    %dma_wait3A_647 = arith.constant 0 : i32
    %dma_wait3A_648 = tpu.memref_slice %arg4[%add3A_531, %dma_wait3A_647] : memref<416x16384xf32, #tpu.memory_space<hbm>> -> memref<1x4096xf32, #tpu.memory_space<hbm>>
    %dma_wait3A_649 = tpu.memref_squeeze %dma_wait3A_648 : memref<1x4096xf32, #tpu.memory_space<hbm>> -> memref<4096xf32, #tpu.memory_space<hbm>>
    tpu.wait_dma2 semaphore(%arg10 : memref<!tpu.dma_semaphore, #tpu.memory_space<semaphore_mem>>) src(%arg7 : memref<4096xf32, #tpu.memory_space<vmem>>) dst(%dma_wait3A_649 : memref<4096xf32, #tpu.memory_space<hbm>>)
    %parallel_loop3A_650 = arith.constant 0 : i32
    %parallel_loop3A_651 = arith.constant 4096 : i32
    %parallel_loop3A_652 = arith.constant 16 : i32
    scf.for %parallel_loop3A_1854 = %parallel_loop3A_650 to %parallel_loop3A_651 step %parallel_loop3A_652  : i32 {
      %parallel_loop3A_1855 = arith.constant 8192 : i32
      %parallel_loop3A_1856 = arith.addi %parallel_loop3A_1855, %parallel_loop3A_1854 : i32
      %parallel_loop3A_1857 = arith.index_cast %parallel_loop3A_1856 : i32 to index
      %parallel_loop3A_1858 = tpu.vector_load %arg6[%parallel_loop3A_1857] {strides = array<i32>} : memref<16384xi32, #tpu.memory_space<vmem>>, vector<16xi32>,
      %parallel_loop3A_1859 = tpu.vector_load_idx %arg5[%parallel_loop3A_1858] : memref<100000xf32, #tpu.memory_space<vmem>>[vector<16xi32>], vector<16xf32>,
      %parallel_loop3A_1860 = arith.index_cast %parallel_loop3A_1854 : i32 to index
      %parallel_loop3A_1861 = tpu.vector_load %arg7[%parallel_loop3A_1860] {strides = array<i32>} : memref<4096xf32, #tpu.memory_space<vmem>>, vector<16xf32>,
      tpu.vector_store %arg7[%parallel_loop3A_1860], %parallel_loop3A_1859 {strides = array<i32>} : memref<4096xf32, #tpu.memory_space<vmem>>, vector<16xf32>,
    } {sc.loop_unroll_factor = 8 : i64, sc.parallel_access}
    %dma_start3A_653 = arith.constant 8192 : i32
    %dma_start3A_654 = tpu.memref_slice %arg4[%add3A_531, %dma_start3A_653] : memref<416x16384xf32, #tpu.memory_space<hbm>> -> memref<1x4096xf32, #tpu.memory_space<hbm>>
    %dma_start3A_655 = tpu.memref_squeeze %dma_start3A_654 : memref<1x4096xf32, #tpu.memory_space<hbm>> -> memref<4096xf32, #tpu.memory_space<hbm>>
    %dma_start3A_656 = arith.constant 8192 : i32
    %dma_start3A_657 = tpu.memref_slice %arg4[%add3A_531, %dma_start3A_656] : memref<416x16384xf32, #tpu.memory_space<hbm>> -> memref<1x4096xf32, #tpu.memory_space<hbm>>
    %dma_start3A_658 = tpu.memref_squeeze %dma_start3A_657 : memref<1x4096xf32, #tpu.memory_space<hbm>> -> memref<4096xf32, #tpu.memory_space<hbm>>
    tpu.enqueue_dma source(%arg7 : memref<4096xf32, #tpu.memory_space<vmem>>) target(%dma_start3A_658 : memref<4096xf32, #tpu.memory_space<hbm>>) target_semaphore(%arg10 : memref<!tpu.dma_semaphore, #tpu.memory_space<semaphore_mem>>)
    %dma_wait3A_659 = arith.constant 4096 : i32
    %dma_wait3A_660 = tpu.memref_slice %arg4[%add3A_531, %dma_wait3A_659] : memref<416x16384xf32, #tpu.memory_space<hbm>> -> memref<1x4096xf32, #tpu.memory_space<hbm>>
    %dma_wait3A_661 = tpu.memref_squeeze %dma_wait3A_660 : memref<1x4096xf32, #tpu.memory_space<hbm>> -> memref<4096xf32, #tpu.memory_space<hbm>>
    %dma_wait3A_662 = arith.constant 4096 : i32
    %dma_wait3A_663 = tpu.memref_slice %arg4[%add3A_531, %dma_wait3A_662] : memref<416x16384xf32, #tpu.memory_space<hbm>> -> memref<1x4096xf32, #tpu.memory_space<hbm>>
    %dma_wait3A_664 = tpu.memref_squeeze %dma_wait3A_663 : memref<1x4096xf32, #tpu.memory_space<hbm>> -> memref<4096xf32, #tpu.memory_space<hbm>>
    tpu.wait_dma2 semaphore(%arg11 : memref<!tpu.dma_semaphore, #tpu.memory_space<semaphore_mem>>) src(%arg8 : memref<4096xf32, #tpu.memory_space<vmem>>) dst(%dma_wait3A_664 : memref<4096xf32, #tpu.memory_space<hbm>>)
    %parallel_loop3A_665 = arith.constant 0 : i32
    %parallel_loop3A_666 = arith.constant 4096 : i32
    %parallel_loop3A_667 = arith.constant 16 : i32
    scf.for %parallel_loop3A_1854 = %parallel_loop3A_665 to %parallel_loop3A_666 step %parallel_loop3A_667  : i32 {
      %parallel_loop3A_1855 = arith.constant 12288 : i32
      %parallel_loop3A_1856 = arith.addi %parallel_loop3A_1855, %parallel_loop3A_1854 : i32
      %parallel_loop3A_1857 = arith.index_cast %parallel_loop3A_1856 : i32 to index
      %parallel_loop3A_1858 = tpu.vector_load %arg6[%parallel_loop3A_1857] {strides = array<i32>} : memref<16384xi32, #tpu.memory_space<vmem>>, vector<16xi32>,
      %parallel_loop3A_1859 = tpu.vector_load_idx %arg5[%parallel_loop3A_1858] : memref<100000xf32, #tpu.memory_space<vmem>>[vector<16xi32>], vector<16xf32>,
      %parallel_loop3A_1860 = arith.index_cast %parallel_loop3A_1854 : i32 to index
      %parallel_loop3A_1861 = tpu.vector_load %arg8[%parallel_loop3A_1860] {strides = array<i32>} : memref<4096xf32, #tpu.memory_space<vmem>>, vector<16xf32>,
      tpu.vector_store %arg8[%parallel_loop3A_1860], %parallel_loop3A_1859 {strides = array<i32>} : memref<4096xf32, #tpu.memory_space<vmem>>, vector<16xf32>,
    } {sc.loop_unroll_factor = 8 : i64, sc.parallel_access}
    %dma_start3A_668 = arith.constant 12288 : i32
    %dma_start3A_669 = tpu.memref_slice %arg4[%add3A_531, %dma_start3A_668] : memref<416x16384xf32, #tpu.memory_space<hbm>> -> memref<1x4096xf32, #tpu.memory_space<hbm>>
    %dma_start3A_670 = tpu.memref_squeeze %dma_start3A_669 : memref<1x4096xf32, #tpu.memory_space<hbm>> -> memref<4096xf32, #tpu.memory_space<hbm>>
    %dma_start3A_671 = arith.constant 12288 : i32
    %dma_start3A_672 = tpu.memref_slice %arg4[%add3A_531, %dma_start3A_671] : memref<416x16384xf32, #tpu.memory_space<hbm>> -> memref<1x4096xf32, #tpu.memory_space<hbm>>
    %dma_start3A_673 = tpu.memref_squeeze %dma_start3A_672 : memref<1x4096xf32, #tpu.memory_space<hbm>> -> memref<4096xf32, #tpu.memory_space<hbm>>
    tpu.enqueue_dma source(%arg8 : memref<4096xf32, #tpu.memory_space<vmem>>) target(%dma_start3A_673 : memref<4096xf32, #tpu.memory_space<hbm>>) target_semaphore(%arg11 : memref<!tpu.dma_semaphore, #tpu.memory_space<semaphore_mem>>)
    %mul3A_674 = arith.constant 13 : i32
    %mul3A_675 = arith.muli %add3A, %mul3A_674 : i32
    %add3A_676 = arith.constant 5 : i32
    %add3A_677 = arith.addi %mul3A_675, %add3A_676 : i32
    %jit3A_678 = arith.constant 16 : i32
    %div3A_679 = arith.divsi %add3A_677, %jit3A_678 : i32
    %sign3A_680 = arith.constant 0 : i32
    %sign3A_681 = arith.cmpi sgt, %add3A_677, %sign3A_680 : i32
    %sign3A_682 = arith.extui %sign3A_681 : i1 to i32
    %sign3A_683 = arith.constant 0 : i32
    %sign3A_684 = arith.cmpi slt, %add3A_677, %sign3A_683 : i32
    %sign3A_685 = arith.extui %sign3A_684 : i1 to i32
    %sign3A_686 = arith.subi %sign3A_682, %sign3A_685 : i32
    %sign3A_687 = arith.constant 0 : i32
    %sign3A_688 = arith.cmpi sgt, %jit3A_678, %sign3A_687 : i32
    %sign3A_689 = arith.extui %sign3A_688 : i1 to i32
    %sign3A_690 = arith.constant 0 : i32
    %sign3A_691 = arith.cmpi slt, %jit3A_678, %sign3A_690 : i32
    %sign3A_692 = arith.extui %sign3A_691 : i1 to i32
    %sign3A_693 = arith.subi %sign3A_689, %sign3A_692 : i32
    %ne3A_694 = arith.cmpi ne, %sign3A_686, %sign3A_693 : i32
    %rem3A_695 = arith.remsi %add3A_677, %jit3A_678 : i32
    %ne3A_696 = arith.constant 0 : i32
    %ne3A_697 = arith.cmpi ne, %rem3A_695, %ne3A_696 : i32
    %and3A_698 = arith.andi %ne3A_694, %ne3A_697 : i1
    %sub3A_699 = arith.constant 1 : i32
    %sub3A_700 = arith.subi %div3A_679, %sub3A_699 : i32
    %select_n3A_701 = arith.select %and3A_698, %sub3A_700, %div3A_679 : i32
    %jit3A_702 = arith.constant 16 : i32
    %eq3A_703 = arith.constant 0 : i32
    %eq3A_704 = arith.cmpi eq, %jit3A_702, %eq3A_703 : i32
    %jit3A_705 = arith.constant 1 : i32
    %select_n3A_706 = arith.select %eq3A_704, %jit3A_705, %jit3A_702 : i32
    %rem3A_707 = arith.remsi %add3A_677, %select_n3A_706 : i32
    %ne3A_708 = arith.constant 0 : i32
    %ne3A_709 = arith.cmpi ne, %rem3A_707, %ne3A_708 : i32
    %lt3A_710 = arith.constant 0 : i32
    %lt3A_711 = arith.cmpi slt, %rem3A_707, %lt3A_710 : i32
    %lt3A_712 = arith.constant 0 : i32
    %lt3A_713 = arith.cmpi slt, %select_n3A_706, %lt3A_712 : i32
    %ne3A_714 = arith.xori %lt3A_711, %lt3A_713 : i1
    %and3A_715 = arith.andi %ne3A_714, %ne3A_709 : i1
    %add3A_716 = arith.addi %rem3A_707, %select_n3A_706 : i32
    %select_n3A_717 = arith.select %and3A_715, %add3A_716, %rem3A_707 : i32
    %dma_start3A_718 = arith.constant 0 : i32
    %dma_start3A_719 = tpu.memref_slice %arg2[%select_n3A_701, %select_n3A_717, %dma_start3A_718] : memref<26x16x100000xf32, #tpu.memory_space<hbm>> -> memref<1x1x100000xf32, #tpu.memory_space<hbm>>
    %dma_start3A_720 = tpu.memref_squeeze %dma_start3A_719 : memref<1x1x100000xf32, #tpu.memory_space<hbm>> -> memref<100000xf32, #tpu.memory_space<hbm>>
    %dma_start3A_721 = arith.constant 0 : i32
    %dma_start3A_722 = tpu.memref_slice %arg2[%select_n3A_701, %select_n3A_717, %dma_start3A_721] : memref<26x16x100000xf32, #tpu.memory_space<hbm>> -> memref<1x1x100000xf32, #tpu.memory_space<hbm>>
    %dma_start3A_723 = tpu.memref_squeeze %dma_start3A_722 : memref<1x1x100000xf32, #tpu.memory_space<hbm>> -> memref<100000xf32, #tpu.memory_space<hbm>>
    tpu.enqueue_dma source(%dma_start3A_723 : memref<100000xf32, #tpu.memory_space<hbm>>) target(%arg5 : memref<100000xf32, #tpu.memory_space<vmem>>) target_semaphore(%arg9 : memref<!tpu.dma_semaphore, #tpu.memory_space<semaphore_mem>>)
    %sub3A_724 = arith.constant 1 : i32
    %sub3A_725 = arith.subi %add3A_677, %sub3A_724 : i32
    %jit3A_726 = arith.constant 16 : i32
    %div3A_727 = arith.divsi %sub3A_725, %jit3A_726 : i32
    %sign3A_728 = arith.constant 0 : i32
    %sign3A_729 = arith.cmpi sgt, %sub3A_725, %sign3A_728 : i32
    %sign3A_730 = arith.extui %sign3A_729 : i1 to i32
    %sign3A_731 = arith.constant 0 : i32
    %sign3A_732 = arith.cmpi slt, %sub3A_725, %sign3A_731 : i32
    %sign3A_733 = arith.extui %sign3A_732 : i1 to i32
    %sign3A_734 = arith.subi %sign3A_730, %sign3A_733 : i32
    %sign3A_735 = arith.constant 0 : i32
    %sign3A_736 = arith.cmpi sgt, %jit3A_726, %sign3A_735 : i32
    %sign3A_737 = arith.extui %sign3A_736 : i1 to i32
    %sign3A_738 = arith.constant 0 : i32
    %sign3A_739 = arith.cmpi slt, %jit3A_726, %sign3A_738 : i32
    %sign3A_740 = arith.extui %sign3A_739 : i1 to i32
    %sign3A_741 = arith.subi %sign3A_737, %sign3A_740 : i32
    %ne3A_742 = arith.cmpi ne, %sign3A_734, %sign3A_741 : i32
    %rem3A_743 = arith.remsi %sub3A_725, %jit3A_726 : i32
    %ne3A_744 = arith.constant 0 : i32
    %ne3A_745 = arith.cmpi ne, %rem3A_743, %ne3A_744 : i32
    %and3A_746 = arith.andi %ne3A_742, %ne3A_745 : i1
    %sub3A_747 = arith.constant 1 : i32
    %sub3A_748 = arith.subi %div3A_727, %sub3A_747 : i32
    %select_n3A_749 = arith.select %and3A_746, %sub3A_748, %div3A_727 : i32
    %ne3A_750 = arith.cmpi ne, %select_n3A_701, %select_n3A_749 : i32
    %convert_element_type3A_751 = arith.extui %ne3A_750 : i1 to i32
    %cond3A_752 = arith.constant 0 : i32
    %cond3A_753 = arith.cmpi ne, %convert_element_type3A_751, %cond3A_752 : i32
    scf.if %cond3A_753 {
      "tpu.region"() ({
        %run_scoped3A = tpu.sem_alloc : memref<!tpu.dma_semaphore, #tpu.memory_space<semaphore_mem>>
        %dma_start3A_1854 = arith.constant 0 : i32
        %dma_start3A_1855 = tpu.memref_slice %arg3[%select_n3A_701, %dma_start3A_1854] : memref<26x16384xi32, #tpu.memory_space<hbm>> -> memref<1x16384xi32, #tpu.memory_space<hbm>>
        %dma_start3A_1856 = tpu.memref_squeeze %dma_start3A_1855 : memref<1x16384xi32, #tpu.memory_space<hbm>> -> memref<16384xi32, #tpu.memory_space<hbm>>
        %dma_start3A_1857 = arith.constant 0 : i32
        %dma_start3A_1858 = tpu.memref_slice %arg3[%select_n3A_701, %dma_start3A_1857] : memref<26x16384xi32, #tpu.memory_space<hbm>> -> memref<1x16384xi32, #tpu.memory_space<hbm>>
        %dma_start3A_1859 = tpu.memref_squeeze %dma_start3A_1858 : memref<1x16384xi32, #tpu.memory_space<hbm>> -> memref<16384xi32, #tpu.memory_space<hbm>>
        tpu.enqueue_dma source(%dma_start3A_1859 : memref<16384xi32, #tpu.memory_space<hbm>>) target(%arg6 : memref<16384xi32, #tpu.memory_space<vmem>>) target_semaphore(%run_scoped3A : memref<!tpu.dma_semaphore, #tpu.memory_space<semaphore_mem>>)
        %dma_wait3A_1860 = arith.constant 0 : i32
        %dma_wait3A_1861 = tpu.memref_slice %arg3[%select_n3A_701, %dma_wait3A_1860] : memref<26x16384xi32, #tpu.memory_space<hbm>> -> memref<1x16384xi32, #tpu.memory_space<hbm>>
        %dma_wait3A_1862 = tpu.memref_squeeze %dma_wait3A_1861 : memref<1x16384xi32, #tpu.memory_space<hbm>> -> memref<16384xi32, #tpu.memory_space<hbm>>
        %dma_wait3A_1863 = arith.constant 0 : i32
        %dma_wait3A_1864 = tpu.memref_slice %arg3[%select_n3A_701, %dma_wait3A_1863] : memref<26x16384xi32, #tpu.memory_space<hbm>> -> memref<1x16384xi32, #tpu.memory_space<hbm>>
        %dma_wait3A_1865 = tpu.memref_squeeze %dma_wait3A_1864 : memref<1x16384xi32, #tpu.memory_space<hbm>> -> memref<16384xi32, #tpu.memory_space<hbm>>
        tpu.wait_dma2 semaphore(%run_scoped3A : memref<!tpu.dma_semaphore, #tpu.memory_space<semaphore_mem>>) src(%dma_wait3A_1865 : memref<16384xi32, #tpu.memory_space<hbm>>) dst(%arg6 : memref<16384xi32, #tpu.memory_space<vmem>>)
        tpu.yield
      }) : () -> ()
    } else {
    }
    %dma_wait3A_754 = arith.constant 0 : i32
    %dma_wait3A_755 = tpu.memref_slice %arg2[%select_n3A_701, %select_n3A_717, %dma_wait3A_754] : memref<26x16x100000xf32, #tpu.memory_space<hbm>> -> memref<1x1x100000xf32, #tpu.memory_space<hbm>>
    %dma_wait3A_756 = tpu.memref_squeeze %dma_wait3A_755 : memref<1x1x100000xf32, #tpu.memory_space<hbm>> -> memref<100000xf32, #tpu.memory_space<hbm>>
    %dma_wait3A_757 = arith.constant 0 : i32
    %dma_wait3A_758 = tpu.memref_slice %arg2[%select_n3A_701, %select_n3A_717, %dma_wait3A_757] : memref<26x16x100000xf32, #tpu.memory_space<hbm>> -> memref<1x1x100000xf32, #tpu.memory_space<hbm>>
    %dma_wait3A_759 = tpu.memref_squeeze %dma_wait3A_758 : memref<1x1x100000xf32, #tpu.memory_space<hbm>> -> memref<100000xf32, #tpu.memory_space<hbm>>
    tpu.wait_dma2 semaphore(%arg9 : memref<!tpu.dma_semaphore, #tpu.memory_space<semaphore_mem>>) src(%dma_wait3A_759 : memref<100000xf32, #tpu.memory_space<hbm>>) dst(%arg5 : memref<100000xf32, #tpu.memory_space<vmem>>)
    %dma_wait3A_760 = arith.constant 8192 : i32
    %dma_wait3A_761 = tpu.memref_slice %arg4[%add3A_531, %dma_wait3A_760] : memref<416x16384xf32, #tpu.memory_space<hbm>> -> memref<1x4096xf32, #tpu.memory_space<hbm>>
    %dma_wait3A_762 = tpu.memref_squeeze %dma_wait3A_761 : memref<1x4096xf32, #tpu.memory_space<hbm>> -> memref<4096xf32, #tpu.memory_space<hbm>>
    %dma_wait3A_763 = arith.constant 8192 : i32
    %dma_wait3A_764 = tpu.memref_slice %arg4[%add3A_531, %dma_wait3A_763] : memref<416x16384xf32, #tpu.memory_space<hbm>> -> memref<1x4096xf32, #tpu.memory_space<hbm>>
    %dma_wait3A_765 = tpu.memref_squeeze %dma_wait3A_764 : memref<1x4096xf32, #tpu.memory_space<hbm>> -> memref<4096xf32, #tpu.memory_space<hbm>>
    tpu.wait_dma2 semaphore(%arg10 : memref<!tpu.dma_semaphore, #tpu.memory_space<semaphore_mem>>) src(%arg7 : memref<4096xf32, #tpu.memory_space<vmem>>) dst(%dma_wait3A_765 : memref<4096xf32, #tpu.memory_space<hbm>>)
    %parallel_loop3A_766 = arith.constant 0 : i32
    %parallel_loop3A_767 = arith.constant 4096 : i32
    %parallel_loop3A_768 = arith.constant 16 : i32
    scf.for %parallel_loop3A_1854 = %parallel_loop3A_766 to %parallel_loop3A_767 step %parallel_loop3A_768  : i32 {
      %parallel_loop3A_1855 = arith.constant 0 : i32
      %parallel_loop3A_1856 = arith.addi %parallel_loop3A_1855, %parallel_loop3A_1854 : i32
      %parallel_loop3A_1857 = arith.index_cast %parallel_loop3A_1856 : i32 to index
      %parallel_loop3A_1858 = tpu.vector_load %arg6[%parallel_loop3A_1857] {strides = array<i32>} : memref<16384xi32, #tpu.memory_space<vmem>>, vector<16xi32>,
      %parallel_loop3A_1859 = tpu.vector_load_idx %arg5[%parallel_loop3A_1858] : memref<100000xf32, #tpu.memory_space<vmem>>[vector<16xi32>], vector<16xf32>,
      %parallel_loop3A_1860 = arith.index_cast %parallel_loop3A_1854 : i32 to index
      %parallel_loop3A_1861 = tpu.vector_load %arg7[%parallel_loop3A_1860] {strides = array<i32>} : memref<4096xf32, #tpu.memory_space<vmem>>, vector<16xf32>,
      tpu.vector_store %arg7[%parallel_loop3A_1860], %parallel_loop3A_1859 {strides = array<i32>} : memref<4096xf32, #tpu.memory_space<vmem>>, vector<16xf32>,
    } {sc.loop_unroll_factor = 8 : i64, sc.parallel_access}
    %dma_start3A_769 = arith.constant 0 : i32
    %dma_start3A_770 = tpu.memref_slice %arg4[%add3A_677, %dma_start3A_769] : memref<416x16384xf32, #tpu.memory_space<hbm>> -> memref<1x4096xf32, #tpu.memory_space<hbm>>
    %dma_start3A_771 = tpu.memref_squeeze %dma_start3A_770 : memref<1x4096xf32, #tpu.memory_space<hbm>> -> memref<4096xf32, #tpu.memory_space<hbm>>
    %dma_start3A_772 = arith.constant 0 : i32
    %dma_start3A_773 = tpu.memref_slice %arg4[%add3A_677, %dma_start3A_772] : memref<416x16384xf32, #tpu.memory_space<hbm>> -> memref<1x4096xf32, #tpu.memory_space<hbm>>
    %dma_start3A_774 = tpu.memref_squeeze %dma_start3A_773 : memref<1x4096xf32, #tpu.memory_space<hbm>> -> memref<4096xf32, #tpu.memory_space<hbm>>
    tpu.enqueue_dma source(%arg7 : memref<4096xf32, #tpu.memory_space<vmem>>) target(%dma_start3A_774 : memref<4096xf32, #tpu.memory_space<hbm>>) target_semaphore(%arg10 : memref<!tpu.dma_semaphore, #tpu.memory_space<semaphore_mem>>)
    %dma_wait3A_775 = arith.constant 12288 : i32
    %dma_wait3A_776 = tpu.memref_slice %arg4[%add3A_531, %dma_wait3A_775] : memref<416x16384xf32, #tpu.memory_space<hbm>> -> memref<1x4096xf32, #tpu.memory_space<hbm>>
    %dma_wait3A_777 = tpu.memref_squeeze %dma_wait3A_776 : memref<1x4096xf32, #tpu.memory_space<hbm>> -> memref<4096xf32, #tpu.memory_space<hbm>>
    %dma_wait3A_778 = arith.constant 12288 : i32
    %dma_wait3A_779 = tpu.memref_slice %arg4[%add3A_531, %dma_wait3A_778] : memref<416x16384xf32, #tpu.memory_space<hbm>> -> memref<1x4096xf32, #tpu.memory_space<hbm>>
    %dma_wait3A_780 = tpu.memref_squeeze %dma_wait3A_779 : memref<1x4096xf32, #tpu.memory_space<hbm>> -> memref<4096xf32, #tpu.memory_space<hbm>>
    tpu.wait_dma2 semaphore(%arg11 : memref<!tpu.dma_semaphore, #tpu.memory_space<semaphore_mem>>) src(%arg8 : memref<4096xf32, #tpu.memory_space<vmem>>) dst(%dma_wait3A_780 : memref<4096xf32, #tpu.memory_space<hbm>>)
    %parallel_loop3A_781 = arith.constant 0 : i32
    %parallel_loop3A_782 = arith.constant 4096 : i32
    %parallel_loop3A_783 = arith.constant 16 : i32
    scf.for %parallel_loop3A_1854 = %parallel_loop3A_781 to %parallel_loop3A_782 step %parallel_loop3A_783  : i32 {
      %parallel_loop3A_1855 = arith.constant 4096 : i32
      %parallel_loop3A_1856 = arith.addi %parallel_loop3A_1855, %parallel_loop3A_1854 : i32
      %parallel_loop3A_1857 = arith.index_cast %parallel_loop3A_1856 : i32 to index
      %parallel_loop3A_1858 = tpu.vector_load %arg6[%parallel_loop3A_1857] {strides = array<i32>} : memref<16384xi32, #tpu.memory_space<vmem>>, vector<16xi32>,
      %parallel_loop3A_1859 = tpu.vector_load_idx %arg5[%parallel_loop3A_1858] : memref<100000xf32, #tpu.memory_space<vmem>>[vector<16xi32>], vector<16xf32>,
      %parallel_loop3A_1860 = arith.index_cast %parallel_loop3A_1854 : i32 to index
      %parallel_loop3A_1861 = tpu.vector_load %arg8[%parallel_loop3A_1860] {strides = array<i32>} : memref<4096xf32, #tpu.memory_space<vmem>>, vector<16xf32>,
      tpu.vector_store %arg8[%parallel_loop3A_1860], %parallel_loop3A_1859 {strides = array<i32>} : memref<4096xf32, #tpu.memory_space<vmem>>, vector<16xf32>,
    } {sc.loop_unroll_factor = 8 : i64, sc.parallel_access}
    %dma_start3A_784 = arith.constant 4096 : i32
    %dma_start3A_785 = tpu.memref_slice %arg4[%add3A_677, %dma_start3A_784] : memref<416x16384xf32, #tpu.memory_space<hbm>> -> memref<1x4096xf32, #tpu.memory_space<hbm>>
    %dma_start3A_786 = tpu.memref_squeeze %dma_start3A_785 : memref<1x4096xf32, #tpu.memory_space<hbm>> -> memref<4096xf32, #tpu.memory_space<hbm>>
    %dma_start3A_787 = arith.constant 4096 : i32
    %dma_start3A_788 = tpu.memref_slice %arg4[%add3A_677, %dma_start3A_787] : memref<416x16384xf32, #tpu.memory_space<hbm>> -> memref<1x4096xf32, #tpu.memory_space<hbm>>
    %dma_start3A_789 = tpu.memref_squeeze %dma_start3A_788 : memref<1x4096xf32, #tpu.memory_space<hbm>> -> memref<4096xf32, #tpu.memory_space<hbm>>
    tpu.enqueue_dma source(%arg8 : memref<4096xf32, #tpu.memory_space<vmem>>) target(%dma_start3A_789 : memref<4096xf32, #tpu.memory_space<hbm>>) target_semaphore(%arg11 : memref<!tpu.dma_semaphore, #tpu.memory_space<semaphore_mem>>)
    %dma_wait3A_790 = arith.constant 0 : i32
    %dma_wait3A_791 = tpu.memref_slice %arg4[%add3A_677, %dma_wait3A_790] : memref<416x16384xf32, #tpu.memory_space<hbm>> -> memref<1x4096xf32, #tpu.memory_space<hbm>>
    %dma_wait3A_792 = tpu.memref_squeeze %dma_wait3A_791 : memref<1x4096xf32, #tpu.memory_space<hbm>> -> memref<4096xf32, #tpu.memory_space<hbm>>
    %dma_wait3A_793 = arith.constant 0 : i32
    %dma_wait3A_794 = tpu.memref_slice %arg4[%add3A_677, %dma_wait3A_793] : memref<416x16384xf32, #tpu.memory_space<hbm>> -> memref<1x4096xf32, #tpu.memory_space<hbm>>
    %dma_wait3A_795 = tpu.memref_squeeze %dma_wait3A_794 : memref<1x4096xf32, #tpu.memory_space<hbm>> -> memref<4096xf32, #tpu.memory_space<hbm>>
    tpu.wait_dma2 semaphore(%arg10 : memref<!tpu.dma_semaphore, #tpu.memory_space<semaphore_mem>>) src(%arg7 : memref<4096xf32, #tpu.memory_space<vmem>>) dst(%dma_wait3A_795 : memref<4096xf32, #tpu.memory_space<hbm>>)
    %parallel_loop3A_796 = arith.constant 0 : i32
    %parallel_loop3A_797 = arith.constant 4096 : i32
    %parallel_loop3A_798 = arith.constant 16 : i32
    scf.for %parallel_loop3A_1854 = %parallel_loop3A_796 to %parallel_loop3A_797 step %parallel_loop3A_798  : i32 {
      %parallel_loop3A_1855 = arith.constant 8192 : i32
      %parallel_loop3A_1856 = arith.addi %parallel_loop3A_1855, %parallel_loop3A_1854 : i32
      %parallel_loop3A_1857 = arith.index_cast %parallel_loop3A_1856 : i32 to index
      %parallel_loop3A_1858 = tpu.vector_load %arg6[%parallel_loop3A_1857] {strides = array<i32>} : memref<16384xi32, #tpu.memory_space<vmem>>, vector<16xi32>,
      %parallel_loop3A_1859 = tpu.vector_load_idx %arg5[%parallel_loop3A_1858] : memref<100000xf32, #tpu.memory_space<vmem>>[vector<16xi32>], vector<16xf32>,
      %parallel_loop3A_1860 = arith.index_cast %parallel_loop3A_1854 : i32 to index
      %parallel_loop3A_1861 = tpu.vector_load %arg7[%parallel_loop3A_1860] {strides = array<i32>} : memref<4096xf32, #tpu.memory_space<vmem>>, vector<16xf32>,
      tpu.vector_store %arg7[%parallel_loop3A_1860], %parallel_loop3A_1859 {strides = array<i32>} : memref<4096xf32, #tpu.memory_space<vmem>>, vector<16xf32>,
    } {sc.loop_unroll_factor = 8 : i64, sc.parallel_access}
    %dma_start3A_799 = arith.constant 8192 : i32
    %dma_start3A_800 = tpu.memref_slice %arg4[%add3A_677, %dma_start3A_799] : memref<416x16384xf32, #tpu.memory_space<hbm>> -> memref<1x4096xf32, #tpu.memory_space<hbm>>
    %dma_start3A_801 = tpu.memref_squeeze %dma_start3A_800 : memref<1x4096xf32, #tpu.memory_space<hbm>> -> memref<4096xf32, #tpu.memory_space<hbm>>
    %dma_start3A_802 = arith.constant 8192 : i32
    %dma_start3A_803 = tpu.memref_slice %arg4[%add3A_677, %dma_start3A_802] : memref<416x16384xf32, #tpu.memory_space<hbm>> -> memref<1x4096xf32, #tpu.memory_space<hbm>>
    %dma_start3A_804 = tpu.memref_squeeze %dma_start3A_803 : memref<1x4096xf32, #tpu.memory_space<hbm>> -> memref<4096xf32, #tpu.memory_space<hbm>>
    tpu.enqueue_dma source(%arg7 : memref<4096xf32, #tpu.memory_space<vmem>>) target(%dma_start3A_804 : memref<4096xf32, #tpu.memory_space<hbm>>) target_semaphore(%arg10 : memref<!tpu.dma_semaphore, #tpu.memory_space<semaphore_mem>>)
    %dma_wait3A_805 = arith.constant 4096 : i32
    %dma_wait3A_806 = tpu.memref_slice %arg4[%add3A_677, %dma_wait3A_805] : memref<416x16384xf32, #tpu.memory_space<hbm>> -> memref<1x4096xf32, #tpu.memory_space<hbm>>
    %dma_wait3A_807 = tpu.memref_squeeze %dma_wait3A_806 : memref<1x4096xf32, #tpu.memory_space<hbm>> -> memref<4096xf32, #tpu.memory_space<hbm>>
    %dma_wait3A_808 = arith.constant 4096 : i32
    %dma_wait3A_809 = tpu.memref_slice %arg4[%add3A_677, %dma_wait3A_808] : memref<416x16384xf32, #tpu.memory_space<hbm>> -> memref<1x4096xf32, #tpu.memory_space<hbm>>
    %dma_wait3A_810 = tpu.memref_squeeze %dma_wait3A_809 : memref<1x4096xf32, #tpu.memory_space<hbm>> -> memref<4096xf32, #tpu.memory_space<hbm>>
    tpu.wait_dma2 semaphore(%arg11 : memref<!tpu.dma_semaphore, #tpu.memory_space<semaphore_mem>>) src(%arg8 : memref<4096xf32, #tpu.memory_space<vmem>>) dst(%dma_wait3A_810 : memref<4096xf32, #tpu.memory_space<hbm>>)
    %parallel_loop3A_811 = arith.constant 0 : i32
    %parallel_loop3A_812 = arith.constant 4096 : i32
    %parallel_loop3A_813 = arith.constant 16 : i32
    scf.for %parallel_loop3A_1854 = %parallel_loop3A_811 to %parallel_loop3A_812 step %parallel_loop3A_813  : i32 {
      %parallel_loop3A_1855 = arith.constant 12288 : i32
      %parallel_loop3A_1856 = arith.addi %parallel_loop3A_1855, %parallel_loop3A_1854 : i32
      %parallel_loop3A_1857 = arith.index_cast %parallel_loop3A_1856 : i32 to index
      %parallel_loop3A_1858 = tpu.vector_load %arg6[%parallel_loop3A_1857] {strides = array<i32>} : memref<16384xi32, #tpu.memory_space<vmem>>, vector<16xi32>,
      %parallel_loop3A_1859 = tpu.vector_load_idx %arg5[%parallel_loop3A_1858] : memref<100000xf32, #tpu.memory_space<vmem>>[vector<16xi32>], vector<16xf32>,
      %parallel_loop3A_1860 = arith.index_cast %parallel_loop3A_1854 : i32 to index
      %parallel_loop3A_1861 = tpu.vector_load %arg8[%parallel_loop3A_1860] {strides = array<i32>} : memref<4096xf32, #tpu.memory_space<vmem>>, vector<16xf32>,
      tpu.vector_store %arg8[%parallel_loop3A_1860], %parallel_loop3A_1859 {strides = array<i32>} : memref<4096xf32, #tpu.memory_space<vmem>>, vector<16xf32>,
    } {sc.loop_unroll_factor = 8 : i64, sc.parallel_access}
    %dma_start3A_814 = arith.constant 12288 : i32
    %dma_start3A_815 = tpu.memref_slice %arg4[%add3A_677, %dma_start3A_814] : memref<416x16384xf32, #tpu.memory_space<hbm>> -> memref<1x4096xf32, #tpu.memory_space<hbm>>
    %dma_start3A_816 = tpu.memref_squeeze %dma_start3A_815 : memref<1x4096xf32, #tpu.memory_space<hbm>> -> memref<4096xf32, #tpu.memory_space<hbm>>
    %dma_start3A_817 = arith.constant 12288 : i32
    %dma_start3A_818 = tpu.memref_slice %arg4[%add3A_677, %dma_start3A_817] : memref<416x16384xf32, #tpu.memory_space<hbm>> -> memref<1x4096xf32, #tpu.memory_space<hbm>>
    %dma_start3A_819 = tpu.memref_squeeze %dma_start3A_818 : memref<1x4096xf32, #tpu.memory_space<hbm>> -> memref<4096xf32, #tpu.memory_space<hbm>>
    tpu.enqueue_dma source(%arg8 : memref<4096xf32, #tpu.memory_space<vmem>>) target(%dma_start3A_819 : memref<4096xf32, #tpu.memory_space<hbm>>) target_semaphore(%arg11 : memref<!tpu.dma_semaphore, #tpu.memory_space<semaphore_mem>>)
    %mul3A_820 = arith.constant 13 : i32
    %mul3A_821 = arith.muli %add3A, %mul3A_820 : i32
    %add3A_822 = arith.constant 6 : i32
    %add3A_823 = arith.addi %mul3A_821, %add3A_822 : i32
    %jit3A_824 = arith.constant 16 : i32
    %div3A_825 = arith.divsi %add3A_823, %jit3A_824 : i32
    %sign3A_826 = arith.constant 0 : i32
    %sign3A_827 = arith.cmpi sgt, %add3A_823, %sign3A_826 : i32
    %sign3A_828 = arith.extui %sign3A_827 : i1 to i32
    %sign3A_829 = arith.constant 0 : i32
    %sign3A_830 = arith.cmpi slt, %add3A_823, %sign3A_829 : i32
    %sign3A_831 = arith.extui %sign3A_830 : i1 to i32
    %sign3A_832 = arith.subi %sign3A_828, %sign3A_831 : i32
    %sign3A_833 = arith.constant 0 : i32
    %sign3A_834 = arith.cmpi sgt, %jit3A_824, %sign3A_833 : i32
    %sign3A_835 = arith.extui %sign3A_834 : i1 to i32
    %sign3A_836 = arith.constant 0 : i32
    %sign3A_837 = arith.cmpi slt, %jit3A_824, %sign3A_836 : i32
    %sign3A_838 = arith.extui %sign3A_837 : i1 to i32
    %sign3A_839 = arith.subi %sign3A_835, %sign3A_838 : i32
    %ne3A_840 = arith.cmpi ne, %sign3A_832, %sign3A_839 : i32
    %rem3A_841 = arith.remsi %add3A_823, %jit3A_824 : i32
    %ne3A_842 = arith.constant 0 : i32
    %ne3A_843 = arith.cmpi ne, %rem3A_841, %ne3A_842 : i32
    %and3A_844 = arith.andi %ne3A_840, %ne3A_843 : i1
    %sub3A_845 = arith.constant 1 : i32
    %sub3A_846 = arith.subi %div3A_825, %sub3A_845 : i32
    %select_n3A_847 = arith.select %and3A_844, %sub3A_846, %div3A_825 : i32
    %jit3A_848 = arith.constant 16 : i32
    %eq3A_849 = arith.constant 0 : i32
    %eq3A_850 = arith.cmpi eq, %jit3A_848, %eq3A_849 : i32
    %jit3A_851 = arith.constant 1 : i32
    %select_n3A_852 = arith.select %eq3A_850, %jit3A_851, %jit3A_848 : i32
    %rem3A_853 = arith.remsi %add3A_823, %select_n3A_852 : i32
    %ne3A_854 = arith.constant 0 : i32
    %ne3A_855 = arith.cmpi ne, %rem3A_853, %ne3A_854 : i32
    %lt3A_856 = arith.constant 0 : i32
    %lt3A_857 = arith.cmpi slt, %rem3A_853, %lt3A_856 : i32
    %lt3A_858 = arith.constant 0 : i32
    %lt3A_859 = arith.cmpi slt, %select_n3A_852, %lt3A_858 : i32
    %ne3A_860 = arith.xori %lt3A_857, %lt3A_859 : i1
    %and3A_861 = arith.andi %ne3A_860, %ne3A_855 : i1
    %add3A_862 = arith.addi %rem3A_853, %select_n3A_852 : i32
    %select_n3A_863 = arith.select %and3A_861, %add3A_862, %rem3A_853 : i32
    %dma_start3A_864 = arith.constant 0 : i32
    %dma_start3A_865 = tpu.memref_slice %arg2[%select_n3A_847, %select_n3A_863, %dma_start3A_864] : memref<26x16x100000xf32, #tpu.memory_space<hbm>> -> memref<1x1x100000xf32, #tpu.memory_space<hbm>>
    %dma_start3A_866 = tpu.memref_squeeze %dma_start3A_865 : memref<1x1x100000xf32, #tpu.memory_space<hbm>> -> memref<100000xf32, #tpu.memory_space<hbm>>
    %dma_start3A_867 = arith.constant 0 : i32
    %dma_start3A_868 = tpu.memref_slice %arg2[%select_n3A_847, %select_n3A_863, %dma_start3A_867] : memref<26x16x100000xf32, #tpu.memory_space<hbm>> -> memref<1x1x100000xf32, #tpu.memory_space<hbm>>
    %dma_start3A_869 = tpu.memref_squeeze %dma_start3A_868 : memref<1x1x100000xf32, #tpu.memory_space<hbm>> -> memref<100000xf32, #tpu.memory_space<hbm>>
    tpu.enqueue_dma source(%dma_start3A_869 : memref<100000xf32, #tpu.memory_space<hbm>>) target(%arg5 : memref<100000xf32, #tpu.memory_space<vmem>>) target_semaphore(%arg9 : memref<!tpu.dma_semaphore, #tpu.memory_space<semaphore_mem>>)
    %sub3A_870 = arith.constant 1 : i32
    %sub3A_871 = arith.subi %add3A_823, %sub3A_870 : i32
    %jit3A_872 = arith.constant 16 : i32
    %div3A_873 = arith.divsi %sub3A_871, %jit3A_872 : i32
    %sign3A_874 = arith.constant 0 : i32
    %sign3A_875 = arith.cmpi sgt, %sub3A_871, %sign3A_874 : i32
    %sign3A_876 = arith.extui %sign3A_875 : i1 to i32
    %sign3A_877 = arith.constant 0 : i32
    %sign3A_878 = arith.cmpi slt, %sub3A_871, %sign3A_877 : i32
    %sign3A_879 = arith.extui %sign3A_878 : i1 to i32
    %sign3A_880 = arith.subi %sign3A_876, %sign3A_879 : i32
    %sign3A_881 = arith.constant 0 : i32
    %sign3A_882 = arith.cmpi sgt, %jit3A_872, %sign3A_881 : i32
    %sign3A_883 = arith.extui %sign3A_882 : i1 to i32
    %sign3A_884 = arith.constant 0 : i32
    %sign3A_885 = arith.cmpi slt, %jit3A_872, %sign3A_884 : i32
    %sign3A_886 = arith.extui %sign3A_885 : i1 to i32
    %sign3A_887 = arith.subi %sign3A_883, %sign3A_886 : i32
    %ne3A_888 = arith.cmpi ne, %sign3A_880, %sign3A_887 : i32
    %rem3A_889 = arith.remsi %sub3A_871, %jit3A_872 : i32
    %ne3A_890 = arith.constant 0 : i32
    %ne3A_891 = arith.cmpi ne, %rem3A_889, %ne3A_890 : i32
    %and3A_892 = arith.andi %ne3A_888, %ne3A_891 : i1
    %sub3A_893 = arith.constant 1 : i32
    %sub3A_894 = arith.subi %div3A_873, %sub3A_893 : i32
    %select_n3A_895 = arith.select %and3A_892, %sub3A_894, %div3A_873 : i32
    %ne3A_896 = arith.cmpi ne, %select_n3A_847, %select_n3A_895 : i32
    %convert_element_type3A_897 = arith.extui %ne3A_896 : i1 to i32
    %cond3A_898 = arith.constant 0 : i32
    %cond3A_899 = arith.cmpi ne, %convert_element_type3A_897, %cond3A_898 : i32
    scf.if %cond3A_899 {
      "tpu.region"() ({
        %run_scoped3A = tpu.sem_alloc : memref<!tpu.dma_semaphore, #tpu.memory_space<semaphore_mem>>
        %dma_start3A_1854 = arith.constant 0 : i32
        %dma_start3A_1855 = tpu.memref_slice %arg3[%select_n3A_847, %dma_start3A_1854] : memref<26x16384xi32, #tpu.memory_space<hbm>> -> memref<1x16384xi32, #tpu.memory_space<hbm>>
        %dma_start3A_1856 = tpu.memref_squeeze %dma_start3A_1855 : memref<1x16384xi32, #tpu.memory_space<hbm>> -> memref<16384xi32, #tpu.memory_space<hbm>>
        %dma_start3A_1857 = arith.constant 0 : i32
        %dma_start3A_1858 = tpu.memref_slice %arg3[%select_n3A_847, %dma_start3A_1857] : memref<26x16384xi32, #tpu.memory_space<hbm>> -> memref<1x16384xi32, #tpu.memory_space<hbm>>
        %dma_start3A_1859 = tpu.memref_squeeze %dma_start3A_1858 : memref<1x16384xi32, #tpu.memory_space<hbm>> -> memref<16384xi32, #tpu.memory_space<hbm>>
        tpu.enqueue_dma source(%dma_start3A_1859 : memref<16384xi32, #tpu.memory_space<hbm>>) target(%arg6 : memref<16384xi32, #tpu.memory_space<vmem>>) target_semaphore(%run_scoped3A : memref<!tpu.dma_semaphore, #tpu.memory_space<semaphore_mem>>)
        %dma_wait3A_1860 = arith.constant 0 : i32
        %dma_wait3A_1861 = tpu.memref_slice %arg3[%select_n3A_847, %dma_wait3A_1860] : memref<26x16384xi32, #tpu.memory_space<hbm>> -> memref<1x16384xi32, #tpu.memory_space<hbm>>
        %dma_wait3A_1862 = tpu.memref_squeeze %dma_wait3A_1861 : memref<1x16384xi32, #tpu.memory_space<hbm>> -> memref<16384xi32, #tpu.memory_space<hbm>>
        %dma_wait3A_1863 = arith.constant 0 : i32
        %dma_wait3A_1864 = tpu.memref_slice %arg3[%select_n3A_847, %dma_wait3A_1863] : memref<26x16384xi32, #tpu.memory_space<hbm>> -> memref<1x16384xi32, #tpu.memory_space<hbm>>
        %dma_wait3A_1865 = tpu.memref_squeeze %dma_wait3A_1864 : memref<1x16384xi32, #tpu.memory_space<hbm>> -> memref<16384xi32, #tpu.memory_space<hbm>>
        tpu.wait_dma2 semaphore(%run_scoped3A : memref<!tpu.dma_semaphore, #tpu.memory_space<semaphore_mem>>) src(%dma_wait3A_1865 : memref<16384xi32, #tpu.memory_space<hbm>>) dst(%arg6 : memref<16384xi32, #tpu.memory_space<vmem>>)
        tpu.yield
      }) : () -> ()
    } else {
    }
    %dma_wait3A_900 = arith.constant 0 : i32
    %dma_wait3A_901 = tpu.memref_slice %arg2[%select_n3A_847, %select_n3A_863, %dma_wait3A_900] : memref<26x16x100000xf32, #tpu.memory_space<hbm>> -> memref<1x1x100000xf32, #tpu.memory_space<hbm>>
    %dma_wait3A_902 = tpu.memref_squeeze %dma_wait3A_901 : memref<1x1x100000xf32, #tpu.memory_space<hbm>> -> memref<100000xf32, #tpu.memory_space<hbm>>
    %dma_wait3A_903 = arith.constant 0 : i32
    %dma_wait3A_904 = tpu.memref_slice %arg2[%select_n3A_847, %select_n3A_863, %dma_wait3A_903] : memref<26x16x100000xf32, #tpu.memory_space<hbm>> -> memref<1x1x100000xf32, #tpu.memory_space<hbm>>
    %dma_wait3A_905 = tpu.memref_squeeze %dma_wait3A_904 : memref<1x1x100000xf32, #tpu.memory_space<hbm>> -> memref<100000xf32, #tpu.memory_space<hbm>>
    tpu.wait_dma2 semaphore(%arg9 : memref<!tpu.dma_semaphore, #tpu.memory_space<semaphore_mem>>) src(%dma_wait3A_905 : memref<100000xf32, #tpu.memory_space<hbm>>) dst(%arg5 : memref<100000xf32, #tpu.memory_space<vmem>>)
    %dma_wait3A_906 = arith.constant 8192 : i32
    %dma_wait3A_907 = tpu.memref_slice %arg4[%add3A_677, %dma_wait3A_906] : memref<416x16384xf32, #tpu.memory_space<hbm>> -> memref<1x4096xf32, #tpu.memory_space<hbm>>
    %dma_wait3A_908 = tpu.memref_squeeze %dma_wait3A_907 : memref<1x4096xf32, #tpu.memory_space<hbm>> -> memref<4096xf32, #tpu.memory_space<hbm>>
    %dma_wait3A_909 = arith.constant 8192 : i32
    %dma_wait3A_910 = tpu.memref_slice %arg4[%add3A_677, %dma_wait3A_909] : memref<416x16384xf32, #tpu.memory_space<hbm>> -> memref<1x4096xf32, #tpu.memory_space<hbm>>
    %dma_wait3A_911 = tpu.memref_squeeze %dma_wait3A_910 : memref<1x4096xf32, #tpu.memory_space<hbm>> -> memref<4096xf32, #tpu.memory_space<hbm>>
    tpu.wait_dma2 semaphore(%arg10 : memref<!tpu.dma_semaphore, #tpu.memory_space<semaphore_mem>>) src(%arg7 : memref<4096xf32, #tpu.memory_space<vmem>>) dst(%dma_wait3A_911 : memref<4096xf32, #tpu.memory_space<hbm>>)
    %parallel_loop3A_912 = arith.constant 0 : i32
    %parallel_loop3A_913 = arith.constant 4096 : i32
    %parallel_loop3A_914 = arith.constant 16 : i32
    scf.for %parallel_loop3A_1854 = %parallel_loop3A_912 to %parallel_loop3A_913 step %parallel_loop3A_914  : i32 {
      %parallel_loop3A_1855 = arith.constant 0 : i32
      %parallel_loop3A_1856 = arith.addi %parallel_loop3A_1855, %parallel_loop3A_1854 : i32
      %parallel_loop3A_1857 = arith.index_cast %parallel_loop3A_1856 : i32 to index
      %parallel_loop3A_1858 = tpu.vector_load %arg6[%parallel_loop3A_1857] {strides = array<i32>} : memref<16384xi32, #tpu.memory_space<vmem>>, vector<16xi32>,
      %parallel_loop3A_1859 = tpu.vector_load_idx %arg5[%parallel_loop3A_1858] : memref<100000xf32, #tpu.memory_space<vmem>>[vector<16xi32>], vector<16xf32>,
      %parallel_loop3A_1860 = arith.index_cast %parallel_loop3A_1854 : i32 to index
      %parallel_loop3A_1861 = tpu.vector_load %arg7[%parallel_loop3A_1860] {strides = array<i32>} : memref<4096xf32, #tpu.memory_space<vmem>>, vector<16xf32>,
      tpu.vector_store %arg7[%parallel_loop3A_1860], %parallel_loop3A_1859 {strides = array<i32>} : memref<4096xf32, #tpu.memory_space<vmem>>, vector<16xf32>,
    } {sc.loop_unroll_factor = 8 : i64, sc.parallel_access}
    %dma_start3A_915 = arith.constant 0 : i32
    %dma_start3A_916 = tpu.memref_slice %arg4[%add3A_823, %dma_start3A_915] : memref<416x16384xf32, #tpu.memory_space<hbm>> -> memref<1x4096xf32, #tpu.memory_space<hbm>>
    %dma_start3A_917 = tpu.memref_squeeze %dma_start3A_916 : memref<1x4096xf32, #tpu.memory_space<hbm>> -> memref<4096xf32, #tpu.memory_space<hbm>>
    %dma_start3A_918 = arith.constant 0 : i32
    %dma_start3A_919 = tpu.memref_slice %arg4[%add3A_823, %dma_start3A_918] : memref<416x16384xf32, #tpu.memory_space<hbm>> -> memref<1x4096xf32, #tpu.memory_space<hbm>>
    %dma_start3A_920 = tpu.memref_squeeze %dma_start3A_919 : memref<1x4096xf32, #tpu.memory_space<hbm>> -> memref<4096xf32, #tpu.memory_space<hbm>>
    tpu.enqueue_dma source(%arg7 : memref<4096xf32, #tpu.memory_space<vmem>>) target(%dma_start3A_920 : memref<4096xf32, #tpu.memory_space<hbm>>) target_semaphore(%arg10 : memref<!tpu.dma_semaphore, #tpu.memory_space<semaphore_mem>>)
    %dma_wait3A_921 = arith.constant 12288 : i32
    %dma_wait3A_922 = tpu.memref_slice %arg4[%add3A_677, %dma_wait3A_921] : memref<416x16384xf32, #tpu.memory_space<hbm>> -> memref<1x4096xf32, #tpu.memory_space<hbm>>
    %dma_wait3A_923 = tpu.memref_squeeze %dma_wait3A_922 : memref<1x4096xf32, #tpu.memory_space<hbm>> -> memref<4096xf32, #tpu.memory_space<hbm>>
    %dma_wait3A_924 = arith.constant 12288 : i32
    %dma_wait3A_925 = tpu.memref_slice %arg4[%add3A_677, %dma_wait3A_924] : memref<416x16384xf32, #tpu.memory_space<hbm>> -> memref<1x4096xf32, #tpu.memory_space<hbm>>
    %dma_wait3A_926 = tpu.memref_squeeze %dma_wait3A_925 : memref<1x4096xf32, #tpu.memory_space<hbm>> -> memref<4096xf32, #tpu.memory_space<hbm>>
    tpu.wait_dma2 semaphore(%arg11 : memref<!tpu.dma_semaphore, #tpu.memory_space<semaphore_mem>>) src(%arg8 : memref<4096xf32, #tpu.memory_space<vmem>>) dst(%dma_wait3A_926 : memref<4096xf32, #tpu.memory_space<hbm>>)
    %parallel_loop3A_927 = arith.constant 0 : i32
    %parallel_loop3A_928 = arith.constant 4096 : i32
    %parallel_loop3A_929 = arith.constant 16 : i32
    scf.for %parallel_loop3A_1854 = %parallel_loop3A_927 to %parallel_loop3A_928 step %parallel_loop3A_929  : i32 {
      %parallel_loop3A_1855 = arith.constant 4096 : i32
      %parallel_loop3A_1856 = arith.addi %parallel_loop3A_1855, %parallel_loop3A_1854 : i32
      %parallel_loop3A_1857 = arith.index_cast %parallel_loop3A_1856 : i32 to index
      %parallel_loop3A_1858 = tpu.vector_load %arg6[%parallel_loop3A_1857] {strides = array<i32>} : memref<16384xi32, #tpu.memory_space<vmem>>, vector<16xi32>,
      %parallel_loop3A_1859 = tpu.vector_load_idx %arg5[%parallel_loop3A_1858] : memref<100000xf32, #tpu.memory_space<vmem>>[vector<16xi32>], vector<16xf32>,
      %parallel_loop3A_1860 = arith.index_cast %parallel_loop3A_1854 : i32 to index
      %parallel_loop3A_1861 = tpu.vector_load %arg8[%parallel_loop3A_1860] {strides = array<i32>} : memref<4096xf32, #tpu.memory_space<vmem>>, vector<16xf32>,
      tpu.vector_store %arg8[%parallel_loop3A_1860], %parallel_loop3A_1859 {strides = array<i32>} : memref<4096xf32, #tpu.memory_space<vmem>>, vector<16xf32>,
    } {sc.loop_unroll_factor = 8 : i64, sc.parallel_access}
    %dma_start3A_930 = arith.constant 4096 : i32
    %dma_start3A_931 = tpu.memref_slice %arg4[%add3A_823, %dma_start3A_930] : memref<416x16384xf32, #tpu.memory_space<hbm>> -> memref<1x4096xf32, #tpu.memory_space<hbm>>
    %dma_start3A_932 = tpu.memref_squeeze %dma_start3A_931 : memref<1x4096xf32, #tpu.memory_space<hbm>> -> memref<4096xf32, #tpu.memory_space<hbm>>
    %dma_start3A_933 = arith.constant 4096 : i32
    %dma_start3A_934 = tpu.memref_slice %arg4[%add3A_823, %dma_start3A_933] : memref<416x16384xf32, #tpu.memory_space<hbm>> -> memref<1x4096xf32, #tpu.memory_space<hbm>>
    %dma_start3A_935 = tpu.memref_squeeze %dma_start3A_934 : memref<1x4096xf32, #tpu.memory_space<hbm>> -> memref<4096xf32, #tpu.memory_space<hbm>>
    tpu.enqueue_dma source(%arg8 : memref<4096xf32, #tpu.memory_space<vmem>>) target(%dma_start3A_935 : memref<4096xf32, #tpu.memory_space<hbm>>) target_semaphore(%arg11 : memref<!tpu.dma_semaphore, #tpu.memory_space<semaphore_mem>>)
    %dma_wait3A_936 = arith.constant 0 : i32
    %dma_wait3A_937 = tpu.memref_slice %arg4[%add3A_823, %dma_wait3A_936] : memref<416x16384xf32, #tpu.memory_space<hbm>> -> memref<1x4096xf32, #tpu.memory_space<hbm>>
    %dma_wait3A_938 = tpu.memref_squeeze %dma_wait3A_937 : memref<1x4096xf32, #tpu.memory_space<hbm>> -> memref<4096xf32, #tpu.memory_space<hbm>>
    %dma_wait3A_939 = arith.constant 0 : i32
    %dma_wait3A_940 = tpu.memref_slice %arg4[%add3A_823, %dma_wait3A_939] : memref<416x16384xf32, #tpu.memory_space<hbm>> -> memref<1x4096xf32, #tpu.memory_space<hbm>>
    %dma_wait3A_941 = tpu.memref_squeeze %dma_wait3A_940 : memref<1x4096xf32, #tpu.memory_space<hbm>> -> memref<4096xf32, #tpu.memory_space<hbm>>
    tpu.wait_dma2 semaphore(%arg10 : memref<!tpu.dma_semaphore, #tpu.memory_space<semaphore_mem>>) src(%arg7 : memref<4096xf32, #tpu.memory_space<vmem>>) dst(%dma_wait3A_941 : memref<4096xf32, #tpu.memory_space<hbm>>)
    %parallel_loop3A_942 = arith.constant 0 : i32
    %parallel_loop3A_943 = arith.constant 4096 : i32
    %parallel_loop3A_944 = arith.constant 16 : i32
    scf.for %parallel_loop3A_1854 = %parallel_loop3A_942 to %parallel_loop3A_943 step %parallel_loop3A_944  : i32 {
      %parallel_loop3A_1855 = arith.constant 8192 : i32
      %parallel_loop3A_1856 = arith.addi %parallel_loop3A_1855, %parallel_loop3A_1854 : i32
      %parallel_loop3A_1857 = arith.index_cast %parallel_loop3A_1856 : i32 to index
      %parallel_loop3A_1858 = tpu.vector_load %arg6[%parallel_loop3A_1857] {strides = array<i32>} : memref<16384xi32, #tpu.memory_space<vmem>>, vector<16xi32>,
      %parallel_loop3A_1859 = tpu.vector_load_idx %arg5[%parallel_loop3A_1858] : memref<100000xf32, #tpu.memory_space<vmem>>[vector<16xi32>], vector<16xf32>,
      %parallel_loop3A_1860 = arith.index_cast %parallel_loop3A_1854 : i32 to index
      %parallel_loop3A_1861 = tpu.vector_load %arg7[%parallel_loop3A_1860] {strides = array<i32>} : memref<4096xf32, #tpu.memory_space<vmem>>, vector<16xf32>,
      tpu.vector_store %arg7[%parallel_loop3A_1860], %parallel_loop3A_1859 {strides = array<i32>} : memref<4096xf32, #tpu.memory_space<vmem>>, vector<16xf32>,
    } {sc.loop_unroll_factor = 8 : i64, sc.parallel_access}
    %dma_start3A_945 = arith.constant 8192 : i32
    %dma_start3A_946 = tpu.memref_slice %arg4[%add3A_823, %dma_start3A_945] : memref<416x16384xf32, #tpu.memory_space<hbm>> -> memref<1x4096xf32, #tpu.memory_space<hbm>>
    %dma_start3A_947 = tpu.memref_squeeze %dma_start3A_946 : memref<1x4096xf32, #tpu.memory_space<hbm>> -> memref<4096xf32, #tpu.memory_space<hbm>>
    %dma_start3A_948 = arith.constant 8192 : i32
    %dma_start3A_949 = tpu.memref_slice %arg4[%add3A_823, %dma_start3A_948] : memref<416x16384xf32, #tpu.memory_space<hbm>> -> memref<1x4096xf32, #tpu.memory_space<hbm>>
    %dma_start3A_950 = tpu.memref_squeeze %dma_start3A_949 : memref<1x4096xf32, #tpu.memory_space<hbm>> -> memref<4096xf32, #tpu.memory_space<hbm>>
    tpu.enqueue_dma source(%arg7 : memref<4096xf32, #tpu.memory_space<vmem>>) target(%dma_start3A_950 : memref<4096xf32, #tpu.memory_space<hbm>>) target_semaphore(%arg10 : memref<!tpu.dma_semaphore, #tpu.memory_space<semaphore_mem>>)
    %dma_wait3A_951 = arith.constant 4096 : i32
    %dma_wait3A_952 = tpu.memref_slice %arg4[%add3A_823, %dma_wait3A_951] : memref<416x16384xf32, #tpu.memory_space<hbm>> -> memref<1x4096xf32, #tpu.memory_space<hbm>>
    %dma_wait3A_953 = tpu.memref_squeeze %dma_wait3A_952 : memref<1x4096xf32, #tpu.memory_space<hbm>> -> memref<4096xf32, #tpu.memory_space<hbm>>
    %dma_wait3A_954 = arith.constant 4096 : i32
    %dma_wait3A_955 = tpu.memref_slice %arg4[%add3A_823, %dma_wait3A_954] : memref<416x16384xf32, #tpu.memory_space<hbm>> -> memref<1x4096xf32, #tpu.memory_space<hbm>>
    %dma_wait3A_956 = tpu.memref_squeeze %dma_wait3A_955 : memref<1x4096xf32, #tpu.memory_space<hbm>> -> memref<4096xf32, #tpu.memory_space<hbm>>
    tpu.wait_dma2 semaphore(%arg11 : memref<!tpu.dma_semaphore, #tpu.memory_space<semaphore_mem>>) src(%arg8 : memref<4096xf32, #tpu.memory_space<vmem>>) dst(%dma_wait3A_956 : memref<4096xf32, #tpu.memory_space<hbm>>)
    %parallel_loop3A_957 = arith.constant 0 : i32
    %parallel_loop3A_958 = arith.constant 4096 : i32
    %parallel_loop3A_959 = arith.constant 16 : i32
    scf.for %parallel_loop3A_1854 = %parallel_loop3A_957 to %parallel_loop3A_958 step %parallel_loop3A_959  : i32 {
      %parallel_loop3A_1855 = arith.constant 12288 : i32
      %parallel_loop3A_1856 = arith.addi %parallel_loop3A_1855, %parallel_loop3A_1854 : i32
      %parallel_loop3A_1857 = arith.index_cast %parallel_loop3A_1856 : i32 to index
      %parallel_loop3A_1858 = tpu.vector_load %arg6[%parallel_loop3A_1857] {strides = array<i32>} : memref<16384xi32, #tpu.memory_space<vmem>>, vector<16xi32>,
      %parallel_loop3A_1859 = tpu.vector_load_idx %arg5[%parallel_loop3A_1858] : memref<100000xf32, #tpu.memory_space<vmem>>[vector<16xi32>], vector<16xf32>,
      %parallel_loop3A_1860 = arith.index_cast %parallel_loop3A_1854 : i32 to index
      %parallel_loop3A_1861 = tpu.vector_load %arg8[%parallel_loop3A_1860] {strides = array<i32>} : memref<4096xf32, #tpu.memory_space<vmem>>, vector<16xf32>,
      tpu.vector_store %arg8[%parallel_loop3A_1860], %parallel_loop3A_1859 {strides = array<i32>} : memref<4096xf32, #tpu.memory_space<vmem>>, vector<16xf32>,
    } {sc.loop_unroll_factor = 8 : i64, sc.parallel_access}
    %dma_start3A_960 = arith.constant 12288 : i32
    %dma_start3A_961 = tpu.memref_slice %arg4[%add3A_823, %dma_start3A_960] : memref<416x16384xf32, #tpu.memory_space<hbm>> -> memref<1x4096xf32, #tpu.memory_space<hbm>>
    %dma_start3A_962 = tpu.memref_squeeze %dma_start3A_961 : memref<1x4096xf32, #tpu.memory_space<hbm>> -> memref<4096xf32, #tpu.memory_space<hbm>>
    %dma_start3A_963 = arith.constant 12288 : i32
    %dma_start3A_964 = tpu.memref_slice %arg4[%add3A_823, %dma_start3A_963] : memref<416x16384xf32, #tpu.memory_space<hbm>> -> memref<1x4096xf32, #tpu.memory_space<hbm>>
    %dma_start3A_965 = tpu.memref_squeeze %dma_start3A_964 : memref<1x4096xf32, #tpu.memory_space<hbm>> -> memref<4096xf32, #tpu.memory_space<hbm>>
    tpu.enqueue_dma source(%arg8 : memref<4096xf32, #tpu.memory_space<vmem>>) target(%dma_start3A_965 : memref<4096xf32, #tpu.memory_space<hbm>>) target_semaphore(%arg11 : memref<!tpu.dma_semaphore, #tpu.memory_space<semaphore_mem>>)
    %mul3A_966 = arith.constant 13 : i32
    %mul3A_967 = arith.muli %add3A, %mul3A_966 : i32
    %add3A_968 = arith.constant 7 : i32
    %add3A_969 = arith.addi %mul3A_967, %add3A_968 : i32
    %jit3A_970 = arith.constant 16 : i32
    %div3A_971 = arith.divsi %add3A_969, %jit3A_970 : i32
    %sign3A_972 = arith.constant 0 : i32
    %sign3A_973 = arith.cmpi sgt, %add3A_969, %sign3A_972 : i32
    %sign3A_974 = arith.extui %sign3A_973 : i1 to i32
    %sign3A_975 = arith.constant 0 : i32
    %sign3A_976 = arith.cmpi slt, %add3A_969, %sign3A_975 : i32
    %sign3A_977 = arith.extui %sign3A_976 : i1 to i32
    %sign3A_978 = arith.subi %sign3A_974, %sign3A_977 : i32
    %sign3A_979 = arith.constant 0 : i32
    %sign3A_980 = arith.cmpi sgt, %jit3A_970, %sign3A_979 : i32
    %sign3A_981 = arith.extui %sign3A_980 : i1 to i32
    %sign3A_982 = arith.constant 0 : i32
    %sign3A_983 = arith.cmpi slt, %jit3A_970, %sign3A_982 : i32
    %sign3A_984 = arith.extui %sign3A_983 : i1 to i32
    %sign3A_985 = arith.subi %sign3A_981, %sign3A_984 : i32
    %ne3A_986 = arith.cmpi ne, %sign3A_978, %sign3A_985 : i32
    %rem3A_987 = arith.remsi %add3A_969, %jit3A_970 : i32
    %ne3A_988 = arith.constant 0 : i32
    %ne3A_989 = arith.cmpi ne, %rem3A_987, %ne3A_988 : i32
    %and3A_990 = arith.andi %ne3A_986, %ne3A_989 : i1
    %sub3A_991 = arith.constant 1 : i32
    %sub3A_992 = arith.subi %div3A_971, %sub3A_991 : i32
    %select_n3A_993 = arith.select %and3A_990, %sub3A_992, %div3A_971 : i32
    %jit3A_994 = arith.constant 16 : i32
    %eq3A_995 = arith.constant 0 : i32
    %eq3A_996 = arith.cmpi eq, %jit3A_994, %eq3A_995 : i32
    %jit3A_997 = arith.constant 1 : i32
    %select_n3A_998 = arith.select %eq3A_996, %jit3A_997, %jit3A_994 : i32
    %rem3A_999 = arith.remsi %add3A_969, %select_n3A_998 : i32
    %ne3A_1000 = arith.constant 0 : i32
    %ne3A_1001 = arith.cmpi ne, %rem3A_999, %ne3A_1000 : i32
    %lt3A_1002 = arith.constant 0 : i32
    %lt3A_1003 = arith.cmpi slt, %rem3A_999, %lt3A_1002 : i32
    %lt3A_1004 = arith.constant 0 : i32
    %lt3A_1005 = arith.cmpi slt, %select_n3A_998, %lt3A_1004 : i32
    %ne3A_1006 = arith.xori %lt3A_1003, %lt3A_1005 : i1
    %and3A_1007 = arith.andi %ne3A_1006, %ne3A_1001 : i1
    %add3A_1008 = arith.addi %rem3A_999, %select_n3A_998 : i32
    %select_n3A_1009 = arith.select %and3A_1007, %add3A_1008, %rem3A_999 : i32
    %dma_start3A_1010 = arith.constant 0 : i32
    %dma_start3A_1011 = tpu.memref_slice %arg2[%select_n3A_993, %select_n3A_1009, %dma_start3A_1010] : memref<26x16x100000xf32, #tpu.memory_space<hbm>> -> memref<1x1x100000xf32, #tpu.memory_space<hbm>>
    %dma_start3A_1012 = tpu.memref_squeeze %dma_start3A_1011 : memref<1x1x100000xf32, #tpu.memory_space<hbm>> -> memref<100000xf32, #tpu.memory_space<hbm>>
    %dma_start3A_1013 = arith.constant 0 : i32
    %dma_start3A_1014 = tpu.memref_slice %arg2[%select_n3A_993, %select_n3A_1009, %dma_start3A_1013] : memref<26x16x100000xf32, #tpu.memory_space<hbm>> -> memref<1x1x100000xf32, #tpu.memory_space<hbm>>
    %dma_start3A_1015 = tpu.memref_squeeze %dma_start3A_1014 : memref<1x1x100000xf32, #tpu.memory_space<hbm>> -> memref<100000xf32, #tpu.memory_space<hbm>>
    tpu.enqueue_dma source(%dma_start3A_1015 : memref<100000xf32, #tpu.memory_space<hbm>>) target(%arg5 : memref<100000xf32, #tpu.memory_space<vmem>>) target_semaphore(%arg9 : memref<!tpu.dma_semaphore, #tpu.memory_space<semaphore_mem>>)
    %sub3A_1016 = arith.constant 1 : i32
    %sub3A_1017 = arith.subi %add3A_969, %sub3A_1016 : i32
    %jit3A_1018 = arith.constant 16 : i32
    %div3A_1019 = arith.divsi %sub3A_1017, %jit3A_1018 : i32
    %sign3A_1020 = arith.constant 0 : i32
    %sign3A_1021 = arith.cmpi sgt, %sub3A_1017, %sign3A_1020 : i32
    %sign3A_1022 = arith.extui %sign3A_1021 : i1 to i32
    %sign3A_1023 = arith.constant 0 : i32
    %sign3A_1024 = arith.cmpi slt, %sub3A_1017, %sign3A_1023 : i32
    %sign3A_1025 = arith.extui %sign3A_1024 : i1 to i32
    %sign3A_1026 = arith.subi %sign3A_1022, %sign3A_1025 : i32
    %sign3A_1027 = arith.constant 0 : i32
    %sign3A_1028 = arith.cmpi sgt, %jit3A_1018, %sign3A_1027 : i32
    %sign3A_1029 = arith.extui %sign3A_1028 : i1 to i32
    %sign3A_1030 = arith.constant 0 : i32
    %sign3A_1031 = arith.cmpi slt, %jit3A_1018, %sign3A_1030 : i32
    %sign3A_1032 = arith.extui %sign3A_1031 : i1 to i32
    %sign3A_1033 = arith.subi %sign3A_1029, %sign3A_1032 : i32
    %ne3A_1034 = arith.cmpi ne, %sign3A_1026, %sign3A_1033 : i32
    %rem3A_1035 = arith.remsi %sub3A_1017, %jit3A_1018 : i32
    %ne3A_1036 = arith.constant 0 : i32
    %ne3A_1037 = arith.cmpi ne, %rem3A_1035, %ne3A_1036 : i32
    %and3A_1038 = arith.andi %ne3A_1034, %ne3A_1037 : i1
    %sub3A_1039 = arith.constant 1 : i32
    %sub3A_1040 = arith.subi %div3A_1019, %sub3A_1039 : i32
    %select_n3A_1041 = arith.select %and3A_1038, %sub3A_1040, %div3A_1019 : i32
    %ne3A_1042 = arith.cmpi ne, %select_n3A_993, %select_n3A_1041 : i32
    %convert_element_type3A_1043 = arith.extui %ne3A_1042 : i1 to i32
    %cond3A_1044 = arith.constant 0 : i32
    %cond3A_1045 = arith.cmpi ne, %convert_element_type3A_1043, %cond3A_1044 : i32
    scf.if %cond3A_1045 {
      "tpu.region"() ({
        %run_scoped3A = tpu.sem_alloc : memref<!tpu.dma_semaphore, #tpu.memory_space<semaphore_mem>>
        %dma_start3A_1854 = arith.constant 0 : i32
        %dma_start3A_1855 = tpu.memref_slice %arg3[%select_n3A_993, %dma_start3A_1854] : memref<26x16384xi32, #tpu.memory_space<hbm>> -> memref<1x16384xi32, #tpu.memory_space<hbm>>
        %dma_start3A_1856 = tpu.memref_squeeze %dma_start3A_1855 : memref<1x16384xi32, #tpu.memory_space<hbm>> -> memref<16384xi32, #tpu.memory_space<hbm>>
        %dma_start3A_1857 = arith.constant 0 : i32
        %dma_start3A_1858 = tpu.memref_slice %arg3[%select_n3A_993, %dma_start3A_1857] : memref<26x16384xi32, #tpu.memory_space<hbm>> -> memref<1x16384xi32, #tpu.memory_space<hbm>>
        %dma_start3A_1859 = tpu.memref_squeeze %dma_start3A_1858 : memref<1x16384xi32, #tpu.memory_space<hbm>> -> memref<16384xi32, #tpu.memory_space<hbm>>
        tpu.enqueue_dma source(%dma_start3A_1859 : memref<16384xi32, #tpu.memory_space<hbm>>) target(%arg6 : memref<16384xi32, #tpu.memory_space<vmem>>) target_semaphore(%run_scoped3A : memref<!tpu.dma_semaphore, #tpu.memory_space<semaphore_mem>>)
        %dma_wait3A_1860 = arith.constant 0 : i32
        %dma_wait3A_1861 = tpu.memref_slice %arg3[%select_n3A_993, %dma_wait3A_1860] : memref<26x16384xi32, #tpu.memory_space<hbm>> -> memref<1x16384xi32, #tpu.memory_space<hbm>>
        %dma_wait3A_1862 = tpu.memref_squeeze %dma_wait3A_1861 : memref<1x16384xi32, #tpu.memory_space<hbm>> -> memref<16384xi32, #tpu.memory_space<hbm>>
        %dma_wait3A_1863 = arith.constant 0 : i32
        %dma_wait3A_1864 = tpu.memref_slice %arg3[%select_n3A_993, %dma_wait3A_1863] : memref<26x16384xi32, #tpu.memory_space<hbm>> -> memref<1x16384xi32, #tpu.memory_space<hbm>>
        %dma_wait3A_1865 = tpu.memref_squeeze %dma_wait3A_1864 : memref<1x16384xi32, #tpu.memory_space<hbm>> -> memref<16384xi32, #tpu.memory_space<hbm>>
        tpu.wait_dma2 semaphore(%run_scoped3A : memref<!tpu.dma_semaphore, #tpu.memory_space<semaphore_mem>>) src(%dma_wait3A_1865 : memref<16384xi32, #tpu.memory_space<hbm>>) dst(%arg6 : memref<16384xi32, #tpu.memory_space<vmem>>)
        tpu.yield
      }) : () -> ()
    } else {
    }
    %dma_wait3A_1046 = arith.constant 0 : i32
    %dma_wait3A_1047 = tpu.memref_slice %arg2[%select_n3A_993, %select_n3A_1009, %dma_wait3A_1046] : memref<26x16x100000xf32, #tpu.memory_space<hbm>> -> memref<1x1x100000xf32, #tpu.memory_space<hbm>>
    %dma_wait3A_1048 = tpu.memref_squeeze %dma_wait3A_1047 : memref<1x1x100000xf32, #tpu.memory_space<hbm>> -> memref<100000xf32, #tpu.memory_space<hbm>>
    %dma_wait3A_1049 = arith.constant 0 : i32
    %dma_wait3A_1050 = tpu.memref_slice %arg2[%select_n3A_993, %select_n3A_1009, %dma_wait3A_1049] : memref<26x16x100000xf32, #tpu.memory_space<hbm>> -> memref<1x1x100000xf32, #tpu.memory_space<hbm>>
    %dma_wait3A_1051 = tpu.memref_squeeze %dma_wait3A_1050 : memref<1x1x100000xf32, #tpu.memory_space<hbm>> -> memref<100000xf32, #tpu.memory_space<hbm>>
    tpu.wait_dma2 semaphore(%arg9 : memref<!tpu.dma_semaphore, #tpu.memory_space<semaphore_mem>>) src(%dma_wait3A_1051 : memref<100000xf32, #tpu.memory_space<hbm>>) dst(%arg5 : memref<100000xf32, #tpu.memory_space<vmem>>)
    %dma_wait3A_1052 = arith.constant 8192 : i32
    %dma_wait3A_1053 = tpu.memref_slice %arg4[%add3A_823, %dma_wait3A_1052] : memref<416x16384xf32, #tpu.memory_space<hbm>> -> memref<1x4096xf32, #tpu.memory_space<hbm>>
    %dma_wait3A_1054 = tpu.memref_squeeze %dma_wait3A_1053 : memref<1x4096xf32, #tpu.memory_space<hbm>> -> memref<4096xf32, #tpu.memory_space<hbm>>
    %dma_wait3A_1055 = arith.constant 8192 : i32
    %dma_wait3A_1056 = tpu.memref_slice %arg4[%add3A_823, %dma_wait3A_1055] : memref<416x16384xf32, #tpu.memory_space<hbm>> -> memref<1x4096xf32, #tpu.memory_space<hbm>>
    %dma_wait3A_1057 = tpu.memref_squeeze %dma_wait3A_1056 : memref<1x4096xf32, #tpu.memory_space<hbm>> -> memref<4096xf32, #tpu.memory_space<hbm>>
    tpu.wait_dma2 semaphore(%arg10 : memref<!tpu.dma_semaphore, #tpu.memory_space<semaphore_mem>>) src(%arg7 : memref<4096xf32, #tpu.memory_space<vmem>>) dst(%dma_wait3A_1057 : memref<4096xf32, #tpu.memory_space<hbm>>)
    %parallel_loop3A_1058 = arith.constant 0 : i32
    %parallel_loop3A_1059 = arith.constant 4096 : i32
    %parallel_loop3A_1060 = arith.constant 16 : i32
    scf.for %parallel_loop3A_1854 = %parallel_loop3A_1058 to %parallel_loop3A_1059 step %parallel_loop3A_1060  : i32 {
      %parallel_loop3A_1855 = arith.constant 0 : i32
      %parallel_loop3A_1856 = arith.addi %parallel_loop3A_1855, %parallel_loop3A_1854 : i32
      %parallel_loop3A_1857 = arith.index_cast %parallel_loop3A_1856 : i32 to index
      %parallel_loop3A_1858 = tpu.vector_load %arg6[%parallel_loop3A_1857] {strides = array<i32>} : memref<16384xi32, #tpu.memory_space<vmem>>, vector<16xi32>,
      %parallel_loop3A_1859 = tpu.vector_load_idx %arg5[%parallel_loop3A_1858] : memref<100000xf32, #tpu.memory_space<vmem>>[vector<16xi32>], vector<16xf32>,
      %parallel_loop3A_1860 = arith.index_cast %parallel_loop3A_1854 : i32 to index
      %parallel_loop3A_1861 = tpu.vector_load %arg7[%parallel_loop3A_1860] {strides = array<i32>} : memref<4096xf32, #tpu.memory_space<vmem>>, vector<16xf32>,
      tpu.vector_store %arg7[%parallel_loop3A_1860], %parallel_loop3A_1859 {strides = array<i32>} : memref<4096xf32, #tpu.memory_space<vmem>>, vector<16xf32>,
    } {sc.loop_unroll_factor = 8 : i64, sc.parallel_access}
    %dma_start3A_1061 = arith.constant 0 : i32
    %dma_start3A_1062 = tpu.memref_slice %arg4[%add3A_969, %dma_start3A_1061] : memref<416x16384xf32, #tpu.memory_space<hbm>> -> memref<1x4096xf32, #tpu.memory_space<hbm>>
    %dma_start3A_1063 = tpu.memref_squeeze %dma_start3A_1062 : memref<1x4096xf32, #tpu.memory_space<hbm>> -> memref<4096xf32, #tpu.memory_space<hbm>>
    %dma_start3A_1064 = arith.constant 0 : i32
    %dma_start3A_1065 = tpu.memref_slice %arg4[%add3A_969, %dma_start3A_1064] : memref<416x16384xf32, #tpu.memory_space<hbm>> -> memref<1x4096xf32, #tpu.memory_space<hbm>>
    %dma_start3A_1066 = tpu.memref_squeeze %dma_start3A_1065 : memref<1x4096xf32, #tpu.memory_space<hbm>> -> memref<4096xf32, #tpu.memory_space<hbm>>
    tpu.enqueue_dma source(%arg7 : memref<4096xf32, #tpu.memory_space<vmem>>) target(%dma_start3A_1066 : memref<4096xf32, #tpu.memory_space<hbm>>) target_semaphore(%arg10 : memref<!tpu.dma_semaphore, #tpu.memory_space<semaphore_mem>>)
    %dma_wait3A_1067 = arith.constant 12288 : i32
    %dma_wait3A_1068 = tpu.memref_slice %arg4[%add3A_823, %dma_wait3A_1067] : memref<416x16384xf32, #tpu.memory_space<hbm>> -> memref<1x4096xf32, #tpu.memory_space<hbm>>
    %dma_wait3A_1069 = tpu.memref_squeeze %dma_wait3A_1068 : memref<1x4096xf32, #tpu.memory_space<hbm>> -> memref<4096xf32, #tpu.memory_space<hbm>>
    %dma_wait3A_1070 = arith.constant 12288 : i32
    %dma_wait3A_1071 = tpu.memref_slice %arg4[%add3A_823, %dma_wait3A_1070] : memref<416x16384xf32, #tpu.memory_space<hbm>> -> memref<1x4096xf32, #tpu.memory_space<hbm>>
    %dma_wait3A_1072 = tpu.memref_squeeze %dma_wait3A_1071 : memref<1x4096xf32, #tpu.memory_space<hbm>> -> memref<4096xf32, #tpu.memory_space<hbm>>
    tpu.wait_dma2 semaphore(%arg11 : memref<!tpu.dma_semaphore, #tpu.memory_space<semaphore_mem>>) src(%arg8 : memref<4096xf32, #tpu.memory_space<vmem>>) dst(%dma_wait3A_1072 : memref<4096xf32, #tpu.memory_space<hbm>>)
    %parallel_loop3A_1073 = arith.constant 0 : i32
    %parallel_loop3A_1074 = arith.constant 4096 : i32
    %parallel_loop3A_1075 = arith.constant 16 : i32
    scf.for %parallel_loop3A_1854 = %parallel_loop3A_1073 to %parallel_loop3A_1074 step %parallel_loop3A_1075  : i32 {
      %parallel_loop3A_1855 = arith.constant 4096 : i32
      %parallel_loop3A_1856 = arith.addi %parallel_loop3A_1855, %parallel_loop3A_1854 : i32
      %parallel_loop3A_1857 = arith.index_cast %parallel_loop3A_1856 : i32 to index
      %parallel_loop3A_1858 = tpu.vector_load %arg6[%parallel_loop3A_1857] {strides = array<i32>} : memref<16384xi32, #tpu.memory_space<vmem>>, vector<16xi32>,
      %parallel_loop3A_1859 = tpu.vector_load_idx %arg5[%parallel_loop3A_1858] : memref<100000xf32, #tpu.memory_space<vmem>>[vector<16xi32>], vector<16xf32>,
      %parallel_loop3A_1860 = arith.index_cast %parallel_loop3A_1854 : i32 to index
      %parallel_loop3A_1861 = tpu.vector_load %arg8[%parallel_loop3A_1860] {strides = array<i32>} : memref<4096xf32, #tpu.memory_space<vmem>>, vector<16xf32>,
      tpu.vector_store %arg8[%parallel_loop3A_1860], %parallel_loop3A_1859 {strides = array<i32>} : memref<4096xf32, #tpu.memory_space<vmem>>, vector<16xf32>,
    } {sc.loop_unroll_factor = 8 : i64, sc.parallel_access}
    %dma_start3A_1076 = arith.constant 4096 : i32
    %dma_start3A_1077 = tpu.memref_slice %arg4[%add3A_969, %dma_start3A_1076] : memref<416x16384xf32, #tpu.memory_space<hbm>> -> memref<1x4096xf32, #tpu.memory_space<hbm>>
    %dma_start3A_1078 = tpu.memref_squeeze %dma_start3A_1077 : memref<1x4096xf32, #tpu.memory_space<hbm>> -> memref<4096xf32, #tpu.memory_space<hbm>>
    %dma_start3A_1079 = arith.constant 4096 : i32
    %dma_start3A_1080 = tpu.memref_slice %arg4[%add3A_969, %dma_start3A_1079] : memref<416x16384xf32, #tpu.memory_space<hbm>> -> memref<1x4096xf32, #tpu.memory_space<hbm>>
    %dma_start3A_1081 = tpu.memref_squeeze %dma_start3A_1080 : memref<1x4096xf32, #tpu.memory_space<hbm>> -> memref<4096xf32, #tpu.memory_space<hbm>>
    tpu.enqueue_dma source(%arg8 : memref<4096xf32, #tpu.memory_space<vmem>>) target(%dma_start3A_1081 : memref<4096xf32, #tpu.memory_space<hbm>>) target_semaphore(%arg11 : memref<!tpu.dma_semaphore, #tpu.memory_space<semaphore_mem>>)
    %dma_wait3A_1082 = arith.constant 0 : i32
    %dma_wait3A_1083 = tpu.memref_slice %arg4[%add3A_969, %dma_wait3A_1082] : memref<416x16384xf32, #tpu.memory_space<hbm>> -> memref<1x4096xf32, #tpu.memory_space<hbm>>
    %dma_wait3A_1084 = tpu.memref_squeeze %dma_wait3A_1083 : memref<1x4096xf32, #tpu.memory_space<hbm>> -> memref<4096xf32, #tpu.memory_space<hbm>>
    %dma_wait3A_1085 = arith.constant 0 : i32
    %dma_wait3A_1086 = tpu.memref_slice %arg4[%add3A_969, %dma_wait3A_1085] : memref<416x16384xf32, #tpu.memory_space<hbm>> -> memref<1x4096xf32, #tpu.memory_space<hbm>>
    %dma_wait3A_1087 = tpu.memref_squeeze %dma_wait3A_1086 : memref<1x4096xf32, #tpu.memory_space<hbm>> -> memref<4096xf32, #tpu.memory_space<hbm>>
    tpu.wait_dma2 semaphore(%arg10 : memref<!tpu.dma_semaphore, #tpu.memory_space<semaphore_mem>>) src(%arg7 : memref<4096xf32, #tpu.memory_space<vmem>>) dst(%dma_wait3A_1087 : memref<4096xf32, #tpu.memory_space<hbm>>)
    %parallel_loop3A_1088 = arith.constant 0 : i32
    %parallel_loop3A_1089 = arith.constant 4096 : i32
    %parallel_loop3A_1090 = arith.constant 16 : i32
    scf.for %parallel_loop3A_1854 = %parallel_loop3A_1088 to %parallel_loop3A_1089 step %parallel_loop3A_1090  : i32 {
      %parallel_loop3A_1855 = arith.constant 8192 : i32
      %parallel_loop3A_1856 = arith.addi %parallel_loop3A_1855, %parallel_loop3A_1854 : i32
      %parallel_loop3A_1857 = arith.index_cast %parallel_loop3A_1856 : i32 to index
      %parallel_loop3A_1858 = tpu.vector_load %arg6[%parallel_loop3A_1857] {strides = array<i32>} : memref<16384xi32, #tpu.memory_space<vmem>>, vector<16xi32>,
      %parallel_loop3A_1859 = tpu.vector_load_idx %arg5[%parallel_loop3A_1858] : memref<100000xf32, #tpu.memory_space<vmem>>[vector<16xi32>], vector<16xf32>,
      %parallel_loop3A_1860 = arith.index_cast %parallel_loop3A_1854 : i32 to index
      %parallel_loop3A_1861 = tpu.vector_load %arg7[%parallel_loop3A_1860] {strides = array<i32>} : memref<4096xf32, #tpu.memory_space<vmem>>, vector<16xf32>,
      tpu.vector_store %arg7[%parallel_loop3A_1860], %parallel_loop3A_1859 {strides = array<i32>} : memref<4096xf32, #tpu.memory_space<vmem>>, vector<16xf32>,
    } {sc.loop_unroll_factor = 8 : i64, sc.parallel_access}
    %dma_start3A_1091 = arith.constant 8192 : i32
    %dma_start3A_1092 = tpu.memref_slice %arg4[%add3A_969, %dma_start3A_1091] : memref<416x16384xf32, #tpu.memory_space<hbm>> -> memref<1x4096xf32, #tpu.memory_space<hbm>>
    %dma_start3A_1093 = tpu.memref_squeeze %dma_start3A_1092 : memref<1x4096xf32, #tpu.memory_space<hbm>> -> memref<4096xf32, #tpu.memory_space<hbm>>
    %dma_start3A_1094 = arith.constant 8192 : i32
    %dma_start3A_1095 = tpu.memref_slice %arg4[%add3A_969, %dma_start3A_1094] : memref<416x16384xf32, #tpu.memory_space<hbm>> -> memref<1x4096xf32, #tpu.memory_space<hbm>>
    %dma_start3A_1096 = tpu.memref_squeeze %dma_start3A_1095 : memref<1x4096xf32, #tpu.memory_space<hbm>> -> memref<4096xf32, #tpu.memory_space<hbm>>
    tpu.enqueue_dma source(%arg7 : memref<4096xf32, #tpu.memory_space<vmem>>) target(%dma_start3A_1096 : memref<4096xf32, #tpu.memory_space<hbm>>) target_semaphore(%arg10 : memref<!tpu.dma_semaphore, #tpu.memory_space<semaphore_mem>>)
    %dma_wait3A_1097 = arith.constant 4096 : i32
    %dma_wait3A_1098 = tpu.memref_slice %arg4[%add3A_969, %dma_wait3A_1097] : memref<416x16384xf32, #tpu.memory_space<hbm>> -> memref<1x4096xf32, #tpu.memory_space<hbm>>
    %dma_wait3A_1099 = tpu.memref_squeeze %dma_wait3A_1098 : memref<1x4096xf32, #tpu.memory_space<hbm>> -> memref<4096xf32, #tpu.memory_space<hbm>>
    %dma_wait3A_1100 = arith.constant 4096 : i32
    %dma_wait3A_1101 = tpu.memref_slice %arg4[%add3A_969, %dma_wait3A_1100] : memref<416x16384xf32, #tpu.memory_space<hbm>> -> memref<1x4096xf32, #tpu.memory_space<hbm>>
    %dma_wait3A_1102 = tpu.memref_squeeze %dma_wait3A_1101 : memref<1x4096xf32, #tpu.memory_space<hbm>> -> memref<4096xf32, #tpu.memory_space<hbm>>
    tpu.wait_dma2 semaphore(%arg11 : memref<!tpu.dma_semaphore, #tpu.memory_space<semaphore_mem>>) src(%arg8 : memref<4096xf32, #tpu.memory_space<vmem>>) dst(%dma_wait3A_1102 : memref<4096xf32, #tpu.memory_space<hbm>>)
    %parallel_loop3A_1103 = arith.constant 0 : i32
    %parallel_loop3A_1104 = arith.constant 4096 : i32
    %parallel_loop3A_1105 = arith.constant 16 : i32
    scf.for %parallel_loop3A_1854 = %parallel_loop3A_1103 to %parallel_loop3A_1104 step %parallel_loop3A_1105  : i32 {
      %parallel_loop3A_1855 = arith.constant 12288 : i32
      %parallel_loop3A_1856 = arith.addi %parallel_loop3A_1855, %parallel_loop3A_1854 : i32
      %parallel_loop3A_1857 = arith.index_cast %parallel_loop3A_1856 : i32 to index
      %parallel_loop3A_1858 = tpu.vector_load %arg6[%parallel_loop3A_1857] {strides = array<i32>} : memref<16384xi32, #tpu.memory_space<vmem>>, vector<16xi32>,
      %parallel_loop3A_1859 = tpu.vector_load_idx %arg5[%parallel_loop3A_1858] : memref<100000xf32, #tpu.memory_space<vmem>>[vector<16xi32>], vector<16xf32>,
      %parallel_loop3A_1860 = arith.index_cast %parallel_loop3A_1854 : i32 to index
      %parallel_loop3A_1861 = tpu.vector_load %arg8[%parallel_loop3A_1860] {strides = array<i32>} : memref<4096xf32, #tpu.memory_space<vmem>>, vector<16xf32>,
      tpu.vector_store %arg8[%parallel_loop3A_1860], %parallel_loop3A_1859 {strides = array<i32>} : memref<4096xf32, #tpu.memory_space<vmem>>, vector<16xf32>,
    } {sc.loop_unroll_factor = 8 : i64, sc.parallel_access}
    %dma_start3A_1106 = arith.constant 12288 : i32
    %dma_start3A_1107 = tpu.memref_slice %arg4[%add3A_969, %dma_start3A_1106] : memref<416x16384xf32, #tpu.memory_space<hbm>> -> memref<1x4096xf32, #tpu.memory_space<hbm>>
    %dma_start3A_1108 = tpu.memref_squeeze %dma_start3A_1107 : memref<1x4096xf32, #tpu.memory_space<hbm>> -> memref<4096xf32, #tpu.memory_space<hbm>>
    %dma_start3A_1109 = arith.constant 12288 : i32
    %dma_start3A_1110 = tpu.memref_slice %arg4[%add3A_969, %dma_start3A_1109] : memref<416x16384xf32, #tpu.memory_space<hbm>> -> memref<1x4096xf32, #tpu.memory_space<hbm>>
    %dma_start3A_1111 = tpu.memref_squeeze %dma_start3A_1110 : memref<1x4096xf32, #tpu.memory_space<hbm>> -> memref<4096xf32, #tpu.memory_space<hbm>>
    tpu.enqueue_dma source(%arg8 : memref<4096xf32, #tpu.memory_space<vmem>>) target(%dma_start3A_1111 : memref<4096xf32, #tpu.memory_space<hbm>>) target_semaphore(%arg11 : memref<!tpu.dma_semaphore, #tpu.memory_space<semaphore_mem>>)
    %mul3A_1112 = arith.constant 13 : i32
    %mul3A_1113 = arith.muli %add3A, %mul3A_1112 : i32
    %add3A_1114 = arith.constant 8 : i32
    %add3A_1115 = arith.addi %mul3A_1113, %add3A_1114 : i32
    %jit3A_1116 = arith.constant 16 : i32
    %div3A_1117 = arith.divsi %add3A_1115, %jit3A_1116 : i32
    %sign3A_1118 = arith.constant 0 : i32
    %sign3A_1119 = arith.cmpi sgt, %add3A_1115, %sign3A_1118 : i32
    %sign3A_1120 = arith.extui %sign3A_1119 : i1 to i32
    %sign3A_1121 = arith.constant 0 : i32
    %sign3A_1122 = arith.cmpi slt, %add3A_1115, %sign3A_1121 : i32
    %sign3A_1123 = arith.extui %sign3A_1122 : i1 to i32
    %sign3A_1124 = arith.subi %sign3A_1120, %sign3A_1123 : i32
    %sign3A_1125 = arith.constant 0 : i32
    %sign3A_1126 = arith.cmpi sgt, %jit3A_1116, %sign3A_1125 : i32
    %sign3A_1127 = arith.extui %sign3A_1126 : i1 to i32
    %sign3A_1128 = arith.constant 0 : i32
    %sign3A_1129 = arith.cmpi slt, %jit3A_1116, %sign3A_1128 : i32
    %sign3A_1130 = arith.extui %sign3A_1129 : i1 to i32
    %sign3A_1131 = arith.subi %sign3A_1127, %sign3A_1130 : i32
    %ne3A_1132 = arith.cmpi ne, %sign3A_1124, %sign3A_1131 : i32
    %rem3A_1133 = arith.remsi %add3A_1115, %jit3A_1116 : i32
    %ne3A_1134 = arith.constant 0 : i32
    %ne3A_1135 = arith.cmpi ne, %rem3A_1133, %ne3A_1134 : i32
    %and3A_1136 = arith.andi %ne3A_1132, %ne3A_1135 : i1
    %sub3A_1137 = arith.constant 1 : i32
    %sub3A_1138 = arith.subi %div3A_1117, %sub3A_1137 : i32
    %select_n3A_1139 = arith.select %and3A_1136, %sub3A_1138, %div3A_1117 : i32
    %jit3A_1140 = arith.constant 16 : i32
    %eq3A_1141 = arith.constant 0 : i32
    %eq3A_1142 = arith.cmpi eq, %jit3A_1140, %eq3A_1141 : i32
    %jit3A_1143 = arith.constant 1 : i32
    %select_n3A_1144 = arith.select %eq3A_1142, %jit3A_1143, %jit3A_1140 : i32
    %rem3A_1145 = arith.remsi %add3A_1115, %select_n3A_1144 : i32
    %ne3A_1146 = arith.constant 0 : i32
    %ne3A_1147 = arith.cmpi ne, %rem3A_1145, %ne3A_1146 : i32
    %lt3A_1148 = arith.constant 0 : i32
    %lt3A_1149 = arith.cmpi slt, %rem3A_1145, %lt3A_1148 : i32
    %lt3A_1150 = arith.constant 0 : i32
    %lt3A_1151 = arith.cmpi slt, %select_n3A_1144, %lt3A_1150 : i32
    %ne3A_1152 = arith.xori %lt3A_1149, %lt3A_1151 : i1
    %and3A_1153 = arith.andi %ne3A_1152, %ne3A_1147 : i1
    %add3A_1154 = arith.addi %rem3A_1145, %select_n3A_1144 : i32
    %select_n3A_1155 = arith.select %and3A_1153, %add3A_1154, %rem3A_1145 : i32
    %dma_start3A_1156 = arith.constant 0 : i32
    %dma_start3A_1157 = tpu.memref_slice %arg2[%select_n3A_1139, %select_n3A_1155, %dma_start3A_1156] : memref<26x16x100000xf32, #tpu.memory_space<hbm>> -> memref<1x1x100000xf32, #tpu.memory_space<hbm>>
    %dma_start3A_1158 = tpu.memref_squeeze %dma_start3A_1157 : memref<1x1x100000xf32, #tpu.memory_space<hbm>> -> memref<100000xf32, #tpu.memory_space<hbm>>
    %dma_start3A_1159 = arith.constant 0 : i32
    %dma_start3A_1160 = tpu.memref_slice %arg2[%select_n3A_1139, %select_n3A_1155, %dma_start3A_1159] : memref<26x16x100000xf32, #tpu.memory_space<hbm>> -> memref<1x1x100000xf32, #tpu.memory_space<hbm>>
    %dma_start3A_1161 = tpu.memref_squeeze %dma_start3A_1160 : memref<1x1x100000xf32, #tpu.memory_space<hbm>> -> memref<100000xf32, #tpu.memory_space<hbm>>
    tpu.enqueue_dma source(%dma_start3A_1161 : memref<100000xf32, #tpu.memory_space<hbm>>) target(%arg5 : memref<100000xf32, #tpu.memory_space<vmem>>) target_semaphore(%arg9 : memref<!tpu.dma_semaphore, #tpu.memory_space<semaphore_mem>>)
    %sub3A_1162 = arith.constant 1 : i32
    %sub3A_1163 = arith.subi %add3A_1115, %sub3A_1162 : i32
    %jit3A_1164 = arith.constant 16 : i32
    %div3A_1165 = arith.divsi %sub3A_1163, %jit3A_1164 : i32
    %sign3A_1166 = arith.constant 0 : i32
    %sign3A_1167 = arith.cmpi sgt, %sub3A_1163, %sign3A_1166 : i32
    %sign3A_1168 = arith.extui %sign3A_1167 : i1 to i32
    %sign3A_1169 = arith.constant 0 : i32
    %sign3A_1170 = arith.cmpi slt, %sub3A_1163, %sign3A_1169 : i32
    %sign3A_1171 = arith.extui %sign3A_1170 : i1 to i32
    %sign3A_1172 = arith.subi %sign3A_1168, %sign3A_1171 : i32
    %sign3A_1173 = arith.constant 0 : i32
    %sign3A_1174 = arith.cmpi sgt, %jit3A_1164, %sign3A_1173 : i32
    %sign3A_1175 = arith.extui %sign3A_1174 : i1 to i32
    %sign3A_1176 = arith.constant 0 : i32
    %sign3A_1177 = arith.cmpi slt, %jit3A_1164, %sign3A_1176 : i32
    %sign3A_1178 = arith.extui %sign3A_1177 : i1 to i32
    %sign3A_1179 = arith.subi %sign3A_1175, %sign3A_1178 : i32
    %ne3A_1180 = arith.cmpi ne, %sign3A_1172, %sign3A_1179 : i32
    %rem3A_1181 = arith.remsi %sub3A_1163, %jit3A_1164 : i32
    %ne3A_1182 = arith.constant 0 : i32
    %ne3A_1183 = arith.cmpi ne, %rem3A_1181, %ne3A_1182 : i32
    %and3A_1184 = arith.andi %ne3A_1180, %ne3A_1183 : i1
    %sub3A_1185 = arith.constant 1 : i32
    %sub3A_1186 = arith.subi %div3A_1165, %sub3A_1185 : i32
    %select_n3A_1187 = arith.select %and3A_1184, %sub3A_1186, %div3A_1165 : i32
    %ne3A_1188 = arith.cmpi ne, %select_n3A_1139, %select_n3A_1187 : i32
    %convert_element_type3A_1189 = arith.extui %ne3A_1188 : i1 to i32
    %cond3A_1190 = arith.constant 0 : i32
    %cond3A_1191 = arith.cmpi ne, %convert_element_type3A_1189, %cond3A_1190 : i32
    scf.if %cond3A_1191 {
      "tpu.region"() ({
        %run_scoped3A = tpu.sem_alloc : memref<!tpu.dma_semaphore, #tpu.memory_space<semaphore_mem>>
        %dma_start3A_1854 = arith.constant 0 : i32
        %dma_start3A_1855 = tpu.memref_slice %arg3[%select_n3A_1139, %dma_start3A_1854] : memref<26x16384xi32, #tpu.memory_space<hbm>> -> memref<1x16384xi32, #tpu.memory_space<hbm>>
        %dma_start3A_1856 = tpu.memref_squeeze %dma_start3A_1855 : memref<1x16384xi32, #tpu.memory_space<hbm>> -> memref<16384xi32, #tpu.memory_space<hbm>>
        %dma_start3A_1857 = arith.constant 0 : i32
        %dma_start3A_1858 = tpu.memref_slice %arg3[%select_n3A_1139, %dma_start3A_1857] : memref<26x16384xi32, #tpu.memory_space<hbm>> -> memref<1x16384xi32, #tpu.memory_space<hbm>>
        %dma_start3A_1859 = tpu.memref_squeeze %dma_start3A_1858 : memref<1x16384xi32, #tpu.memory_space<hbm>> -> memref<16384xi32, #tpu.memory_space<hbm>>
        tpu.enqueue_dma source(%dma_start3A_1859 : memref<16384xi32, #tpu.memory_space<hbm>>) target(%arg6 : memref<16384xi32, #tpu.memory_space<vmem>>) target_semaphore(%run_scoped3A : memref<!tpu.dma_semaphore, #tpu.memory_space<semaphore_mem>>)
        %dma_wait3A_1860 = arith.constant 0 : i32
        %dma_wait3A_1861 = tpu.memref_slice %arg3[%select_n3A_1139, %dma_wait3A_1860] : memref<26x16384xi32, #tpu.memory_space<hbm>> -> memref<1x16384xi32, #tpu.memory_space<hbm>>
        %dma_wait3A_1862 = tpu.memref_squeeze %dma_wait3A_1861 : memref<1x16384xi32, #tpu.memory_space<hbm>> -> memref<16384xi32, #tpu.memory_space<hbm>>
        %dma_wait3A_1863 = arith.constant 0 : i32
        %dma_wait3A_1864 = tpu.memref_slice %arg3[%select_n3A_1139, %dma_wait3A_1863] : memref<26x16384xi32, #tpu.memory_space<hbm>> -> memref<1x16384xi32, #tpu.memory_space<hbm>>
        %dma_wait3A_1865 = tpu.memref_squeeze %dma_wait3A_1864 : memref<1x16384xi32, #tpu.memory_space<hbm>> -> memref<16384xi32, #tpu.memory_space<hbm>>
        tpu.wait_dma2 semaphore(%run_scoped3A : memref<!tpu.dma_semaphore, #tpu.memory_space<semaphore_mem>>) src(%dma_wait3A_1865 : memref<16384xi32, #tpu.memory_space<hbm>>) dst(%arg6 : memref<16384xi32, #tpu.memory_space<vmem>>)
        tpu.yield
      }) : () -> ()
    } else {
    }
    %dma_wait3A_1192 = arith.constant 0 : i32
    %dma_wait3A_1193 = tpu.memref_slice %arg2[%select_n3A_1139, %select_n3A_1155, %dma_wait3A_1192] : memref<26x16x100000xf32, #tpu.memory_space<hbm>> -> memref<1x1x100000xf32, #tpu.memory_space<hbm>>
    %dma_wait3A_1194 = tpu.memref_squeeze %dma_wait3A_1193 : memref<1x1x100000xf32, #tpu.memory_space<hbm>> -> memref<100000xf32, #tpu.memory_space<hbm>>
    %dma_wait3A_1195 = arith.constant 0 : i32
    %dma_wait3A_1196 = tpu.memref_slice %arg2[%select_n3A_1139, %select_n3A_1155, %dma_wait3A_1195] : memref<26x16x100000xf32, #tpu.memory_space<hbm>> -> memref<1x1x100000xf32, #tpu.memory_space<hbm>>
    %dma_wait3A_1197 = tpu.memref_squeeze %dma_wait3A_1196 : memref<1x1x100000xf32, #tpu.memory_space<hbm>> -> memref<100000xf32, #tpu.memory_space<hbm>>
    tpu.wait_dma2 semaphore(%arg9 : memref<!tpu.dma_semaphore, #tpu.memory_space<semaphore_mem>>) src(%dma_wait3A_1197 : memref<100000xf32, #tpu.memory_space<hbm>>) dst(%arg5 : memref<100000xf32, #tpu.memory_space<vmem>>)
    %dma_wait3A_1198 = arith.constant 8192 : i32
    %dma_wait3A_1199 = tpu.memref_slice %arg4[%add3A_969, %dma_wait3A_1198] : memref<416x16384xf32, #tpu.memory_space<hbm>> -> memref<1x4096xf32, #tpu.memory_space<hbm>>
    %dma_wait3A_1200 = tpu.memref_squeeze %dma_wait3A_1199 : memref<1x4096xf32, #tpu.memory_space<hbm>> -> memref<4096xf32, #tpu.memory_space<hbm>>
    %dma_wait3A_1201 = arith.constant 8192 : i32
    %dma_wait3A_1202 = tpu.memref_slice %arg4[%add3A_969, %dma_wait3A_1201] : memref<416x16384xf32, #tpu.memory_space<hbm>> -> memref<1x4096xf32, #tpu.memory_space<hbm>>
    %dma_wait3A_1203 = tpu.memref_squeeze %dma_wait3A_1202 : memref<1x4096xf32, #tpu.memory_space<hbm>> -> memref<4096xf32, #tpu.memory_space<hbm>>
    tpu.wait_dma2 semaphore(%arg10 : memref<!tpu.dma_semaphore, #tpu.memory_space<semaphore_mem>>) src(%arg7 : memref<4096xf32, #tpu.memory_space<vmem>>) dst(%dma_wait3A_1203 : memref<4096xf32, #tpu.memory_space<hbm>>)
    %parallel_loop3A_1204 = arith.constant 0 : i32
    %parallel_loop3A_1205 = arith.constant 4096 : i32
    %parallel_loop3A_1206 = arith.constant 16 : i32
    scf.for %parallel_loop3A_1854 = %parallel_loop3A_1204 to %parallel_loop3A_1205 step %parallel_loop3A_1206  : i32 {
      %parallel_loop3A_1855 = arith.constant 0 : i32
      %parallel_loop3A_1856 = arith.addi %parallel_loop3A_1855, %parallel_loop3A_1854 : i32
      %parallel_loop3A_1857 = arith.index_cast %parallel_loop3A_1856 : i32 to index
      %parallel_loop3A_1858 = tpu.vector_load %arg6[%parallel_loop3A_1857] {strides = array<i32>} : memref<16384xi32, #tpu.memory_space<vmem>>, vector<16xi32>,
      %parallel_loop3A_1859 = tpu.vector_load_idx %arg5[%parallel_loop3A_1858] : memref<100000xf32, #tpu.memory_space<vmem>>[vector<16xi32>], vector<16xf32>,
      %parallel_loop3A_1860 = arith.index_cast %parallel_loop3A_1854 : i32 to index
      %parallel_loop3A_1861 = tpu.vector_load %arg7[%parallel_loop3A_1860] {strides = array<i32>} : memref<4096xf32, #tpu.memory_space<vmem>>, vector<16xf32>,
      tpu.vector_store %arg7[%parallel_loop3A_1860], %parallel_loop3A_1859 {strides = array<i32>} : memref<4096xf32, #tpu.memory_space<vmem>>, vector<16xf32>,
    } {sc.loop_unroll_factor = 8 : i64, sc.parallel_access}
    %dma_start3A_1207 = arith.constant 0 : i32
    %dma_start3A_1208 = tpu.memref_slice %arg4[%add3A_1115, %dma_start3A_1207] : memref<416x16384xf32, #tpu.memory_space<hbm>> -> memref<1x4096xf32, #tpu.memory_space<hbm>>
    %dma_start3A_1209 = tpu.memref_squeeze %dma_start3A_1208 : memref<1x4096xf32, #tpu.memory_space<hbm>> -> memref<4096xf32, #tpu.memory_space<hbm>>
    %dma_start3A_1210 = arith.constant 0 : i32
    %dma_start3A_1211 = tpu.memref_slice %arg4[%add3A_1115, %dma_start3A_1210] : memref<416x16384xf32, #tpu.memory_space<hbm>> -> memref<1x4096xf32, #tpu.memory_space<hbm>>
    %dma_start3A_1212 = tpu.memref_squeeze %dma_start3A_1211 : memref<1x4096xf32, #tpu.memory_space<hbm>> -> memref<4096xf32, #tpu.memory_space<hbm>>
    tpu.enqueue_dma source(%arg7 : memref<4096xf32, #tpu.memory_space<vmem>>) target(%dma_start3A_1212 : memref<4096xf32, #tpu.memory_space<hbm>>) target_semaphore(%arg10 : memref<!tpu.dma_semaphore, #tpu.memory_space<semaphore_mem>>)
    %dma_wait3A_1213 = arith.constant 12288 : i32
    %dma_wait3A_1214 = tpu.memref_slice %arg4[%add3A_969, %dma_wait3A_1213] : memref<416x16384xf32, #tpu.memory_space<hbm>> -> memref<1x4096xf32, #tpu.memory_space<hbm>>
    %dma_wait3A_1215 = tpu.memref_squeeze %dma_wait3A_1214 : memref<1x4096xf32, #tpu.memory_space<hbm>> -> memref<4096xf32, #tpu.memory_space<hbm>>
    %dma_wait3A_1216 = arith.constant 12288 : i32
    %dma_wait3A_1217 = tpu.memref_slice %arg4[%add3A_969, %dma_wait3A_1216] : memref<416x16384xf32, #tpu.memory_space<hbm>> -> memref<1x4096xf32, #tpu.memory_space<hbm>>
    %dma_wait3A_1218 = tpu.memref_squeeze %dma_wait3A_1217 : memref<1x4096xf32, #tpu.memory_space<hbm>> -> memref<4096xf32, #tpu.memory_space<hbm>>
    tpu.wait_dma2 semaphore(%arg11 : memref<!tpu.dma_semaphore, #tpu.memory_space<semaphore_mem>>) src(%arg8 : memref<4096xf32, #tpu.memory_space<vmem>>) dst(%dma_wait3A_1218 : memref<4096xf32, #tpu.memory_space<hbm>>)
    %parallel_loop3A_1219 = arith.constant 0 : i32
    %parallel_loop3A_1220 = arith.constant 4096 : i32
    %parallel_loop3A_1221 = arith.constant 16 : i32
    scf.for %parallel_loop3A_1854 = %parallel_loop3A_1219 to %parallel_loop3A_1220 step %parallel_loop3A_1221  : i32 {
      %parallel_loop3A_1855 = arith.constant 4096 : i32
      %parallel_loop3A_1856 = arith.addi %parallel_loop3A_1855, %parallel_loop3A_1854 : i32
      %parallel_loop3A_1857 = arith.index_cast %parallel_loop3A_1856 : i32 to index
      %parallel_loop3A_1858 = tpu.vector_load %arg6[%parallel_loop3A_1857] {strides = array<i32>} : memref<16384xi32, #tpu.memory_space<vmem>>, vector<16xi32>,
      %parallel_loop3A_1859 = tpu.vector_load_idx %arg5[%parallel_loop3A_1858] : memref<100000xf32, #tpu.memory_space<vmem>>[vector<16xi32>], vector<16xf32>,
      %parallel_loop3A_1860 = arith.index_cast %parallel_loop3A_1854 : i32 to index
      %parallel_loop3A_1861 = tpu.vector_load %arg8[%parallel_loop3A_1860] {strides = array<i32>} : memref<4096xf32, #tpu.memory_space<vmem>>, vector<16xf32>,
      tpu.vector_store %arg8[%parallel_loop3A_1860], %parallel_loop3A_1859 {strides = array<i32>} : memref<4096xf32, #tpu.memory_space<vmem>>, vector<16xf32>,
    } {sc.loop_unroll_factor = 8 : i64, sc.parallel_access}
    %dma_start3A_1222 = arith.constant 4096 : i32
    %dma_start3A_1223 = tpu.memref_slice %arg4[%add3A_1115, %dma_start3A_1222] : memref<416x16384xf32, #tpu.memory_space<hbm>> -> memref<1x4096xf32, #tpu.memory_space<hbm>>
    %dma_start3A_1224 = tpu.memref_squeeze %dma_start3A_1223 : memref<1x4096xf32, #tpu.memory_space<hbm>> -> memref<4096xf32, #tpu.memory_space<hbm>>
    %dma_start3A_1225 = arith.constant 4096 : i32
    %dma_start3A_1226 = tpu.memref_slice %arg4[%add3A_1115, %dma_start3A_1225] : memref<416x16384xf32, #tpu.memory_space<hbm>> -> memref<1x4096xf32, #tpu.memory_space<hbm>>
    %dma_start3A_1227 = tpu.memref_squeeze %dma_start3A_1226 : memref<1x4096xf32, #tpu.memory_space<hbm>> -> memref<4096xf32, #tpu.memory_space<hbm>>
    tpu.enqueue_dma source(%arg8 : memref<4096xf32, #tpu.memory_space<vmem>>) target(%dma_start3A_1227 : memref<4096xf32, #tpu.memory_space<hbm>>) target_semaphore(%arg11 : memref<!tpu.dma_semaphore, #tpu.memory_space<semaphore_mem>>)
    %dma_wait3A_1228 = arith.constant 0 : i32
    %dma_wait3A_1229 = tpu.memref_slice %arg4[%add3A_1115, %dma_wait3A_1228] : memref<416x16384xf32, #tpu.memory_space<hbm>> -> memref<1x4096xf32, #tpu.memory_space<hbm>>
    %dma_wait3A_1230 = tpu.memref_squeeze %dma_wait3A_1229 : memref<1x4096xf32, #tpu.memory_space<hbm>> -> memref<4096xf32, #tpu.memory_space<hbm>>
    %dma_wait3A_1231 = arith.constant 0 : i32
    %dma_wait3A_1232 = tpu.memref_slice %arg4[%add3A_1115, %dma_wait3A_1231] : memref<416x16384xf32, #tpu.memory_space<hbm>> -> memref<1x4096xf32, #tpu.memory_space<hbm>>
    %dma_wait3A_1233 = tpu.memref_squeeze %dma_wait3A_1232 : memref<1x4096xf32, #tpu.memory_space<hbm>> -> memref<4096xf32, #tpu.memory_space<hbm>>
    tpu.wait_dma2 semaphore(%arg10 : memref<!tpu.dma_semaphore, #tpu.memory_space<semaphore_mem>>) src(%arg7 : memref<4096xf32, #tpu.memory_space<vmem>>) dst(%dma_wait3A_1233 : memref<4096xf32, #tpu.memory_space<hbm>>)
    %parallel_loop3A_1234 = arith.constant 0 : i32
    %parallel_loop3A_1235 = arith.constant 4096 : i32
    %parallel_loop3A_1236 = arith.constant 16 : i32
    scf.for %parallel_loop3A_1854 = %parallel_loop3A_1234 to %parallel_loop3A_1235 step %parallel_loop3A_1236  : i32 {
      %parallel_loop3A_1855 = arith.constant 8192 : i32
      %parallel_loop3A_1856 = arith.addi %parallel_loop3A_1855, %parallel_loop3A_1854 : i32
      %parallel_loop3A_1857 = arith.index_cast %parallel_loop3A_1856 : i32 to index
      %parallel_loop3A_1858 = tpu.vector_load %arg6[%parallel_loop3A_1857] {strides = array<i32>} : memref<16384xi32, #tpu.memory_space<vmem>>, vector<16xi32>,
      %parallel_loop3A_1859 = tpu.vector_load_idx %arg5[%parallel_loop3A_1858] : memref<100000xf32, #tpu.memory_space<vmem>>[vector<16xi32>], vector<16xf32>,
      %parallel_loop3A_1860 = arith.index_cast %parallel_loop3A_1854 : i32 to index
      %parallel_loop3A_1861 = tpu.vector_load %arg7[%parallel_loop3A_1860] {strides = array<i32>} : memref<4096xf32, #tpu.memory_space<vmem>>, vector<16xf32>,
      tpu.vector_store %arg7[%parallel_loop3A_1860], %parallel_loop3A_1859 {strides = array<i32>} : memref<4096xf32, #tpu.memory_space<vmem>>, vector<16xf32>,
    } {sc.loop_unroll_factor = 8 : i64, sc.parallel_access}
    %dma_start3A_1237 = arith.constant 8192 : i32
    %dma_start3A_1238 = tpu.memref_slice %arg4[%add3A_1115, %dma_start3A_1237] : memref<416x16384xf32, #tpu.memory_space<hbm>> -> memref<1x4096xf32, #tpu.memory_space<hbm>>
    %dma_start3A_1239 = tpu.memref_squeeze %dma_start3A_1238 : memref<1x4096xf32, #tpu.memory_space<hbm>> -> memref<4096xf32, #tpu.memory_space<hbm>>
    %dma_start3A_1240 = arith.constant 8192 : i32
    %dma_start3A_1241 = tpu.memref_slice %arg4[%add3A_1115, %dma_start3A_1240] : memref<416x16384xf32, #tpu.memory_space<hbm>> -> memref<1x4096xf32, #tpu.memory_space<hbm>>
    %dma_start3A_1242 = tpu.memref_squeeze %dma_start3A_1241 : memref<1x4096xf32, #tpu.memory_space<hbm>> -> memref<4096xf32, #tpu.memory_space<hbm>>
    tpu.enqueue_dma source(%arg7 : memref<4096xf32, #tpu.memory_space<vmem>>) target(%dma_start3A_1242 : memref<4096xf32, #tpu.memory_space<hbm>>) target_semaphore(%arg10 : memref<!tpu.dma_semaphore, #tpu.memory_space<semaphore_mem>>)
    %dma_wait3A_1243 = arith.constant 4096 : i32
    %dma_wait3A_1244 = tpu.memref_slice %arg4[%add3A_1115, %dma_wait3A_1243] : memref<416x16384xf32, #tpu.memory_space<hbm>> -> memref<1x4096xf32, #tpu.memory_space<hbm>>
    %dma_wait3A_1245 = tpu.memref_squeeze %dma_wait3A_1244 : memref<1x4096xf32, #tpu.memory_space<hbm>> -> memref<4096xf32, #tpu.memory_space<hbm>>
    %dma_wait3A_1246 = arith.constant 4096 : i32
    %dma_wait3A_1247 = tpu.memref_slice %arg4[%add3A_1115, %dma_wait3A_1246] : memref<416x16384xf32, #tpu.memory_space<hbm>> -> memref<1x4096xf32, #tpu.memory_space<hbm>>
    %dma_wait3A_1248 = tpu.memref_squeeze %dma_wait3A_1247 : memref<1x4096xf32, #tpu.memory_space<hbm>> -> memref<4096xf32, #tpu.memory_space<hbm>>
    tpu.wait_dma2 semaphore(%arg11 : memref<!tpu.dma_semaphore, #tpu.memory_space<semaphore_mem>>) src(%arg8 : memref<4096xf32, #tpu.memory_space<vmem>>) dst(%dma_wait3A_1248 : memref<4096xf32, #tpu.memory_space<hbm>>)
    %parallel_loop3A_1249 = arith.constant 0 : i32
    %parallel_loop3A_1250 = arith.constant 4096 : i32
    %parallel_loop3A_1251 = arith.constant 16 : i32
    scf.for %parallel_loop3A_1854 = %parallel_loop3A_1249 to %parallel_loop3A_1250 step %parallel_loop3A_1251  : i32 {
      %parallel_loop3A_1855 = arith.constant 12288 : i32
      %parallel_loop3A_1856 = arith.addi %parallel_loop3A_1855, %parallel_loop3A_1854 : i32
      %parallel_loop3A_1857 = arith.index_cast %parallel_loop3A_1856 : i32 to index
      %parallel_loop3A_1858 = tpu.vector_load %arg6[%parallel_loop3A_1857] {strides = array<i32>} : memref<16384xi32, #tpu.memory_space<vmem>>, vector<16xi32>,
      %parallel_loop3A_1859 = tpu.vector_load_idx %arg5[%parallel_loop3A_1858] : memref<100000xf32, #tpu.memory_space<vmem>>[vector<16xi32>], vector<16xf32>,
      %parallel_loop3A_1860 = arith.index_cast %parallel_loop3A_1854 : i32 to index
      %parallel_loop3A_1861 = tpu.vector_load %arg8[%parallel_loop3A_1860] {strides = array<i32>} : memref<4096xf32, #tpu.memory_space<vmem>>, vector<16xf32>,
      tpu.vector_store %arg8[%parallel_loop3A_1860], %parallel_loop3A_1859 {strides = array<i32>} : memref<4096xf32, #tpu.memory_space<vmem>>, vector<16xf32>,
    } {sc.loop_unroll_factor = 8 : i64, sc.parallel_access}
    %dma_start3A_1252 = arith.constant 12288 : i32
    %dma_start3A_1253 = tpu.memref_slice %arg4[%add3A_1115, %dma_start3A_1252] : memref<416x16384xf32, #tpu.memory_space<hbm>> -> memref<1x4096xf32, #tpu.memory_space<hbm>>
    %dma_start3A_1254 = tpu.memref_squeeze %dma_start3A_1253 : memref<1x4096xf32, #tpu.memory_space<hbm>> -> memref<4096xf32, #tpu.memory_space<hbm>>
    %dma_start3A_1255 = arith.constant 12288 : i32
    %dma_start3A_1256 = tpu.memref_slice %arg4[%add3A_1115, %dma_start3A_1255] : memref<416x16384xf32, #tpu.memory_space<hbm>> -> memref<1x4096xf32, #tpu.memory_space<hbm>>
    %dma_start3A_1257 = tpu.memref_squeeze %dma_start3A_1256 : memref<1x4096xf32, #tpu.memory_space<hbm>> -> memref<4096xf32, #tpu.memory_space<hbm>>
    tpu.enqueue_dma source(%arg8 : memref<4096xf32, #tpu.memory_space<vmem>>) target(%dma_start3A_1257 : memref<4096xf32, #tpu.memory_space<hbm>>) target_semaphore(%arg11 : memref<!tpu.dma_semaphore, #tpu.memory_space<semaphore_mem>>)
    %mul3A_1258 = arith.constant 13 : i32
    %mul3A_1259 = arith.muli %add3A, %mul3A_1258 : i32
    %add3A_1260 = arith.constant 9 : i32
    %add3A_1261 = arith.addi %mul3A_1259, %add3A_1260 : i32
    %jit3A_1262 = arith.constant 16 : i32
    %div3A_1263 = arith.divsi %add3A_1261, %jit3A_1262 : i32
    %sign3A_1264 = arith.constant 0 : i32
    %sign3A_1265 = arith.cmpi sgt, %add3A_1261, %sign3A_1264 : i32
    %sign3A_1266 = arith.extui %sign3A_1265 : i1 to i32
    %sign3A_1267 = arith.constant 0 : i32
    %sign3A_1268 = arith.cmpi slt, %add3A_1261, %sign3A_1267 : i32
    %sign3A_1269 = arith.extui %sign3A_1268 : i1 to i32
    %sign3A_1270 = arith.subi %sign3A_1266, %sign3A_1269 : i32
    %sign3A_1271 = arith.constant 0 : i32
    %sign3A_1272 = arith.cmpi sgt, %jit3A_1262, %sign3A_1271 : i32
    %sign3A_1273 = arith.extui %sign3A_1272 : i1 to i32
    %sign3A_1274 = arith.constant 0 : i32
    %sign3A_1275 = arith.cmpi slt, %jit3A_1262, %sign3A_1274 : i32
    %sign3A_1276 = arith.extui %sign3A_1275 : i1 to i32
    %sign3A_1277 = arith.subi %sign3A_1273, %sign3A_1276 : i32
    %ne3A_1278 = arith.cmpi ne, %sign3A_1270, %sign3A_1277 : i32
    %rem3A_1279 = arith.remsi %add3A_1261, %jit3A_1262 : i32
    %ne3A_1280 = arith.constant 0 : i32
    %ne3A_1281 = arith.cmpi ne, %rem3A_1279, %ne3A_1280 : i32
    %and3A_1282 = arith.andi %ne3A_1278, %ne3A_1281 : i1
    %sub3A_1283 = arith.constant 1 : i32
    %sub3A_1284 = arith.subi %div3A_1263, %sub3A_1283 : i32
    %select_n3A_1285 = arith.select %and3A_1282, %sub3A_1284, %div3A_1263 : i32
    %jit3A_1286 = arith.constant 16 : i32
    %eq3A_1287 = arith.constant 0 : i32
    %eq3A_1288 = arith.cmpi eq, %jit3A_1286, %eq3A_1287 : i32
    %jit3A_1289 = arith.constant 1 : i32
    %select_n3A_1290 = arith.select %eq3A_1288, %jit3A_1289, %jit3A_1286 : i32
    %rem3A_1291 = arith.remsi %add3A_1261, %select_n3A_1290 : i32
    %ne3A_1292 = arith.constant 0 : i32
    %ne3A_1293 = arith.cmpi ne, %rem3A_1291, %ne3A_1292 : i32
    %lt3A_1294 = arith.constant 0 : i32
    %lt3A_1295 = arith.cmpi slt, %rem3A_1291, %lt3A_1294 : i32
    %lt3A_1296 = arith.constant 0 : i32
    %lt3A_1297 = arith.cmpi slt, %select_n3A_1290, %lt3A_1296 : i32
    %ne3A_1298 = arith.xori %lt3A_1295, %lt3A_1297 : i1
    %and3A_1299 = arith.andi %ne3A_1298, %ne3A_1293 : i1
    %add3A_1300 = arith.addi %rem3A_1291, %select_n3A_1290 : i32
    %select_n3A_1301 = arith.select %and3A_1299, %add3A_1300, %rem3A_1291 : i32
    %dma_start3A_1302 = arith.constant 0 : i32
    %dma_start3A_1303 = tpu.memref_slice %arg2[%select_n3A_1285, %select_n3A_1301, %dma_start3A_1302] : memref<26x16x100000xf32, #tpu.memory_space<hbm>> -> memref<1x1x100000xf32, #tpu.memory_space<hbm>>
    %dma_start3A_1304 = tpu.memref_squeeze %dma_start3A_1303 : memref<1x1x100000xf32, #tpu.memory_space<hbm>> -> memref<100000xf32, #tpu.memory_space<hbm>>
    %dma_start3A_1305 = arith.constant 0 : i32
    %dma_start3A_1306 = tpu.memref_slice %arg2[%select_n3A_1285, %select_n3A_1301, %dma_start3A_1305] : memref<26x16x100000xf32, #tpu.memory_space<hbm>> -> memref<1x1x100000xf32, #tpu.memory_space<hbm>>
    %dma_start3A_1307 = tpu.memref_squeeze %dma_start3A_1306 : memref<1x1x100000xf32, #tpu.memory_space<hbm>> -> memref<100000xf32, #tpu.memory_space<hbm>>
    tpu.enqueue_dma source(%dma_start3A_1307 : memref<100000xf32, #tpu.memory_space<hbm>>) target(%arg5 : memref<100000xf32, #tpu.memory_space<vmem>>) target_semaphore(%arg9 : memref<!tpu.dma_semaphore, #tpu.memory_space<semaphore_mem>>)
    %sub3A_1308 = arith.constant 1 : i32
    %sub3A_1309 = arith.subi %add3A_1261, %sub3A_1308 : i32
    %jit3A_1310 = arith.constant 16 : i32
    %div3A_1311 = arith.divsi %sub3A_1309, %jit3A_1310 : i32
    %sign3A_1312 = arith.constant 0 : i32
    %sign3A_1313 = arith.cmpi sgt, %sub3A_1309, %sign3A_1312 : i32
    %sign3A_1314 = arith.extui %sign3A_1313 : i1 to i32
    %sign3A_1315 = arith.constant 0 : i32
    %sign3A_1316 = arith.cmpi slt, %sub3A_1309, %sign3A_1315 : i32
    %sign3A_1317 = arith.extui %sign3A_1316 : i1 to i32
    %sign3A_1318 = arith.subi %sign3A_1314, %sign3A_1317 : i32
    %sign3A_1319 = arith.constant 0 : i32
    %sign3A_1320 = arith.cmpi sgt, %jit3A_1310, %sign3A_1319 : i32
    %sign3A_1321 = arith.extui %sign3A_1320 : i1 to i32
    %sign3A_1322 = arith.constant 0 : i32
    %sign3A_1323 = arith.cmpi slt, %jit3A_1310, %sign3A_1322 : i32
    %sign3A_1324 = arith.extui %sign3A_1323 : i1 to i32
    %sign3A_1325 = arith.subi %sign3A_1321, %sign3A_1324 : i32
    %ne3A_1326 = arith.cmpi ne, %sign3A_1318, %sign3A_1325 : i32
    %rem3A_1327 = arith.remsi %sub3A_1309, %jit3A_1310 : i32
    %ne3A_1328 = arith.constant 0 : i32
    %ne3A_1329 = arith.cmpi ne, %rem3A_1327, %ne3A_1328 : i32
    %and3A_1330 = arith.andi %ne3A_1326, %ne3A_1329 : i1
    %sub3A_1331 = arith.constant 1 : i32
    %sub3A_1332 = arith.subi %div3A_1311, %sub3A_1331 : i32
    %select_n3A_1333 = arith.select %and3A_1330, %sub3A_1332, %div3A_1311 : i32
    %ne3A_1334 = arith.cmpi ne, %select_n3A_1285, %select_n3A_1333 : i32
    %convert_element_type3A_1335 = arith.extui %ne3A_1334 : i1 to i32
    %cond3A_1336 = arith.constant 0 : i32
    %cond3A_1337 = arith.cmpi ne, %convert_element_type3A_1335, %cond3A_1336 : i32
    scf.if %cond3A_1337 {
      "tpu.region"() ({
        %run_scoped3A = tpu.sem_alloc : memref<!tpu.dma_semaphore, #tpu.memory_space<semaphore_mem>>
        %dma_start3A_1854 = arith.constant 0 : i32
        %dma_start3A_1855 = tpu.memref_slice %arg3[%select_n3A_1285, %dma_start3A_1854] : memref<26x16384xi32, #tpu.memory_space<hbm>> -> memref<1x16384xi32, #tpu.memory_space<hbm>>
        %dma_start3A_1856 = tpu.memref_squeeze %dma_start3A_1855 : memref<1x16384xi32, #tpu.memory_space<hbm>> -> memref<16384xi32, #tpu.memory_space<hbm>>
        %dma_start3A_1857 = arith.constant 0 : i32
        %dma_start3A_1858 = tpu.memref_slice %arg3[%select_n3A_1285, %dma_start3A_1857] : memref<26x16384xi32, #tpu.memory_space<hbm>> -> memref<1x16384xi32, #tpu.memory_space<hbm>>
        %dma_start3A_1859 = tpu.memref_squeeze %dma_start3A_1858 : memref<1x16384xi32, #tpu.memory_space<hbm>> -> memref<16384xi32, #tpu.memory_space<hbm>>
        tpu.enqueue_dma source(%dma_start3A_1859 : memref<16384xi32, #tpu.memory_space<hbm>>) target(%arg6 : memref<16384xi32, #tpu.memory_space<vmem>>) target_semaphore(%run_scoped3A : memref<!tpu.dma_semaphore, #tpu.memory_space<semaphore_mem>>)
        %dma_wait3A_1860 = arith.constant 0 : i32
        %dma_wait3A_1861 = tpu.memref_slice %arg3[%select_n3A_1285, %dma_wait3A_1860] : memref<26x16384xi32, #tpu.memory_space<hbm>> -> memref<1x16384xi32, #tpu.memory_space<hbm>>
        %dma_wait3A_1862 = tpu.memref_squeeze %dma_wait3A_1861 : memref<1x16384xi32, #tpu.memory_space<hbm>> -> memref<16384xi32, #tpu.memory_space<hbm>>
        %dma_wait3A_1863 = arith.constant 0 : i32
        %dma_wait3A_1864 = tpu.memref_slice %arg3[%select_n3A_1285, %dma_wait3A_1863] : memref<26x16384xi32, #tpu.memory_space<hbm>> -> memref<1x16384xi32, #tpu.memory_space<hbm>>
        %dma_wait3A_1865 = tpu.memref_squeeze %dma_wait3A_1864 : memref<1x16384xi32, #tpu.memory_space<hbm>> -> memref<16384xi32, #tpu.memory_space<hbm>>
        tpu.wait_dma2 semaphore(%run_scoped3A : memref<!tpu.dma_semaphore, #tpu.memory_space<semaphore_mem>>) src(%dma_wait3A_1865 : memref<16384xi32, #tpu.memory_space<hbm>>) dst(%arg6 : memref<16384xi32, #tpu.memory_space<vmem>>)
        tpu.yield
      }) : () -> ()
    } else {
    }
    %dma_wait3A_1338 = arith.constant 0 : i32
    %dma_wait3A_1339 = tpu.memref_slice %arg2[%select_n3A_1285, %select_n3A_1301, %dma_wait3A_1338] : memref<26x16x100000xf32, #tpu.memory_space<hbm>> -> memref<1x1x100000xf32, #tpu.memory_space<hbm>>
    %dma_wait3A_1340 = tpu.memref_squeeze %dma_wait3A_1339 : memref<1x1x100000xf32, #tpu.memory_space<hbm>> -> memref<100000xf32, #tpu.memory_space<hbm>>
    %dma_wait3A_1341 = arith.constant 0 : i32
    %dma_wait3A_1342 = tpu.memref_slice %arg2[%select_n3A_1285, %select_n3A_1301, %dma_wait3A_1341] : memref<26x16x100000xf32, #tpu.memory_space<hbm>> -> memref<1x1x100000xf32, #tpu.memory_space<hbm>>
    %dma_wait3A_1343 = tpu.memref_squeeze %dma_wait3A_1342 : memref<1x1x100000xf32, #tpu.memory_space<hbm>> -> memref<100000xf32, #tpu.memory_space<hbm>>
    tpu.wait_dma2 semaphore(%arg9 : memref<!tpu.dma_semaphore, #tpu.memory_space<semaphore_mem>>) src(%dma_wait3A_1343 : memref<100000xf32, #tpu.memory_space<hbm>>) dst(%arg5 : memref<100000xf32, #tpu.memory_space<vmem>>)
    %dma_wait3A_1344 = arith.constant 8192 : i32
    %dma_wait3A_1345 = tpu.memref_slice %arg4[%add3A_1115, %dma_wait3A_1344] : memref<416x16384xf32, #tpu.memory_space<hbm>> -> memref<1x4096xf32, #tpu.memory_space<hbm>>
    %dma_wait3A_1346 = tpu.memref_squeeze %dma_wait3A_1345 : memref<1x4096xf32, #tpu.memory_space<hbm>> -> memref<4096xf32, #tpu.memory_space<hbm>>
    %dma_wait3A_1347 = arith.constant 8192 : i32
    %dma_wait3A_1348 = tpu.memref_slice %arg4[%add3A_1115, %dma_wait3A_1347] : memref<416x16384xf32, #tpu.memory_space<hbm>> -> memref<1x4096xf32, #tpu.memory_space<hbm>>
    %dma_wait3A_1349 = tpu.memref_squeeze %dma_wait3A_1348 : memref<1x4096xf32, #tpu.memory_space<hbm>> -> memref<4096xf32, #tpu.memory_space<hbm>>
    tpu.wait_dma2 semaphore(%arg10 : memref<!tpu.dma_semaphore, #tpu.memory_space<semaphore_mem>>) src(%arg7 : memref<4096xf32, #tpu.memory_space<vmem>>) dst(%dma_wait3A_1349 : memref<4096xf32, #tpu.memory_space<hbm>>)
    %parallel_loop3A_1350 = arith.constant 0 : i32
    %parallel_loop3A_1351 = arith.constant 4096 : i32
    %parallel_loop3A_1352 = arith.constant 16 : i32
    scf.for %parallel_loop3A_1854 = %parallel_loop3A_1350 to %parallel_loop3A_1351 step %parallel_loop3A_1352  : i32 {
      %parallel_loop3A_1855 = arith.constant 0 : i32
      %parallel_loop3A_1856 = arith.addi %parallel_loop3A_1855, %parallel_loop3A_1854 : i32
      %parallel_loop3A_1857 = arith.index_cast %parallel_loop3A_1856 : i32 to index
      %parallel_loop3A_1858 = tpu.vector_load %arg6[%parallel_loop3A_1857] {strides = array<i32>} : memref<16384xi32, #tpu.memory_space<vmem>>, vector<16xi32>,
      %parallel_loop3A_1859 = tpu.vector_load_idx %arg5[%parallel_loop3A_1858] : memref<100000xf32, #tpu.memory_space<vmem>>[vector<16xi32>], vector<16xf32>,
      %parallel_loop3A_1860 = arith.index_cast %parallel_loop3A_1854 : i32 to index
      %parallel_loop3A_1861 = tpu.vector_load %arg7[%parallel_loop3A_1860] {strides = array<i32>} : memref<4096xf32, #tpu.memory_space<vmem>>, vector<16xf32>,
      tpu.vector_store %arg7[%parallel_loop3A_1860], %parallel_loop3A_1859 {strides = array<i32>} : memref<4096xf32, #tpu.memory_space<vmem>>, vector<16xf32>,
    } {sc.loop_unroll_factor = 8 : i64, sc.parallel_access}
    %dma_start3A_1353 = arith.constant 0 : i32
    %dma_start3A_1354 = tpu.memref_slice %arg4[%add3A_1261, %dma_start3A_1353] : memref<416x16384xf32, #tpu.memory_space<hbm>> -> memref<1x4096xf32, #tpu.memory_space<hbm>>
    %dma_start3A_1355 = tpu.memref_squeeze %dma_start3A_1354 : memref<1x4096xf32, #tpu.memory_space<hbm>> -> memref<4096xf32, #tpu.memory_space<hbm>>
    %dma_start3A_1356 = arith.constant 0 : i32
    %dma_start3A_1357 = tpu.memref_slice %arg4[%add3A_1261, %dma_start3A_1356] : memref<416x16384xf32, #tpu.memory_space<hbm>> -> memref<1x4096xf32, #tpu.memory_space<hbm>>
    %dma_start3A_1358 = tpu.memref_squeeze %dma_start3A_1357 : memref<1x4096xf32, #tpu.memory_space<hbm>> -> memref<4096xf32, #tpu.memory_space<hbm>>
    tpu.enqueue_dma source(%arg7 : memref<4096xf32, #tpu.memory_space<vmem>>) target(%dma_start3A_1358 : memref<4096xf32, #tpu.memory_space<hbm>>) target_semaphore(%arg10 : memref<!tpu.dma_semaphore, #tpu.memory_space<semaphore_mem>>)
    %dma_wait3A_1359 = arith.constant 12288 : i32
    %dma_wait3A_1360 = tpu.memref_slice %arg4[%add3A_1115, %dma_wait3A_1359] : memref<416x16384xf32, #tpu.memory_space<hbm>> -> memref<1x4096xf32, #tpu.memory_space<hbm>>
    %dma_wait3A_1361 = tpu.memref_squeeze %dma_wait3A_1360 : memref<1x4096xf32, #tpu.memory_space<hbm>> -> memref<4096xf32, #tpu.memory_space<hbm>>
    %dma_wait3A_1362 = arith.constant 12288 : i32
    %dma_wait3A_1363 = tpu.memref_slice %arg4[%add3A_1115, %dma_wait3A_1362] : memref<416x16384xf32, #tpu.memory_space<hbm>> -> memref<1x4096xf32, #tpu.memory_space<hbm>>
    %dma_wait3A_1364 = tpu.memref_squeeze %dma_wait3A_1363 : memref<1x4096xf32, #tpu.memory_space<hbm>> -> memref<4096xf32, #tpu.memory_space<hbm>>
    tpu.wait_dma2 semaphore(%arg11 : memref<!tpu.dma_semaphore, #tpu.memory_space<semaphore_mem>>) src(%arg8 : memref<4096xf32, #tpu.memory_space<vmem>>) dst(%dma_wait3A_1364 : memref<4096xf32, #tpu.memory_space<hbm>>)
    %parallel_loop3A_1365 = arith.constant 0 : i32
    %parallel_loop3A_1366 = arith.constant 4096 : i32
    %parallel_loop3A_1367 = arith.constant 16 : i32
    scf.for %parallel_loop3A_1854 = %parallel_loop3A_1365 to %parallel_loop3A_1366 step %parallel_loop3A_1367  : i32 {
      %parallel_loop3A_1855 = arith.constant 4096 : i32
      %parallel_loop3A_1856 = arith.addi %parallel_loop3A_1855, %parallel_loop3A_1854 : i32
      %parallel_loop3A_1857 = arith.index_cast %parallel_loop3A_1856 : i32 to index
      %parallel_loop3A_1858 = tpu.vector_load %arg6[%parallel_loop3A_1857] {strides = array<i32>} : memref<16384xi32, #tpu.memory_space<vmem>>, vector<16xi32>,
      %parallel_loop3A_1859 = tpu.vector_load_idx %arg5[%parallel_loop3A_1858] : memref<100000xf32, #tpu.memory_space<vmem>>[vector<16xi32>], vector<16xf32>,
      %parallel_loop3A_1860 = arith.index_cast %parallel_loop3A_1854 : i32 to index
      %parallel_loop3A_1861 = tpu.vector_load %arg8[%parallel_loop3A_1860] {strides = array<i32>} : memref<4096xf32, #tpu.memory_space<vmem>>, vector<16xf32>,
      tpu.vector_store %arg8[%parallel_loop3A_1860], %parallel_loop3A_1859 {strides = array<i32>} : memref<4096xf32, #tpu.memory_space<vmem>>, vector<16xf32>,
    } {sc.loop_unroll_factor = 8 : i64, sc.parallel_access}
    %dma_start3A_1368 = arith.constant 4096 : i32
    %dma_start3A_1369 = tpu.memref_slice %arg4[%add3A_1261, %dma_start3A_1368] : memref<416x16384xf32, #tpu.memory_space<hbm>> -> memref<1x4096xf32, #tpu.memory_space<hbm>>
    %dma_start3A_1370 = tpu.memref_squeeze %dma_start3A_1369 : memref<1x4096xf32, #tpu.memory_space<hbm>> -> memref<4096xf32, #tpu.memory_space<hbm>>
    %dma_start3A_1371 = arith.constant 4096 : i32
    %dma_start3A_1372 = tpu.memref_slice %arg4[%add3A_1261, %dma_start3A_1371] : memref<416x16384xf32, #tpu.memory_space<hbm>> -> memref<1x4096xf32, #tpu.memory_space<hbm>>
    %dma_start3A_1373 = tpu.memref_squeeze %dma_start3A_1372 : memref<1x4096xf32, #tpu.memory_space<hbm>> -> memref<4096xf32, #tpu.memory_space<hbm>>
    tpu.enqueue_dma source(%arg8 : memref<4096xf32, #tpu.memory_space<vmem>>) target(%dma_start3A_1373 : memref<4096xf32, #tpu.memory_space<hbm>>) target_semaphore(%arg11 : memref<!tpu.dma_semaphore, #tpu.memory_space<semaphore_mem>>)
    %dma_wait3A_1374 = arith.constant 0 : i32
    %dma_wait3A_1375 = tpu.memref_slice %arg4[%add3A_1261, %dma_wait3A_1374] : memref<416x16384xf32, #tpu.memory_space<hbm>> -> memref<1x4096xf32, #tpu.memory_space<hbm>>
    %dma_wait3A_1376 = tpu.memref_squeeze %dma_wait3A_1375 : memref<1x4096xf32, #tpu.memory_space<hbm>> -> memref<4096xf32, #tpu.memory_space<hbm>>
    %dma_wait3A_1377 = arith.constant 0 : i32
    %dma_wait3A_1378 = tpu.memref_slice %arg4[%add3A_1261, %dma_wait3A_1377] : memref<416x16384xf32, #tpu.memory_space<hbm>> -> memref<1x4096xf32, #tpu.memory_space<hbm>>
    %dma_wait3A_1379 = tpu.memref_squeeze %dma_wait3A_1378 : memref<1x4096xf32, #tpu.memory_space<hbm>> -> memref<4096xf32, #tpu.memory_space<hbm>>
    tpu.wait_dma2 semaphore(%arg10 : memref<!tpu.dma_semaphore, #tpu.memory_space<semaphore_mem>>) src(%arg7 : memref<4096xf32, #tpu.memory_space<vmem>>) dst(%dma_wait3A_1379 : memref<4096xf32, #tpu.memory_space<hbm>>)
    %parallel_loop3A_1380 = arith.constant 0 : i32
    %parallel_loop3A_1381 = arith.constant 4096 : i32
    %parallel_loop3A_1382 = arith.constant 16 : i32
    scf.for %parallel_loop3A_1854 = %parallel_loop3A_1380 to %parallel_loop3A_1381 step %parallel_loop3A_1382  : i32 {
      %parallel_loop3A_1855 = arith.constant 8192 : i32
      %parallel_loop3A_1856 = arith.addi %parallel_loop3A_1855, %parallel_loop3A_1854 : i32
      %parallel_loop3A_1857 = arith.index_cast %parallel_loop3A_1856 : i32 to index
      %parallel_loop3A_1858 = tpu.vector_load %arg6[%parallel_loop3A_1857] {strides = array<i32>} : memref<16384xi32, #tpu.memory_space<vmem>>, vector<16xi32>,
      %parallel_loop3A_1859 = tpu.vector_load_idx %arg5[%parallel_loop3A_1858] : memref<100000xf32, #tpu.memory_space<vmem>>[vector<16xi32>], vector<16xf32>,
      %parallel_loop3A_1860 = arith.index_cast %parallel_loop3A_1854 : i32 to index
      %parallel_loop3A_1861 = tpu.vector_load %arg7[%parallel_loop3A_1860] {strides = array<i32>} : memref<4096xf32, #tpu.memory_space<vmem>>, vector<16xf32>,
      tpu.vector_store %arg7[%parallel_loop3A_1860], %parallel_loop3A_1859 {strides = array<i32>} : memref<4096xf32, #tpu.memory_space<vmem>>, vector<16xf32>,
    } {sc.loop_unroll_factor = 8 : i64, sc.parallel_access}
    %dma_start3A_1383 = arith.constant 8192 : i32
    %dma_start3A_1384 = tpu.memref_slice %arg4[%add3A_1261, %dma_start3A_1383] : memref<416x16384xf32, #tpu.memory_space<hbm>> -> memref<1x4096xf32, #tpu.memory_space<hbm>>
    %dma_start3A_1385 = tpu.memref_squeeze %dma_start3A_1384 : memref<1x4096xf32, #tpu.memory_space<hbm>> -> memref<4096xf32, #tpu.memory_space<hbm>>
    %dma_start3A_1386 = arith.constant 8192 : i32
    %dma_start3A_1387 = tpu.memref_slice %arg4[%add3A_1261, %dma_start3A_1386] : memref<416x16384xf32, #tpu.memory_space<hbm>> -> memref<1x4096xf32, #tpu.memory_space<hbm>>
    %dma_start3A_1388 = tpu.memref_squeeze %dma_start3A_1387 : memref<1x4096xf32, #tpu.memory_space<hbm>> -> memref<4096xf32, #tpu.memory_space<hbm>>
    tpu.enqueue_dma source(%arg7 : memref<4096xf32, #tpu.memory_space<vmem>>) target(%dma_start3A_1388 : memref<4096xf32, #tpu.memory_space<hbm>>) target_semaphore(%arg10 : memref<!tpu.dma_semaphore, #tpu.memory_space<semaphore_mem>>)
    %dma_wait3A_1389 = arith.constant 4096 : i32
    %dma_wait3A_1390 = tpu.memref_slice %arg4[%add3A_1261, %dma_wait3A_1389] : memref<416x16384xf32, #tpu.memory_space<hbm>> -> memref<1x4096xf32, #tpu.memory_space<hbm>>
    %dma_wait3A_1391 = tpu.memref_squeeze %dma_wait3A_1390 : memref<1x4096xf32, #tpu.memory_space<hbm>> -> memref<4096xf32, #tpu.memory_space<hbm>>
    %dma_wait3A_1392 = arith.constant 4096 : i32
    %dma_wait3A_1393 = tpu.memref_slice %arg4[%add3A_1261, %dma_wait3A_1392] : memref<416x16384xf32, #tpu.memory_space<hbm>> -> memref<1x4096xf32, #tpu.memory_space<hbm>>
    %dma_wait3A_1394 = tpu.memref_squeeze %dma_wait3A_1393 : memref<1x4096xf32, #tpu.memory_space<hbm>> -> memref<4096xf32, #tpu.memory_space<hbm>>
    tpu.wait_dma2 semaphore(%arg11 : memref<!tpu.dma_semaphore, #tpu.memory_space<semaphore_mem>>) src(%arg8 : memref<4096xf32, #tpu.memory_space<vmem>>) dst(%dma_wait3A_1394 : memref<4096xf32, #tpu.memory_space<hbm>>)
    %parallel_loop3A_1395 = arith.constant 0 : i32
    %parallel_loop3A_1396 = arith.constant 4096 : i32
    %parallel_loop3A_1397 = arith.constant 16 : i32
    scf.for %parallel_loop3A_1854 = %parallel_loop3A_1395 to %parallel_loop3A_1396 step %parallel_loop3A_1397  : i32 {
      %parallel_loop3A_1855 = arith.constant 12288 : i32
      %parallel_loop3A_1856 = arith.addi %parallel_loop3A_1855, %parallel_loop3A_1854 : i32
      %parallel_loop3A_1857 = arith.index_cast %parallel_loop3A_1856 : i32 to index
      %parallel_loop3A_1858 = tpu.vector_load %arg6[%parallel_loop3A_1857] {strides = array<i32>} : memref<16384xi32, #tpu.memory_space<vmem>>, vector<16xi32>,
      %parallel_loop3A_1859 = tpu.vector_load_idx %arg5[%parallel_loop3A_1858] : memref<100000xf32, #tpu.memory_space<vmem>>[vector<16xi32>], vector<16xf32>,
      %parallel_loop3A_1860 = arith.index_cast %parallel_loop3A_1854 : i32 to index
      %parallel_loop3A_1861 = tpu.vector_load %arg8[%parallel_loop3A_1860] {strides = array<i32>} : memref<4096xf32, #tpu.memory_space<vmem>>, vector<16xf32>,
      tpu.vector_store %arg8[%parallel_loop3A_1860], %parallel_loop3A_1859 {strides = array<i32>} : memref<4096xf32, #tpu.memory_space<vmem>>, vector<16xf32>,
    } {sc.loop_unroll_factor = 8 : i64, sc.parallel_access}
    %dma_start3A_1398 = arith.constant 12288 : i32
    %dma_start3A_1399 = tpu.memref_slice %arg4[%add3A_1261, %dma_start3A_1398] : memref<416x16384xf32, #tpu.memory_space<hbm>> -> memref<1x4096xf32, #tpu.memory_space<hbm>>
    %dma_start3A_1400 = tpu.memref_squeeze %dma_start3A_1399 : memref<1x4096xf32, #tpu.memory_space<hbm>> -> memref<4096xf32, #tpu.memory_space<hbm>>
    %dma_start3A_1401 = arith.constant 12288 : i32
    %dma_start3A_1402 = tpu.memref_slice %arg4[%add3A_1261, %dma_start3A_1401] : memref<416x16384xf32, #tpu.memory_space<hbm>> -> memref<1x4096xf32, #tpu.memory_space<hbm>>
    %dma_start3A_1403 = tpu.memref_squeeze %dma_start3A_1402 : memref<1x4096xf32, #tpu.memory_space<hbm>> -> memref<4096xf32, #tpu.memory_space<hbm>>
    tpu.enqueue_dma source(%arg8 : memref<4096xf32, #tpu.memory_space<vmem>>) target(%dma_start3A_1403 : memref<4096xf32, #tpu.memory_space<hbm>>) target_semaphore(%arg11 : memref<!tpu.dma_semaphore, #tpu.memory_space<semaphore_mem>>)
    %mul3A_1404 = arith.constant 13 : i32
    %mul3A_1405 = arith.muli %add3A, %mul3A_1404 : i32
    %add3A_1406 = arith.constant 10 : i32
    %add3A_1407 = arith.addi %mul3A_1405, %add3A_1406 : i32
    %jit3A_1408 = arith.constant 16 : i32
    %div3A_1409 = arith.divsi %add3A_1407, %jit3A_1408 : i32
    %sign3A_1410 = arith.constant 0 : i32
    %sign3A_1411 = arith.cmpi sgt, %add3A_1407, %sign3A_1410 : i32
    %sign3A_1412 = arith.extui %sign3A_1411 : i1 to i32
    %sign3A_1413 = arith.constant 0 : i32
    %sign3A_1414 = arith.cmpi slt, %add3A_1407, %sign3A_1413 : i32
    %sign3A_1415 = arith.extui %sign3A_1414 : i1 to i32
    %sign3A_1416 = arith.subi %sign3A_1412, %sign3A_1415 : i32
    %sign3A_1417 = arith.constant 0 : i32
    %sign3A_1418 = arith.cmpi sgt, %jit3A_1408, %sign3A_1417 : i32
    %sign3A_1419 = arith.extui %sign3A_1418 : i1 to i32
    %sign3A_1420 = arith.constant 0 : i32
    %sign3A_1421 = arith.cmpi slt, %jit3A_1408, %sign3A_1420 : i32
    %sign3A_1422 = arith.extui %sign3A_1421 : i1 to i32
    %sign3A_1423 = arith.subi %sign3A_1419, %sign3A_1422 : i32
    %ne3A_1424 = arith.cmpi ne, %sign3A_1416, %sign3A_1423 : i32
    %rem3A_1425 = arith.remsi %add3A_1407, %jit3A_1408 : i32
    %ne3A_1426 = arith.constant 0 : i32
    %ne3A_1427 = arith.cmpi ne, %rem3A_1425, %ne3A_1426 : i32
    %and3A_1428 = arith.andi %ne3A_1424, %ne3A_1427 : i1
    %sub3A_1429 = arith.constant 1 : i32
    %sub3A_1430 = arith.subi %div3A_1409, %sub3A_1429 : i32
    %select_n3A_1431 = arith.select %and3A_1428, %sub3A_1430, %div3A_1409 : i32
    %jit3A_1432 = arith.constant 16 : i32
    %eq3A_1433 = arith.constant 0 : i32
    %eq3A_1434 = arith.cmpi eq, %jit3A_1432, %eq3A_1433 : i32
    %jit3A_1435 = arith.constant 1 : i32
    %select_n3A_1436 = arith.select %eq3A_1434, %jit3A_1435, %jit3A_1432 : i32
    %rem3A_1437 = arith.remsi %add3A_1407, %select_n3A_1436 : i32
    %ne3A_1438 = arith.constant 0 : i32
    %ne3A_1439 = arith.cmpi ne, %rem3A_1437, %ne3A_1438 : i32
    %lt3A_1440 = arith.constant 0 : i32
    %lt3A_1441 = arith.cmpi slt, %rem3A_1437, %lt3A_1440 : i32
    %lt3A_1442 = arith.constant 0 : i32
    %lt3A_1443 = arith.cmpi slt, %select_n3A_1436, %lt3A_1442 : i32
    %ne3A_1444 = arith.xori %lt3A_1441, %lt3A_1443 : i1
    %and3A_1445 = arith.andi %ne3A_1444, %ne3A_1439 : i1
    %add3A_1446 = arith.addi %rem3A_1437, %select_n3A_1436 : i32
    %select_n3A_1447 = arith.select %and3A_1445, %add3A_1446, %rem3A_1437 : i32
    %dma_start3A_1448 = arith.constant 0 : i32
    %dma_start3A_1449 = tpu.memref_slice %arg2[%select_n3A_1431, %select_n3A_1447, %dma_start3A_1448] : memref<26x16x100000xf32, #tpu.memory_space<hbm>> -> memref<1x1x100000xf32, #tpu.memory_space<hbm>>
    %dma_start3A_1450 = tpu.memref_squeeze %dma_start3A_1449 : memref<1x1x100000xf32, #tpu.memory_space<hbm>> -> memref<100000xf32, #tpu.memory_space<hbm>>
    %dma_start3A_1451 = arith.constant 0 : i32
    %dma_start3A_1452 = tpu.memref_slice %arg2[%select_n3A_1431, %select_n3A_1447, %dma_start3A_1451] : memref<26x16x100000xf32, #tpu.memory_space<hbm>> -> memref<1x1x100000xf32, #tpu.memory_space<hbm>>
    %dma_start3A_1453 = tpu.memref_squeeze %dma_start3A_1452 : memref<1x1x100000xf32, #tpu.memory_space<hbm>> -> memref<100000xf32, #tpu.memory_space<hbm>>
    tpu.enqueue_dma source(%dma_start3A_1453 : memref<100000xf32, #tpu.memory_space<hbm>>) target(%arg5 : memref<100000xf32, #tpu.memory_space<vmem>>) target_semaphore(%arg9 : memref<!tpu.dma_semaphore, #tpu.memory_space<semaphore_mem>>)
    %sub3A_1454 = arith.constant 1 : i32
    %sub3A_1455 = arith.subi %add3A_1407, %sub3A_1454 : i32
    %jit3A_1456 = arith.constant 16 : i32
    %div3A_1457 = arith.divsi %sub3A_1455, %jit3A_1456 : i32
    %sign3A_1458 = arith.constant 0 : i32
    %sign3A_1459 = arith.cmpi sgt, %sub3A_1455, %sign3A_1458 : i32
    %sign3A_1460 = arith.extui %sign3A_1459 : i1 to i32
    %sign3A_1461 = arith.constant 0 : i32
    %sign3A_1462 = arith.cmpi slt, %sub3A_1455, %sign3A_1461 : i32
    %sign3A_1463 = arith.extui %sign3A_1462 : i1 to i32
    %sign3A_1464 = arith.subi %sign3A_1460, %sign3A_1463 : i32
    %sign3A_1465 = arith.constant 0 : i32
    %sign3A_1466 = arith.cmpi sgt, %jit3A_1456, %sign3A_1465 : i32
    %sign3A_1467 = arith.extui %sign3A_1466 : i1 to i32
    %sign3A_1468 = arith.constant 0 : i32
    %sign3A_1469 = arith.cmpi slt, %jit3A_1456, %sign3A_1468 : i32
    %sign3A_1470 = arith.extui %sign3A_1469 : i1 to i32
    %sign3A_1471 = arith.subi %sign3A_1467, %sign3A_1470 : i32
    %ne3A_1472 = arith.cmpi ne, %sign3A_1464, %sign3A_1471 : i32
    %rem3A_1473 = arith.remsi %sub3A_1455, %jit3A_1456 : i32
    %ne3A_1474 = arith.constant 0 : i32
    %ne3A_1475 = arith.cmpi ne, %rem3A_1473, %ne3A_1474 : i32
    %and3A_1476 = arith.andi %ne3A_1472, %ne3A_1475 : i1
    %sub3A_1477 = arith.constant 1 : i32
    %sub3A_1478 = arith.subi %div3A_1457, %sub3A_1477 : i32
    %select_n3A_1479 = arith.select %and3A_1476, %sub3A_1478, %div3A_1457 : i32
    %ne3A_1480 = arith.cmpi ne, %select_n3A_1431, %select_n3A_1479 : i32
    %convert_element_type3A_1481 = arith.extui %ne3A_1480 : i1 to i32
    %cond3A_1482 = arith.constant 0 : i32
    %cond3A_1483 = arith.cmpi ne, %convert_element_type3A_1481, %cond3A_1482 : i32
    scf.if %cond3A_1483 {
      "tpu.region"() ({
        %run_scoped3A = tpu.sem_alloc : memref<!tpu.dma_semaphore, #tpu.memory_space<semaphore_mem>>
        %dma_start3A_1854 = arith.constant 0 : i32
        %dma_start3A_1855 = tpu.memref_slice %arg3[%select_n3A_1431, %dma_start3A_1854] : memref<26x16384xi32, #tpu.memory_space<hbm>> -> memref<1x16384xi32, #tpu.memory_space<hbm>>
        %dma_start3A_1856 = tpu.memref_squeeze %dma_start3A_1855 : memref<1x16384xi32, #tpu.memory_space<hbm>> -> memref<16384xi32, #tpu.memory_space<hbm>>
        %dma_start3A_1857 = arith.constant 0 : i32
        %dma_start3A_1858 = tpu.memref_slice %arg3[%select_n3A_1431, %dma_start3A_1857] : memref<26x16384xi32, #tpu.memory_space<hbm>> -> memref<1x16384xi32, #tpu.memory_space<hbm>>
        %dma_start3A_1859 = tpu.memref_squeeze %dma_start3A_1858 : memref<1x16384xi32, #tpu.memory_space<hbm>> -> memref<16384xi32, #tpu.memory_space<hbm>>
        tpu.enqueue_dma source(%dma_start3A_1859 : memref<16384xi32, #tpu.memory_space<hbm>>) target(%arg6 : memref<16384xi32, #tpu.memory_space<vmem>>) target_semaphore(%run_scoped3A : memref<!tpu.dma_semaphore, #tpu.memory_space<semaphore_mem>>)
        %dma_wait3A_1860 = arith.constant 0 : i32
        %dma_wait3A_1861 = tpu.memref_slice %arg3[%select_n3A_1431, %dma_wait3A_1860] : memref<26x16384xi32, #tpu.memory_space<hbm>> -> memref<1x16384xi32, #tpu.memory_space<hbm>>
        %dma_wait3A_1862 = tpu.memref_squeeze %dma_wait3A_1861 : memref<1x16384xi32, #tpu.memory_space<hbm>> -> memref<16384xi32, #tpu.memory_space<hbm>>
        %dma_wait3A_1863 = arith.constant 0 : i32
        %dma_wait3A_1864 = tpu.memref_slice %arg3[%select_n3A_1431, %dma_wait3A_1863] : memref<26x16384xi32, #tpu.memory_space<hbm>> -> memref<1x16384xi32, #tpu.memory_space<hbm>>
        %dma_wait3A_1865 = tpu.memref_squeeze %dma_wait3A_1864 : memref<1x16384xi32, #tpu.memory_space<hbm>> -> memref<16384xi32, #tpu.memory_space<hbm>>
        tpu.wait_dma2 semaphore(%run_scoped3A : memref<!tpu.dma_semaphore, #tpu.memory_space<semaphore_mem>>) src(%dma_wait3A_1865 : memref<16384xi32, #tpu.memory_space<hbm>>) dst(%arg6 : memref<16384xi32, #tpu.memory_space<vmem>>)
        tpu.yield
      }) : () -> ()
    } else {
    }
    %dma_wait3A_1484 = arith.constant 0 : i32
    %dma_wait3A_1485 = tpu.memref_slice %arg2[%select_n3A_1431, %select_n3A_1447, %dma_wait3A_1484] : memref<26x16x100000xf32, #tpu.memory_space<hbm>> -> memref<1x1x100000xf32, #tpu.memory_space<hbm>>
    %dma_wait3A_1486 = tpu.memref_squeeze %dma_wait3A_1485 : memref<1x1x100000xf32, #tpu.memory_space<hbm>> -> memref<100000xf32, #tpu.memory_space<hbm>>
    %dma_wait3A_1487 = arith.constant 0 : i32
    %dma_wait3A_1488 = tpu.memref_slice %arg2[%select_n3A_1431, %select_n3A_1447, %dma_wait3A_1487] : memref<26x16x100000xf32, #tpu.memory_space<hbm>> -> memref<1x1x100000xf32, #tpu.memory_space<hbm>>
    %dma_wait3A_1489 = tpu.memref_squeeze %dma_wait3A_1488 : memref<1x1x100000xf32, #tpu.memory_space<hbm>> -> memref<100000xf32, #tpu.memory_space<hbm>>
    tpu.wait_dma2 semaphore(%arg9 : memref<!tpu.dma_semaphore, #tpu.memory_space<semaphore_mem>>) src(%dma_wait3A_1489 : memref<100000xf32, #tpu.memory_space<hbm>>) dst(%arg5 : memref<100000xf32, #tpu.memory_space<vmem>>)
    %dma_wait3A_1490 = arith.constant 8192 : i32
    %dma_wait3A_1491 = tpu.memref_slice %arg4[%add3A_1261, %dma_wait3A_1490] : memref<416x16384xf32, #tpu.memory_space<hbm>> -> memref<1x4096xf32, #tpu.memory_space<hbm>>
    %dma_wait3A_1492 = tpu.memref_squeeze %dma_wait3A_1491 : memref<1x4096xf32, #tpu.memory_space<hbm>> -> memref<4096xf32, #tpu.memory_space<hbm>>
    %dma_wait3A_1493 = arith.constant 8192 : i32
    %dma_wait3A_1494 = tpu.memref_slice %arg4[%add3A_1261, %dma_wait3A_1493] : memref<416x16384xf32, #tpu.memory_space<hbm>> -> memref<1x4096xf32, #tpu.memory_space<hbm>>
    %dma_wait3A_1495 = tpu.memref_squeeze %dma_wait3A_1494 : memref<1x4096xf32, #tpu.memory_space<hbm>> -> memref<4096xf32, #tpu.memory_space<hbm>>
    tpu.wait_dma2 semaphore(%arg10 : memref<!tpu.dma_semaphore, #tpu.memory_space<semaphore_mem>>) src(%arg7 : memref<4096xf32, #tpu.memory_space<vmem>>) dst(%dma_wait3A_1495 : memref<4096xf32, #tpu.memory_space<hbm>>)
    %parallel_loop3A_1496 = arith.constant 0 : i32
    %parallel_loop3A_1497 = arith.constant 4096 : i32
    %parallel_loop3A_1498 = arith.constant 16 : i32
    scf.for %parallel_loop3A_1854 = %parallel_loop3A_1496 to %parallel_loop3A_1497 step %parallel_loop3A_1498  : i32 {
      %parallel_loop3A_1855 = arith.constant 0 : i32
      %parallel_loop3A_1856 = arith.addi %parallel_loop3A_1855, %parallel_loop3A_1854 : i32
      %parallel_loop3A_1857 = arith.index_cast %parallel_loop3A_1856 : i32 to index
      %parallel_loop3A_1858 = tpu.vector_load %arg6[%parallel_loop3A_1857] {strides = array<i32>} : memref<16384xi32, #tpu.memory_space<vmem>>, vector<16xi32>,
      %parallel_loop3A_1859 = tpu.vector_load_idx %arg5[%parallel_loop3A_1858] : memref<100000xf32, #tpu.memory_space<vmem>>[vector<16xi32>], vector<16xf32>,
      %parallel_loop3A_1860 = arith.index_cast %parallel_loop3A_1854 : i32 to index
      %parallel_loop3A_1861 = tpu.vector_load %arg7[%parallel_loop3A_1860] {strides = array<i32>} : memref<4096xf32, #tpu.memory_space<vmem>>, vector<16xf32>,
      tpu.vector_store %arg7[%parallel_loop3A_1860], %parallel_loop3A_1859 {strides = array<i32>} : memref<4096xf32, #tpu.memory_space<vmem>>, vector<16xf32>,
    } {sc.loop_unroll_factor = 8 : i64, sc.parallel_access}
    %dma_start3A_1499 = arith.constant 0 : i32
    %dma_start3A_1500 = tpu.memref_slice %arg4[%add3A_1407, %dma_start3A_1499] : memref<416x16384xf32, #tpu.memory_space<hbm>> -> memref<1x4096xf32, #tpu.memory_space<hbm>>
    %dma_start3A_1501 = tpu.memref_squeeze %dma_start3A_1500 : memref<1x4096xf32, #tpu.memory_space<hbm>> -> memref<4096xf32, #tpu.memory_space<hbm>>
    %dma_start3A_1502 = arith.constant 0 : i32
    %dma_start3A_1503 = tpu.memref_slice %arg4[%add3A_1407, %dma_start3A_1502] : memref<416x16384xf32, #tpu.memory_space<hbm>> -> memref<1x4096xf32, #tpu.memory_space<hbm>>
    %dma_start3A_1504 = tpu.memref_squeeze %dma_start3A_1503 : memref<1x4096xf32, #tpu.memory_space<hbm>> -> memref<4096xf32, #tpu.memory_space<hbm>>
    tpu.enqueue_dma source(%arg7 : memref<4096xf32, #tpu.memory_space<vmem>>) target(%dma_start3A_1504 : memref<4096xf32, #tpu.memory_space<hbm>>) target_semaphore(%arg10 : memref<!tpu.dma_semaphore, #tpu.memory_space<semaphore_mem>>)
    %dma_wait3A_1505 = arith.constant 12288 : i32
    %dma_wait3A_1506 = tpu.memref_slice %arg4[%add3A_1261, %dma_wait3A_1505] : memref<416x16384xf32, #tpu.memory_space<hbm>> -> memref<1x4096xf32, #tpu.memory_space<hbm>>
    %dma_wait3A_1507 = tpu.memref_squeeze %dma_wait3A_1506 : memref<1x4096xf32, #tpu.memory_space<hbm>> -> memref<4096xf32, #tpu.memory_space<hbm>>
    %dma_wait3A_1508 = arith.constant 12288 : i32
    %dma_wait3A_1509 = tpu.memref_slice %arg4[%add3A_1261, %dma_wait3A_1508] : memref<416x16384xf32, #tpu.memory_space<hbm>> -> memref<1x4096xf32, #tpu.memory_space<hbm>>
    %dma_wait3A_1510 = tpu.memref_squeeze %dma_wait3A_1509 : memref<1x4096xf32, #tpu.memory_space<hbm>> -> memref<4096xf32, #tpu.memory_space<hbm>>
    tpu.wait_dma2 semaphore(%arg11 : memref<!tpu.dma_semaphore, #tpu.memory_space<semaphore_mem>>) src(%arg8 : memref<4096xf32, #tpu.memory_space<vmem>>) dst(%dma_wait3A_1510 : memref<4096xf32, #tpu.memory_space<hbm>>)
    %parallel_loop3A_1511 = arith.constant 0 : i32
    %parallel_loop3A_1512 = arith.constant 4096 : i32
    %parallel_loop3A_1513 = arith.constant 16 : i32
    scf.for %parallel_loop3A_1854 = %parallel_loop3A_1511 to %parallel_loop3A_1512 step %parallel_loop3A_1513  : i32 {
      %parallel_loop3A_1855 = arith.constant 4096 : i32
      %parallel_loop3A_1856 = arith.addi %parallel_loop3A_1855, %parallel_loop3A_1854 : i32
      %parallel_loop3A_1857 = arith.index_cast %parallel_loop3A_1856 : i32 to index
      %parallel_loop3A_1858 = tpu.vector_load %arg6[%parallel_loop3A_1857] {strides = array<i32>} : memref<16384xi32, #tpu.memory_space<vmem>>, vector<16xi32>,
      %parallel_loop3A_1859 = tpu.vector_load_idx %arg5[%parallel_loop3A_1858] : memref<100000xf32, #tpu.memory_space<vmem>>[vector<16xi32>], vector<16xf32>,
      %parallel_loop3A_1860 = arith.index_cast %parallel_loop3A_1854 : i32 to index
      %parallel_loop3A_1861 = tpu.vector_load %arg8[%parallel_loop3A_1860] {strides = array<i32>} : memref<4096xf32, #tpu.memory_space<vmem>>, vector<16xf32>,
      tpu.vector_store %arg8[%parallel_loop3A_1860], %parallel_loop3A_1859 {strides = array<i32>} : memref<4096xf32, #tpu.memory_space<vmem>>, vector<16xf32>,
    } {sc.loop_unroll_factor = 8 : i64, sc.parallel_access}
    %dma_start3A_1514 = arith.constant 4096 : i32
    %dma_start3A_1515 = tpu.memref_slice %arg4[%add3A_1407, %dma_start3A_1514] : memref<416x16384xf32, #tpu.memory_space<hbm>> -> memref<1x4096xf32, #tpu.memory_space<hbm>>
    %dma_start3A_1516 = tpu.memref_squeeze %dma_start3A_1515 : memref<1x4096xf32, #tpu.memory_space<hbm>> -> memref<4096xf32, #tpu.memory_space<hbm>>
    %dma_start3A_1517 = arith.constant 4096 : i32
    %dma_start3A_1518 = tpu.memref_slice %arg4[%add3A_1407, %dma_start3A_1517] : memref<416x16384xf32, #tpu.memory_space<hbm>> -> memref<1x4096xf32, #tpu.memory_space<hbm>>
    %dma_start3A_1519 = tpu.memref_squeeze %dma_start3A_1518 : memref<1x4096xf32, #tpu.memory_space<hbm>> -> memref<4096xf32, #tpu.memory_space<hbm>>
    tpu.enqueue_dma source(%arg8 : memref<4096xf32, #tpu.memory_space<vmem>>) target(%dma_start3A_1519 : memref<4096xf32, #tpu.memory_space<hbm>>) target_semaphore(%arg11 : memref<!tpu.dma_semaphore, #tpu.memory_space<semaphore_mem>>)
    %dma_wait3A_1520 = arith.constant 0 : i32
    %dma_wait3A_1521 = tpu.memref_slice %arg4[%add3A_1407, %dma_wait3A_1520] : memref<416x16384xf32, #tpu.memory_space<hbm>> -> memref<1x4096xf32, #tpu.memory_space<hbm>>
    %dma_wait3A_1522 = tpu.memref_squeeze %dma_wait3A_1521 : memref<1x4096xf32, #tpu.memory_space<hbm>> -> memref<4096xf32, #tpu.memory_space<hbm>>
    %dma_wait3A_1523 = arith.constant 0 : i32
    %dma_wait3A_1524 = tpu.memref_slice %arg4[%add3A_1407, %dma_wait3A_1523] : memref<416x16384xf32, #tpu.memory_space<hbm>> -> memref<1x4096xf32, #tpu.memory_space<hbm>>
    %dma_wait3A_1525 = tpu.memref_squeeze %dma_wait3A_1524 : memref<1x4096xf32, #tpu.memory_space<hbm>> -> memref<4096xf32, #tpu.memory_space<hbm>>
    tpu.wait_dma2 semaphore(%arg10 : memref<!tpu.dma_semaphore, #tpu.memory_space<semaphore_mem>>) src(%arg7 : memref<4096xf32, #tpu.memory_space<vmem>>) dst(%dma_wait3A_1525 : memref<4096xf32, #tpu.memory_space<hbm>>)
    %parallel_loop3A_1526 = arith.constant 0 : i32
    %parallel_loop3A_1527 = arith.constant 4096 : i32
    %parallel_loop3A_1528 = arith.constant 16 : i32
    scf.for %parallel_loop3A_1854 = %parallel_loop3A_1526 to %parallel_loop3A_1527 step %parallel_loop3A_1528  : i32 {
      %parallel_loop3A_1855 = arith.constant 8192 : i32
      %parallel_loop3A_1856 = arith.addi %parallel_loop3A_1855, %parallel_loop3A_1854 : i32
      %parallel_loop3A_1857 = arith.index_cast %parallel_loop3A_1856 : i32 to index
      %parallel_loop3A_1858 = tpu.vector_load %arg6[%parallel_loop3A_1857] {strides = array<i32>} : memref<16384xi32, #tpu.memory_space<vmem>>, vector<16xi32>,
      %parallel_loop3A_1859 = tpu.vector_load_idx %arg5[%parallel_loop3A_1858] : memref<100000xf32, #tpu.memory_space<vmem>>[vector<16xi32>], vector<16xf32>,
      %parallel_loop3A_1860 = arith.index_cast %parallel_loop3A_1854 : i32 to index
      %parallel_loop3A_1861 = tpu.vector_load %arg7[%parallel_loop3A_1860] {strides = array<i32>} : memref<4096xf32, #tpu.memory_space<vmem>>, vector<16xf32>,
      tpu.vector_store %arg7[%parallel_loop3A_1860], %parallel_loop3A_1859 {strides = array<i32>} : memref<4096xf32, #tpu.memory_space<vmem>>, vector<16xf32>,
    } {sc.loop_unroll_factor = 8 : i64, sc.parallel_access}
    %dma_start3A_1529 = arith.constant 8192 : i32
    %dma_start3A_1530 = tpu.memref_slice %arg4[%add3A_1407, %dma_start3A_1529] : memref<416x16384xf32, #tpu.memory_space<hbm>> -> memref<1x4096xf32, #tpu.memory_space<hbm>>
    %dma_start3A_1531 = tpu.memref_squeeze %dma_start3A_1530 : memref<1x4096xf32, #tpu.memory_space<hbm>> -> memref<4096xf32, #tpu.memory_space<hbm>>
    %dma_start3A_1532 = arith.constant 8192 : i32
    %dma_start3A_1533 = tpu.memref_slice %arg4[%add3A_1407, %dma_start3A_1532] : memref<416x16384xf32, #tpu.memory_space<hbm>> -> memref<1x4096xf32, #tpu.memory_space<hbm>>
    %dma_start3A_1534 = tpu.memref_squeeze %dma_start3A_1533 : memref<1x4096xf32, #tpu.memory_space<hbm>> -> memref<4096xf32, #tpu.memory_space<hbm>>
    tpu.enqueue_dma source(%arg7 : memref<4096xf32, #tpu.memory_space<vmem>>) target(%dma_start3A_1534 : memref<4096xf32, #tpu.memory_space<hbm>>) target_semaphore(%arg10 : memref<!tpu.dma_semaphore, #tpu.memory_space<semaphore_mem>>)
    %dma_wait3A_1535 = arith.constant 4096 : i32
    %dma_wait3A_1536 = tpu.memref_slice %arg4[%add3A_1407, %dma_wait3A_1535] : memref<416x16384xf32, #tpu.memory_space<hbm>> -> memref<1x4096xf32, #tpu.memory_space<hbm>>
    %dma_wait3A_1537 = tpu.memref_squeeze %dma_wait3A_1536 : memref<1x4096xf32, #tpu.memory_space<hbm>> -> memref<4096xf32, #tpu.memory_space<hbm>>
    %dma_wait3A_1538 = arith.constant 4096 : i32
    %dma_wait3A_1539 = tpu.memref_slice %arg4[%add3A_1407, %dma_wait3A_1538] : memref<416x16384xf32, #tpu.memory_space<hbm>> -> memref<1x4096xf32, #tpu.memory_space<hbm>>
    %dma_wait3A_1540 = tpu.memref_squeeze %dma_wait3A_1539 : memref<1x4096xf32, #tpu.memory_space<hbm>> -> memref<4096xf32, #tpu.memory_space<hbm>>
    tpu.wait_dma2 semaphore(%arg11 : memref<!tpu.dma_semaphore, #tpu.memory_space<semaphore_mem>>) src(%arg8 : memref<4096xf32, #tpu.memory_space<vmem>>) dst(%dma_wait3A_1540 : memref<4096xf32, #tpu.memory_space<hbm>>)
    %parallel_loop3A_1541 = arith.constant 0 : i32
    %parallel_loop3A_1542 = arith.constant 4096 : i32
    %parallel_loop3A_1543 = arith.constant 16 : i32
    scf.for %parallel_loop3A_1854 = %parallel_loop3A_1541 to %parallel_loop3A_1542 step %parallel_loop3A_1543  : i32 {
      %parallel_loop3A_1855 = arith.constant 12288 : i32
      %parallel_loop3A_1856 = arith.addi %parallel_loop3A_1855, %parallel_loop3A_1854 : i32
      %parallel_loop3A_1857 = arith.index_cast %parallel_loop3A_1856 : i32 to index
      %parallel_loop3A_1858 = tpu.vector_load %arg6[%parallel_loop3A_1857] {strides = array<i32>} : memref<16384xi32, #tpu.memory_space<vmem>>, vector<16xi32>,
      %parallel_loop3A_1859 = tpu.vector_load_idx %arg5[%parallel_loop3A_1858] : memref<100000xf32, #tpu.memory_space<vmem>>[vector<16xi32>], vector<16xf32>,
      %parallel_loop3A_1860 = arith.index_cast %parallel_loop3A_1854 : i32 to index
      %parallel_loop3A_1861 = tpu.vector_load %arg8[%parallel_loop3A_1860] {strides = array<i32>} : memref<4096xf32, #tpu.memory_space<vmem>>, vector<16xf32>,
      tpu.vector_store %arg8[%parallel_loop3A_1860], %parallel_loop3A_1859 {strides = array<i32>} : memref<4096xf32, #tpu.memory_space<vmem>>, vector<16xf32>,
    } {sc.loop_unroll_factor = 8 : i64, sc.parallel_access}
    %dma_start3A_1544 = arith.constant 12288 : i32
    %dma_start3A_1545 = tpu.memref_slice %arg4[%add3A_1407, %dma_start3A_1544] : memref<416x16384xf32, #tpu.memory_space<hbm>> -> memref<1x4096xf32, #tpu.memory_space<hbm>>
    %dma_start3A_1546 = tpu.memref_squeeze %dma_start3A_1545 : memref<1x4096xf32, #tpu.memory_space<hbm>> -> memref<4096xf32, #tpu.memory_space<hbm>>
    %dma_start3A_1547 = arith.constant 12288 : i32
    %dma_start3A_1548 = tpu.memref_slice %arg4[%add3A_1407, %dma_start3A_1547] : memref<416x16384xf32, #tpu.memory_space<hbm>> -> memref<1x4096xf32, #tpu.memory_space<hbm>>
    %dma_start3A_1549 = tpu.memref_squeeze %dma_start3A_1548 : memref<1x4096xf32, #tpu.memory_space<hbm>> -> memref<4096xf32, #tpu.memory_space<hbm>>
    tpu.enqueue_dma source(%arg8 : memref<4096xf32, #tpu.memory_space<vmem>>) target(%dma_start3A_1549 : memref<4096xf32, #tpu.memory_space<hbm>>) target_semaphore(%arg11 : memref<!tpu.dma_semaphore, #tpu.memory_space<semaphore_mem>>)
    %mul3A_1550 = arith.constant 13 : i32
    %mul3A_1551 = arith.muli %add3A, %mul3A_1550 : i32
    %add3A_1552 = arith.constant 11 : i32
    %add3A_1553 = arith.addi %mul3A_1551, %add3A_1552 : i32
    %jit3A_1554 = arith.constant 16 : i32
    %div3A_1555 = arith.divsi %add3A_1553, %jit3A_1554 : i32
    %sign3A_1556 = arith.constant 0 : i32
    %sign3A_1557 = arith.cmpi sgt, %add3A_1553, %sign3A_1556 : i32
    %sign3A_1558 = arith.extui %sign3A_1557 : i1 to i32
    %sign3A_1559 = arith.constant 0 : i32
    %sign3A_1560 = arith.cmpi slt, %add3A_1553, %sign3A_1559 : i32
    %sign3A_1561 = arith.extui %sign3A_1560 : i1 to i32
    %sign3A_1562 = arith.subi %sign3A_1558, %sign3A_1561 : i32
    %sign3A_1563 = arith.constant 0 : i32
    %sign3A_1564 = arith.cmpi sgt, %jit3A_1554, %sign3A_1563 : i32
    %sign3A_1565 = arith.extui %sign3A_1564 : i1 to i32
    %sign3A_1566 = arith.constant 0 : i32
    %sign3A_1567 = arith.cmpi slt, %jit3A_1554, %sign3A_1566 : i32
    %sign3A_1568 = arith.extui %sign3A_1567 : i1 to i32
    %sign3A_1569 = arith.subi %sign3A_1565, %sign3A_1568 : i32
    %ne3A_1570 = arith.cmpi ne, %sign3A_1562, %sign3A_1569 : i32
    %rem3A_1571 = arith.remsi %add3A_1553, %jit3A_1554 : i32
    %ne3A_1572 = arith.constant 0 : i32
    %ne3A_1573 = arith.cmpi ne, %rem3A_1571, %ne3A_1572 : i32
    %and3A_1574 = arith.andi %ne3A_1570, %ne3A_1573 : i1
    %sub3A_1575 = arith.constant 1 : i32
    %sub3A_1576 = arith.subi %div3A_1555, %sub3A_1575 : i32
    %select_n3A_1577 = arith.select %and3A_1574, %sub3A_1576, %div3A_1555 : i32
    %jit3A_1578 = arith.constant 16 : i32
    %eq3A_1579 = arith.constant 0 : i32
    %eq3A_1580 = arith.cmpi eq, %jit3A_1578, %eq3A_1579 : i32
    %jit3A_1581 = arith.constant 1 : i32
    %select_n3A_1582 = arith.select %eq3A_1580, %jit3A_1581, %jit3A_1578 : i32
    %rem3A_1583 = arith.remsi %add3A_1553, %select_n3A_1582 : i32
    %ne3A_1584 = arith.constant 0 : i32
    %ne3A_1585 = arith.cmpi ne, %rem3A_1583, %ne3A_1584 : i32
    %lt3A_1586 = arith.constant 0 : i32
    %lt3A_1587 = arith.cmpi slt, %rem3A_1583, %lt3A_1586 : i32
    %lt3A_1588 = arith.constant 0 : i32
    %lt3A_1589 = arith.cmpi slt, %select_n3A_1582, %lt3A_1588 : i32
    %ne3A_1590 = arith.xori %lt3A_1587, %lt3A_1589 : i1
    %and3A_1591 = arith.andi %ne3A_1590, %ne3A_1585 : i1
    %add3A_1592 = arith.addi %rem3A_1583, %select_n3A_1582 : i32
    %select_n3A_1593 = arith.select %and3A_1591, %add3A_1592, %rem3A_1583 : i32
    %dma_start3A_1594 = arith.constant 0 : i32
    %dma_start3A_1595 = tpu.memref_slice %arg2[%select_n3A_1577, %select_n3A_1593, %dma_start3A_1594] : memref<26x16x100000xf32, #tpu.memory_space<hbm>> -> memref<1x1x100000xf32, #tpu.memory_space<hbm>>
    %dma_start3A_1596 = tpu.memref_squeeze %dma_start3A_1595 : memref<1x1x100000xf32, #tpu.memory_space<hbm>> -> memref<100000xf32, #tpu.memory_space<hbm>>
    %dma_start3A_1597 = arith.constant 0 : i32
    %dma_start3A_1598 = tpu.memref_slice %arg2[%select_n3A_1577, %select_n3A_1593, %dma_start3A_1597] : memref<26x16x100000xf32, #tpu.memory_space<hbm>> -> memref<1x1x100000xf32, #tpu.memory_space<hbm>>
    %dma_start3A_1599 = tpu.memref_squeeze %dma_start3A_1598 : memref<1x1x100000xf32, #tpu.memory_space<hbm>> -> memref<100000xf32, #tpu.memory_space<hbm>>
    tpu.enqueue_dma source(%dma_start3A_1599 : memref<100000xf32, #tpu.memory_space<hbm>>) target(%arg5 : memref<100000xf32, #tpu.memory_space<vmem>>) target_semaphore(%arg9 : memref<!tpu.dma_semaphore, #tpu.memory_space<semaphore_mem>>)
    %sub3A_1600 = arith.constant 1 : i32
    %sub3A_1601 = arith.subi %add3A_1553, %sub3A_1600 : i32
    %jit3A_1602 = arith.constant 16 : i32
    %div3A_1603 = arith.divsi %sub3A_1601, %jit3A_1602 : i32
    %sign3A_1604 = arith.constant 0 : i32
    %sign3A_1605 = arith.cmpi sgt, %sub3A_1601, %sign3A_1604 : i32
    %sign3A_1606 = arith.extui %sign3A_1605 : i1 to i32
    %sign3A_1607 = arith.constant 0 : i32
    %sign3A_1608 = arith.cmpi slt, %sub3A_1601, %sign3A_1607 : i32
    %sign3A_1609 = arith.extui %sign3A_1608 : i1 to i32
    %sign3A_1610 = arith.subi %sign3A_1606, %sign3A_1609 : i32
    %sign3A_1611 = arith.constant 0 : i32
    %sign3A_1612 = arith.cmpi sgt, %jit3A_1602, %sign3A_1611 : i32
    %sign3A_1613 = arith.extui %sign3A_1612 : i1 to i32
    %sign3A_1614 = arith.constant 0 : i32
    %sign3A_1615 = arith.cmpi slt, %jit3A_1602, %sign3A_1614 : i32
    %sign3A_1616 = arith.extui %sign3A_1615 : i1 to i32
    %sign3A_1617 = arith.subi %sign3A_1613, %sign3A_1616 : i32
    %ne3A_1618 = arith.cmpi ne, %sign3A_1610, %sign3A_1617 : i32
    %rem3A_1619 = arith.remsi %sub3A_1601, %jit3A_1602 : i32
    %ne3A_1620 = arith.constant 0 : i32
    %ne3A_1621 = arith.cmpi ne, %rem3A_1619, %ne3A_1620 : i32
    %and3A_1622 = arith.andi %ne3A_1618, %ne3A_1621 : i1
    %sub3A_1623 = arith.constant 1 : i32
    %sub3A_1624 = arith.subi %div3A_1603, %sub3A_1623 : i32
    %select_n3A_1625 = arith.select %and3A_1622, %sub3A_1624, %div3A_1603 : i32
    %ne3A_1626 = arith.cmpi ne, %select_n3A_1577, %select_n3A_1625 : i32
    %convert_element_type3A_1627 = arith.extui %ne3A_1626 : i1 to i32
    %cond3A_1628 = arith.constant 0 : i32
    %cond3A_1629 = arith.cmpi ne, %convert_element_type3A_1627, %cond3A_1628 : i32
    scf.if %cond3A_1629 {
      "tpu.region"() ({
        %run_scoped3A = tpu.sem_alloc : memref<!tpu.dma_semaphore, #tpu.memory_space<semaphore_mem>>
        %dma_start3A_1854 = arith.constant 0 : i32
        %dma_start3A_1855 = tpu.memref_slice %arg3[%select_n3A_1577, %dma_start3A_1854] : memref<26x16384xi32, #tpu.memory_space<hbm>> -> memref<1x16384xi32, #tpu.memory_space<hbm>>
        %dma_start3A_1856 = tpu.memref_squeeze %dma_start3A_1855 : memref<1x16384xi32, #tpu.memory_space<hbm>> -> memref<16384xi32, #tpu.memory_space<hbm>>
        %dma_start3A_1857 = arith.constant 0 : i32
        %dma_start3A_1858 = tpu.memref_slice %arg3[%select_n3A_1577, %dma_start3A_1857] : memref<26x16384xi32, #tpu.memory_space<hbm>> -> memref<1x16384xi32, #tpu.memory_space<hbm>>
        %dma_start3A_1859 = tpu.memref_squeeze %dma_start3A_1858 : memref<1x16384xi32, #tpu.memory_space<hbm>> -> memref<16384xi32, #tpu.memory_space<hbm>>
        tpu.enqueue_dma source(%dma_start3A_1859 : memref<16384xi32, #tpu.memory_space<hbm>>) target(%arg6 : memref<16384xi32, #tpu.memory_space<vmem>>) target_semaphore(%run_scoped3A : memref<!tpu.dma_semaphore, #tpu.memory_space<semaphore_mem>>)
        %dma_wait3A_1860 = arith.constant 0 : i32
        %dma_wait3A_1861 = tpu.memref_slice %arg3[%select_n3A_1577, %dma_wait3A_1860] : memref<26x16384xi32, #tpu.memory_space<hbm>> -> memref<1x16384xi32, #tpu.memory_space<hbm>>
        %dma_wait3A_1862 = tpu.memref_squeeze %dma_wait3A_1861 : memref<1x16384xi32, #tpu.memory_space<hbm>> -> memref<16384xi32, #tpu.memory_space<hbm>>
        %dma_wait3A_1863 = arith.constant 0 : i32
        %dma_wait3A_1864 = tpu.memref_slice %arg3[%select_n3A_1577, %dma_wait3A_1863] : memref<26x16384xi32, #tpu.memory_space<hbm>> -> memref<1x16384xi32, #tpu.memory_space<hbm>>
        %dma_wait3A_1865 = tpu.memref_squeeze %dma_wait3A_1864 : memref<1x16384xi32, #tpu.memory_space<hbm>> -> memref<16384xi32, #tpu.memory_space<hbm>>
        tpu.wait_dma2 semaphore(%run_scoped3A : memref<!tpu.dma_semaphore, #tpu.memory_space<semaphore_mem>>) src(%dma_wait3A_1865 : memref<16384xi32, #tpu.memory_space<hbm>>) dst(%arg6 : memref<16384xi32, #tpu.memory_space<vmem>>)
        tpu.yield
      }) : () -> ()
    } else {
    }
    %dma_wait3A_1630 = arith.constant 0 : i32
    %dma_wait3A_1631 = tpu.memref_slice %arg2[%select_n3A_1577, %select_n3A_1593, %dma_wait3A_1630] : memref<26x16x100000xf32, #tpu.memory_space<hbm>> -> memref<1x1x100000xf32, #tpu.memory_space<hbm>>
    %dma_wait3A_1632 = tpu.memref_squeeze %dma_wait3A_1631 : memref<1x1x100000xf32, #tpu.memory_space<hbm>> -> memref<100000xf32, #tpu.memory_space<hbm>>
    %dma_wait3A_1633 = arith.constant 0 : i32
    %dma_wait3A_1634 = tpu.memref_slice %arg2[%select_n3A_1577, %select_n3A_1593, %dma_wait3A_1633] : memref<26x16x100000xf32, #tpu.memory_space<hbm>> -> memref<1x1x100000xf32, #tpu.memory_space<hbm>>
    %dma_wait3A_1635 = tpu.memref_squeeze %dma_wait3A_1634 : memref<1x1x100000xf32, #tpu.memory_space<hbm>> -> memref<100000xf32, #tpu.memory_space<hbm>>
    tpu.wait_dma2 semaphore(%arg9 : memref<!tpu.dma_semaphore, #tpu.memory_space<semaphore_mem>>) src(%dma_wait3A_1635 : memref<100000xf32, #tpu.memory_space<hbm>>) dst(%arg5 : memref<100000xf32, #tpu.memory_space<vmem>>)
    %dma_wait3A_1636 = arith.constant 8192 : i32
    %dma_wait3A_1637 = tpu.memref_slice %arg4[%add3A_1407, %dma_wait3A_1636] : memref<416x16384xf32, #tpu.memory_space<hbm>> -> memref<1x4096xf32, #tpu.memory_space<hbm>>
    %dma_wait3A_1638 = tpu.memref_squeeze %dma_wait3A_1637 : memref<1x4096xf32, #tpu.memory_space<hbm>> -> memref<4096xf32, #tpu.memory_space<hbm>>
    %dma_wait3A_1639 = arith.constant 8192 : i32
    %dma_wait3A_1640 = tpu.memref_slice %arg4[%add3A_1407, %dma_wait3A_1639] : memref<416x16384xf32, #tpu.memory_space<hbm>> -> memref<1x4096xf32, #tpu.memory_space<hbm>>
    %dma_wait3A_1641 = tpu.memref_squeeze %dma_wait3A_1640 : memref<1x4096xf32, #tpu.memory_space<hbm>> -> memref<4096xf32, #tpu.memory_space<hbm>>
    tpu.wait_dma2 semaphore(%arg10 : memref<!tpu.dma_semaphore, #tpu.memory_space<semaphore_mem>>) src(%arg7 : memref<4096xf32, #tpu.memory_space<vmem>>) dst(%dma_wait3A_1641 : memref<4096xf32, #tpu.memory_space<hbm>>)
    %parallel_loop3A_1642 = arith.constant 0 : i32
    %parallel_loop3A_1643 = arith.constant 4096 : i32
    %parallel_loop3A_1644 = arith.constant 16 : i32
    scf.for %parallel_loop3A_1854 = %parallel_loop3A_1642 to %parallel_loop3A_1643 step %parallel_loop3A_1644  : i32 {
      %parallel_loop3A_1855 = arith.constant 0 : i32
      %parallel_loop3A_1856 = arith.addi %parallel_loop3A_1855, %parallel_loop3A_1854 : i32
      %parallel_loop3A_1857 = arith.index_cast %parallel_loop3A_1856 : i32 to index
      %parallel_loop3A_1858 = tpu.vector_load %arg6[%parallel_loop3A_1857] {strides = array<i32>} : memref<16384xi32, #tpu.memory_space<vmem>>, vector<16xi32>,
      %parallel_loop3A_1859 = tpu.vector_load_idx %arg5[%parallel_loop3A_1858] : memref<100000xf32, #tpu.memory_space<vmem>>[vector<16xi32>], vector<16xf32>,
      %parallel_loop3A_1860 = arith.index_cast %parallel_loop3A_1854 : i32 to index
      %parallel_loop3A_1861 = tpu.vector_load %arg7[%parallel_loop3A_1860] {strides = array<i32>} : memref<4096xf32, #tpu.memory_space<vmem>>, vector<16xf32>,
      tpu.vector_store %arg7[%parallel_loop3A_1860], %parallel_loop3A_1859 {strides = array<i32>} : memref<4096xf32, #tpu.memory_space<vmem>>, vector<16xf32>,
    } {sc.loop_unroll_factor = 8 : i64, sc.parallel_access}
    %dma_start3A_1645 = arith.constant 0 : i32
    %dma_start3A_1646 = tpu.memref_slice %arg4[%add3A_1553, %dma_start3A_1645] : memref<416x16384xf32, #tpu.memory_space<hbm>> -> memref<1x4096xf32, #tpu.memory_space<hbm>>
    %dma_start3A_1647 = tpu.memref_squeeze %dma_start3A_1646 : memref<1x4096xf32, #tpu.memory_space<hbm>> -> memref<4096xf32, #tpu.memory_space<hbm>>
    %dma_start3A_1648 = arith.constant 0 : i32
    %dma_start3A_1649 = tpu.memref_slice %arg4[%add3A_1553, %dma_start3A_1648] : memref<416x16384xf32, #tpu.memory_space<hbm>> -> memref<1x4096xf32, #tpu.memory_space<hbm>>
    %dma_start3A_1650 = tpu.memref_squeeze %dma_start3A_1649 : memref<1x4096xf32, #tpu.memory_space<hbm>> -> memref<4096xf32, #tpu.memory_space<hbm>>
    tpu.enqueue_dma source(%arg7 : memref<4096xf32, #tpu.memory_space<vmem>>) target(%dma_start3A_1650 : memref<4096xf32, #tpu.memory_space<hbm>>) target_semaphore(%arg10 : memref<!tpu.dma_semaphore, #tpu.memory_space<semaphore_mem>>)
    %dma_wait3A_1651 = arith.constant 12288 : i32
    %dma_wait3A_1652 = tpu.memref_slice %arg4[%add3A_1407, %dma_wait3A_1651] : memref<416x16384xf32, #tpu.memory_space<hbm>> -> memref<1x4096xf32, #tpu.memory_space<hbm>>
    %dma_wait3A_1653 = tpu.memref_squeeze %dma_wait3A_1652 : memref<1x4096xf32, #tpu.memory_space<hbm>> -> memref<4096xf32, #tpu.memory_space<hbm>>
    %dma_wait3A_1654 = arith.constant 12288 : i32
    %dma_wait3A_1655 = tpu.memref_slice %arg4[%add3A_1407, %dma_wait3A_1654] : memref<416x16384xf32, #tpu.memory_space<hbm>> -> memref<1x4096xf32, #tpu.memory_space<hbm>>
    %dma_wait3A_1656 = tpu.memref_squeeze %dma_wait3A_1655 : memref<1x4096xf32, #tpu.memory_space<hbm>> -> memref<4096xf32, #tpu.memory_space<hbm>>
    tpu.wait_dma2 semaphore(%arg11 : memref<!tpu.dma_semaphore, #tpu.memory_space<semaphore_mem>>) src(%arg8 : memref<4096xf32, #tpu.memory_space<vmem>>) dst(%dma_wait3A_1656 : memref<4096xf32, #tpu.memory_space<hbm>>)
    %parallel_loop3A_1657 = arith.constant 0 : i32
    %parallel_loop3A_1658 = arith.constant 4096 : i32
    %parallel_loop3A_1659 = arith.constant 16 : i32
    scf.for %parallel_loop3A_1854 = %parallel_loop3A_1657 to %parallel_loop3A_1658 step %parallel_loop3A_1659  : i32 {
      %parallel_loop3A_1855 = arith.constant 4096 : i32
      %parallel_loop3A_1856 = arith.addi %parallel_loop3A_1855, %parallel_loop3A_1854 : i32
      %parallel_loop3A_1857 = arith.index_cast %parallel_loop3A_1856 : i32 to index
      %parallel_loop3A_1858 = tpu.vector_load %arg6[%parallel_loop3A_1857] {strides = array<i32>} : memref<16384xi32, #tpu.memory_space<vmem>>, vector<16xi32>,
      %parallel_loop3A_1859 = tpu.vector_load_idx %arg5[%parallel_loop3A_1858] : memref<100000xf32, #tpu.memory_space<vmem>>[vector<16xi32>], vector<16xf32>,
      %parallel_loop3A_1860 = arith.index_cast %parallel_loop3A_1854 : i32 to index
      %parallel_loop3A_1861 = tpu.vector_load %arg8[%parallel_loop3A_1860] {strides = array<i32>} : memref<4096xf32, #tpu.memory_space<vmem>>, vector<16xf32>,
      tpu.vector_store %arg8[%parallel_loop3A_1860], %parallel_loop3A_1859 {strides = array<i32>} : memref<4096xf32, #tpu.memory_space<vmem>>, vector<16xf32>,
    } {sc.loop_unroll_factor = 8 : i64, sc.parallel_access}
    %dma_start3A_1660 = arith.constant 4096 : i32
    %dma_start3A_1661 = tpu.memref_slice %arg4[%add3A_1553, %dma_start3A_1660] : memref<416x16384xf32, #tpu.memory_space<hbm>> -> memref<1x4096xf32, #tpu.memory_space<hbm>>
    %dma_start3A_1662 = tpu.memref_squeeze %dma_start3A_1661 : memref<1x4096xf32, #tpu.memory_space<hbm>> -> memref<4096xf32, #tpu.memory_space<hbm>>
    %dma_start3A_1663 = arith.constant 4096 : i32
    %dma_start3A_1664 = tpu.memref_slice %arg4[%add3A_1553, %dma_start3A_1663] : memref<416x16384xf32, #tpu.memory_space<hbm>> -> memref<1x4096xf32, #tpu.memory_space<hbm>>
    %dma_start3A_1665 = tpu.memref_squeeze %dma_start3A_1664 : memref<1x4096xf32, #tpu.memory_space<hbm>> -> memref<4096xf32, #tpu.memory_space<hbm>>
    tpu.enqueue_dma source(%arg8 : memref<4096xf32, #tpu.memory_space<vmem>>) target(%dma_start3A_1665 : memref<4096xf32, #tpu.memory_space<hbm>>) target_semaphore(%arg11 : memref<!tpu.dma_semaphore, #tpu.memory_space<semaphore_mem>>)
    %dma_wait3A_1666 = arith.constant 0 : i32
    %dma_wait3A_1667 = tpu.memref_slice %arg4[%add3A_1553, %dma_wait3A_1666] : memref<416x16384xf32, #tpu.memory_space<hbm>> -> memref<1x4096xf32, #tpu.memory_space<hbm>>
    %dma_wait3A_1668 = tpu.memref_squeeze %dma_wait3A_1667 : memref<1x4096xf32, #tpu.memory_space<hbm>> -> memref<4096xf32, #tpu.memory_space<hbm>>
    %dma_wait3A_1669 = arith.constant 0 : i32
    %dma_wait3A_1670 = tpu.memref_slice %arg4[%add3A_1553, %dma_wait3A_1669] : memref<416x16384xf32, #tpu.memory_space<hbm>> -> memref<1x4096xf32, #tpu.memory_space<hbm>>
    %dma_wait3A_1671 = tpu.memref_squeeze %dma_wait3A_1670 : memref<1x4096xf32, #tpu.memory_space<hbm>> -> memref<4096xf32, #tpu.memory_space<hbm>>
    tpu.wait_dma2 semaphore(%arg10 : memref<!tpu.dma_semaphore, #tpu.memory_space<semaphore_mem>>) src(%arg7 : memref<4096xf32, #tpu.memory_space<vmem>>) dst(%dma_wait3A_1671 : memref<4096xf32, #tpu.memory_space<hbm>>)
    %parallel_loop3A_1672 = arith.constant 0 : i32
    %parallel_loop3A_1673 = arith.constant 4096 : i32
    %parallel_loop3A_1674 = arith.constant 16 : i32
    scf.for %parallel_loop3A_1854 = %parallel_loop3A_1672 to %parallel_loop3A_1673 step %parallel_loop3A_1674  : i32 {
      %parallel_loop3A_1855 = arith.constant 8192 : i32
      %parallel_loop3A_1856 = arith.addi %parallel_loop3A_1855, %parallel_loop3A_1854 : i32
      %parallel_loop3A_1857 = arith.index_cast %parallel_loop3A_1856 : i32 to index
      %parallel_loop3A_1858 = tpu.vector_load %arg6[%parallel_loop3A_1857] {strides = array<i32>} : memref<16384xi32, #tpu.memory_space<vmem>>, vector<16xi32>,
      %parallel_loop3A_1859 = tpu.vector_load_idx %arg5[%parallel_loop3A_1858] : memref<100000xf32, #tpu.memory_space<vmem>>[vector<16xi32>], vector<16xf32>,
      %parallel_loop3A_1860 = arith.index_cast %parallel_loop3A_1854 : i32 to index
      %parallel_loop3A_1861 = tpu.vector_load %arg7[%parallel_loop3A_1860] {strides = array<i32>} : memref<4096xf32, #tpu.memory_space<vmem>>, vector<16xf32>,
      tpu.vector_store %arg7[%parallel_loop3A_1860], %parallel_loop3A_1859 {strides = array<i32>} : memref<4096xf32, #tpu.memory_space<vmem>>, vector<16xf32>,
    } {sc.loop_unroll_factor = 8 : i64, sc.parallel_access}
    %dma_start3A_1675 = arith.constant 8192 : i32
    %dma_start3A_1676 = tpu.memref_slice %arg4[%add3A_1553, %dma_start3A_1675] : memref<416x16384xf32, #tpu.memory_space<hbm>> -> memref<1x4096xf32, #tpu.memory_space<hbm>>
    %dma_start3A_1677 = tpu.memref_squeeze %dma_start3A_1676 : memref<1x4096xf32, #tpu.memory_space<hbm>> -> memref<4096xf32, #tpu.memory_space<hbm>>
    %dma_start3A_1678 = arith.constant 8192 : i32
    %dma_start3A_1679 = tpu.memref_slice %arg4[%add3A_1553, %dma_start3A_1678] : memref<416x16384xf32, #tpu.memory_space<hbm>> -> memref<1x4096xf32, #tpu.memory_space<hbm>>
    %dma_start3A_1680 = tpu.memref_squeeze %dma_start3A_1679 : memref<1x4096xf32, #tpu.memory_space<hbm>> -> memref<4096xf32, #tpu.memory_space<hbm>>
    tpu.enqueue_dma source(%arg7 : memref<4096xf32, #tpu.memory_space<vmem>>) target(%dma_start3A_1680 : memref<4096xf32, #tpu.memory_space<hbm>>) target_semaphore(%arg10 : memref<!tpu.dma_semaphore, #tpu.memory_space<semaphore_mem>>)
    %dma_wait3A_1681 = arith.constant 4096 : i32
    %dma_wait3A_1682 = tpu.memref_slice %arg4[%add3A_1553, %dma_wait3A_1681] : memref<416x16384xf32, #tpu.memory_space<hbm>> -> memref<1x4096xf32, #tpu.memory_space<hbm>>
    %dma_wait3A_1683 = tpu.memref_squeeze %dma_wait3A_1682 : memref<1x4096xf32, #tpu.memory_space<hbm>> -> memref<4096xf32, #tpu.memory_space<hbm>>
    %dma_wait3A_1684 = arith.constant 4096 : i32
    %dma_wait3A_1685 = tpu.memref_slice %arg4[%add3A_1553, %dma_wait3A_1684] : memref<416x16384xf32, #tpu.memory_space<hbm>> -> memref<1x4096xf32, #tpu.memory_space<hbm>>
    %dma_wait3A_1686 = tpu.memref_squeeze %dma_wait3A_1685 : memref<1x4096xf32, #tpu.memory_space<hbm>> -> memref<4096xf32, #tpu.memory_space<hbm>>
    tpu.wait_dma2 semaphore(%arg11 : memref<!tpu.dma_semaphore, #tpu.memory_space<semaphore_mem>>) src(%arg8 : memref<4096xf32, #tpu.memory_space<vmem>>) dst(%dma_wait3A_1686 : memref<4096xf32, #tpu.memory_space<hbm>>)
    %parallel_loop3A_1687 = arith.constant 0 : i32
    %parallel_loop3A_1688 = arith.constant 4096 : i32
    %parallel_loop3A_1689 = arith.constant 16 : i32
    scf.for %parallel_loop3A_1854 = %parallel_loop3A_1687 to %parallel_loop3A_1688 step %parallel_loop3A_1689  : i32 {
      %parallel_loop3A_1855 = arith.constant 12288 : i32
      %parallel_loop3A_1856 = arith.addi %parallel_loop3A_1855, %parallel_loop3A_1854 : i32
      %parallel_loop3A_1857 = arith.index_cast %parallel_loop3A_1856 : i32 to index
      %parallel_loop3A_1858 = tpu.vector_load %arg6[%parallel_loop3A_1857] {strides = array<i32>} : memref<16384xi32, #tpu.memory_space<vmem>>, vector<16xi32>,
      %parallel_loop3A_1859 = tpu.vector_load_idx %arg5[%parallel_loop3A_1858] : memref<100000xf32, #tpu.memory_space<vmem>>[vector<16xi32>], vector<16xf32>,
      %parallel_loop3A_1860 = arith.index_cast %parallel_loop3A_1854 : i32 to index
      %parallel_loop3A_1861 = tpu.vector_load %arg8[%parallel_loop3A_1860] {strides = array<i32>} : memref<4096xf32, #tpu.memory_space<vmem>>, vector<16xf32>,
      tpu.vector_store %arg8[%parallel_loop3A_1860], %parallel_loop3A_1859 {strides = array<i32>} : memref<4096xf32, #tpu.memory_space<vmem>>, vector<16xf32>,
    } {sc.loop_unroll_factor = 8 : i64, sc.parallel_access}
    %dma_start3A_1690 = arith.constant 12288 : i32
    %dma_start3A_1691 = tpu.memref_slice %arg4[%add3A_1553, %dma_start3A_1690] : memref<416x16384xf32, #tpu.memory_space<hbm>> -> memref<1x4096xf32, #tpu.memory_space<hbm>>
    %dma_start3A_1692 = tpu.memref_squeeze %dma_start3A_1691 : memref<1x4096xf32, #tpu.memory_space<hbm>> -> memref<4096xf32, #tpu.memory_space<hbm>>
    %dma_start3A_1693 = arith.constant 12288 : i32
    %dma_start3A_1694 = tpu.memref_slice %arg4[%add3A_1553, %dma_start3A_1693] : memref<416x16384xf32, #tpu.memory_space<hbm>> -> memref<1x4096xf32, #tpu.memory_space<hbm>>
    %dma_start3A_1695 = tpu.memref_squeeze %dma_start3A_1694 : memref<1x4096xf32, #tpu.memory_space<hbm>> -> memref<4096xf32, #tpu.memory_space<hbm>>
    tpu.enqueue_dma source(%arg8 : memref<4096xf32, #tpu.memory_space<vmem>>) target(%dma_start3A_1695 : memref<4096xf32, #tpu.memory_space<hbm>>) target_semaphore(%arg11 : memref<!tpu.dma_semaphore, #tpu.memory_space<semaphore_mem>>)
    %mul3A_1696 = arith.constant 13 : i32
    %mul3A_1697 = arith.muli %add3A, %mul3A_1696 : i32
    %add3A_1698 = arith.constant 12 : i32
    %add3A_1699 = arith.addi %mul3A_1697, %add3A_1698 : i32
    %jit3A_1700 = arith.constant 16 : i32
    %div3A_1701 = arith.divsi %add3A_1699, %jit3A_1700 : i32
    %sign3A_1702 = arith.constant 0 : i32
    %sign3A_1703 = arith.cmpi sgt, %add3A_1699, %sign3A_1702 : i32
    %sign3A_1704 = arith.extui %sign3A_1703 : i1 to i32
    %sign3A_1705 = arith.constant 0 : i32
    %sign3A_1706 = arith.cmpi slt, %add3A_1699, %sign3A_1705 : i32
    %sign3A_1707 = arith.extui %sign3A_1706 : i1 to i32
    %sign3A_1708 = arith.subi %sign3A_1704, %sign3A_1707 : i32
    %sign3A_1709 = arith.constant 0 : i32
    %sign3A_1710 = arith.cmpi sgt, %jit3A_1700, %sign3A_1709 : i32
    %sign3A_1711 = arith.extui %sign3A_1710 : i1 to i32
    %sign3A_1712 = arith.constant 0 : i32
    %sign3A_1713 = arith.cmpi slt, %jit3A_1700, %sign3A_1712 : i32
    %sign3A_1714 = arith.extui %sign3A_1713 : i1 to i32
    %sign3A_1715 = arith.subi %sign3A_1711, %sign3A_1714 : i32
    %ne3A_1716 = arith.cmpi ne, %sign3A_1708, %sign3A_1715 : i32
    %rem3A_1717 = arith.remsi %add3A_1699, %jit3A_1700 : i32
    %ne3A_1718 = arith.constant 0 : i32
    %ne3A_1719 = arith.cmpi ne, %rem3A_1717, %ne3A_1718 : i32
    %and3A_1720 = arith.andi %ne3A_1716, %ne3A_1719 : i1
    %sub3A_1721 = arith.constant 1 : i32
    %sub3A_1722 = arith.subi %div3A_1701, %sub3A_1721 : i32
    %select_n3A_1723 = arith.select %and3A_1720, %sub3A_1722, %div3A_1701 : i32
    %jit3A_1724 = arith.constant 16 : i32
    %eq3A_1725 = arith.constant 0 : i32
    %eq3A_1726 = arith.cmpi eq, %jit3A_1724, %eq3A_1725 : i32
    %jit3A_1727 = arith.constant 1 : i32
    %select_n3A_1728 = arith.select %eq3A_1726, %jit3A_1727, %jit3A_1724 : i32
    %rem3A_1729 = arith.remsi %add3A_1699, %select_n3A_1728 : i32
    %ne3A_1730 = arith.constant 0 : i32
    %ne3A_1731 = arith.cmpi ne, %rem3A_1729, %ne3A_1730 : i32
    %lt3A_1732 = arith.constant 0 : i32
    %lt3A_1733 = arith.cmpi slt, %rem3A_1729, %lt3A_1732 : i32
    %lt3A_1734 = arith.constant 0 : i32
    %lt3A_1735 = arith.cmpi slt, %select_n3A_1728, %lt3A_1734 : i32
    %ne3A_1736 = arith.xori %lt3A_1733, %lt3A_1735 : i1
    %and3A_1737 = arith.andi %ne3A_1736, %ne3A_1731 : i1
    %add3A_1738 = arith.addi %rem3A_1729, %select_n3A_1728 : i32
    %select_n3A_1739 = arith.select %and3A_1737, %add3A_1738, %rem3A_1729 : i32
    %dma_start3A_1740 = arith.constant 0 : i32
    %dma_start3A_1741 = tpu.memref_slice %arg2[%select_n3A_1723, %select_n3A_1739, %dma_start3A_1740] : memref<26x16x100000xf32, #tpu.memory_space<hbm>> -> memref<1x1x100000xf32, #tpu.memory_space<hbm>>
    %dma_start3A_1742 = tpu.memref_squeeze %dma_start3A_1741 : memref<1x1x100000xf32, #tpu.memory_space<hbm>> -> memref<100000xf32, #tpu.memory_space<hbm>>
    %dma_start3A_1743 = arith.constant 0 : i32
    %dma_start3A_1744 = tpu.memref_slice %arg2[%select_n3A_1723, %select_n3A_1739, %dma_start3A_1743] : memref<26x16x100000xf32, #tpu.memory_space<hbm>> -> memref<1x1x100000xf32, #tpu.memory_space<hbm>>
    %dma_start3A_1745 = tpu.memref_squeeze %dma_start3A_1744 : memref<1x1x100000xf32, #tpu.memory_space<hbm>> -> memref<100000xf32, #tpu.memory_space<hbm>>
    tpu.enqueue_dma source(%dma_start3A_1745 : memref<100000xf32, #tpu.memory_space<hbm>>) target(%arg5 : memref<100000xf32, #tpu.memory_space<vmem>>) target_semaphore(%arg9 : memref<!tpu.dma_semaphore, #tpu.memory_space<semaphore_mem>>)
    %sub3A_1746 = arith.constant 1 : i32
    %sub3A_1747 = arith.subi %add3A_1699, %sub3A_1746 : i32
    %jit3A_1748 = arith.constant 16 : i32
    %div3A_1749 = arith.divsi %sub3A_1747, %jit3A_1748 : i32
    %sign3A_1750 = arith.constant 0 : i32
    %sign3A_1751 = arith.cmpi sgt, %sub3A_1747, %sign3A_1750 : i32
    %sign3A_1752 = arith.extui %sign3A_1751 : i1 to i32
    %sign3A_1753 = arith.constant 0 : i32
    %sign3A_1754 = arith.cmpi slt, %sub3A_1747, %sign3A_1753 : i32
    %sign3A_1755 = arith.extui %sign3A_1754 : i1 to i32
    %sign3A_1756 = arith.subi %sign3A_1752, %sign3A_1755 : i32
    %sign3A_1757 = arith.constant 0 : i32
    %sign3A_1758 = arith.cmpi sgt, %jit3A_1748, %sign3A_1757 : i32
    %sign3A_1759 = arith.extui %sign3A_1758 : i1 to i32
    %sign3A_1760 = arith.constant 0 : i32
    %sign3A_1761 = arith.cmpi slt, %jit3A_1748, %sign3A_1760 : i32
    %sign3A_1762 = arith.extui %sign3A_1761 : i1 to i32
    %sign3A_1763 = arith.subi %sign3A_1759, %sign3A_1762 : i32
    %ne3A_1764 = arith.cmpi ne, %sign3A_1756, %sign3A_1763 : i32
    %rem3A_1765 = arith.remsi %sub3A_1747, %jit3A_1748 : i32
    %ne3A_1766 = arith.constant 0 : i32
    %ne3A_1767 = arith.cmpi ne, %rem3A_1765, %ne3A_1766 : i32
    %and3A_1768 = arith.andi %ne3A_1764, %ne3A_1767 : i1
    %sub3A_1769 = arith.constant 1 : i32
    %sub3A_1770 = arith.subi %div3A_1749, %sub3A_1769 : i32
    %select_n3A_1771 = arith.select %and3A_1768, %sub3A_1770, %div3A_1749 : i32
    %ne3A_1772 = arith.cmpi ne, %select_n3A_1723, %select_n3A_1771 : i32
    %convert_element_type3A_1773 = arith.extui %ne3A_1772 : i1 to i32
    %cond3A_1774 = arith.constant 0 : i32
    %cond3A_1775 = arith.cmpi ne, %convert_element_type3A_1773, %cond3A_1774 : i32
    scf.if %cond3A_1775 {
      "tpu.region"() ({
        %run_scoped3A = tpu.sem_alloc : memref<!tpu.dma_semaphore, #tpu.memory_space<semaphore_mem>>
        %dma_start3A_1854 = arith.constant 0 : i32
        %dma_start3A_1855 = tpu.memref_slice %arg3[%select_n3A_1723, %dma_start3A_1854] : memref<26x16384xi32, #tpu.memory_space<hbm>> -> memref<1x16384xi32, #tpu.memory_space<hbm>>
        %dma_start3A_1856 = tpu.memref_squeeze %dma_start3A_1855 : memref<1x16384xi32, #tpu.memory_space<hbm>> -> memref<16384xi32, #tpu.memory_space<hbm>>
        %dma_start3A_1857 = arith.constant 0 : i32
        %dma_start3A_1858 = tpu.memref_slice %arg3[%select_n3A_1723, %dma_start3A_1857] : memref<26x16384xi32, #tpu.memory_space<hbm>> -> memref<1x16384xi32, #tpu.memory_space<hbm>>
        %dma_start3A_1859 = tpu.memref_squeeze %dma_start3A_1858 : memref<1x16384xi32, #tpu.memory_space<hbm>> -> memref<16384xi32, #tpu.memory_space<hbm>>
        tpu.enqueue_dma source(%dma_start3A_1859 : memref<16384xi32, #tpu.memory_space<hbm>>) target(%arg6 : memref<16384xi32, #tpu.memory_space<vmem>>) target_semaphore(%run_scoped3A : memref<!tpu.dma_semaphore, #tpu.memory_space<semaphore_mem>>)
        %dma_wait3A_1860 = arith.constant 0 : i32
        %dma_wait3A_1861 = tpu.memref_slice %arg3[%select_n3A_1723, %dma_wait3A_1860] : memref<26x16384xi32, #tpu.memory_space<hbm>> -> memref<1x16384xi32, #tpu.memory_space<hbm>>
        %dma_wait3A_1862 = tpu.memref_squeeze %dma_wait3A_1861 : memref<1x16384xi32, #tpu.memory_space<hbm>> -> memref<16384xi32, #tpu.memory_space<hbm>>
        %dma_wait3A_1863 = arith.constant 0 : i32
        %dma_wait3A_1864 = tpu.memref_slice %arg3[%select_n3A_1723, %dma_wait3A_1863] : memref<26x16384xi32, #tpu.memory_space<hbm>> -> memref<1x16384xi32, #tpu.memory_space<hbm>>
        %dma_wait3A_1865 = tpu.memref_squeeze %dma_wait3A_1864 : memref<1x16384xi32, #tpu.memory_space<hbm>> -> memref<16384xi32, #tpu.memory_space<hbm>>
        tpu.wait_dma2 semaphore(%run_scoped3A : memref<!tpu.dma_semaphore, #tpu.memory_space<semaphore_mem>>) src(%dma_wait3A_1865 : memref<16384xi32, #tpu.memory_space<hbm>>) dst(%arg6 : memref<16384xi32, #tpu.memory_space<vmem>>)
        tpu.yield
      }) : () -> ()
    } else {
    }
    %dma_wait3A_1776 = arith.constant 0 : i32
    %dma_wait3A_1777 = tpu.memref_slice %arg2[%select_n3A_1723, %select_n3A_1739, %dma_wait3A_1776] : memref<26x16x100000xf32, #tpu.memory_space<hbm>> -> memref<1x1x100000xf32, #tpu.memory_space<hbm>>
    %dma_wait3A_1778 = tpu.memref_squeeze %dma_wait3A_1777 : memref<1x1x100000xf32, #tpu.memory_space<hbm>> -> memref<100000xf32, #tpu.memory_space<hbm>>
    %dma_wait3A_1779 = arith.constant 0 : i32
    %dma_wait3A_1780 = tpu.memref_slice %arg2[%select_n3A_1723, %select_n3A_1739, %dma_wait3A_1779] : memref<26x16x100000xf32, #tpu.memory_space<hbm>> -> memref<1x1x100000xf32, #tpu.memory_space<hbm>>
    %dma_wait3A_1781 = tpu.memref_squeeze %dma_wait3A_1780 : memref<1x1x100000xf32, #tpu.memory_space<hbm>> -> memref<100000xf32, #tpu.memory_space<hbm>>
    tpu.wait_dma2 semaphore(%arg9 : memref<!tpu.dma_semaphore, #tpu.memory_space<semaphore_mem>>) src(%dma_wait3A_1781 : memref<100000xf32, #tpu.memory_space<hbm>>) dst(%arg5 : memref<100000xf32, #tpu.memory_space<vmem>>)
    %dma_wait3A_1782 = arith.constant 8192 : i32
    %dma_wait3A_1783 = tpu.memref_slice %arg4[%add3A_1553, %dma_wait3A_1782] : memref<416x16384xf32, #tpu.memory_space<hbm>> -> memref<1x4096xf32, #tpu.memory_space<hbm>>
    %dma_wait3A_1784 = tpu.memref_squeeze %dma_wait3A_1783 : memref<1x4096xf32, #tpu.memory_space<hbm>> -> memref<4096xf32, #tpu.memory_space<hbm>>
    %dma_wait3A_1785 = arith.constant 8192 : i32
    %dma_wait3A_1786 = tpu.memref_slice %arg4[%add3A_1553, %dma_wait3A_1785] : memref<416x16384xf32, #tpu.memory_space<hbm>> -> memref<1x4096xf32, #tpu.memory_space<hbm>>
    %dma_wait3A_1787 = tpu.memref_squeeze %dma_wait3A_1786 : memref<1x4096xf32, #tpu.memory_space<hbm>> -> memref<4096xf32, #tpu.memory_space<hbm>>
    tpu.wait_dma2 semaphore(%arg10 : memref<!tpu.dma_semaphore, #tpu.memory_space<semaphore_mem>>) src(%arg7 : memref<4096xf32, #tpu.memory_space<vmem>>) dst(%dma_wait3A_1787 : memref<4096xf32, #tpu.memory_space<hbm>>)
    %parallel_loop3A_1788 = arith.constant 0 : i32
    %parallel_loop3A_1789 = arith.constant 4096 : i32
    %parallel_loop3A_1790 = arith.constant 16 : i32
    scf.for %parallel_loop3A_1854 = %parallel_loop3A_1788 to %parallel_loop3A_1789 step %parallel_loop3A_1790  : i32 {
      %parallel_loop3A_1855 = arith.constant 0 : i32
      %parallel_loop3A_1856 = arith.addi %parallel_loop3A_1855, %parallel_loop3A_1854 : i32
      %parallel_loop3A_1857 = arith.index_cast %parallel_loop3A_1856 : i32 to index
      %parallel_loop3A_1858 = tpu.vector_load %arg6[%parallel_loop3A_1857] {strides = array<i32>} : memref<16384xi32, #tpu.memory_space<vmem>>, vector<16xi32>,
      %parallel_loop3A_1859 = tpu.vector_load_idx %arg5[%parallel_loop3A_1858] : memref<100000xf32, #tpu.memory_space<vmem>>[vector<16xi32>], vector<16xf32>,
      %parallel_loop3A_1860 = arith.index_cast %parallel_loop3A_1854 : i32 to index
      %parallel_loop3A_1861 = tpu.vector_load %arg7[%parallel_loop3A_1860] {strides = array<i32>} : memref<4096xf32, #tpu.memory_space<vmem>>, vector<16xf32>,
      tpu.vector_store %arg7[%parallel_loop3A_1860], %parallel_loop3A_1859 {strides = array<i32>} : memref<4096xf32, #tpu.memory_space<vmem>>, vector<16xf32>,
    } {sc.loop_unroll_factor = 8 : i64, sc.parallel_access}
    %dma_start3A_1791 = arith.constant 0 : i32
    %dma_start3A_1792 = tpu.memref_slice %arg4[%add3A_1699, %dma_start3A_1791] : memref<416x16384xf32, #tpu.memory_space<hbm>> -> memref<1x4096xf32, #tpu.memory_space<hbm>>
    %dma_start3A_1793 = tpu.memref_squeeze %dma_start3A_1792 : memref<1x4096xf32, #tpu.memory_space<hbm>> -> memref<4096xf32, #tpu.memory_space<hbm>>
    %dma_start3A_1794 = arith.constant 0 : i32
    %dma_start3A_1795 = tpu.memref_slice %arg4[%add3A_1699, %dma_start3A_1794] : memref<416x16384xf32, #tpu.memory_space<hbm>> -> memref<1x4096xf32, #tpu.memory_space<hbm>>
    %dma_start3A_1796 = tpu.memref_squeeze %dma_start3A_1795 : memref<1x4096xf32, #tpu.memory_space<hbm>> -> memref<4096xf32, #tpu.memory_space<hbm>>
    tpu.enqueue_dma source(%arg7 : memref<4096xf32, #tpu.memory_space<vmem>>) target(%dma_start3A_1796 : memref<4096xf32, #tpu.memory_space<hbm>>) target_semaphore(%arg10 : memref<!tpu.dma_semaphore, #tpu.memory_space<semaphore_mem>>)
    %dma_wait3A_1797 = arith.constant 12288 : i32
    %dma_wait3A_1798 = tpu.memref_slice %arg4[%add3A_1553, %dma_wait3A_1797] : memref<416x16384xf32, #tpu.memory_space<hbm>> -> memref<1x4096xf32, #tpu.memory_space<hbm>>
    %dma_wait3A_1799 = tpu.memref_squeeze %dma_wait3A_1798 : memref<1x4096xf32, #tpu.memory_space<hbm>> -> memref<4096xf32, #tpu.memory_space<hbm>>
    %dma_wait3A_1800 = arith.constant 12288 : i32
    %dma_wait3A_1801 = tpu.memref_slice %arg4[%add3A_1553, %dma_wait3A_1800] : memref<416x16384xf32, #tpu.memory_space<hbm>> -> memref<1x4096xf32, #tpu.memory_space<hbm>>
    %dma_wait3A_1802 = tpu.memref_squeeze %dma_wait3A_1801 : memref<1x4096xf32, #tpu.memory_space<hbm>> -> memref<4096xf32, #tpu.memory_space<hbm>>
    tpu.wait_dma2 semaphore(%arg11 : memref<!tpu.dma_semaphore, #tpu.memory_space<semaphore_mem>>) src(%arg8 : memref<4096xf32, #tpu.memory_space<vmem>>) dst(%dma_wait3A_1802 : memref<4096xf32, #tpu.memory_space<hbm>>)
    %parallel_loop3A_1803 = arith.constant 0 : i32
    %parallel_loop3A_1804 = arith.constant 4096 : i32
    %parallel_loop3A_1805 = arith.constant 16 : i32
    scf.for %parallel_loop3A_1854 = %parallel_loop3A_1803 to %parallel_loop3A_1804 step %parallel_loop3A_1805  : i32 {
      %parallel_loop3A_1855 = arith.constant 4096 : i32
      %parallel_loop3A_1856 = arith.addi %parallel_loop3A_1855, %parallel_loop3A_1854 : i32
      %parallel_loop3A_1857 = arith.index_cast %parallel_loop3A_1856 : i32 to index
      %parallel_loop3A_1858 = tpu.vector_load %arg6[%parallel_loop3A_1857] {strides = array<i32>} : memref<16384xi32, #tpu.memory_space<vmem>>, vector<16xi32>,
      %parallel_loop3A_1859 = tpu.vector_load_idx %arg5[%parallel_loop3A_1858] : memref<100000xf32, #tpu.memory_space<vmem>>[vector<16xi32>], vector<16xf32>,
      %parallel_loop3A_1860 = arith.index_cast %parallel_loop3A_1854 : i32 to index
      %parallel_loop3A_1861 = tpu.vector_load %arg8[%parallel_loop3A_1860] {strides = array<i32>} : memref<4096xf32, #tpu.memory_space<vmem>>, vector<16xf32>,
      tpu.vector_store %arg8[%parallel_loop3A_1860], %parallel_loop3A_1859 {strides = array<i32>} : memref<4096xf32, #tpu.memory_space<vmem>>, vector<16xf32>,
    } {sc.loop_unroll_factor = 8 : i64, sc.parallel_access}
    %dma_start3A_1806 = arith.constant 4096 : i32
    %dma_start3A_1807 = tpu.memref_slice %arg4[%add3A_1699, %dma_start3A_1806] : memref<416x16384xf32, #tpu.memory_space<hbm>> -> memref<1x4096xf32, #tpu.memory_space<hbm>>
    %dma_start3A_1808 = tpu.memref_squeeze %dma_start3A_1807 : memref<1x4096xf32, #tpu.memory_space<hbm>> -> memref<4096xf32, #tpu.memory_space<hbm>>
    %dma_start3A_1809 = arith.constant 4096 : i32
    %dma_start3A_1810 = tpu.memref_slice %arg4[%add3A_1699, %dma_start3A_1809] : memref<416x16384xf32, #tpu.memory_space<hbm>> -> memref<1x4096xf32, #tpu.memory_space<hbm>>
    %dma_start3A_1811 = tpu.memref_squeeze %dma_start3A_1810 : memref<1x4096xf32, #tpu.memory_space<hbm>> -> memref<4096xf32, #tpu.memory_space<hbm>>
    tpu.enqueue_dma source(%arg8 : memref<4096xf32, #tpu.memory_space<vmem>>) target(%dma_start3A_1811 : memref<4096xf32, #tpu.memory_space<hbm>>) target_semaphore(%arg11 : memref<!tpu.dma_semaphore, #tpu.memory_space<semaphore_mem>>)
    %dma_wait3A_1812 = arith.constant 0 : i32
    %dma_wait3A_1813 = tpu.memref_slice %arg4[%add3A_1699, %dma_wait3A_1812] : memref<416x16384xf32, #tpu.memory_space<hbm>> -> memref<1x4096xf32, #tpu.memory_space<hbm>>
    %dma_wait3A_1814 = tpu.memref_squeeze %dma_wait3A_1813 : memref<1x4096xf32, #tpu.memory_space<hbm>> -> memref<4096xf32, #tpu.memory_space<hbm>>
    %dma_wait3A_1815 = arith.constant 0 : i32
    %dma_wait3A_1816 = tpu.memref_slice %arg4[%add3A_1699, %dma_wait3A_1815] : memref<416x16384xf32, #tpu.memory_space<hbm>> -> memref<1x4096xf32, #tpu.memory_space<hbm>>
    %dma_wait3A_1817 = tpu.memref_squeeze %dma_wait3A_1816 : memref<1x4096xf32, #tpu.memory_space<hbm>> -> memref<4096xf32, #tpu.memory_space<hbm>>
    tpu.wait_dma2 semaphore(%arg10 : memref<!tpu.dma_semaphore, #tpu.memory_space<semaphore_mem>>) src(%arg7 : memref<4096xf32, #tpu.memory_space<vmem>>) dst(%dma_wait3A_1817 : memref<4096xf32, #tpu.memory_space<hbm>>)
    %parallel_loop3A_1818 = arith.constant 0 : i32
    %parallel_loop3A_1819 = arith.constant 4096 : i32
    %parallel_loop3A_1820 = arith.constant 16 : i32
    scf.for %parallel_loop3A_1854 = %parallel_loop3A_1818 to %parallel_loop3A_1819 step %parallel_loop3A_1820  : i32 {
      %parallel_loop3A_1855 = arith.constant 8192 : i32
      %parallel_loop3A_1856 = arith.addi %parallel_loop3A_1855, %parallel_loop3A_1854 : i32
      %parallel_loop3A_1857 = arith.index_cast %parallel_loop3A_1856 : i32 to index
      %parallel_loop3A_1858 = tpu.vector_load %arg6[%parallel_loop3A_1857] {strides = array<i32>} : memref<16384xi32, #tpu.memory_space<vmem>>, vector<16xi32>,
      %parallel_loop3A_1859 = tpu.vector_load_idx %arg5[%parallel_loop3A_1858] : memref<100000xf32, #tpu.memory_space<vmem>>[vector<16xi32>], vector<16xf32>,
      %parallel_loop3A_1860 = arith.index_cast %parallel_loop3A_1854 : i32 to index
      %parallel_loop3A_1861 = tpu.vector_load %arg7[%parallel_loop3A_1860] {strides = array<i32>} : memref<4096xf32, #tpu.memory_space<vmem>>, vector<16xf32>,
      tpu.vector_store %arg7[%parallel_loop3A_1860], %parallel_loop3A_1859 {strides = array<i32>} : memref<4096xf32, #tpu.memory_space<vmem>>, vector<16xf32>,
    } {sc.loop_unroll_factor = 8 : i64, sc.parallel_access}
    %dma_start3A_1821 = arith.constant 8192 : i32
    %dma_start3A_1822 = tpu.memref_slice %arg4[%add3A_1699, %dma_start3A_1821] : memref<416x16384xf32, #tpu.memory_space<hbm>> -> memref<1x4096xf32, #tpu.memory_space<hbm>>
    %dma_start3A_1823 = tpu.memref_squeeze %dma_start3A_1822 : memref<1x4096xf32, #tpu.memory_space<hbm>> -> memref<4096xf32, #tpu.memory_space<hbm>>
    %dma_start3A_1824 = arith.constant 8192 : i32
    %dma_start3A_1825 = tpu.memref_slice %arg4[%add3A_1699, %dma_start3A_1824] : memref<416x16384xf32, #tpu.memory_space<hbm>> -> memref<1x4096xf32, #tpu.memory_space<hbm>>
    %dma_start3A_1826 = tpu.memref_squeeze %dma_start3A_1825 : memref<1x4096xf32, #tpu.memory_space<hbm>> -> memref<4096xf32, #tpu.memory_space<hbm>>
    tpu.enqueue_dma source(%arg7 : memref<4096xf32, #tpu.memory_space<vmem>>) target(%dma_start3A_1826 : memref<4096xf32, #tpu.memory_space<hbm>>) target_semaphore(%arg10 : memref<!tpu.dma_semaphore, #tpu.memory_space<semaphore_mem>>)
    %dma_wait3A_1827 = arith.constant 4096 : i32
    %dma_wait3A_1828 = tpu.memref_slice %arg4[%add3A_1699, %dma_wait3A_1827] : memref<416x16384xf32, #tpu.memory_space<hbm>> -> memref<1x4096xf32, #tpu.memory_space<hbm>>
    %dma_wait3A_1829 = tpu.memref_squeeze %dma_wait3A_1828 : memref<1x4096xf32, #tpu.memory_space<hbm>> -> memref<4096xf32, #tpu.memory_space<hbm>>
    %dma_wait3A_1830 = arith.constant 4096 : i32
    %dma_wait3A_1831 = tpu.memref_slice %arg4[%add3A_1699, %dma_wait3A_1830] : memref<416x16384xf32, #tpu.memory_space<hbm>> -> memref<1x4096xf32, #tpu.memory_space<hbm>>
    %dma_wait3A_1832 = tpu.memref_squeeze %dma_wait3A_1831 : memref<1x4096xf32, #tpu.memory_space<hbm>> -> memref<4096xf32, #tpu.memory_space<hbm>>
    tpu.wait_dma2 semaphore(%arg11 : memref<!tpu.dma_semaphore, #tpu.memory_space<semaphore_mem>>) src(%arg8 : memref<4096xf32, #tpu.memory_space<vmem>>) dst(%dma_wait3A_1832 : memref<4096xf32, #tpu.memory_space<hbm>>)
    %parallel_loop3A_1833 = arith.constant 0 : i32
    %parallel_loop3A_1834 = arith.constant 4096 : i32
    %parallel_loop3A_1835 = arith.constant 16 : i32
    scf.for %parallel_loop3A_1854 = %parallel_loop3A_1833 to %parallel_loop3A_1834 step %parallel_loop3A_1835  : i32 {
      %parallel_loop3A_1855 = arith.constant 12288 : i32
      %parallel_loop3A_1856 = arith.addi %parallel_loop3A_1855, %parallel_loop3A_1854 : i32
      %parallel_loop3A_1857 = arith.index_cast %parallel_loop3A_1856 : i32 to index
      %parallel_loop3A_1858 = tpu.vector_load %arg6[%parallel_loop3A_1857] {strides = array<i32>} : memref<16384xi32, #tpu.memory_space<vmem>>, vector<16xi32>,
      %parallel_loop3A_1859 = tpu.vector_load_idx %arg5[%parallel_loop3A_1858] : memref<100000xf32, #tpu.memory_space<vmem>>[vector<16xi32>], vector<16xf32>,
      %parallel_loop3A_1860 = arith.index_cast %parallel_loop3A_1854 : i32 to index
      %parallel_loop3A_1861 = tpu.vector_load %arg8[%parallel_loop3A_1860] {strides = array<i32>} : memref<4096xf32, #tpu.memory_space<vmem>>, vector<16xf32>,
      tpu.vector_store %arg8[%parallel_loop3A_1860], %parallel_loop3A_1859 {strides = array<i32>} : memref<4096xf32, #tpu.memory_space<vmem>>, vector<16xf32>,
    } {sc.loop_unroll_factor = 8 : i64, sc.parallel_access}
    %dma_start3A_1836 = arith.constant 12288 : i32
    %dma_start3A_1837 = tpu.memref_slice %arg4[%add3A_1699, %dma_start3A_1836] : memref<416x16384xf32, #tpu.memory_space<hbm>> -> memref<1x4096xf32, #tpu.memory_space<hbm>>
    %dma_start3A_1838 = tpu.memref_squeeze %dma_start3A_1837 : memref<1x4096xf32, #tpu.memory_space<hbm>> -> memref<4096xf32, #tpu.memory_space<hbm>>
    %dma_start3A_1839 = arith.constant 12288 : i32
    %dma_start3A_1840 = tpu.memref_slice %arg4[%add3A_1699, %dma_start3A_1839] : memref<416x16384xf32, #tpu.memory_space<hbm>> -> memref<1x4096xf32, #tpu.memory_space<hbm>>
    %dma_start3A_1841 = tpu.memref_squeeze %dma_start3A_1840 : memref<1x4096xf32, #tpu.memory_space<hbm>> -> memref<4096xf32, #tpu.memory_space<hbm>>
    tpu.enqueue_dma source(%arg8 : memref<4096xf32, #tpu.memory_space<vmem>>) target(%dma_start3A_1841 : memref<4096xf32, #tpu.memory_space<hbm>>) target_semaphore(%arg11 : memref<!tpu.dma_semaphore, #tpu.memory_space<semaphore_mem>>)
    %dma_wait3A_1842 = arith.constant 8192 : i32
    %dma_wait3A_1843 = tpu.memref_slice %arg4[%add3A_1699, %dma_wait3A_1842] : memref<416x16384xf32, #tpu.memory_space<hbm>> -> memref<1x4096xf32, #tpu.memory_space<hbm>>
    %dma_wait3A_1844 = tpu.memref_squeeze %dma_wait3A_1843 : memref<1x4096xf32, #tpu.memory_space<hbm>> -> memref<4096xf32, #tpu.memory_space<hbm>>
    %dma_wait3A_1845 = arith.constant 8192 : i32
    %dma_wait3A_1846 = tpu.memref_slice %arg4[%add3A_1699, %dma_wait3A_1845] : memref<416x16384xf32, #tpu.memory_space<hbm>> -> memref<1x4096xf32, #tpu.memory_space<hbm>>
    %dma_wait3A_1847 = tpu.memref_squeeze %dma_wait3A_1846 : memref<1x4096xf32, #tpu.memory_space<hbm>> -> memref<4096xf32, #tpu.memory_space<hbm>>
    tpu.wait_dma2 semaphore(%arg10 : memref<!tpu.dma_semaphore, #tpu.memory_space<semaphore_mem>>) src(%arg7 : memref<4096xf32, #tpu.memory_space<vmem>>) dst(%dma_wait3A_1847 : memref<4096xf32, #tpu.memory_space<hbm>>)
    %dma_wait3A_1848 = arith.constant 12288 : i32
    %dma_wait3A_1849 = tpu.memref_slice %arg4[%add3A_1699, %dma_wait3A_1848] : memref<416x16384xf32, #tpu.memory_space<hbm>> -> memref<1x4096xf32, #tpu.memory_space<hbm>>
    %dma_wait3A_1850 = tpu.memref_squeeze %dma_wait3A_1849 : memref<1x4096xf32, #tpu.memory_space<hbm>> -> memref<4096xf32, #tpu.memory_space<hbm>>
    %dma_wait3A_1851 = arith.constant 12288 : i32
    %dma_wait3A_1852 = tpu.memref_slice %arg4[%add3A_1699, %dma_wait3A_1851] : memref<416x16384xf32, #tpu.memory_space<hbm>> -> memref<1x4096xf32, #tpu.memory_space<hbm>>
    %dma_wait3A_1853 = tpu.memref_squeeze %dma_wait3A_1852 : memref<1x4096xf32, #tpu.memory_space<hbm>> -> memref<4096xf32, #tpu.memory_space<hbm>>
    tpu.wait_dma2 semaphore(%arg11 : memref<!tpu.dma_semaphore, #tpu.memory_space<semaphore_mem>>) src(%arg8 : memref<4096xf32, #tpu.memory_space<vmem>>) dst(%dma_wait3A_1853 : memref<4096xf32, #tpu.memory_space<hbm>>)
    return
  }
}

</mosaic_0001>

<sc_bundles>
// kernel: kernel.3.cloned.1.call-start
scs
__scs_entry_jumppad:
0x0: {  	(pc) =	sbr.rel $0x88, $3  }
0x1: {  	(tag) =	ssettag $0x0;
	lr =	simm.s32 $0x1  }
0x2: {  	[smem:$0x3F9F] =	sst lr;
	_ =	strace $0xD0000000  }
0x3: {  	_ = 	snop  }
0x4: {  	_ = 	snop  }
0x5: {  	_ = 	snop  }
0x6: {  	_ = 	snop  }
0x7: {  	_ = 	snop  }
__scs_overlays_trampoline_lowered:
0x8: {  	[smem:$0x3FAE] =	sst s0  }
0x9: {  	[smem:$0x3FAF] =	sst s1  }
0xa: {  	[smem:$0x3FB0] =	sst s2  }
0xb: {  	[smem:$0x3FB1] =	sst s3  }
0xc: {  	[smem:$0x3FB2] =	sst s4  }
0xd: {  	[smem:$0x3FB3] =	sst s5  }
0xe: {  	[smem:$0x3FB4] =	sst s6  }
0xf: {  	[smem:$0x3FB5] =	sst s7  }
0x10: {  	[smem:$0x3FB6] =	sst s8  }
0x11: {  	[smem:$0x3FB7] =	sst s9;
	s0 =	simm.s32 @!p0 $0x0  }
0x12: {  	s1 =	sld [smem:$0x3F9D];
	s0 =	simm.s32 @p0 $0x1  }
0x13: {  	[smem:$0x3FB8] =	sst s0;
	s0 =	simm.s32 @!p1 $0x0  }
0x14: {  	s2 =	sld [smem:$0x3F9C];
	s0 =	simm.s32 @p1 $0x1  }
0x15: {  	[smem:$0x3FB9] =	sst s0;
	s0 =	simm.s32 @!p2 $0x0  }
0x16: {  	s3 =	sld [smem:$0x3FDB];
	s0 =	simm.s32 @p2 $0x1  }
0x17: {  	s4 =	simm.s32 $0x1BF5;
	[smem:$0x3FBB] =	sst s0  }
0x18: {  	s0 =	sld [smem:$0x3F9E];
	_ =	swait.ge [sflag:s4], $0x0  }
0x19: {  	s7 =	sld [smem:$0x3F9F]  }
0x1a: {  	s8 =	sadd.s32 $0xFFFFE003, lr  }
0x1b: {  	s9 =	sadd.s32 $0xFFFFFEF7, lr;
	s5 =	simm.s32 $0xFFFFFFFF;
	p2 =	slt.u32 s8, $0xFFFFF086  }
0x1c: {  	p1 =	slt.u32 s9, $0xF7A;
	s5 =	simm.s32 @!p2 $0x0  }
0x1d: {  	s5 =	simm.s32 @p1 $0x1;
	p0 =	seq.s32 s7, s2  }
0x1e: {  	s7 =	smul.u32 @!p0 $0xF7A, s2;
	p2 =	seq.s32 @!p0 s5, $0x0  }
0x1f: {  	s9 =	smul.u32 $0xF7A, s1;
	s8 =	simm.s32 @!p0 $0x1BF5;
	p2 =	por !p2, p0  }
0x20: {  	[sflag:s8] =	ssyncset.s32 @!p0 $0xFFFFF086;
	s6 =	sadd.s32 @!p0 s3, s7;
	s7 =	simm.s32 @!p0 $0x108  }
0x21: {  	s3 =	sadd.s32 s3, s9;
	s6 =	sadd.s32 @!p0 $0x88, s6;
	s7 =	simm.s32 @p2 $0x1082  }
0x22: {  	[simem:s7], [sflag:s8] =	dma.local @!p0 [hbm:s6], $0xF7A  }
0x23: {  	s9 =	sor.u32 $0xD0000000, s2;
	s6 =	simm.s32 $0x108;
	_ =	swait.ge @!p0 [sflag:s8], $0x0  }
0x24: {  	s3 =	sadd.s32 $0x88, s3;
	s6 =	simm.s32 @!p1 $0x1082;
	[sflag:s4] =	ssyncset.s32 $0xFFFFF086  }
0x25: {  	[simem:s6], [sflag:s4] =	dma.local [hbm:s3], $0xF7A  }
0x26: {  	[smem:$0x3F9F] =	sst s1;
	(tag) =	ssettag s2;
	_ =	strace s9  }
0x27: {  	s1 =	sld [smem:$0x3FAF]  }
0x28: {  	s2 =	sld [smem:$0x3FB0]  }
0x29: {  	s4 =	sld [smem:$0x3FB2]  }
0x2a: {  	p0 =	seq.s32 s5, $0x0;
	s5 =	sld [smem:$0x3FB3]  }
0x2b: {  	s6 =	sld [smem:$0x3FB4]  }
0x2c: {  	s7 =	sld [smem:$0x3FB5]  }
0x2d: {  	s3 =	simm.s32 $0x108;
	s8 =	sld [smem:$0x3FB6]  }
0x2e: {  	s3 =	simm.s32 @!p0 $0x1082;
	s9 =	sld [smem:$0x3FB7]  }
0x2f: {  	lr =	sadd.s32 s0, s3;
	s0 =	sld [smem:$0x3FAE]  }
0x30: {  	s3 =	sld [smem:$0x3FB1]  }
0x31: {  	[smem:$0x3FBA] =	sst s10  }
0x32: {  	s10 =	sld [smem:$0x3FB8];
	_ =	sdelay $0x3  }
0x33: {  	p0 =	seq.s32 s10, $0x1;
	s10 =	sld [smem:$0x3FBA];
	_ =	sdelay $0x3  }
0x34: {  	[smem:$0x3FBA] =	sst s10  }
0x35: {  	s10 =	sld [smem:$0x3FB9];
	_ =	sdelay $0x3  }
0x36: {  	p1 =	seq.s32 s10, $0x1;
	s10 =	sld [smem:$0x3FBA];
	_ =	sdelay $0x3  }
0x37: {  	[smem:$0x3FBA] =	sst s10  }
0x38: {  	s10 =	sld [smem:$0x3FBB]  }
0x39: {  	_ = 	snop;
	(pc) =	sbr.ind lr, $3  }
0x3a: {  	_ = 	snop  }
0x3b: {  	_ = 	snop  }
0x3c: {  	p2 =	seq.s32 s10, $0x1;
	s10 =	sld [smem:$0x3FBA]  }
0x3d: {  	_ =	shalt  }
0x3e: {  	_ =	shalt  }
0x3f: {  	_ =	shalt  }
0x40: {  	_ =	shalt  }
0x41: {  	_ =	shalt  }
0x42: {  	_ =	shalt  }
0x43: {  	_ =	shalt  }
0x44: {  	_ =	shalt  }
0x45: {  	_ =	shalt  }
0x46: {  	_ =	shalt  }
0x47: {  	_ =	shalt  }
0x48: {  	_ =	shalt  }
0x49: {  	_ =	shalt  }
0x4a: {  	_ =	shalt  }
0x4b: {  	_ =	shalt  }
0x4c: {  	_ =	shalt  }
0x4d: {  	_ =	shalt  }
0x4e: {  	_ =	shalt  }
0x4f: {  	_ =	shalt  }
0x50: {  	_ =	shalt  }
0x51: {  	_ =	shalt  }
0x52: {  	_ =	shalt  }
0x53: {  	_ =	shalt  }
0x54: {  	_ =	shalt  }
0x55: {  	_ =	shalt  }
0x56: {  	_ =	shalt  }
0x57: {  	_ =	shalt  }
0x58: {  	_ =	shalt  }
0x59: {  	_ =	shalt  }
0x5a: {  	_ =	shalt  }
0x5b: {  	_ =	shalt  }
0x5c: {  	_ =	shalt  }
0x5d: {  	_ =	shalt  }
0x5e: {  	_ =	shalt  }
0x5f: {  	_ =	shalt  }
0x60: {  	_ =	shalt  }
0x61: {  	_ =	shalt  }
0x62: {  	_ =	shalt  }
0x63: {  	_ =	shalt  }
0x64: {  	_ =	shalt  }
0x65: {  	_ =	shalt  }
0x66: {  	_ =	shalt  }
0x67: {  	_ =	shalt  }
0x68: {  	_ =	shalt  }
0x69: {  	_ =	shalt  }
0x6a: {  	_ =	shalt  }
0x6b: {  	_ =	shalt  }
0x6c: {  	_ =	shalt  }
0x6d: {  	_ =	shalt  }
0x6e: {  	_ =	shalt  }
0x6f: {  	_ =	shalt  }
0x70: {  	_ =	shalt  }
0x71: {  	_ =	shalt  }
0x72: {  	_ =	shalt  }
0x73: {  	_ =	shalt  }
0x74: {  	_ =	shalt  }
0x75: {  	_ =	shalt  }
0x76: {  	_ =	shalt  }
0x77: {  	_ =	shalt  }
0x78: {  	_ =	shalt  }
0x79: {  	_ =	shalt  }
0x7a: {  	_ =	shalt  }
0x7b: {  	_ =	shalt  }
0x7c: {  	_ =	shalt  }
0x7d: {  	_ =	shalt  }
0x7e: {  	_ =	shalt  }
0x7f: {  	_ =	shalt  }
0x80: {  	_ =	shalt  }
0x81: {  	_ =	shalt  }
0x82: {  	_ =	shalt  }
0x83: {  	_ =	shalt  }
0x84: {  	_ =	shalt  }
0x85: {  	_ =	shalt  }
0x86: {  	_ =	shalt  }
0x87: {  	_ =	shalt  }
.Lfunc_end0:
.L_simem_size_0:
called_computation_lowered:
.L_overlay_start_0:
0x88: {  	s2 =	sld [smem:$0x3FD9]  }
0x89: {  	s3 =	sld [smem:$0x3FFE];
	_ =	sdelay $0x1  }
0x8a: {  	s1 =	srdreg.scid  }
0x8b: {  	s0 =	sand.u32 $0x1, s1  }
0x8c: {  	s18 =	sshll.u32 s0, $0xA;
	s2 =	sadd.s32 s3, s2  }
0x8d: {  	s2 =	sadd.s32 s2, s18  }
0x8e: {  	[smem:$0x3FC6] =	sst s2  }
0x8f: {  	_ = 	snop  }
0x90: {  	s2 =	sld [smem:$0x3FC9]  }
0x91: {  	s19 =	sld [smem:$0x3FC8]  }
0x92: {  	s4 =	sld [smem:$0x3FD0];
	(tm) =	ssettm $0x1  }
0x93: {  	s5 =	sld [smem:$0x3FFB];
	_ =	sdelay $0x3  }
0x94: {  	_ =	strace s5  }
0x95: {  	s5 =	sld [smem:$0x3FFC];
	_ =	sdelay $0x3  }
0x96: {  	_ =	strace s5  }
0x97: {  	s5 =	sld [smem:$0x3FFD];
	_ =	sdelay $0x3  }
0x98: {  	_ =	strace s5  }
0x99: {  	_ =	strace $0x8FFFFFFF  }
0x9a: {  	s20 =	sld [smem:$0x3FDB];
	_ =	sdelay $0x1  }
0x9b: {  	s6 =	simm.s32 $_scs_section_size  }
0x9c: {  	s7 =	simm.s32 $_size__tile_overlayer_lowered;
	s8 =	simm.s32 $_tile_overlayer_lowered  }
0x9d: {  	s23 =	simm.s32 $0x1BFF;
	s22 =	sshll.u32 s8, $0x1;
	s5 =	sadd.s32 s6, s20  }
0x9e: {  	s9 =	simm.s32 $0x0;
	s21 =	sshll.u32 s7, $0x1;
	s7 =	sadd.s32 s22, s5  }
0x9f: {  	[timem:s9], [sflag:s23] =	dma.local [hbm:s7], s21  }
0xa0: {  	_ =	swait.ge [sflag:s23], s21  }
0xa1: {  	s6 =	ssub.s32 $0x0, s21;
	[sflag:s23] =	ssyncset.done $0x0  }
0xa2: {  	[sflag:s23] =	ssyncadd.s32 s6;
	_ =	sdelay $0x1  }
0xa3: {  	s24 =	simm.s32 $0x1B8B  }
0xa4: {  	_ =	swait.ge [sflag:s24], $0x1  }
0xa5: {  	[sflag:s24] =	ssyncset.done $0x0  }
0xa6: {  	s25 =	simm.s32 $0x1B8E;
	[sflag:s24] =	ssyncadd.s32 $0xFFFFFFFF  }
0xa7: {  	s26 =	simm.s32 $execute0_lowered;
	[smem:$0x3FD2] =	sst s25  }
0xa8: {  	s6 =	sshll.u32 s26, $0x1;
	_ =	strace $0x80000046;
	[dreg:$0x1] =	wrdreg $0xFFFFFFFF  }
0xa9: {  	s28 =	simm.s32 $_size_execute0_lowered;
	s5 =	sadd.s32 s5, s6;
	[dreg:$0x0] =	wrdreg $0x0  }
0xaa: {  	s6 =	sshll.u32 s28, $0x1;
	[dreg:$0x2] =	wrdreg s5  }
0xab: {  	[dreg:$0x3] =	wrdreg s6  }
0xac: {  	[dreg:$0x4] =	wrdreg $0xC0  }
0xad: {  	_ =	task [dreg:s9], $0x5FFFF  }
0xae: {  	[dreg:$0x1] =	wrdreg $0xFFFFFFFF  }
0xaf: {  	[dreg:$0x0] =	wrdreg $0x60  }
0xb0: {  	[dreg:$0x2] =	wrdreg s19  }
0xb1: {  	[dreg:$0x3] =	wrdreg s2  }
0xb2: {  	[dreg:$0x4] =	wrdreg s4  }
0xb3: {  	[dreg:$0x5] =	wrdreg $0x9  }
0xb4: {  	_ =	task.clear_ibuf [dreg:s9], $0x6FFFF;
	_ =	strace $0x90000046  }
0xb5: {  	s29 =	simm.s32 $0x9;
	_ =	strace $0x80000048  }
0xb6: {  	_ =	swait.ge [sflag:s29], $0x1  }
0xb7: {  	[sflag:s29] =	ssyncadd.s32 $0xFFFFFFFF  }
0xb8: {  	_ =	strace $0x90000048  }
0xb9: {  	_ =	sfence  }
0xba: {  	s30 =	sld [smem:$0x0];
	_ =	sdelay $0x2  }
0xbb: {  	s31 =	sshll.u32 s1, $0xD;
	s1 =	sshrl.u32 s1, $0x2  }
0xbc: {  	s3 =	sand.u32 $0x4000, s31;
	s1 =	sadd.s32 s1, s30  }
0xbd: {  	s0 =	sor.u32 s3, s0;
	s1 =	sshll.u32 s1, $0x11  }
0xbe: {  	s0 =	sor.u32 s1, s0  }
0xbf: {  	s0 =	sadd.s32 $0x8F2B, s0  }
0xc0: {  	[sflag:s0] =	ssyncadd.remote.s32 $0x1  }
0xc1: {  	_ =	sfence.sel $0xFFFF  }
0xc2: {  	[dreg:$0x0] =	wrdreg $0xFFFFFFFF;
	(pc) =	sbr.abs _section_cstart, $3  }
0xc3: {  	[dreg:$0x1] =	wrdreg $0xFFFFFFFF  }
0xc4: {  	_ =	task.clear_ibuf [dreg:s9], $0x2FFFF;
	_ =	strace $0x9FFFFFFF  }
0xc5: {  	(tm) =	ssettm $0x7FFFFFFF  }
tec
execute0_lowered:
.L_overlay_start_1:
0x0: {  	(tag) =	ssettag $0x1  }
0x1: {  	s0 =	srdreg.scid;
	s1 =	stileid.u32  }
0x2: {  	s0 =	sand.u32 $0x1, s0;
	s1 =	sshll.u32 s1, $0x1  }
0x3: {  	s17 =	sor.u32 s0, s1;
	s0 =	ssub.s32 $0x2, s0  }
0x4: {  	s3 =	smul.u32 $0xD, s17;
	s2 =	sshrl.u32 s0, $0x1  }
0x5: {  	s14 =	rddreg [dreg:$0x1];
	s0 =	ssub.s32 s0, s2  }
0x6: {  	[smem:$0x7FD] =	sst s0;
	s19 =	sshrl.u32 s3, $0x4;
	s6 =	sshll.u32 s3, $0x1C  }
0x7: {  	s4 =	sand.u32 $0x8, s3;
	s9 =	sadd.s32 $0x1, s3;
	s5 =	sshll.u32 s3, $0x7  }
0x8: {  	s10 =	sand.u32 $0x70, s3;
	s22 =	sadd.s32 $0x2, s3;
	s7 =	smul.u32 $0x187000, s19  }
0x9: {  	s0 =	sshra.s32 s6, $0x1F;
	p0 =	seq.s32 s4, $0x0;
	s18 =	sshrl.u32 s9, $0x4  }
0xa: {  	s6 =	sshll.u32 s9, $0x1C;
	s5 =	sand.u32 $0xC000, s5;
	s11 =	sshll.u32 s9, $0x7  }
0xb: {  	s10 =	sadd.s32 s14, s10;
	s21 =	sand.u32 $0x70, s9;
	s23 =	sshll.u32 s22, $0x1C  }
0xc: {  	s4 =	sshll.u32 s9, $0xE;
	s26 =	sshll.u32 s22, $0x7;
	s0 =	sand.u32 $0xC3800, s0  }
0xd: {  	s8 =	smul.u32 $0x187000, s18;
	s6 =	sshra.s32 s6, $0x1F;
	s12 =	sand.u32 $0x380, s11  }
0xe: {  	s13 =	sadd.s32 s5, s10;
	s16 =	sand.u32 $0x1C000, s11;
	s2 =	sadd.s32 s14, s21  }
0xf: {  	s25 =	sshra.s32 s23, $0x1F;
	s31 =	sor.u32 s11, s4;
	s4 =	sand.u32 $0x380, s26  }
0x10: {  	s5 =	sand.u32 $0x1C000, s26;
	s6 =	sand.u32 $0xC3800, s6;
	s20 =	sadd.s32 s7, s0  }
0x11: {  	[dreg:$0x4] =	wrdreg s13;
	s0 =	sadd.s32 s16, s2;
	s2 =	sand.u32 $0xC3800, s25  }
0x12: {  	[smem:$0x7D7] =	sst s31;
	s7 =	sadd.s32 $0x3, s3;
	s25 =	sadd.s32 $0x4, s3  }
0x13: {  	s6 =	sadd.s32 s8, s6;
	[dreg:$0x5] =	wrdreg s0;
	s8 =	sand.u32 $0x70, s22  }
0x14: {  	s16 =	sshrl.u32 s7, $0x4;
	s9 =	sshll.u32 s7, $0x1C;
	s13 =	sshll.u32 s7, $0x7  }
0x15: {  	s23 =	sand.u32 $0x70, s7;
	s15 =	sor.u32 s12, s6;
	s12 =	smul.u32 $0x187000, s16  }
0x16: {  	s11 =	sshra.s32 s9, $0x1F;
	s6 =	sshll.u32 s22, $0xE;
	s21 =	sand.u32 $0x380, s13  }
0x17: {  	s9 =	sadd.s32 $0x5, s3;
	[smem:$0x7D1] =	sst s15;
	s15 =	sshrl.u32 s22, $0x4  }
0x18: {  	s11 =	sand.u32 $0xC3800, s11;
	s22 =	sor.u32 s26, s6;
	s24 =	smul.u32 $0x187000, s15  }
0x19: {  	s26 =	sshll.u32 s25, $0x1C;
	[smem:$0x7D8] =	sst s22;
	s22 =	sshrl.u32 s25, $0x4  }
0x1a: {  	s1 =	sand.u32 $0x70, s9;
	s31 =	smul.u32 $0x187000, s22;
	s0 =	sadd.s32 s24, s2  }
0x1b: {  	s24 =	sand.u32 $0x1C000, s13;
	s2 =	sshll.u32 s7, $0xE;
	s7 =	sand.u32 $0x70, s25  }
0x1c: {  	s0 =	sor.u32 s4, s0;
	s4 =	sadd.s32 s14, s8;
	s8 =	sadd.s32 s14, s7  }
0x1d: {  	[smem:$0x7D2] =	sst s0;
	s0 =	sadd.s32 s5, s4;
	s4 =	sor.u32 s13, s2  }
0x1e: {  	s5 =	sshll.u32 s25, $0x7;
	s2 =	sadd.s32 $0x6, s3;
	[dreg:$0x6] =	wrdreg s0  }
0x1f: {  	s0 =	sadd.s32 s12, s11;
	[smem:$0x7D9] =	sst s4;
	s6 =	sand.u32 $0x380, s5  }
0x20: {  	s11 =	sand.u32 $0x1C000, s5;
	s12 =	sshll.u32 s9, $0x1C;
	s7 =	sshll.u32 s2, $0x7  }
0x21: {  	s4 =	sshll.u32 s9, $0xE;
	s0 =	sor.u32 s21, s0;
	s13 =	sshra.s32 s12, $0x1F  }
0x22: {  	[smem:$0x7D3] =	sst s0;
	s0 =	sadd.s32 s14, s23;
	s23 =	sshll.u32 s25, $0xE  }
0x23: {  	s25 =	sshll.u32 s9, $0x7;
	s0 =	sadd.s32 s24, s0;
	s24 =	sshrl.u32 s9, $0x4  }
0x24: {  	s9 =	sand.u32 $0x380, s7;
	[dreg:$0x7] =	wrdreg s0;
	s0 =	sshra.s32 s26, $0x1F  }
0x25: {  	s10 =	sor.u32 s25, s4;
	s21 =	smul.u32 $0x187000, s24;
	s0 =	sand.u32 $0xC3800, s0  }
0x26: {  	s26 =	sor.u32 s5, s23;
	[smem:$0x7E7] =	sst s10;
	s0 =	sadd.s32 s31, s0  }
0x27: {  	s5 =	sshll.u32 s2, $0x1C;
	[smem:$0x7E6] =	sst s26;
	s0 =	sor.u32 s6, s0  }
0x28: {  	s26 =	sshrl.u32 s2, $0x4;
	[smem:$0x7D4] =	sst s0;
	s0 =	sadd.s32 s11, s8  }
0x29: {  	s31 =	sand.u32 $0x380, s25;
	[dreg:$0x8] =	wrdreg s0;
	s0 =	sand.u32 $0xC3800, s13  }
0x2a: {  	s11 =	sshra.s32 s5, $0x1F;
	s13 =	sand.u32 $0x1C000, s25;
	s0 =	sadd.s32 s21, s0  }
0x2b: {  	s6 =	sand.u32 $0xC3800, s11;
	s12 =	sor.u32 s31, s0;
	s0 =	sadd.s32 s14, s1  }
0x2c: {  	s21 =	smul.u32 $0x187000, s26;
	s31 =	sadd.s32 $0x7, s3;
	s0 =	sadd.s32 s13, s0  }
0x2d: {  	s30 =	sshrl.u32 s31, $0x4;
	s8 =	sshll.u32 s31, $0x1C;
	s11 =	sshll.u32 s31, $0x7  }
0x2e: {  	s5 =	sand.u32 $0x70, s31;
	s13 =	sshll.u32 s31, $0xE;
	s31 =	smul.u32 $0x280, s17  }
0x2f: {  	s25 =	sand.u32 $0x1C000, s7;
	s17 =	smul.u32 $0x34000, s17;
	[dreg:$0x9] =	wrdreg s0  }
0x30: {  	s0 =	sadd.s32 s21, s6;
	s21 =	sand.u32 $0x70, s2;
	s2 =	sshll.u32 s2, $0xE  }
0x31: {  	s1 =	sand.u32 $0x380, s11;
	s6 =	sadd.s32 s14, s5;
	s28 =	sand.u32 $0x1C000, s11  }
0x32: {  	s13 =	sor.u32 s11, s13;
	s23 =	sor.u32 s9, s0;
	s0 =	sadd.s32 s14, s21  }
0x33: {  	s9 =	smul.u32 $0x187000, s30;
	s10 =	sor.u32 s7, s2;
	s7 =	sadd.s32 $0x8, s3  }
0x34: {  	s0 =	sadd.s32 s25, s0;
	[smem:$0x7E8] =	sst s10;
	s10 =	sand.u32 $0x380, s31  }
0x35: {  	s4 =	sshll.u32 s7, $0x7;
	[dreg:$0xa] =	wrdreg s0;
	s0 =	sshra.s32 s8, $0x1F  }
0x36: {  	s8 =	sadd.s32 s28, s6;
	s11 =	sor.u32 s10, s20;
	s0 =	sand.u32 $0xC3800, s0  }
0x37: {  	s20 =	sand.u32 $0x1C000, s4;
	s0 =	sadd.s32 s9, s0;
	s9 =	sshrl.u32 s7, $0x4  }
0x38: {  	s25 =	sor.u32 s1, s0;
	s29 =	smul.u32 $0x187000, s9;
	s0 =	simm.s32 $0xC3800  }
0x39: {  	[dreg:$0xb] =	wrdreg s8;
	s0 =	simm.s32 @!p0 $0x0;
	p0 =	seq.s32 s18, s19  }
0x3a: {  	s19 =	sshrl.u32 s11, $0x3;
	s28 =	sadd.s32 s0, s29;
	s0 =	sadd.s32 $0x9, s3  }
0x3b: {  	s11 =	sld [smem:$0x7D4];
	s29 =	sor.u32 s10, s28;
	s1 =	sshll.u32 s0, $0x1C  }
0x3c: {  	s8 =	sshrl.u32 s0, $0x4;
	s28 =	sand.u32 $0x70, s7;
	s7 =	sshll.u32 s7, $0xE  }
0x3d: {  	s21 =	sand.u32 $0x70, s0;
	s2 =	sshra.s32 s1, $0x1F;
	s5 =	smul.u32 $0x187000, s8  }
0x3e: {  	s28 =	sadd.s32 s14, s28;
	p1 =	seq.s32 s8, s9;
	s2 =	sand.u32 $0xC3800, s2  }
0x3f: {  	s6 =	sadd.s32 s20, s28;
	s28 =	sor.u32 s31, s17;
	s17 =	sor.u32 s31, s7  }
0x40: {  	[dreg:$0xc] =	wrdreg s6;
	s1 =	sadd.s32 s5, s2;
	s2 =	sshll.u32 s0, $0x7  }
0x41: {  	s0 =	sshll.u32 s0, $0xE;
	s10 =	sand.u32 $0x380, s2;
	s4 =	sand.u32 $0x1C000, s2  }
0x42: {  	s31 =	sor.u32 s10, s1;
	s1 =	sadd.s32 s14, s21;
	s21 =	sadd.s32 $0xA, s3  }
0x43: {  	s20 =	sor.u32 s2, s0;
	s1 =	sadd.s32 s4, s1;
	s5 =	sshll.u32 s21, $0x1C  }
0x44: {  	s7 =	sshrl.u32 s21, $0x4;
	[dreg:$0xd] =	wrdreg s1;
	s6 =	sshra.s32 s5, $0x1F  }
0x45: {  	s10 =	smul.u32 $0x187000, s7;
	s1 =	sshll.u32 s21, $0x7;
	s5 =	sand.u32 $0x70, s21  }
0x46: {  	p2 =	seq.s32 s7, s8;
	s2 =	sand.u32 $0xC3800, s6;
	s4 =	sand.u32 $0x380, s1  }
0x47: {  	s6 =	sadd.s32 s14, s5;
	s5 =	sand.u32 $0x1C000, s1;
	s0 =	sadd.s32 s10, s2  }
0x48: {  	s5 =	sadd.s32 s5, s6;
	s6 =	sshll.u32 s21, $0xE;
	s10 =	sor.u32 s4, s0  }
0x49: {  	s4 =	sadd.s32 $0xB, s3;
	[dreg:$0xe] =	wrdreg s5;
	s1 =	sor.u32 s1, s6  }
0x4a: {  	s3 =	sadd.s32 $0xC, s3;
	s0 =	sshrl.u32 s4, $0x4;
	s2 =	sshll.u32 s4, $0x1C  }
0x4b: {  	s21 =	sshll.u32 s4, $0x7;
	s2 =	sshra.s32 s2, $0x1F;
	s5 =	smul.u32 $0x187000, s0  }
0x4c: {  	s6 =	sand.u32 $0x380, s21;
	p3 =	seq.s32 s0, s7;
	s2 =	sand.u32 $0xC3800, s2  }
0x4d: {  	s7 =	sshrl.u32 s3, $0x4;
	s2 =	sadd.s32 s5, s2;
	s5 =	simm.s32 @!p0 $0x0  }
0x4e: {  	p4 =	seq.s32 s7, s0;
	s2 =	sor.u32 s6, s2;
	s5 =	simm.s32 @p0 $0x1  }
0x4f: {  	p0 =	seq.s32 s15, s18;
	s6 =	sand.u32 $0x70, s4;
	[smem:$0x7CB] =	sst s5  }
0x50: {  	s5 =	simm.s32 @!p0 $0x0;
	s8 =	sadd.s32 s14, s6;
	s6 =	smul.u32 $0x187000, s7  }
0x51: {  	s7 =	rddreg [dreg:$0x0];
	s2 =	sshrl.u32 s2, $0x3;
	s5 =	simm.s32 @p0 $0x1  }
0x52: {  	p0 =	seq.s32 s16, s15;
	s2 =	sadd.s32 s7, s2;
	[smem:$0x7CC] =	sst s5  }
0x53: {  	s15 =	sand.u32 $0x1C000, s21;
	s5 =	simm.s32 @!p0 $0x0;
	[dreg:$0x1b] =	wrdreg s2  }
0x54: {  	s0 =	sadd.s32 s15, s8;
	s15 =	sshrl.u32 s12, $0x3;
	s12 =	sld [smem:$0x7D8]  }
0x55: {  	s5 =	simm.s32 @p0 $0x1;
	p0 =	seq.s32 s22, s16;
	[dreg:$0xf] =	wrdreg s0  }
0x56: {  	[smem:$0x7CD] =	sst s5;
	s5 =	simm.s32 @!p0 $0x0  }
0x57: {  	s5 =	simm.s32 @p0 $0x1;
	p0 =	seq.s32 s24, s22;
	s22 =	sld [smem:$0x7D1]  }
0x58: {  	s16 =	sshll.u32 s4, $0xE;
	[smem:$0x7CE] =	sst s5;
	s5 =	simm.s32 @!p0 $0x0  }
0x59: {  	s5 =	simm.s32 @p0 $0x1;
	p0 =	seq.s32 s26, s24;
	s24 =	sld [smem:$0x7D2]  }
0x5a: {  	p6 =	seq.s32 s30, s26;
	s0 =	sor.u32 s21, s16;
	s26 =	sld [smem:$0x7D3]  }
0x5b: {  	s16 =	sshrl.u32 s23, $0x3;
	[smem:$0x7CF] =	sst s5;
	s5 =	simm.s32 @!p0 $0x0  }
0x5c: {  	s5 =	simm.s32 @p0 $0x1;
	p0 =	seq.s32 s9, s30;
	s9 =	sshll.u32 s3, $0x1C  }
0x5d: {  	[smem:$0x7D0] =	sst s5;
	s5 =	sshra.s32 s9, $0x1F;
	s8 =	sshrl.u32 s26, $0x3  }
0x5e: {  	s26 =	sand.u32 $0x70, s3;
	s18 =	sand.u32 $0xC3800, s5;
	s5 =	sshll.u32 s3, $0x7  }
0x5f: {  	s9 =	sadd.s32 s7, s8;
	s2 =	sadd.s32 s14, s26;
	s3 =	sshll.u32 s3, $0xE  }
0x60: {  	s14 =	sld [smem:$0x7D9];
	s4 =	sadd.s32 s6, s18;
	s21 =	sand.u32 $0x380, s5  }
0x61: {  	s6 =	sadd.s32 s7, s19;
	[dreg:$0x13] =	wrdreg s9;
	s18 =	sadd.s32 s7, s16  }
0x62: {  	s8 =	sor.u32 s5, s3;
	s3 =	sand.u32 $0x7FFE0380, s12;
	s12 =	sld [smem:$0x7E7]  }
0x63: {  	s19 =	sshrl.u32 s25, $0x3;
	[dreg:$0x10] =	wrdreg s6;
	s6 =	sshrl.u32 s22, $0x3  }
0x64: {  	[dreg:$0x16] =	wrdreg s18;
	s22 =	sshrl.u32 s31, $0x3;
	s6 =	sadd.s32 s7, s6  }
0x65: {  	s31 =	sand.u32 $0x1C000, s5;
	s23 =	sadd.s32 s7, s22;
	[dreg:$0x11] =	wrdreg s6  }
0x66: {  	s4 =	sor.u32 s21, s4;
	s2 =	sadd.s32 s31, s2;
	[dreg:$0x19] =	wrdreg s23  }
0x67: {  	s4 =	sshrl.u32 s4, $0x3;
	s6 =	sshrl.u32 s24, $0x3;
	[dreg:$0x1d] =	wrdreg s2  }
0x68: {  	s25 =	sadd.s32 s7, s4;
	s4 =	sand.u32 $0x7FFE0380, s14;
	s14 =	sld [smem:$0x7E8]  }
0x69: {  	s6 =	sadd.s32 s7, s6;
	[dreg:$0x1c] =	wrdreg s25  }
0x6a: {  	[dreg:$0x12] =	wrdreg s6;
	s6 =	sshrl.u32 s11, $0x3  }
0x6b: {  	s11 =	sld [smem:$0x7D7];
	s6 =	sadd.s32 s7, s6  }
0x6c: {  	[dreg:$0x14] =	wrdreg s6  }
0x6d: {  	s6 =	sadd.s32 s7, s15;
	s15 =	rddreg [dreg:$0x2]  }
0x6e: {  	s21 =	sshrl.u32 s29, $0x3;
	[dreg:$0x15] =	wrdreg s6;
	s6 =	sadd.s32 s7, s19  }
0x6f: {  	s24 =	sshrl.u32 s10, $0x3;
	[dreg:$0x17] =	wrdreg s6;
	s6 =	sadd.s32 s7, s21  }
0x70: {  	[dreg:$0x18] =	wrdreg s6;
	s6 =	sadd.s32 s7, s24;
	s24 =	sshrl.u32 s3, $0x3  }
0x71: {  	[dreg:$0x1a] =	wrdreg s6;
	s6 =	sand.u32 $0x7E0380, s28;
	s28 =	simm.s32 $0x0  }
0x72: {  	s16 =	sadd.s32 $0x1000, s15;
	s26 =	sadd.s32 s15, s24;
	[smem:$0x7FF] =	sst s28  }
0x73: {  	s18 =	sadd.s32 $0x2000, s15;
	s31 =	sadd.s32 s24, s16;
	[smem:$0x7DE] =	sst s26  }
0x74: {  	s25 =	sshrl.u32 s4, $0x3;
	s5 =	sadd.s32 s24, s18;
	[smem:$0x7DF] =	sst s31  }
0x75: {  	s2 =	sshrl.u32 s6, $0x3;
	[smem:$0x7E0] =	sst s5;
	s6 =	sadd.s32 s15, s25  }
0x76: {  	s7 =	sadd.s32 s15, s2;
	[smem:$0x7E2] =	sst s6  }
0x77: {  	s9 =	sadd.s32 s2, s16;
	[dreg:$0x1e] =	wrdreg s7  }
0x78: {  	s22 =	sadd.s32 $0x3000, s15;
	s10 =	sadd.s32 s2, s18;
	[dreg:$0x1f] =	wrdreg s9  }
0x79: {  	s2 =	sadd.s32 s2, s22;
	[smem:$0x7D5] =	sst s10  }
0x7a: {  	[smem:$0x7D6] =	sst s2  }
0x7b: {  	s2 =	sand.u32 $0x7FFE0380, s11;
	s7 =	sadd.s32 s25, s16;
	s11 =	sld [smem:$0x7E6]  }
0x7c: {  	s4 =	sand.u32 $0x7FFE0380, s14;
	s9 =	sadd.s32 s25, s18;
	[smem:$0x7E3] =	sst s7  }
0x7d: {  	s10 =	sadd.s32 s25, s22;
	s25 =	sshrl.u32 s4, $0x3;
	[smem:$0x7E4] =	sst s9  }
0x7e: {  	s1 =	sand.u32 $0x7FFE0380, s1;
	[smem:$0x7E5] =	sst s10;
	s6 =	sadd.s32 s15, s25  }
0x7f: {  	s1 =	sshrl.u32 s1, $0x3;
	s7 =	sadd.s32 s25, s16;
	[smem:$0x7F1] =	sst s6  }
0x80: {  	s0 =	sand.u32 $0x7FFE0380, s0;
	s9 =	sadd.s32 s25, s18;
	[smem:$0x7F2] =	sst s7  }
0x81: {  	s2 =	sshrl.u32 s2, $0x3;
	s10 =	sadd.s32 s25, s22;
	[smem:$0x7F3] =	sst s9  }
0x82: {  	s0 =	sshrl.u32 s0, $0x3;
	s19 =	sadd.s32 s15, s2;
	[smem:$0x7F4] =	sst s10  }
0x83: {  	s30 =	simm.s32 $0x0;
	s21 =	sadd.s32 s2, s16;
	[smem:$0x7DA] =	sst s19  }
0x84: {  	s29 =	simm.s32 $0x3;
	s23 =	sadd.s32 s2, s18;
	[smem:$0x7DB] =	sst s21  }
0x85: {  	s3 =	sand.u32 $0x7FFE0380, s12;
	s2 =	sadd.s32 s2, s22;
	[smem:$0x7DC] =	sst s23  }
0x86: {  	s12 =	sand.u32 $0x7FFE0380, s17;
	[smem:$0x7DD] =	sst s2;
	s2 =	sadd.s32 s24, s22  }
0x87: {  	s25 =	sand.u32 $0x7FFE0380, s8;
	s24 =	sshrl.u32 s3, $0x3;
	[smem:$0x7E1] =	sst s2  }
0x88: {  	s2 =	sand.u32 $0x7FFE0380, s11;
	s26 =	sadd.s32 s15, s24;
	s31 =	sadd.s32 s24, s16  }
0x89: {  	s5 =	sadd.s32 s24, s18;
	s11 =	sand.u32 $0x7FFE0380, s13;
	[smem:$0x7ED] =	sst s26  }
0x8a: {  	s13 =	sand.u32 $0x7FFE0380, s20;
	s20 =	sshrl.u32 s12, $0x3;
	[smem:$0x7EE] =	sst s31  }
0x8b: {  	s2 =	sshrl.u32 s2, $0x3;
	[smem:$0x7EF] =	sst s5;
	s3 =	sadd.s32 s15, s20  }
0x8c: {  	s8 =	sadd.s32 s1, s16;
	s19 =	sadd.s32 s15, s2;
	[smem:$0x7F9] =	sst s3  }
0x8d: {  	s7 =	sadd.s32 s15, s1;
	s21 =	sadd.s32 s2, s16;
	[smem:$0x7E9] =	sst s19  }
0x8e: {  	s9 =	sadd.s32 s1, s18;
	s23 =	sadd.s32 s2, s18;
	[smem:$0x7EA] =	sst s21  }
0x8f: {  	s10 =	sadd.s32 s1, s22;
	s2 =	sadd.s32 s2, s22;
	[smem:$0x7EB] =	sst s23  }
0x90: {  	s12 =	sadd.s32 s0, s16;
	[smem:$0x7EC] =	sst s2;
	s2 =	sadd.s32 s24, s22  }
0x91: {  	s26 =	sshrl.u32 s25, $0x3;
	s23 =	sadd.s32 s20, s16;
	[smem:$0x7F0] =	sst s2  }
0x92: {  	s24 =	sadd.s32 s20, s18;
	s2 =	sshrl.u32 s11, $0x3;
	[smem:$0x7FA] =	sst s23  }
0x93: {  	s25 =	simm.s32 $0x1D700;
	[smem:$0x7FB] =	sst s24;
	s14 =	sadd.s32 s15, s2  }
0x94: {  	s21 =	sshrl.u32 s13, $0x3;
	s17 =	sadd.s32 s2, s16;
	[smem:$0x7F5] =	sst s14  }
0x95: {  	s13 =	sadd.s32 s0, s18;
	s19 =	sadd.s32 s2, s18;
	[smem:$0x7F6] =	sst s17  }
0x96: {  	s3 =	sadd.s32 s15, s21;
	s2 =	sadd.s32 s2, s22;
	[smem:$0x7F7] =	sst s19  }
0x97: {  	s4 =	sadd.s32 s21, s16;
	[smem:$0x7F8] =	sst s2;
	s2 =	sadd.s32 s20, s22  }
0x98: {  	s5 =	sadd.s32 s21, s18;
	s6 =	sadd.s32 s21, s22;
	[smem:$0x7FC] =	sst s2  }
0x99: {  	s11 =	sadd.s32 s15, s0;
	s21 =	simm.s32 $0x400;
	_ =	strace $0x80000047  }
0x9a: {  	s23 =	simm.s32 $0x1;
	s24 =	simm.s32 $0x1C700;
	s31 =	sld [smem:$0x7FD]  }
0x9b: {  	s15 =	sadd.s32 s15, s26;
	s16 =	sadd.s32 s26, s16;
	s14 =	sadd.s32 s0, s22  }
0x9c: {  	s17 =	sadd.s32 s26, s18;
	s18 =	sadd.s32 s26, s22;
	s20 =	simm.s32 $0x80  }
0x9d: {  	s22 =	simm.s32 $0x4;
	s26 =	simm.s32 $0x2;
	s19 =	smax.u32 s31, $0x1  }
.LBB2_1:
0x9e: {  	s0 =	rddreg [dreg:$0x10]  }
0x9f: {  	[tilespmem:s28], [sflag:$0x1] =	stream.strided.gather [hbm4b:s0+s20], $0x18700, s21, s20, $0x38;
	[tilespmem:$0x1E700] =	vst v63  }
0xa0: {  	s2 =	rddreg [dreg:$0x4];
	s1 =	simm.s32 $0x18700  }
0xa1: {  	[tilespmem:s1], [sflag:$0x4] =	stream.strided.gather [hbm4b:s2+s20], $0x4000, s21, s20, $0x38;
	[tilespmem:$0x1E700] =	vst v63  }
0xa2: {  	_ =	swait.ge [sflag:s22], $0x4000  }
0xa3: {  	[sflag:s22] =	ssyncset.done $0x0  }
0xa4: {  	[sflag:s22] =	ssyncadd.s32 $0xFFFFC000  }
0xa5: {  	_ =	swait.ge [sflag:s23], $0x18700  }
0xa6: {  	[sflag:s23] =	ssyncset.done $0x0  }
0xa7: {  	s2 =	simm.s32 $0x18740;
	[sflag:s23] =	ssyncadd.s32 $0xFFFE7900  }
0xa8: {  	v0 =	vld [tilespmem:s2+$0x30]  }
0xa9: {  	v1 =	vld [tilespmem:s2+$0xFFFFFFD0]  }
0xaa: {  	v2 =	vld [tilespmem:s2+$0xFFFFFFE0]  }
0xab: {  	v3 =	vld [tilespmem:s2+$0xFFFFFFF0]  }
0xac: {  	v4 =	vld [tilespmem:s2+$0x0]  }
0xad: {  	v6 =	vld [tilespmem:s2+$0x10]  }
0xae: {  	v7 =	vld [tilespmem:s2+$0x20]  }
0xaf: {  	v8 =	vld [tilespmem:s2+$0xFFFFFFC0]  }
0xb0: {  	v9 =	vld.idx.msk [tilespmem:v0+s28+$0x0], $0xffff  }
0xb1: {  	v10 =	vld.idx.msk [tilespmem:v1+s28+$0x0], $0xffff  }
0xb2: {  	v5 =	vld.idx.msk [tilespmem:v2+s28+$0x0], $0xffff  }
0xb3: {  	v3 =	vld.idx.msk [tilespmem:v3+s28+$0x0], $0xffff  }
0xb4: {  	v0 =	vld.idx.msk [tilespmem:v4+s28+$0x0], $0xffff  }
0xb5: {  	s31 =	simm.s32 $0x1C740;
	v1 =	vld.idx.msk [tilespmem:v6+s28+$0x0], $0xffff  }
0xb6: {  	v2 =	vld.idx.msk [tilespmem:v7+s28+$0x0], $0xffff;
	[tilespmem:s31+$0x30] =	vst v9  }
0xb7: {  	s0 =	simm.s32 $0x0;
	s1 =	simm.s32 $0x187C0;
	v4 =	vld.idx.msk [tilespmem:v8+s28+$0x0], $0xffff;
	[tilespmem:s31+$0xFFFFFFD0] =	vst v10  }
.LBB2_2:
0xb8: {  	v6 =	vld [tilespmem:s1+$0x30];
	s0 =	sadd.s32 $0x80, s0;
	[tilespmem:s31+$0xFFFFFFE0] =	vst v5  }
0xb9: {  	v5 =	vld [tilespmem:s1+$0xFFFFFFD0];
	p5 =	slt.u32 s0, $0xF80;
	[tilespmem:s31+$0xFFFFFFF0] =	vst v3  }
0xba: {  	v3 =	vld [tilespmem:s1+$0xFFFFFFE0];
	[tilespmem:s31+$0x0] =	vst v0  }
0xbb: {  	v0 =	vld [tilespmem:s1+$0xFFFFFFF0];
	[tilespmem:s31+$0x10] =	vst v1  }
0xbc: {  	v1 =	vld [tilespmem:s1+$0x0];
	[tilespmem:s31+$0x20] =	vst v2  }
0xbd: {  	v2 =	vld [tilespmem:s1+$0x10];
	[tilespmem:s31+$0xFFFFFFC0] =	vst v4  }
0xbe: {  	v4 =	vld [tilespmem:s1+$0x20]  }
0xbf: {  	v7 =	vld [tilespmem:s1+$0xFFFFFFC0]  }
0xc0: {  	v6 =	vld.idx.msk [tilespmem:v6+s28+$0x0], $0xffff  }
0xc1: {  	v8 =	vld.idx.msk [tilespmem:v5+s28+$0x0], $0xffff  }
0xc2: {  	v5 =	vld.idx.msk [tilespmem:v3+s28+$0x0], $0xffff  }
.Ltmp0:
0xc3: {  	v3 =	vld.idx.msk [tilespmem:v0+s28+$0x0], $0xffff;
	(pc) =	sbr.rel @p5 .LBB2_2-.Ltmp0, $4  }
0xc4: {  	v0 =	vld.idx.msk [tilespmem:v1+s28+$0x0], $0xffff  }
0xc5: {  	s31 =	sadd.s32 $0x80, s31;
	v1 =	vld.idx.msk [tilespmem:v2+s28+$0x0], $0xffff  }
0xc6: {  	v2 =	vld.idx.msk [tilespmem:v4+s28+$0x0], $0xffff;
	[tilespmem:s31+$0x30] =	vst v6  }
0xc7: {  	s1 =	sadd.s32 $0x80, s1;
	v4 =	vld.idx.msk [tilespmem:v7+s28+$0x0], $0xffff;
	[tilespmem:s31+$0xFFFFFFD0] =	vst v8  }
0xc8: {  	[tilespmem:s31+$0xFFFFFFE0] =	vst v5  }
0xc9: {  	[tilespmem:s31+$0xFFFFFFF0] =	vst v3  }
0xca: {  	[tilespmem:s31+$0x0] =	vst v0  }
0xcb: {  	[tilespmem:s31+$0x10] =	vst v1  }
0xcc: {  	[tilespmem:s31+$0x20] =	vst v2  }
0xcd: {  	[tilespmem:s31+$0xFFFFFFC0] =	vst v4  }
0xce: {  	s2 =	simm.s32 $0x19770;
	s0 =	rddreg [dreg:$0x1e]  }
0xcf: {  	[hbm4b:s0+s20] =	stream.strided.scatter [tilespmem:s24], [sflag:$0x2], $0x1000, s21, s20, $0x38;
	[tilespmem:$0x1E700] =	vst v63  }
0xd0: {  	v0 =	vld [tilespmem:s2+$0x0]  }
0xd1: {  	v1 =	vld [tilespmem:s2+$0xFFFFFFA0]  }
0xd2: {  	v2 =	vld [tilespmem:s2+$0xFFFFFFB0]  }
0xd3: {  	v3 =	vld [tilespmem:s2+$0xFFFFFFC0]  }
0xd4: {  	v4 =	vld [tilespmem:s2+$0xFFFFFFD0]  }
0xd5: {  	v6 =	vld [tilespmem:s2+$0xFFFFFFE0]  }
0xd6: {  	v7 =	vld [tilespmem:s2+$0xFFFFFFF0]  }
0xd7: {  	v8 =	vld [tilespmem:s2+$0xFFFFFF90]  }
0xd8: {  	v9 =	vld.idx.msk [tilespmem:v0+s28+$0x0], $0xffff  }
0xd9: {  	v10 =	vld.idx.msk [tilespmem:v1+s28+$0x0], $0xffff  }
0xda: {  	v5 =	vld.idx.msk [tilespmem:v2+s28+$0x0], $0xffff  }
0xdb: {  	v3 =	vld.idx.msk [tilespmem:v3+s28+$0x0], $0xffff  }
0xdc: {  	v0 =	vld.idx.msk [tilespmem:v4+s28+$0x0], $0xffff  }
0xdd: {  	s31 =	simm.s32 $0x1D740;
	v1 =	vld.idx.msk [tilespmem:v6+s28+$0x0], $0xffff  }
0xde: {  	v2 =	vld.idx.msk [tilespmem:v7+s28+$0x0], $0xffff;
	[tilespmem:s31+$0x30] =	vst v9  }
0xdf: {  	s1 =	simm.s32 $0x197F0;
	s0 =	simm.s32 $0x0;
	v4 =	vld.idx.msk [tilespmem:v8+s28+$0x0], $0xffff;
	[tilespmem:s31+$0xFFFFFFD0] =	vst v10  }
.LBB2_4:
0xe0: {  	v6 =	vld [tilespmem:s1+$0x0];
	s0 =	sadd.s32 $0x80, s0;
	[tilespmem:s31+$0xFFFFFFE0] =	vst v5  }
0xe1: {  	v5 =	vld [tilespmem:s1+$0xFFFFFFA0];
	p5 =	slt.u32 s0, $0xF80;
	[tilespmem:s31+$0xFFFFFFF0] =	vst v3  }
0xe2: {  	v3 =	vld [tilespmem:s1+$0xFFFFFFB0];
	[tilespmem:s31+$0x0] =	vst v0  }
0xe3: {  	v0 =	vld [tilespmem:s1+$0xFFFFFFC0];
	[tilespmem:s31+$0x10] =	vst v1  }
0xe4: {  	v1 =	vld [tilespmem:s1+$0xFFFFFFD0];
	[tilespmem:s31+$0x20] =	vst v2  }
0xe5: {  	v2 =	vld [tilespmem:s1+$0xFFFFFFE0];
	[tilespmem:s31+$0xFFFFFFC0] =	vst v4  }
0xe6: {  	v4 =	vld [tilespmem:s1+$0xFFFFFFF0]  }
0xe7: {  	v7 =	vld [tilespmem:s1+$0xFFFFFF90]  }
0xe8: {  	v6 =	vld.idx.msk [tilespmem:v6+s28+$0x0], $0xffff  }
0xe9: {  	v8 =	vld.idx.msk [tilespmem:v5+s28+$0x0], $0xffff  }
0xea: {  	v5 =	vld.idx.msk [tilespmem:v3+s28+$0x0], $0xffff  }
.Ltmp1:
0xeb: {  	v3 =	vld.idx.msk [tilespmem:v0+s28+$0x0], $0xffff;
	(pc) =	sbr.rel @p5 .LBB2_4-.Ltmp1, $4  }
0xec: {  	v0 =	vld.idx.msk [tilespmem:v1+s28+$0x0], $0xffff  }
0xed: {  	s31 =	sadd.s32 $0x80, s31;
	v1 =	vld.idx.msk [tilespmem:v2+s28+$0x0], $0xffff  }
0xee: {  	v2 =	vld.idx.msk [tilespmem:v4+s28+$0x0], $0xffff;
	[tilespmem:s31+$0x30] =	vst v6  }
0xef: {  	s1 =	sadd.s32 $0x80, s1;
	v4 =	vld.idx.msk [tilespmem:v7+s28+$0x0], $0xffff;
	[tilespmem:s31+$0xFFFFFFD0] =	vst v8  }
0xf0: {  	[tilespmem:s31+$0xFFFFFFE0] =	vst v5  }
0xf1: {  	[tilespmem:s31+$0xFFFFFFF0] =	vst v3  }
0xf2: {  	[tilespmem:s31+$0x0] =	vst v0  }
0xf3: {  	[tilespmem:s31+$0x10] =	vst v1  }
0xf4: {  	[tilespmem:s31+$0x20] =	vst v2  }
0xf5: {  	[tilespmem:s31+$0xFFFFFFC0] =	vst v4  }
0xf6: {  	s0 =	rddreg [dreg:$0x1f]  }
0xf7: {  	[hbm4b:s0+s20] =	stream.strided.scatter [tilespmem:s25], [sflag:$0x3], $0x1000, s21, s20, $0x38;
	[tilespmem:$0x1E700] =	vst v63  }
0xf8: {  	_ =	swait.ge [sflag:s26], $0x1000  }
0xf9: {  	[sflag:s26] =	ssyncset.done $0x0  }
0xfa: {  	s2 =	simm.s32 $0x1A770;
	[sflag:s26] =	ssyncadd.s32 $0xFFFFF000  }
0xfb: {  	v0 =	vld [tilespmem:s2+$0x0]  }
0xfc: {  	v1 =	vld [tilespmem:s2+$0xFFFFFFA0]  }
0xfd: {  	v2 =	vld [tilespmem:s2+$0xFFFFFFB0]  }
0xfe: {  	v3 =	vld [tilespmem:s2+$0xFFFFFFC0]  }
0xff: {  	v4 =	vld [tilespmem:s2+$0xFFFFFFD0]  }
0x100: {  	v6 =	vld [tilespmem:s2+$0xFFFFFFE0]  }
0x101: {  	v7 =	vld [tilespmem:s2+$0xFFFFFFF0]  }
0x102: {  	v8 =	vld [tilespmem:s2+$0xFFFFFF90]  }
0x103: {  	v9 =	vld.idx.msk [tilespmem:v0+s28+$0x0], $0xffff  }
0x104: {  	v10 =	vld.idx.msk [tilespmem:v1+s28+$0x0], $0xffff  }
0x105: {  	v5 =	vld.idx.msk [tilespmem:v2+s28+$0x0], $0xffff  }
0x106: {  	v3 =	vld.idx.msk [tilespmem:v3+s28+$0x0], $0xffff  }
0x107: {  	v0 =	vld.idx.msk [tilespmem:v4+s28+$0x0], $0xffff  }
0x108: {  	s31 =	simm.s32 $0x1C740;
	v1 =	vld.idx.msk [tilespmem:v6+s28+$0x0], $0xffff  }
0x109: {  	v2 =	vld.idx.msk [tilespmem:v7+s28+$0x0], $0xffff;
	[tilespmem:s31+$0x30] =	vst v9  }
0x10a: {  	s1 =	simm.s32 $0x1A7F0;
	s0 =	simm.s32 $0x0;
	v4 =	vld.idx.msk [tilespmem:v8+s28+$0x0], $0xffff;
	[tilespmem:s31+$0xFFFFFFD0] =	vst v10  }
.LBB2_6:
0x10b: {  	v6 =	vld [tilespmem:s1+$0x0];
	s0 =	sadd.s32 $0x80, s0;
	[tilespmem:s31+$0xFFFFFFE0] =	vst v5  }
0x10c: {  	v5 =	vld [tilespmem:s1+$0xFFFFFFA0];
	p5 =	slt.u32 s0, $0xF80;
	[tilespmem:s31+$0xFFFFFFF0] =	vst v3  }
0x10d: {  	v3 =	vld [tilespmem:s1+$0xFFFFFFB0];
	[tilespmem:s31+$0x0] =	vst v0  }
0x10e: {  	v0 =	vld [tilespmem:s1+$0xFFFFFFC0];
	[tilespmem:s31+$0x10] =	vst v1  }
0x10f: {  	v1 =	vld [tilespmem:s1+$0xFFFFFFD0];
	[tilespmem:s31+$0x20] =	vst v2  }
0x110: {  	v2 =	vld [tilespmem:s1+$0xFFFFFFE0];
	[tilespmem:s31+$0xFFFFFFC0] =	vst v4  }
0x111: {  	v4 =	vld [tilespmem:s1+$0xFFFFFFF0]  }
0x112: {  	v7 =	vld [tilespmem:s1+$0xFFFFFF90]  }
0x113: {  	v6 =	vld.idx.msk [tilespmem:v6+s28+$0x0], $0xffff  }
0x114: {  	v8 =	vld.idx.msk [tilespmem:v5+s28+$0x0], $0xffff  }
0x115: {  	v5 =	vld.idx.msk [tilespmem:v3+s28+$0x0], $0xffff  }
.Ltmp2:
0x116: {  	v3 =	vld.idx.msk [tilespmem:v0+s28+$0x0], $0xffff;
	(pc) =	sbr.rel @p5 .LBB2_6-.Ltmp2, $4  }
0x117: {  	v0 =	vld.idx.msk [tilespmem:v1+s28+$0x0], $0xffff  }
0x118: {  	s31 =	sadd.s32 $0x80, s31;
	v1 =	vld.idx.msk [tilespmem:v2+s28+$0x0], $0xffff  }
0x119: {  	v2 =	vld.idx.msk [tilespmem:v4+s28+$0x0], $0xffff;
	[tilespmem:s31+$0x30] =	vst v6  }
0x11a: {  	s1 =	sadd.s32 $0x80, s1;
	v4 =	vld.idx.msk [tilespmem:v7+s28+$0x0], $0xffff;
	[tilespmem:s31+$0xFFFFFFD0] =	vst v8  }
0x11b: {  	[tilespmem:s31+$0xFFFFFFE0] =	vst v5  }
0x11c: {  	[tilespmem:s31+$0xFFFFFFF0] =	vst v3  }
0x11d: {  	[tilespmem:s31+$0x0] =	vst v0  }
0x11e: {  	[tilespmem:s31+$0x10] =	vst v1  }
0x11f: {  	[tilespmem:s31+$0x20] =	vst v2  }
0x120: {  	[tilespmem:s31+$0xFFFFFFC0] =	vst v4  }
0x121: {  	s0 =	sld [smem:$0x7D5];
	_ =	sdelay $0x2  }
0x122: {  	[hbm4b:s0+s20] =	stream.strided.scatter [tilespmem:s24], [sflag:$0x2], $0x1000, s21, s20, $0x38;
	[tilespmem:$0x1E700] =	vst v63  }
0x123: {  	_ =	swait.ge [sflag:s29], $0x1000  }
0x124: {  	[sflag:s29] =	ssyncset.done $0x0  }
0x125: {  	s2 =	simm.s32 $0x1B770;
	[sflag:s29] =	ssyncadd.s32 $0xFFFFF000  }
0x126: {  	v0 =	vld [tilespmem:s2+$0x0]  }
0x127: {  	v1 =	vld [tilespmem:s2+$0xFFFFFFA0]  }
0x128: {  	v2 =	vld [tilespmem:s2+$0xFFFFFFB0]  }
0x129: {  	v3 =	vld [tilespmem:s2+$0xFFFFFFC0]  }
0x12a: {  	v4 =	vld [tilespmem:s2+$0xFFFFFFD0]  }
0x12b: {  	v6 =	vld [tilespmem:s2+$0xFFFFFFE0]  }
0x12c: {  	v7 =	vld [tilespmem:s2+$0xFFFFFFF0]  }
0x12d: {  	v8 =	vld [tilespmem:s2+$0xFFFFFF90]  }
0x12e: {  	v9 =	vld.idx.msk [tilespmem:v0+s28+$0x0], $0xffff  }
0x12f: {  	v10 =	vld.idx.msk [tilespmem:v1+s28+$0x0], $0xffff  }
0x130: {  	v5 =	vld.idx.msk [tilespmem:v2+s28+$0x0], $0xffff  }
0x131: {  	v3 =	vld.idx.msk [tilespmem:v3+s28+$0x0], $0xffff  }
0x132: {  	v0 =	vld.idx.msk [tilespmem:v4+s28+$0x0], $0xffff  }
0x133: {  	s31 =	simm.s32 $0x1D740;
	v1 =	vld.idx.msk [tilespmem:v6+s28+$0x0], $0xffff  }
0x134: {  	v2 =	vld.idx.msk [tilespmem:v7+s28+$0x0], $0xffff;
	[tilespmem:s31+$0x30] =	vst v9  }
0x135: {  	s1 =	simm.s32 $0x1B7F0;
	s0 =	simm.s32 $0x0;
	v4 =	vld.idx.msk [tilespmem:v8+s28+$0x0], $0xffff;
	[tilespmem:s31+$0xFFFFFFD0] =	vst v10  }
.LBB2_8:
0x136: {  	v6 =	vld [tilespmem:s1+$0x0];
	s0 =	sadd.s32 $0x80, s0;
	[tilespmem:s31+$0xFFFFFFE0] =	vst v5  }
0x137: {  	v5 =	vld [tilespmem:s1+$0xFFFFFFA0];
	p5 =	slt.u32 s0, $0xF80;
	[tilespmem:s31+$0xFFFFFFF0] =	vst v3  }
0x138: {  	v3 =	vld [tilespmem:s1+$0xFFFFFFB0];
	[tilespmem:s31+$0x0] =	vst v0  }
0x139: {  	v0 =	vld [tilespmem:s1+$0xFFFFFFC0];
	[tilespmem:s31+$0x10] =	vst v1  }
0x13a: {  	v1 =	vld [tilespmem:s1+$0xFFFFFFD0];
	[tilespmem:s31+$0x20] =	vst v2  }
0x13b: {  	v2 =	vld [tilespmem:s1+$0xFFFFFFE0];
	[tilespmem:s31+$0xFFFFFFC0] =	vst v4  }
0x13c: {  	v4 =	vld [tilespmem:s1+$0xFFFFFFF0]  }
0x13d: {  	v7 =	vld [tilespmem:s1+$0xFFFFFF90]  }
0x13e: {  	v6 =	vld.idx.msk [tilespmem:v6+s28+$0x0], $0xffff  }
0x13f: {  	v8 =	vld.idx.msk [tilespmem:v5+s28+$0x0], $0xffff  }
0x140: {  	v5 =	vld.idx.msk [tilespmem:v3+s28+$0x0], $0xffff  }
.Ltmp3:
0x141: {  	v3 =	vld.idx.msk [tilespmem:v0+s28+$0x0], $0xffff;
	(pc) =	sbr.rel @p5 .LBB2_8-.Ltmp3, $4  }
0x142: {  	v0 =	vld.idx.msk [tilespmem:v1+s28+$0x0], $0xffff  }
0x143: {  	s31 =	sadd.s32 $0x80, s31;
	v1 =	vld.idx.msk [tilespmem:v2+s28+$0x0], $0xffff  }
0x144: {  	v2 =	vld.idx.msk [tilespmem:v4+s28+$0x0], $0xffff;
	[tilespmem:s31+$0x30] =	vst v6  }
0x145: {  	s1 =	sadd.s32 $0x80, s1;
	v4 =	vld.idx.msk [tilespmem:v7+s28+$0x0], $0xffff;
	[tilespmem:s31+$0xFFFFFFD0] =	vst v8  }
0x146: {  	[tilespmem:s31+$0xFFFFFFE0] =	vst v5  }
0x147: {  	[tilespmem:s31+$0xFFFFFFF0] =	vst v3  }
0x148: {  	[tilespmem:s31+$0x0] =	vst v0  }
0x149: {  	[tilespmem:s31+$0x10] =	vst v1  }
0x14a: {  	[tilespmem:s31+$0x20] =	vst v2  }
0x14b: {  	[tilespmem:s31+$0xFFFFFFC0] =	vst v4  }
0x14c: {  	s0 =	sld [smem:$0x7D6]  }
0x14d: {  	s1 =	sld [smem:$0x7CB];
	_ =	sdelay $0x1  }
0x14e: {  	[hbm4b:s0+s20] =	stream.strided.scatter [tilespmem:s25], [sflag:$0x3], $0x1000, s21, s20, $0x38;
	[tilespmem:$0x1E700] =	vst v63  }
0x14f: {  	p5 =	seq.s32 s1, $0x1  }
0x150: {  	s2 =	rddreg [dreg:$0x11];
	s0 =	simm.s32 @!p5 $0x80  }
0x151: {  	[tilespmem:s28], [sflag:$0x1] =	stream.strided.gather [hbm4b:s2+s20], $0x18700, s21, s20, $0x38;
	[tilespmem:$0x1E700] =	vst v63  }
0x152: {  	s1 =	simm.s32 @!p5 $0x400;
	s31 =	simm.s32 @!p5 $0x18700;
	s2 =	rddreg [dreg:$0x5]  }
0x153: {  	[tilespmem:s31], [sflag:$0x4] =	stream.strided.gather @!p5 [hbm4b:s2+s0], $0x4000, s1, s0, $0x38;
	[tilespmem:$0x1E700] =	vst v63  }
0x154: {  	s0 =	simm.s32 @!p5 $0x4  }
0x155: {  	_ =	swait.ge @!p5 [sflag:s0], $0x4000  }
0x156: {  	[sflag:s0] =	ssyncset.done @!p5 $0x0  }
0x157: {  	[sflag:s0] =	ssyncadd.s32 @!p5 $0xFFFFC000  }
0x158: {  	_ =	swait.ge [sflag:s23], $0x18700  }
0x159: {  	[sflag:s23] =	ssyncset.done $0x0  }
0x15a: {  	[sflag:s23] =	ssyncadd.s32 $0xFFFE7900  }
0x15b: {  	_ =	swait.ge [sflag:s26], $0x1000  }
0x15c: {  	[sflag:s26] =	ssyncset.done $0x0  }
0x15d: {  	s2 =	simm.s32 $0x18740;
	[sflag:s26] =	ssyncadd.s32 $0xFFFFF000  }
0x15e: {  	v0 =	vld [tilespmem:s2+$0x30]  }
0x15f: {  	v1 =	vld [tilespmem:s2+$0xFFFFFFD0]  }
0x160: {  	v2 =	vld [tilespmem:s2+$0xFFFFFFE0]  }
0x161: {  	v3 =	vld [tilespmem:s2+$0xFFFFFFF0]  }
0x162: {  	v4 =	vld [tilespmem:s2+$0x0]  }
0x163: {  	v6 =	vld [tilespmem:s2+$0x10]  }
0x164: {  	v7 =	vld [tilespmem:s2+$0x20]  }
0x165: {  	v8 =	vld [tilespmem:s2+$0xFFFFFFC0]  }
0x166: {  	v9 =	vld.idx.msk [tilespmem:v0+s28+$0x0], $0xffff  }
0x167: {  	v10 =	vld.idx.msk [tilespmem:v1+s28+$0x0], $0xffff  }
0x168: {  	v5 =	vld.idx.msk [tilespmem:v2+s28+$0x0], $0xffff  }
0x169: {  	v3 =	vld.idx.msk [tilespmem:v3+s28+$0x0], $0xffff  }
0x16a: {  	v0 =	vld.idx.msk [tilespmem:v4+s28+$0x0], $0xffff  }
0x16b: {  	s31 =	simm.s32 $0x1C740;
	v1 =	vld.idx.msk [tilespmem:v6+s28+$0x0], $0xffff  }
0x16c: {  	v2 =	vld.idx.msk [tilespmem:v7+s28+$0x0], $0xffff;
	[tilespmem:s31+$0x30] =	vst v9  }
0x16d: {  	s1 =	simm.s32 $0x187C0;
	s0 =	simm.s32 $0x0;
	v4 =	vld.idx.msk [tilespmem:v8+s28+$0x0], $0xffff;
	[tilespmem:s31+$0xFFFFFFD0] =	vst v10  }
.LBB2_10:
0x16e: {  	v6 =	vld [tilespmem:s1+$0x30];
	s0 =	sadd.s32 $0x80, s0;
	[tilespmem:s31+$0xFFFFFFE0] =	vst v5  }
0x16f: {  	v5 =	vld [tilespmem:s1+$0xFFFFFFD0];
	p5 =	slt.u32 s0, $0xF80;
	[tilespmem:s31+$0xFFFFFFF0] =	vst v3  }
0x170: {  	v3 =	vld [tilespmem:s1+$0xFFFFFFE0];
	[tilespmem:s31+$0x0] =	vst v0  }
0x171: {  	v0 =	vld [tilespmem:s1+$0xFFFFFFF0];
	[tilespmem:s31+$0x10] =	vst v1  }
0x172: {  	v1 =	vld [tilespmem:s1+$0x0];
	[tilespmem:s31+$0x20] =	vst v2  }
0x173: {  	v2 =	vld [tilespmem:s1+$0x10];
	[tilespmem:s31+$0xFFFFFFC0] =	vst v4  }
0x174: {  	v4 =	vld [tilespmem:s1+$0x20]  }
0x175: {  	v7 =	vld [tilespmem:s1+$0xFFFFFFC0]  }
0x176: {  	v6 =	vld.idx.msk [tilespmem:v6+s28+$0x0], $0xffff  }
0x177: {  	v8 =	vld.idx.msk [tilespmem:v5+s28+$0x0], $0xffff  }
0x178: {  	v5 =	vld.idx.msk [tilespmem:v3+s28+$0x0], $0xffff  }
.Ltmp4:
0x179: {  	v3 =	vld.idx.msk [tilespmem:v0+s28+$0x0], $0xffff;
	(pc) =	sbr.rel @p5 .LBB2_10-.Ltmp4, $4  }
0x17a: {  	v0 =	vld.idx.msk [tilespmem:v1+s28+$0x0], $0xffff  }
0x17b: {  	s31 =	sadd.s32 $0x80, s31;
	v1 =	vld.idx.msk [tilespmem:v2+s28+$0x0], $0xffff  }
0x17c: {  	v2 =	vld.idx.msk [tilespmem:v4+s28+$0x0], $0xffff;
	[tilespmem:s31+$0x30] =	vst v6  }
0x17d: {  	s1 =	sadd.s32 $0x80, s1;
	v4 =	vld.idx.msk [tilespmem:v7+s28+$0x0], $0xffff;
	[tilespmem:s31+$0xFFFFFFD0] =	vst v8  }
0x17e: {  	[tilespmem:s31+$0xFFFFFFE0] =	vst v5  }
0x17f: {  	[tilespmem:s31+$0xFFFFFFF0] =	vst v3  }
0x180: {  	[tilespmem:s31+$0x0] =	vst v0  }
0x181: {  	[tilespmem:s31+$0x10] =	vst v1  }
0x182: {  	[tilespmem:s31+$0x20] =	vst v2  }
0x183: {  	[tilespmem:s31+$0xFFFFFFC0] =	vst v4  }
0x184: {  	s0 =	sld [smem:$0x7DA];
	_ =	sdelay $0x2  }
0x185: {  	[hbm4b:s0+s20] =	stream.strided.scatter [tilespmem:s24], [sflag:$0x2], $0x1000, s21, s20, $0x38;
	[tilespmem:$0x1E700] =	vst v63  }
0x186: {  	_ =	swait.ge [sflag:s29], $0x1000  }
0x187: {  	[sflag:s29] =	ssyncset.done $0x0  }
0x188: {  	s2 =	simm.s32 $0x19770;
	[sflag:s29] =	ssyncadd.s32 $0xFFFFF000  }
0x189: {  	v0 =	vld [tilespmem:s2+$0x0]  }
0x18a: {  	v1 =	vld [tilespmem:s2+$0xFFFFFFA0]  }
0x18b: {  	v2 =	vld [tilespmem:s2+$0xFFFFFFB0]  }
0x18c: {  	v3 =	vld [tilespmem:s2+$0xFFFFFFC0]  }
0x18d: {  	v4 =	vld [tilespmem:s2+$0xFFFFFFD0]  }
0x18e: {  	v6 =	vld [tilespmem:s2+$0xFFFFFFE0]  }
0x18f: {  	v7 =	vld [tilespmem:s2+$0xFFFFFFF0]  }
0x190: {  	v8 =	vld [tilespmem:s2+$0xFFFFFF90]  }
0x191: {  	v9 =	vld.idx.msk [tilespmem:v0+s28+$0x0], $0xffff  }
0x192: {  	v10 =	vld.idx.msk [tilespmem:v1+s28+$0x0], $0xffff  }
0x193: {  	v5 =	vld.idx.msk [tilespmem:v2+s28+$0x0], $0xffff  }
0x194: {  	v3 =	vld.idx.msk [tilespmem:v3+s28+$0x0], $0xffff  }
0x195: {  	v0 =	vld.idx.msk [tilespmem:v4+s28+$0x0], $0xffff  }
0x196: {  	s31 =	simm.s32 $0x1D740;
	v1 =	vld.idx.msk [tilespmem:v6+s28+$0x0], $0xffff  }
0x197: {  	v2 =	vld.idx.msk [tilespmem:v7+s28+$0x0], $0xffff;
	[tilespmem:s31+$0x30] =	vst v9  }
0x198: {  	s1 =	simm.s32 $0x197F0;
	s0 =	simm.s32 $0x0;
	v4 =	vld.idx.msk [tilespmem:v8+s28+$0x0], $0xffff;
	[tilespmem:s31+$0xFFFFFFD0] =	vst v10  }
.LBB2_12:
0x199: {  	v6 =	vld [tilespmem:s1+$0x0];
	s0 =	sadd.s32 $0x80, s0;
	[tilespmem:s31+$0xFFFFFFE0] =	vst v5  }
0x19a: {  	v5 =	vld [tilespmem:s1+$0xFFFFFFA0];
	p5 =	slt.u32 s0, $0xF80;
	[tilespmem:s31+$0xFFFFFFF0] =	vst v3  }
0x19b: {  	v3 =	vld [tilespmem:s1+$0xFFFFFFB0];
	[tilespmem:s31+$0x0] =	vst v0  }
0x19c: {  	v0 =	vld [tilespmem:s1+$0xFFFFFFC0];
	[tilespmem:s31+$0x10] =	vst v1  }
0x19d: {  	v1 =	vld [tilespmem:s1+$0xFFFFFFD0];
	[tilespmem:s31+$0x20] =	vst v2  }
0x19e: {  	v2 =	vld [tilespmem:s1+$0xFFFFFFE0];
	[tilespmem:s31+$0xFFFFFFC0] =	vst v4  }
0x19f: {  	v4 =	vld [tilespmem:s1+$0xFFFFFFF0]  }
0x1a0: {  	v7 =	vld [tilespmem:s1+$0xFFFFFF90]  }
0x1a1: {  	v6 =	vld.idx.msk [tilespmem:v6+s28+$0x0], $0xffff  }
0x1a2: {  	v8 =	vld.idx.msk [tilespmem:v5+s28+$0x0], $0xffff  }
0x1a3: {  	v5 =	vld.idx.msk [tilespmem:v3+s28+$0x0], $0xffff  }
.Ltmp5:
0x1a4: {  	v3 =	vld.idx.msk [tilespmem:v0+s28+$0x0], $0xffff;
	(pc) =	sbr.rel @p5 .LBB2_12-.Ltmp5, $4  }
0x1a5: {  	v0 =	vld.idx.msk [tilespmem:v1+s28+$0x0], $0xffff  }
0x1a6: {  	s31 =	sadd.s32 $0x80, s31;
	v1 =	vld.idx.msk [tilespmem:v2+s28+$0x0], $0xffff  }
0x1a7: {  	v2 =	vld.idx.msk [tilespmem:v4+s28+$0x0], $0xffff;
	[tilespmem:s31+$0x30] =	vst v6  }
0x1a8: {  	s1 =	sadd.s32 $0x80, s1;
	v4 =	vld.idx.msk [tilespmem:v7+s28+$0x0], $0xffff;
	[tilespmem:s31+$0xFFFFFFD0] =	vst v8  }
0x1a9: {  	[tilespmem:s31+$0xFFFFFFE0] =	vst v5  }
0x1aa: {  	[tilespmem:s31+$0xFFFFFFF0] =	vst v3  }
0x1ab: {  	[tilespmem:s31+$0x0] =	vst v0  }
0x1ac: {  	[tilespmem:s31+$0x10] =	vst v1  }
0x1ad: {  	[tilespmem:s31+$0x20] =	vst v2  }
0x1ae: {  	[tilespmem:s31+$0xFFFFFFC0] =	vst v4  }
0x1af: {  	s0 =	sld [smem:$0x7DB];
	_ =	sdelay $0x2  }
0x1b0: {  	[hbm4b:s0+s20] =	stream.strided.scatter [tilespmem:s25], [sflag:$0x3], $0x1000, s21, s20, $0x38;
	[tilespmem:$0x1E700] =	vst v63  }
0x1b1: {  	_ =	swait.ge [sflag:s26], $0x1000  }
0x1b2: {  	[sflag:s26] =	ssyncset.done $0x0  }
0x1b3: {  	s2 =	simm.s32 $0x1A770;
	[sflag:s26] =	ssyncadd.s32 $0xFFFFF000  }
0x1b4: {  	v0 =	vld [tilespmem:s2+$0x0]  }
0x1b5: {  	v1 =	vld [tilespmem:s2+$0xFFFFFFA0]  }
0x1b6: {  	v2 =	vld [tilespmem:s2+$0xFFFFFFB0]  }
0x1b7: {  	v3 =	vld [tilespmem:s2+$0xFFFFFFC0]  }
0x1b8: {  	v4 =	vld [tilespmem:s2+$0xFFFFFFD0]  }
0x1b9: {  	v6 =	vld [tilespmem:s2+$0xFFFFFFE0]  }
0x1ba: {  	v7 =	vld [tilespmem:s2+$0xFFFFFFF0]  }
0x1bb: {  	v8 =	vld [tilespmem:s2+$0xFFFFFF90]  }
0x1bc: {  	v9 =	vld.idx.msk [tilespmem:v0+s28+$0x0], $0xffff  }
0x1bd: {  	v10 =	vld.idx.msk [tilespmem:v1+s28+$0x0], $0xffff  }
0x1be: {  	v5 =	vld.idx.msk [tilespmem:v2+s28+$0x0], $0xffff  }
0x1bf: {  	v3 =	vld.idx.msk [tilespmem:v3+s28+$0x0], $0xffff  }
0x1c0: {  	v0 =	vld.idx.msk [tilespmem:v4+s28+$0x0], $0xffff  }
0x1c1: {  	s31 =	simm.s32 $0x1C740;
	v1 =	vld.idx.msk [tilespmem:v6+s28+$0x0], $0xffff  }
0x1c2: {  	v2 =	vld.idx.msk [tilespmem:v7+s28+$0x0], $0xffff;
	[tilespmem:s31+$0x30] =	vst v9  }
0x1c3: {  	s1 =	simm.s32 $0x1A7F0;
	s0 =	simm.s32 $0x0;
	v4 =	vld.idx.msk [tilespmem:v8+s28+$0x0], $0xffff;
	[tilespmem:s31+$0xFFFFFFD0] =	vst v10  }
.LBB2_14:
0x1c4: {  	v6 =	vld [tilespmem:s1+$0x0];
	s0 =	sadd.s32 $0x80, s0;
	[tilespmem:s31+$0xFFFFFFE0] =	vst v5  }
0x1c5: {  	v5 =	vld [tilespmem:s1+$0xFFFFFFA0];
	p5 =	slt.u32 s0, $0xF80;
	[tilespmem:s31+$0xFFFFFFF0] =	vst v3  }
0x1c6: {  	v3 =	vld [tilespmem:s1+$0xFFFFFFB0];
	[tilespmem:s31+$0x0] =	vst v0  }
0x1c7: {  	v0 =	vld [tilespmem:s1+$0xFFFFFFC0];
	[tilespmem:s31+$0x10] =	vst v1  }
0x1c8: {  	v1 =	vld [tilespmem:s1+$0xFFFFFFD0];
	[tilespmem:s31+$0x20] =	vst v2  }
0x1c9: {  	v2 =	vld [tilespmem:s1+$0xFFFFFFE0];
	[tilespmem:s31+$0xFFFFFFC0] =	vst v4  }
0x1ca: {  	v4 =	vld [tilespmem:s1+$0xFFFFFFF0]  }
0x1cb: {  	v7 =	vld [tilespmem:s1+$0xFFFFFF90]  }
0x1cc: {  	v6 =	vld.idx.msk [tilespmem:v6+s28+$0x0], $0xffff  }
0x1cd: {  	v8 =	vld.idx.msk [tilespmem:v5+s28+$0x0], $0xffff  }
0x1ce: {  	v5 =	vld.idx.msk [tilespmem:v3+s28+$0x0], $0xffff  }
.Ltmp6:
0x1cf: {  	v3 =	vld.idx.msk [tilespmem:v0+s28+$0x0], $0xffff;
	(pc) =	sbr.rel @p5 .LBB2_14-.Ltmp6, $4  }
0x1d0: {  	v0 =	vld.idx.msk [tilespmem:v1+s28+$0x0], $0xffff  }
0x1d1: {  	s31 =	sadd.s32 $0x80, s31;
	v1 =	vld.idx.msk [tilespmem:v2+s28+$0x0], $0xffff  }
0x1d2: {  	v2 =	vld.idx.msk [tilespmem:v4+s28+$0x0], $0xffff;
	[tilespmem:s31+$0x30] =	vst v6  }
0x1d3: {  	s1 =	sadd.s32 $0x80, s1;
	v4 =	vld.idx.msk [tilespmem:v7+s28+$0x0], $0xffff;
	[tilespmem:s31+$0xFFFFFFD0] =	vst v8  }
0x1d4: {  	[tilespmem:s31+$0xFFFFFFE0] =	vst v5  }
0x1d5: {  	[tilespmem:s31+$0xFFFFFFF0] =	vst v3  }
0x1d6: {  	[tilespmem:s31+$0x0] =	vst v0  }
0x1d7: {  	[tilespmem:s31+$0x10] =	vst v1  }
0x1d8: {  	[tilespmem:s31+$0x20] =	vst v2  }
0x1d9: {  	[tilespmem:s31+$0xFFFFFFC0] =	vst v4  }
0x1da: {  	s0 =	sld [smem:$0x7DC];
	_ =	sdelay $0x2  }
0x1db: {  	[hbm4b:s0+s20] =	stream.strided.scatter [tilespmem:s24], [sflag:$0x2], $0x1000, s21, s20, $0x38;
	[tilespmem:$0x1E700] =	vst v63  }
0x1dc: {  	_ =	swait.ge [sflag:s29], $0x1000  }
0x1dd: {  	[sflag:s29] =	ssyncset.done $0x0  }
0x1de: {  	s2 =	simm.s32 $0x1B770;
	[sflag:s29] =	ssyncadd.s32 $0xFFFFF000  }
0x1df: {  	v0 =	vld [tilespmem:s2+$0x0]  }
0x1e0: {  	v1 =	vld [tilespmem:s2+$0xFFFFFFA0]  }
0x1e1: {  	v2 =	vld [tilespmem:s2+$0xFFFFFFB0]  }
0x1e2: {  	v3 =	vld [tilespmem:s2+$0xFFFFFFC0]  }
0x1e3: {  	v4 =	vld [tilespmem:s2+$0xFFFFFFD0]  }
0x1e4: {  	v6 =	vld [tilespmem:s2+$0xFFFFFFE0]  }
0x1e5: {  	v7 =	vld [tilespmem:s2+$0xFFFFFFF0]  }
0x1e6: {  	v8 =	vld [tilespmem:s2+$0xFFFFFF90]  }
0x1e7: {  	v9 =	vld.idx.msk [tilespmem:v0+s28+$0x0], $0xffff  }
0x1e8: {  	v10 =	vld.idx.msk [tilespmem:v1+s28+$0x0], $0xffff  }
0x1e9: {  	v5 =	vld.idx.msk [tilespmem:v2+s28+$0x0], $0xffff  }
0x1ea: {  	v3 =	vld.idx.msk [tilespmem:v3+s28+$0x0], $0xffff  }
0x1eb: {  	v0 =	vld.idx.msk [tilespmem:v4+s28+$0x0], $0xffff  }
0x1ec: {  	s31 =	simm.s32 $0x1D740;
	v1 =	vld.idx.msk [tilespmem:v6+s28+$0x0], $0xffff  }
0x1ed: {  	v2 =	vld.idx.msk [tilespmem:v7+s28+$0x0], $0xffff;
	[tilespmem:s31+$0x30] =	vst v9  }
0x1ee: {  	s1 =	simm.s32 $0x1B7F0;
	s0 =	simm.s32 $0x0;
	v4 =	vld.idx.msk [tilespmem:v8+s28+$0x0], $0xffff;
	[tilespmem:s31+$0xFFFFFFD0] =	vst v10  }
.LBB2_16:
0x1ef: {  	v6 =	vld [tilespmem:s1+$0x0];
	s0 =	sadd.s32 $0x80, s0;
	[tilespmem:s31+$0xFFFFFFE0] =	vst v5  }
0x1f0: {  	v5 =	vld [tilespmem:s1+$0xFFFFFFA0];
	p5 =	slt.u32 s0, $0xF80;
	[tilespmem:s31+$0xFFFFFFF0] =	vst v3  }
0x1f1: {  	v3 =	vld [tilespmem:s1+$0xFFFFFFB0];
	[tilespmem:s31+$0x0] =	vst v0  }
0x1f2: {  	v0 =	vld [tilespmem:s1+$0xFFFFFFC0];
	[tilespmem:s31+$0x10] =	vst v1  }
0x1f3: {  	v1 =	vld [tilespmem:s1+$0xFFFFFFD0];
	[tilespmem:s31+$0x20] =	vst v2  }
0x1f4: {  	v2 =	vld [tilespmem:s1+$0xFFFFFFE0];
	[tilespmem:s31+$0xFFFFFFC0] =	vst v4  }
0x1f5: {  	v4 =	vld [tilespmem:s1+$0xFFFFFFF0]  }
0x1f6: {  	v7 =	vld [tilespmem:s1+$0xFFFFFF90]  }
0x1f7: {  	v6 =	vld.idx.msk [tilespmem:v6+s28+$0x0], $0xffff  }
0x1f8: {  	v8 =	vld.idx.msk [tilespmem:v5+s28+$0x0], $0xffff  }
0x1f9: {  	v5 =	vld.idx.msk [tilespmem:v3+s28+$0x0], $0xffff  }
.Ltmp7:
0x1fa: {  	v3 =	vld.idx.msk [tilespmem:v0+s28+$0x0], $0xffff;
	(pc) =	sbr.rel @p5 .LBB2_16-.Ltmp7, $4  }
0x1fb: {  	v0 =	vld.idx.msk [tilespmem:v1+s28+$0x0], $0xffff  }
0x1fc: {  	s31 =	sadd.s32 $0x80, s31;
	v1 =	vld.idx.msk [tilespmem:v2+s28+$0x0], $0xffff  }
0x1fd: {  	v2 =	vld.idx.msk [tilespmem:v4+s28+$0x0], $0xffff;
	[tilespmem:s31+$0x30] =	vst v6  }
0x1fe: {  	s1 =	sadd.s32 $0x80, s1;
	v4 =	vld.idx.msk [tilespmem:v7+s28+$0x0], $0xffff;
	[tilespmem:s31+$0xFFFFFFD0] =	vst v8  }
0x1ff: {  	[tilespmem:s31+$0xFFFFFFE0] =	vst v5  }
0x200: {  	[tilespmem:s31+$0xFFFFFFF0] =	vst v3  }
0x201: {  	[tilespmem:s31+$0x0] =	vst v0  }
0x202: {  	[tilespmem:s31+$0x10] =	vst v1  }
0x203: {  	[tilespmem:s31+$0x20] =	vst v2  }
0x204: {  	[tilespmem:s31+$0xFFFFFFC0] =	vst v4  }
0x205: {  	s0 =	sld [smem:$0x7DD]  }
0x206: {  	s1 =	sld [smem:$0x7CC];
	_ =	sdelay $0x1  }
0x207: {  	[hbm4b:s0+s20] =	stream.strided.scatter [tilespmem:s25], [sflag:$0x3], $0x1000, s21, s20, $0x38;
	[tilespmem:$0x1E700] =	vst v63  }
0x208: {  	p5 =	seq.s32 s1, $0x1  }
0x209: {  	s2 =	rddreg [dreg:$0x12];
	s0 =	simm.s32 @!p5 $0x80  }
0x20a: {  	[tilespmem:s28], [sflag:$0x1] =	stream.strided.gather [hbm4b:s2+s20], $0x18700, s21, s20, $0x38;
	[tilespmem:$0x1E700] =	vst v63  }
0x20b: {  	s1 =	simm.s32 @!p5 $0x400;
	s31 =	simm.s32 @!p5 $0x18700;
	s2 =	rddreg [dreg:$0x6]  }
0x20c: {  	[tilespmem:s31], [sflag:$0x4] =	stream.strided.gather @!p5 [hbm4b:s2+s0], $0x4000, s1, s0, $0x38;
	[tilespmem:$0x1E700] =	vst v63  }
0x20d: {  	s0 =	simm.s32 @!p5 $0x4  }
0x20e: {  	_ =	swait.ge @!p5 [sflag:s0], $0x4000  }
0x20f: {  	[sflag:s0] =	ssyncset.done @!p5 $0x0  }
0x210: {  	[sflag:s0] =	ssyncadd.s32 @!p5 $0xFFFFC000  }
0x211: {  	_ =	swait.ge [sflag:s23], $0x18700  }
0x212: {  	[sflag:s23] =	ssyncset.done $0x0  }
0x213: {  	[sflag:s23] =	ssyncadd.s32 $0xFFFE7900  }
0x214: {  	_ =	swait.ge [sflag:s26], $0x1000  }
0x215: {  	[sflag:s26] =	ssyncset.done $0x0  }
0x216: {  	s2 =	simm.s32 $0x18740;
	[sflag:s26] =	ssyncadd.s32 $0xFFFFF000  }
0x217: {  	v0 =	vld [tilespmem:s2+$0x30]  }
0x218: {  	v1 =	vld [tilespmem:s2+$0xFFFFFFD0]  }
0x219: {  	v2 =	vld [tilespmem:s2+$0xFFFFFFE0]  }
0x21a: {  	v3 =	vld [tilespmem:s2+$0xFFFFFFF0]  }
0x21b: {  	v4 =	vld [tilespmem:s2+$0x0]  }
0x21c: {  	v6 =	vld [tilespmem:s2+$0x10]  }
0x21d: {  	v7 =	vld [tilespmem:s2+$0x20]  }
0x21e: {  	v8 =	vld [tilespmem:s2+$0xFFFFFFC0]  }
0x21f: {  	v9 =	vld.idx.msk [tilespmem:v0+s28+$0x0], $0xffff  }
0x220: {  	v10 =	vld.idx.msk [tilespmem:v1+s28+$0x0], $0xffff  }
0x221: {  	v5 =	vld.idx.msk [tilespmem:v2+s28+$0x0], $0xffff  }
0x222: {  	v3 =	vld.idx.msk [tilespmem:v3+s28+$0x0], $0xffff  }
0x223: {  	v0 =	vld.idx.msk [tilespmem:v4+s28+$0x0], $0xffff  }
0x224: {  	s31 =	simm.s32 $0x1C740;
	v1 =	vld.idx.msk [tilespmem:v6+s28+$0x0], $0xffff  }
0x225: {  	v2 =	vld.idx.msk [tilespmem:v7+s28+$0x0], $0xffff;
	[tilespmem:s31+$0x30] =	vst v9  }
0x226: {  	s1 =	simm.s32 $0x187C0;
	s0 =	simm.s32 $0x0;
	v4 =	vld.idx.msk [tilespmem:v8+s28+$0x0], $0xffff;
	[tilespmem:s31+$0xFFFFFFD0] =	vst v10  }
.LBB2_18:
0x227: {  	v6 =	vld [tilespmem:s1+$0x30];
	s0 =	sadd.s32 $0x80, s0;
	[tilespmem:s31+$0xFFFFFFE0] =	vst v5  }
0x228: {  	v5 =	vld [tilespmem:s1+$0xFFFFFFD0];
	p5 =	slt.u32 s0, $0xF80;
	[tilespmem:s31+$0xFFFFFFF0] =	vst v3  }
0x229: {  	v3 =	vld [tilespmem:s1+$0xFFFFFFE0];
	[tilespmem:s31+$0x0] =	vst v0  }
0x22a: {  	v0 =	vld [tilespmem:s1+$0xFFFFFFF0];
	[tilespmem:s31+$0x10] =	vst v1  }
0x22b: {  	v1 =	vld [tilespmem:s1+$0x0];
	[tilespmem:s31+$0x20] =	vst v2  }
0x22c: {  	v2 =	vld [tilespmem:s1+$0x10];
	[tilespmem:s31+$0xFFFFFFC0] =	vst v4  }
0x22d: {  	v4 =	vld [tilespmem:s1+$0x20]  }
0x22e: {  	v7 =	vld [tilespmem:s1+$0xFFFFFFC0]  }
0x22f: {  	v6 =	vld.idx.msk [tilespmem:v6+s28+$0x0], $0xffff  }
0x230: {  	v8 =	vld.idx.msk [tilespmem:v5+s28+$0x0], $0xffff  }
0x231: {  	v5 =	vld.idx.msk [tilespmem:v3+s28+$0x0], $0xffff  }
.Ltmp8:
0x232: {  	v3 =	vld.idx.msk [tilespmem:v0+s28+$0x0], $0xffff;
	(pc) =	sbr.rel @p5 .LBB2_18-.Ltmp8, $4  }
0x233: {  	v0 =	vld.idx.msk [tilespmem:v1+s28+$0x0], $0xffff  }
0x234: {  	s31 =	sadd.s32 $0x80, s31;
	v1 =	vld.idx.msk [tilespmem:v2+s28+$0x0], $0xffff  }
0x235: {  	v2 =	vld.idx.msk [tilespmem:v4+s28+$0x0], $0xffff;
	[tilespmem:s31+$0x30] =	vst v6  }
0x236: {  	s1 =	sadd.s32 $0x80, s1;
	v4 =	vld.idx.msk [tilespmem:v7+s28+$0x0], $0xffff;
	[tilespmem:s31+$0xFFFFFFD0] =	vst v8  }
0x237: {  	[tilespmem:s31+$0xFFFFFFE0] =	vst v5  }
0x238: {  	[tilespmem:s31+$0xFFFFFFF0] =	vst v3  }
0x239: {  	[tilespmem:s31+$0x0] =	vst v0  }
0x23a: {  	[tilespmem:s31+$0x10] =	vst v1  }
0x23b: {  	[tilespmem:s31+$0x20] =	vst v2  }
0x23c: {  	[tilespmem:s31+$0xFFFFFFC0] =	vst v4  }
0x23d: {  	s0 =	sld [smem:$0x7DE];
	_ =	sdelay $0x2  }
0x23e: {  	[hbm4b:s0+s20] =	stream.strided.scatter [tilespmem:s24], [sflag:$0x2], $0x1000, s21, s20, $0x38;
	[tilespmem:$0x1E700] =	vst v63  }
0x23f: {  	_ =	swait.ge [sflag:s29], $0x1000  }
0x240: {  	[sflag:s29] =	ssyncset.done $0x0  }
0x241: {  	s2 =	simm.s32 $0x19770;
	[sflag:s29] =	ssyncadd.s32 $0xFFFFF000  }
0x242: {  	v0 =	vld [tilespmem:s2+$0x0]  }
0x243: {  	v1 =	vld [tilespmem:s2+$0xFFFFFFA0]  }
0x244: {  	v2 =	vld [tilespmem:s2+$0xFFFFFFB0]  }
0x245: {  	v3 =	vld [tilespmem:s2+$0xFFFFFFC0]  }
0x246: {  	v4 =	vld [tilespmem:s2+$0xFFFFFFD0]  }
0x247: {  	v6 =	vld [tilespmem:s2+$0xFFFFFFE0]  }
0x248: {  	v7 =	vld [tilespmem:s2+$0xFFFFFFF0]  }
0x249: {  	v8 =	vld [tilespmem:s2+$0xFFFFFF90]  }
0x24a: {  	v9 =	vld.idx.msk [tilespmem:v0+s28+$0x0], $0xffff  }
0x24b: {  	v10 =	vld.idx.msk [tilespmem:v1+s28+$0x0], $0xffff  }
0x24c: {  	v5 =	vld.idx.msk [tilespmem:v2+s28+$0x0], $0xffff  }
0x24d: {  	v3 =	vld.idx.msk [tilespmem:v3+s28+$0x0], $0xffff  }
0x24e: {  	v0 =	vld.idx.msk [tilespmem:v4+s28+$0x0], $0xffff  }
0x24f: {  	s31 =	simm.s32 $0x1D740;
	v1 =	vld.idx.msk [tilespmem:v6+s28+$0x0], $0xffff  }
0x250: {  	v2 =	vld.idx.msk [tilespmem:v7+s28+$0x0], $0xffff;
	[tilespmem:s31+$0x30] =	vst v9  }
0x251: {  	s1 =	simm.s32 $0x197F0;
	s0 =	simm.s32 $0x0;
	v4 =	vld.idx.msk [tilespmem:v8+s28+$0x0], $0xffff;
	[tilespmem:s31+$0xFFFFFFD0] =	vst v10  }
.LBB2_20:
0x252: {  	v6 =	vld [tilespmem:s1+$0x0];
	s0 =	sadd.s32 $0x80, s0;
	[tilespmem:s31+$0xFFFFFFE0] =	vst v5  }
0x253: {  	v5 =	vld [tilespmem:s1+$0xFFFFFFA0];
	p5 =	slt.u32 s0, $0xF80;
	[tilespmem:s31+$0xFFFFFFF0] =	vst v3  }
0x254: {  	v3 =	vld [tilespmem:s1+$0xFFFFFFB0];
	[tilespmem:s31+$0x0] =	vst v0  }
0x255: {  	v0 =	vld [tilespmem:s1+$0xFFFFFFC0];
	[tilespmem:s31+$0x10] =	vst v1  }
0x256: {  	v1 =	vld [tilespmem:s1+$0xFFFFFFD0];
	[tilespmem:s31+$0x20] =	vst v2  }
0x257: {  	v2 =	vld [tilespmem:s1+$0xFFFFFFE0];
	[tilespmem:s31+$0xFFFFFFC0] =	vst v4  }
0x258: {  	v4 =	vld [tilespmem:s1+$0xFFFFFFF0]  }
0x259: {  	v7 =	vld [tilespmem:s1+$0xFFFFFF90]  }
0x25a: {  	v6 =	vld.idx.msk [tilespmem:v6+s28+$0x0], $0xffff  }
0x25b: {  	v8 =	vld.idx.msk [tilespmem:v5+s28+$0x0], $0xffff  }
0x25c: {  	v5 =	vld.idx.msk [tilespmem:v3+s28+$0x0], $0xffff  }
.Ltmp9:
0x25d: {  	v3 =	vld.idx.msk [tilespmem:v0+s28+$0x0], $0xffff;
	(pc) =	sbr.rel @p5 .LBB2_20-.Ltmp9, $4  }
0x25e: {  	v0 =	vld.idx.msk [tilespmem:v1+s28+$0x0], $0xffff  }
0x25f: {  	s31 =	sadd.s32 $0x80, s31;
	v1 =	vld.idx.msk [tilespmem:v2+s28+$0x0], $0xffff  }
0x260: {  	v2 =	vld.idx.msk [tilespmem:v4+s28+$0x0], $0xffff;
	[tilespmem:s31+$0x30] =	vst v6  }
0x261: {  	s1 =	sadd.s32 $0x80, s1;
	v4 =	vld.idx.msk [tilespmem:v7+s28+$0x0], $0xffff;
	[tilespmem:s31+$0xFFFFFFD0] =	vst v8  }
0x262: {  	[tilespmem:s31+$0xFFFFFFE0] =	vst v5  }
0x263: {  	[tilespmem:s31+$0xFFFFFFF0] =	vst v3  }
0x264: {  	[tilespmem:s31+$0x0] =	vst v0  }
0x265: {  	[tilespmem:s31+$0x10] =	vst v1  }
0x266: {  	[tilespmem:s31+$0x20] =	vst v2  }
0x267: {  	[tilespmem:s31+$0xFFFFFFC0] =	vst v4  }
0x268: {  	s0 =	sld [smem:$0x7DF];
	_ =	sdelay $0x2  }
0x269: {  	[hbm4b:s0+s20] =	stream.strided.scatter [tilespmem:s25], [sflag:$0x3], $0x1000, s21, s20, $0x38;
	[tilespmem:$0x1E700] =	vst v63  }
0x26a: {  	_ =	swait.ge [sflag:s26], $0x1000  }
0x26b: {  	[sflag:s26] =	ssyncset.done $0x0  }
0x26c: {  	s2 =	simm.s32 $0x1A770;
	[sflag:s26] =	ssyncadd.s32 $0xFFFFF000  }
0x26d: {  	v0 =	vld [tilespmem:s2+$0x0]  }
0x26e: {  	v1 =	vld [tilespmem:s2+$0xFFFFFFA0]  }
0x26f: {  	v2 =	vld [tilespmem:s2+$0xFFFFFFB0]  }
0x270: {  	v3 =	vld [tilespmem:s2+$0xFFFFFFC0]  }
0x271: {  	v4 =	vld [tilespmem:s2+$0xFFFFFFD0]  }
0x272: {  	v6 =	vld [tilespmem:s2+$0xFFFFFFE0]  }
0x273: {  	v7 =	vld [tilespmem:s2+$0xFFFFFFF0]  }
0x274: {  	v8 =	vld [tilespmem:s2+$0xFFFFFF90]  }
0x275: {  	v9 =	vld.idx.msk [tilespmem:v0+s28+$0x0], $0xffff  }
0x276: {  	v10 =	vld.idx.msk [tilespmem:v1+s28+$0x0], $0xffff  }
0x277: {  	v5 =	vld.idx.msk [tilespmem:v2+s28+$0x0], $0xffff  }
0x278: {  	v3 =	vld.idx.msk [tilespmem:v3+s28+$0x0], $0xffff  }
0x279: {  	v0 =	vld.idx.msk [tilespmem:v4+s28+$0x0], $0xffff  }
0x27a: {  	s31 =	simm.s32 $0x1C740;
	v1 =	vld.idx.msk [tilespmem:v6+s28+$0x0], $0xffff  }
0x27b: {  	v2 =	vld.idx.msk [tilespmem:v7+s28+$0x0], $0xffff;
	[tilespmem:s31+$0x30] =	vst v9  }
0x27c: {  	s1 =	simm.s32 $0x1A7F0;
	s0 =	simm.s32 $0x0;
	v4 =	vld.idx.msk [tilespmem:v8+s28+$0x0], $0xffff;
	[tilespmem:s31+$0xFFFFFFD0] =	vst v10  }
.LBB2_22:
0x27d: {  	v6 =	vld [tilespmem:s1+$0x0];
	s0 =	sadd.s32 $0x80, s0;
	[tilespmem:s31+$0xFFFFFFE0] =	vst v5  }
0x27e: {  	v5 =	vld [tilespmem:s1+$0xFFFFFFA0];
	p5 =	slt.u32 s0, $0xF80;
	[tilespmem:s31+$0xFFFFFFF0] =	vst v3  }
0x27f: {  	v3 =	vld [tilespmem:s1+$0xFFFFFFB0];
	[tilespmem:s31+$0x0] =	vst v0  }
0x280: {  	v0 =	vld [tilespmem:s1+$0xFFFFFFC0];
	[tilespmem:s31+$0x10] =	vst v1  }
0x281: {  	v1 =	vld [tilespmem:s1+$0xFFFFFFD0];
	[tilespmem:s31+$0x20] =	vst v2  }
0x282: {  	v2 =	vld [tilespmem:s1+$0xFFFFFFE0];
	[tilespmem:s31+$0xFFFFFFC0] =	vst v4  }
0x283: {  	v4 =	vld [tilespmem:s1+$0xFFFFFFF0]  }
0x284: {  	v7 =	vld [tilespmem:s1+$0xFFFFFF90]  }
0x285: {  	v6 =	vld.idx.msk [tilespmem:v6+s28+$0x0], $0xffff  }
0x286: {  	v8 =	vld.idx.msk [tilespmem:v5+s28+$0x0], $0xffff  }
0x287: {  	v5 =	vld.idx.msk [tilespmem:v3+s28+$0x0], $0xffff  }
.Ltmp10:
0x288: {  	v3 =	vld.idx.msk [tilespmem:v0+s28+$0x0], $0xffff;
	(pc) =	sbr.rel @p5 .LBB2_22-.Ltmp10, $4  }
0x289: {  	v0 =	vld.idx.msk [tilespmem:v1+s28+$0x0], $0xffff  }
0x28a: {  	s31 =	sadd.s32 $0x80, s31;
	v1 =	vld.idx.msk [tilespmem:v2+s28+$0x0], $0xffff  }
0x28b: {  	v2 =	vld.idx.msk [tilespmem:v4+s28+$0x0], $0xffff;
	[tilespmem:s31+$0x30] =	vst v6  }
0x28c: {  	s1 =	sadd.s32 $0x80, s1;
	v4 =	vld.idx.msk [tilespmem:v7+s28+$0x0], $0xffff;
	[tilespmem:s31+$0xFFFFFFD0] =	vst v8  }
0x28d: {  	[tilespmem:s31+$0xFFFFFFE0] =	vst v5  }
0x28e: {  	[tilespmem:s31+$0xFFFFFFF0] =	vst v3  }
0x28f: {  	[tilespmem:s31+$0x0] =	vst v0  }
0x290: {  	[tilespmem:s31+$0x10] =	vst v1  }
0x291: {  	[tilespmem:s31+$0x20] =	vst v2  }
0x292: {  	[tilespmem:s31+$0xFFFFFFC0] =	vst v4  }
0x293: {  	s0 =	sld [smem:$0x7E0];
	_ =	sdelay $0x2  }
0x294: {  	[hbm4b:s0+s20] =	stream.strided.scatter [tilespmem:s24], [sflag:$0x2], $0x1000, s21, s20, $0x38;
	[tilespmem:$0x1E700] =	vst v63  }
0x295: {  	_ =	swait.ge [sflag:s29], $0x1000  }
0x296: {  	[sflag:s29] =	ssyncset.done $0x0  }
0x297: {  	s2 =	simm.s32 $0x1B770;
	[sflag:s29] =	ssyncadd.s32 $0xFFFFF000  }
0x298: {  	v0 =	vld [tilespmem:s2+$0x0]  }
0x299: {  	v1 =	vld [tilespmem:s2+$0xFFFFFFA0]  }
0x29a: {  	v2 =	vld [tilespmem:s2+$0xFFFFFFB0]  }
0x29b: {  	v3 =	vld [tilespmem:s2+$0xFFFFFFC0]  }
0x29c: {  	v4 =	vld [tilespmem:s2+$0xFFFFFFD0]  }
0x29d: {  	v6 =	vld [tilespmem:s2+$0xFFFFFFE0]  }
0x29e: {  	v7 =	vld [tilespmem:s2+$0xFFFFFFF0]  }
0x29f: {  	v8 =	vld [tilespmem:s2+$0xFFFFFF90]  }
0x2a0: {  	v9 =	vld.idx.msk [tilespmem:v0+s28+$0x0], $0xffff  }
0x2a1: {  	v10 =	vld.idx.msk [tilespmem:v1+s28+$0x0], $0xffff  }
0x2a2: {  	v5 =	vld.idx.msk [tilespmem:v2+s28+$0x0], $0xffff  }
0x2a3: {  	v3 =	vld.idx.msk [tilespmem:v3+s28+$0x0], $0xffff  }
0x2a4: {  	v0 =	vld.idx.msk [tilespmem:v4+s28+$0x0], $0xffff  }
0x2a5: {  	s31 =	simm.s32 $0x1D740;
	v1 =	vld.idx.msk [tilespmem:v6+s28+$0x0], $0xffff  }
0x2a6: {  	v2 =	vld.idx.msk [tilespmem:v7+s28+$0x0], $0xffff;
	[tilespmem:s31+$0x30] =	vst v9  }
0x2a7: {  	s1 =	simm.s32 $0x1B7F0;
	s0 =	simm.s32 $0x0;
	v4 =	vld.idx.msk [tilespmem:v8+s28+$0x0], $0xffff;
	[tilespmem:s31+$0xFFFFFFD0] =	vst v10  }
.LBB2_24:
0x2a8: {  	v6 =	vld [tilespmem:s1+$0x0];
	s0 =	sadd.s32 $0x80, s0;
	[tilespmem:s31+$0xFFFFFFE0] =	vst v5  }
0x2a9: {  	v5 =	vld [tilespmem:s1+$0xFFFFFFA0];
	p5 =	slt.u32 s0, $0xF80;
	[tilespmem:s31+$0xFFFFFFF0] =	vst v3  }
0x2aa: {  	v3 =	vld [tilespmem:s1+$0xFFFFFFB0];
	[tilespmem:s31+$0x0] =	vst v0  }
0x2ab: {  	v0 =	vld [tilespmem:s1+$0xFFFFFFC0];
	[tilespmem:s31+$0x10] =	vst v1  }
0x2ac: {  	v1 =	vld [tilespmem:s1+$0xFFFFFFD0];
	[tilespmem:s31+$0x20] =	vst v2  }
0x2ad: {  	v2 =	vld [tilespmem:s1+$0xFFFFFFE0];
	[tilespmem:s31+$0xFFFFFFC0] =	vst v4  }
0x2ae: {  	v4 =	vld [tilespmem:s1+$0xFFFFFFF0]  }
0x2af: {  	v7 =	vld [tilespmem:s1+$0xFFFFFF90]  }
0x2b0: {  	v6 =	vld.idx.msk [tilespmem:v6+s28+$0x0], $0xffff  }
0x2b1: {  	v8 =	vld.idx.msk [tilespmem:v5+s28+$0x0], $0xffff  }
0x2b2: {  	v5 =	vld.idx.msk [tilespmem:v3+s28+$0x0], $0xffff  }
.Ltmp11:
0x2b3: {  	v3 =	vld.idx.msk [tilespmem:v0+s28+$0x0], $0xffff;
	(pc) =	sbr.rel @p5 .LBB2_24-.Ltmp11, $4  }
0x2b4: {  	v0 =	vld.idx.msk [tilespmem:v1+s28+$0x0], $0xffff  }
0x2b5: {  	s31 =	sadd.s32 $0x80, s31;
	v1 =	vld.idx.msk [tilespmem:v2+s28+$0x0], $0xffff  }
0x2b6: {  	v2 =	vld.idx.msk [tilespmem:v4+s28+$0x0], $0xffff;
	[tilespmem:s31+$0x30] =	vst v6  }
0x2b7: {  	s1 =	sadd.s32 $0x80, s1;
	v4 =	vld.idx.msk [tilespmem:v7+s28+$0x0], $0xffff;
	[tilespmem:s31+$0xFFFFFFD0] =	vst v8  }
0x2b8: {  	[tilespmem:s31+$0xFFFFFFE0] =	vst v5  }
0x2b9: {  	[tilespmem:s31+$0xFFFFFFF0] =	vst v3  }
0x2ba: {  	[tilespmem:s31+$0x0] =	vst v0  }
0x2bb: {  	[tilespmem:s31+$0x10] =	vst v1  }
0x2bc: {  	[tilespmem:s31+$0x20] =	vst v2  }
0x2bd: {  	[tilespmem:s31+$0xFFFFFFC0] =	vst v4  }
0x2be: {  	s0 =	sld [smem:$0x7E1]  }
0x2bf: {  	s1 =	sld [smem:$0x7CD];
	_ =	sdelay $0x1  }
0x2c0: {  	[hbm4b:s0+s20] =	stream.strided.scatter [tilespmem:s25], [sflag:$0x3], $0x1000, s21, s20, $0x38;
	[tilespmem:$0x1E700] =	vst v63  }
0x2c1: {  	p5 =	seq.s32 s1, $0x1  }
0x2c2: {  	s2 =	rddreg [dreg:$0x13];
	s0 =	simm.s32 @!p5 $0x80  }
0x2c3: {  	[tilespmem:s28], [sflag:$0x1] =	stream.strided.gather [hbm4b:s2+s20], $0x18700, s21, s20, $0x38;
	[tilespmem:$0x1E700] =	vst v63  }
0x2c4: {  	s1 =	simm.s32 @!p5 $0x400;
	s31 =	simm.s32 @!p5 $0x18700;
	s2 =	rddreg [dreg:$0x7]  }
0x2c5: {  	[tilespmem:s31], [sflag:$0x4] =	stream.strided.gather @!p5 [hbm4b:s2+s0], $0x4000, s1, s0, $0x38;
	[tilespmem:$0x1E700] =	vst v63  }
0x2c6: {  	s0 =	simm.s32 @!p5 $0x4  }
0x2c7: {  	_ =	swait.ge @!p5 [sflag:s0], $0x4000  }
0x2c8: {  	[sflag:s0] =	ssyncset.done @!p5 $0x0  }
0x2c9: {  	[sflag:s0] =	ssyncadd.s32 @!p5 $0xFFFFC000  }
0x2ca: {  	_ =	swait.ge [sflag:s23], $0x18700  }
0x2cb: {  	[sflag:s23] =	ssyncset.done $0x0  }
0x2cc: {  	[sflag:s23] =	ssyncadd.s32 $0xFFFE7900  }
0x2cd: {  	_ =	swait.ge [sflag:s26], $0x1000  }
0x2ce: {  	[sflag:s26] =	ssyncset.done $0x0  }
0x2cf: {  	s2 =	simm.s32 $0x18740;
	[sflag:s26] =	ssyncadd.s32 $0xFFFFF000  }
0x2d0: {  	v0 =	vld [tilespmem:s2+$0x30]  }
0x2d1: {  	v1 =	vld [tilespmem:s2+$0xFFFFFFD0]  }
0x2d2: {  	v2 =	vld [tilespmem:s2+$0xFFFFFFE0]  }
0x2d3: {  	v3 =	vld [tilespmem:s2+$0xFFFFFFF0]  }
0x2d4: {  	v4 =	vld [tilespmem:s2+$0x0]  }
0x2d5: {  	v6 =	vld [tilespmem:s2+$0x10]  }
0x2d6: {  	v7 =	vld [tilespmem:s2+$0x20]  }
0x2d7: {  	v8 =	vld [tilespmem:s2+$0xFFFFFFC0]  }
0x2d8: {  	v9 =	vld.idx.msk [tilespmem:v0+s28+$0x0], $0xffff  }
0x2d9: {  	v10 =	vld.idx.msk [tilespmem:v1+s28+$0x0], $0xffff  }
0x2da: {  	v5 =	vld.idx.msk [tilespmem:v2+s28+$0x0], $0xffff  }
0x2db: {  	v3 =	vld.idx.msk [tilespmem:v3+s28+$0x0], $0xffff  }
0x2dc: {  	v0 =	vld.idx.msk [tilespmem:v4+s28+$0x0], $0xffff  }
0x2dd: {  	s31 =	simm.s32 $0x1C740;
	v1 =	vld.idx.msk [tilespmem:v6+s28+$0x0], $0xffff  }
0x2de: {  	v2 =	vld.idx.msk [tilespmem:v7+s28+$0x0], $0xffff;
	[tilespmem:s31+$0x30] =	vst v9  }
0x2df: {  	s1 =	simm.s32 $0x187C0;
	s0 =	simm.s32 $0x0;
	v4 =	vld.idx.msk [tilespmem:v8+s28+$0x0], $0xffff;
	[tilespmem:s31+$0xFFFFFFD0] =	vst v10  }
.LBB2_26:
0x2e0: {  	v6 =	vld [tilespmem:s1+$0x30];
	s0 =	sadd.s32 $0x80, s0;
	[tilespmem:s31+$0xFFFFFFE0] =	vst v5  }
0x2e1: {  	v5 =	vld [tilespmem:s1+$0xFFFFFFD0];
	p5 =	slt.u32 s0, $0xF80;
	[tilespmem:s31+$0xFFFFFFF0] =	vst v3  }
0x2e2: {  	v3 =	vld [tilespmem:s1+$0xFFFFFFE0];
	[tilespmem:s31+$0x0] =	vst v0  }
0x2e3: {  	v0 =	vld [tilespmem:s1+$0xFFFFFFF0];
	[tilespmem:s31+$0x10] =	vst v1  }
0x2e4: {  	v1 =	vld [tilespmem:s1+$0x0];
	[tilespmem:s31+$0x20] =	vst v2  }
0x2e5: {  	v2 =	vld [tilespmem:s1+$0x10];
	[tilespmem:s31+$0xFFFFFFC0] =	vst v4  }
0x2e6: {  	v4 =	vld [tilespmem:s1+$0x20]  }
0x2e7: {  	v7 =	vld [tilespmem:s1+$0xFFFFFFC0]  }
0x2e8: {  	v6 =	vld.idx.msk [tilespmem:v6+s28+$0x0], $0xffff  }
0x2e9: {  	v8 =	vld.idx.msk [tilespmem:v5+s28+$0x0], $0xffff  }
0x2ea: {  	v5 =	vld.idx.msk [tilespmem:v3+s28+$0x0], $0xffff  }
.Ltmp12:
0x2eb: {  	v3 =	vld.idx.msk [tilespmem:v0+s28+$0x0], $0xffff;
	(pc) =	sbr.rel @p5 .LBB2_26-.Ltmp12, $4  }
0x2ec: {  	v0 =	vld.idx.msk [tilespmem:v1+s28+$0x0], $0xffff  }
0x2ed: {  	s31 =	sadd.s32 $0x80, s31;
	v1 =	vld.idx.msk [tilespmem:v2+s28+$0x0], $0xffff  }
0x2ee: {  	v2 =	vld.idx.msk [tilespmem:v4+s28+$0x0], $0xffff;
	[tilespmem:s31+$0x30] =	vst v6  }
0x2ef: {  	s1 =	sadd.s32 $0x80, s1;
	v4 =	vld.idx.msk [tilespmem:v7+s28+$0x0], $0xffff;
	[tilespmem:s31+$0xFFFFFFD0] =	vst v8  }
0x2f0: {  	[tilespmem:s31+$0xFFFFFFE0] =	vst v5  }
0x2f1: {  	[tilespmem:s31+$0xFFFFFFF0] =	vst v3  }
0x2f2: {  	[tilespmem:s31+$0x0] =	vst v0  }
0x2f3: {  	[tilespmem:s31+$0x10] =	vst v1  }
0x2f4: {  	[tilespmem:s31+$0x20] =	vst v2  }
0x2f5: {  	[tilespmem:s31+$0xFFFFFFC0] =	vst v4  }
0x2f6: {  	s0 =	sld [smem:$0x7E2];
	_ =	sdelay $0x2  }
0x2f7: {  	[hbm4b:s0+s20] =	stream.strided.scatter [tilespmem:s24], [sflag:$0x2], $0x1000, s21, s20, $0x38;
	[tilespmem:$0x1E700] =	vst v63  }
0x2f8: {  	_ =	swait.ge [sflag:s29], $0x1000  }
0x2f9: {  	[sflag:s29] =	ssyncset.done $0x0  }
0x2fa: {  	s2 =	simm.s32 $0x19770;
	[sflag:s29] =	ssyncadd.s32 $0xFFFFF000  }
0x2fb: {  	v0 =	vld [tilespmem:s2+$0x0]  }
0x2fc: {  	v1 =	vld [tilespmem:s2+$0xFFFFFFA0]  }
0x2fd: {  	v2 =	vld [tilespmem:s2+$0xFFFFFFB0]  }
0x2fe: {  	v3 =	vld [tilespmem:s2+$0xFFFFFFC0]  }
0x2ff: {  	v4 =	vld [tilespmem:s2+$0xFFFFFFD0]  }
0x300: {  	v6 =	vld [tilespmem:s2+$0xFFFFFFE0]  }
0x301: {  	v7 =	vld [tilespmem:s2+$0xFFFFFFF0]  }
0x302: {  	v8 =	vld [tilespmem:s2+$0xFFFFFF90]  }
0x303: {  	v9 =	vld.idx.msk [tilespmem:v0+s28+$0x0], $0xffff  }
0x304: {  	v10 =	vld.idx.msk [tilespmem:v1+s28+$0x0], $0xffff  }
0x305: {  	v5 =	vld.idx.msk [tilespmem:v2+s28+$0x0], $0xffff  }
0x306: {  	v3 =	vld.idx.msk [tilespmem:v3+s28+$0x0], $0xffff  }
0x307: {  	v0 =	vld.idx.msk [tilespmem:v4+s28+$0x0], $0xffff  }
0x308: {  	s31 =	simm.s32 $0x1D740;
	v1 =	vld.idx.msk [tilespmem:v6+s28+$0x0], $0xffff  }
0x309: {  	v2 =	vld.idx.msk [tilespmem:v7+s28+$0x0], $0xffff;
	[tilespmem:s31+$0x30] =	vst v9  }
0x30a: {  	s1 =	simm.s32 $0x197F0;
	s0 =	simm.s32 $0x0;
	v4 =	vld.idx.msk [tilespmem:v8+s28+$0x0], $0xffff;
	[tilespmem:s31+$0xFFFFFFD0] =	vst v10  }
.LBB2_28:
0x30b: {  	v6 =	vld [tilespmem:s1+$0x0];
	s0 =	sadd.s32 $0x80, s0;
	[tilespmem:s31+$0xFFFFFFE0] =	vst v5  }
0x30c: {  	v5 =	vld [tilespmem:s1+$0xFFFFFFA0];
	p5 =	slt.u32 s0, $0xF80;
	[tilespmem:s31+$0xFFFFFFF0] =	vst v3  }
0x30d: {  	v3 =	vld [tilespmem:s1+$0xFFFFFFB0];
	[tilespmem:s31+$0x0] =	vst v0  }
0x30e: {  	v0 =	vld [tilespmem:s1+$0xFFFFFFC0];
	[tilespmem:s31+$0x10] =	vst v1  }
0x30f: {  	v1 =	vld [tilespmem:s1+$0xFFFFFFD0];
	[tilespmem:s31+$0x20] =	vst v2  }
0x310: {  	v2 =	vld [tilespmem:s1+$0xFFFFFFE0];
	[tilespmem:s31+$0xFFFFFFC0] =	vst v4  }
0x311: {  	v4 =	vld [tilespmem:s1+$0xFFFFFFF0]  }
0x312: {  	v7 =	vld [tilespmem:s1+$0xFFFFFF90]  }
0x313: {  	v6 =	vld.idx.msk [tilespmem:v6+s28+$0x0], $0xffff  }
0x314: {  	v8 =	vld.idx.msk [tilespmem:v5+s28+$0x0], $0xffff  }
0x315: {  	v5 =	vld.idx.msk [tilespmem:v3+s28+$0x0], $0xffff  }
.Ltmp13:
0x316: {  	v3 =	vld.idx.msk [tilespmem:v0+s28+$0x0], $0xffff;
	(pc) =	sbr.rel @p5 .LBB2_28-.Ltmp13, $4  }
0x317: {  	v0 =	vld.idx.msk [tilespmem:v1+s28+$0x0], $0xffff  }
0x318: {  	s31 =	sadd.s32 $0x80, s31;
	v1 =	vld.idx.msk [tilespmem:v2+s28+$0x0], $0xffff  }
0x319: {  	v2 =	vld.idx.msk [tilespmem:v4+s28+$0x0], $0xffff;
	[tilespmem:s31+$0x30] =	vst v6  }
0x31a: {  	s1 =	sadd.s32 $0x80, s1;
	v4 =	vld.idx.msk [tilespmem:v7+s28+$0x0], $0xffff;
	[tilespmem:s31+$0xFFFFFFD0] =	vst v8  }
0x31b: {  	[tilespmem:s31+$0xFFFFFFE0] =	vst v5  }
0x31c: {  	[tilespmem:s31+$0xFFFFFFF0] =	vst v3  }
0x31d: {  	[tilespmem:s31+$0x0] =	vst v0  }
0x31e: {  	[tilespmem:s31+$0x10] =	vst v1  }
0x31f: {  	[tilespmem:s31+$0x20] =	vst v2  }
0x320: {  	[tilespmem:s31+$0xFFFFFFC0] =	vst v4  }
0x321: {  	s0 =	sld [smem:$0x7E3];
	_ =	sdelay $0x2  }
0x322: {  	[hbm4b:s0+s20] =	stream.strided.scatter [tilespmem:s25], [sflag:$0x3], $0x1000, s21, s20, $0x38;
	[tilespmem:$0x1E700] =	vst v63  }
0x323: {  	_ =	swait.ge [sflag:s26], $0x1000  }
0x324: {  	[sflag:s26] =	ssyncset.done $0x0  }
0x325: {  	s2 =	simm.s32 $0x1A770;
	[sflag:s26] =	ssyncadd.s32 $0xFFFFF000  }
0x326: {  	v0 =	vld [tilespmem:s2+$0x0]  }
0x327: {  	v1 =	vld [tilespmem:s2+$0xFFFFFFA0]  }
0x328: {  	v2 =	vld [tilespmem:s2+$0xFFFFFFB0]  }
0x329: {  	v3 =	vld [tilespmem:s2+$0xFFFFFFC0]  }
0x32a: {  	v4 =	vld [tilespmem:s2+$0xFFFFFFD0]  }
0x32b: {  	v6 =	vld [tilespmem:s2+$0xFFFFFFE0]  }
0x32c: {  	v7 =	vld [tilespmem:s2+$0xFFFFFFF0]  }
0x32d: {  	v8 =	vld [tilespmem:s2+$0xFFFFFF90]  }
0x32e: {  	v9 =	vld.idx.msk [tilespmem:v0+s28+$0x0], $0xffff  }
0x32f: {  	v10 =	vld.idx.msk [tilespmem:v1+s28+$0x0], $0xffff  }
0x330: {  	v5 =	vld.idx.msk [tilespmem:v2+s28+$0x0], $0xffff  }
0x331: {  	v3 =	vld.idx.msk [tilespmem:v3+s28+$0x0], $0xffff  }
0x332: {  	v0 =	vld.idx.msk [tilespmem:v4+s28+$0x0], $0xffff  }
0x333: {  	s31 =	simm.s32 $0x1C740;
	v1 =	vld.idx.msk [tilespmem:v6+s28+$0x0], $0xffff  }
0x334: {  	v2 =	vld.idx.msk [tilespmem:v7+s28+$0x0], $0xffff;
	[tilespmem:s31+$0x30] =	vst v9  }
0x335: {  	s1 =	simm.s32 $0x1A7F0;
	s0 =	simm.s32 $0x0;
	v4 =	vld.idx.msk [tilespmem:v8+s28+$0x0], $0xffff;
	[tilespmem:s31+$0xFFFFFFD0] =	vst v10  }
.LBB2_30:
0x336: {  	v6 =	vld [tilespmem:s1+$0x0];
	s0 =	sadd.s32 $0x80, s0;
	[tilespmem:s31+$0xFFFFFFE0] =	vst v5  }
0x337: {  	v5 =	vld [tilespmem:s1+$0xFFFFFFA0];
	p5 =	slt.u32 s0, $0xF80;
	[tilespmem:s31+$0xFFFFFFF0] =	vst v3  }
0x338: {  	v3 =	vld [tilespmem:s1+$0xFFFFFFB0];
	[tilespmem:s31+$0x0] =	vst v0  }
0x339: {  	v0 =	vld [tilespmem:s1+$0xFFFFFFC0];
	[tilespmem:s31+$0x10] =	vst v1  }
0x33a: {  	v1 =	vld [tilespmem:s1+$0xFFFFFFD0];
	[tilespmem:s31+$0x20] =	vst v2  }
0x33b: {  	v2 =	vld [tilespmem:s1+$0xFFFFFFE0];
	[tilespmem:s31+$0xFFFFFFC0] =	vst v4  }
0x33c: {  	v4 =	vld [tilespmem:s1+$0xFFFFFFF0]  }
0x33d: {  	v7 =	vld [tilespmem:s1+$0xFFFFFF90]  }
0x33e: {  	v6 =	vld.idx.msk [tilespmem:v6+s28+$0x0], $0xffff  }
0x33f: {  	v8 =	vld.idx.msk [tilespmem:v5+s28+$0x0], $0xffff  }
0x340: {  	v5 =	vld.idx.msk [tilespmem:v3+s28+$0x0], $0xffff  }
.Ltmp14:
0x341: {  	v3 =	vld.idx.msk [tilespmem:v0+s28+$0x0], $0xffff;
	(pc) =	sbr.rel @p5 .LBB2_30-.Ltmp14, $4  }
0x342: {  	v0 =	vld.idx.msk [tilespmem:v1+s28+$0x0], $0xffff  }
0x343: {  	s31 =	sadd.s32 $0x80, s31;
	v1 =	vld.idx.msk [tilespmem:v2+s28+$0x0], $0xffff  }
0x344: {  	v2 =	vld.idx.msk [tilespmem:v4+s28+$0x0], $0xffff;
	[tilespmem:s31+$0x30] =	vst v6  }
0x345: {  	s1 =	sadd.s32 $0x80, s1;
	v4 =	vld.idx.msk [tilespmem:v7+s28+$0x0], $0xffff;
	[tilespmem:s31+$0xFFFFFFD0] =	vst v8  }
0x346: {  	[tilespmem:s31+$0xFFFFFFE0] =	vst v5  }
0x347: {  	[tilespmem:s31+$0xFFFFFFF0] =	vst v3  }
0x348: {  	[tilespmem:s31+$0x0] =	vst v0  }
0x349: {  	[tilespmem:s31+$0x10] =	vst v1  }
0x34a: {  	[tilespmem:s31+$0x20] =	vst v2  }
0x34b: {  	[tilespmem:s31+$0xFFFFFFC0] =	vst v4  }
0x34c: {  	s0 =	sld [smem:$0x7E4];
	_ =	sdelay $0x2  }
0x34d: {  	[hbm4b:s0+s20] =	stream.strided.scatter [tilespmem:s24], [sflag:$0x2], $0x1000, s21, s20, $0x38;
	[tilespmem:$0x1E700] =	vst v63  }
0x34e: {  	_ =	swait.ge [sflag:s29], $0x1000  }
0x34f: {  	[sflag:s29] =	ssyncset.done $0x0  }
0x350: {  	s2 =	simm.s32 $0x1B770;
	[sflag:s29] =	ssyncadd.s32 $0xFFFFF000  }
0x351: {  	v0 =	vld [tilespmem:s2+$0x0]  }
0x352: {  	v1 =	vld [tilespmem:s2+$0xFFFFFFA0]  }
0x353: {  	v2 =	vld [tilespmem:s2+$0xFFFFFFB0]  }
0x354: {  	v3 =	vld [tilespmem:s2+$0xFFFFFFC0]  }
0x355: {  	v4 =	vld [tilespmem:s2+$0xFFFFFFD0]  }
0x356: {  	v6 =	vld [tilespmem:s2+$0xFFFFFFE0]  }
0x357: {  	v7 =	vld [tilespmem:s2+$0xFFFFFFF0]  }
0x358: {  	v8 =	vld [tilespmem:s2+$0xFFFFFF90]  }
0x359: {  	v9 =	vld.idx.msk [tilespmem:v0+s28+$0x0], $0xffff  }
0x35a: {  	v10 =	vld.idx.msk [tilespmem:v1+s28+$0x0], $0xffff  }
0x35b: {  	v5 =	vld.idx.msk [tilespmem:v2+s28+$0x0], $0xffff  }
0x35c: {  	v3 =	vld.idx.msk [tilespmem:v3+s28+$0x0], $0xffff  }
0x35d: {  	v0 =	vld.idx.msk [tilespmem:v4+s28+$0x0], $0xffff  }
0x35e: {  	s31 =	simm.s32 $0x1D740;
	v1 =	vld.idx.msk [tilespmem:v6+s28+$0x0], $0xffff  }
0x35f: {  	v2 =	vld.idx.msk [tilespmem:v7+s28+$0x0], $0xffff;
	[tilespmem:s31+$0x30] =	vst v9  }
0x360: {  	s1 =	simm.s32 $0x1B7F0;
	s0 =	simm.s32 $0x0;
	v4 =	vld.idx.msk [tilespmem:v8+s28+$0x0], $0xffff;
	[tilespmem:s31+$0xFFFFFFD0] =	vst v10  }
.LBB2_32:
0x361: {  	v6 =	vld [tilespmem:s1+$0x0];
	s0 =	sadd.s32 $0x80, s0;
	[tilespmem:s31+$0xFFFFFFE0] =	vst v5  }
0x362: {  	v5 =	vld [tilespmem:s1+$0xFFFFFFA0];
	p5 =	slt.u32 s0, $0xF80;
	[tilespmem:s31+$0xFFFFFFF0] =	vst v3  }
0x363: {  	v3 =	vld [tilespmem:s1+$0xFFFFFFB0];
	[tilespmem:s31+$0x0] =	vst v0  }
0x364: {  	v0 =	vld [tilespmem:s1+$0xFFFFFFC0];
	[tilespmem:s31+$0x10] =	vst v1  }
0x365: {  	v1 =	vld [tilespmem:s1+$0xFFFFFFD0];
	[tilespmem:s31+$0x20] =	vst v2  }
0x366: {  	v2 =	vld [tilespmem:s1+$0xFFFFFFE0];
	[tilespmem:s31+$0xFFFFFFC0] =	vst v4  }
0x367: {  	v4 =	vld [tilespmem:s1+$0xFFFFFFF0]  }
0x368: {  	v7 =	vld [tilespmem:s1+$0xFFFFFF90]  }
0x369: {  	v6 =	vld.idx.msk [tilespmem:v6+s28+$0x0], $0xffff  }
0x36a: {  	v8 =	vld.idx.msk [tilespmem:v5+s28+$0x0], $0xffff  }
0x36b: {  	v5 =	vld.idx.msk [tilespmem:v3+s28+$0x0], $0xffff  }
.Ltmp15:
0x36c: {  	v3 =	vld.idx.msk [tilespmem:v0+s28+$0x0], $0xffff;
	(pc) =	sbr.rel @p5 .LBB2_32-.Ltmp15, $4  }
0x36d: {  	v0 =	vld.idx.msk [tilespmem:v1+s28+$0x0], $0xffff  }
0x36e: {  	s31 =	sadd.s32 $0x80, s31;
	v1 =	vld.idx.msk [tilespmem:v2+s28+$0x0], $0xffff  }
0x36f: {  	v2 =	vld.idx.msk [tilespmem:v4+s28+$0x0], $0xffff;
	[tilespmem:s31+$0x30] =	vst v6  }
0x370: {  	s1 =	sadd.s32 $0x80, s1;
	v4 =	vld.idx.msk [tilespmem:v7+s28+$0x0], $0xffff;
	[tilespmem:s31+$0xFFFFFFD0] =	vst v8  }
0x371: {  	[tilespmem:s31+$0xFFFFFFE0] =	vst v5  }
0x372: {  	[tilespmem:s31+$0xFFFFFFF0] =	vst v3  }
0x373: {  	[tilespmem:s31+$0x0] =	vst v0  }
0x374: {  	[tilespmem:s31+$0x10] =	vst v1  }
0x375: {  	[tilespmem:s31+$0x20] =	vst v2  }
0x376: {  	[tilespmem:s31+$0xFFFFFFC0] =	vst v4  }
0x377: {  	s0 =	sld [smem:$0x7E5]  }
0x378: {  	s1 =	sld [smem:$0x7CE];
	_ =	sdelay $0x1  }
0x379: {  	[hbm4b:s0+s20] =	stream.strided.scatter [tilespmem:s25], [sflag:$0x3], $0x1000, s21, s20, $0x38;
	[tilespmem:$0x1E700] =	vst v63  }
0x37a: {  	p5 =	seq.s32 s1, $0x1  }
0x37b: {  	s2 =	rddreg [dreg:$0x14];
	s0 =	simm.s32 @!p5 $0x80  }
0x37c: {  	[tilespmem:s28], [sflag:$0x1] =	stream.strided.gather [hbm4b:s2+s20], $0x18700, s21, s20, $0x38;
	[tilespmem:$0x1E700] =	vst v63  }
0x37d: {  	s1 =	simm.s32 @!p5 $0x400;
	s31 =	simm.s32 @!p5 $0x18700;
	s2 =	rddreg [dreg:$0x8]  }
0x37e: {  	[tilespmem:s31], [sflag:$0x4] =	stream.strided.gather @!p5 [hbm4b:s2+s0], $0x4000, s1, s0, $0x38;
	[tilespmem:$0x1E700] =	vst v63  }
0x37f: {  	s0 =	simm.s32 @!p5 $0x4  }
0x380: {  	_ =	swait.ge @!p5 [sflag:s0], $0x4000  }
0x381: {  	[sflag:s0] =	ssyncset.done @!p5 $0x0  }
0x382: {  	[sflag:s0] =	ssyncadd.s32 @!p5 $0xFFFFC000  }
0x383: {  	_ =	swait.ge [sflag:s23], $0x18700  }
0x384: {  	[sflag:s23] =	ssyncset.done $0x0  }
0x385: {  	[sflag:s23] =	ssyncadd.s32 $0xFFFE7900  }
0x386: {  	_ =	swait.ge [sflag:s26], $0x1000  }
0x387: {  	[sflag:s26] =	ssyncset.done $0x0  }
0x388: {  	s2 =	simm.s32 $0x18740;
	[sflag:s26] =	ssyncadd.s32 $0xFFFFF000  }
0x389: {  	v0 =	vld [tilespmem:s2+$0x30]  }
0x38a: {  	v1 =	vld [tilespmem:s2+$0xFFFFFFD0]  }
0x38b: {  	v2 =	vld [tilespmem:s2+$0xFFFFFFE0]  }
0x38c: {  	v3 =	vld [tilespmem:s2+$0xFFFFFFF0]  }
0x38d: {  	v4 =	vld [tilespmem:s2+$0x0]  }
0x38e: {  	v6 =	vld [tilespmem:s2+$0x10]  }
0x38f: {  	v7 =	vld [tilespmem:s2+$0x20]  }
0x390: {  	v8 =	vld [tilespmem:s2+$0xFFFFFFC0]  }
0x391: {  	v9 =	vld.idx.msk [tilespmem:v0+s28+$0x0], $0xffff  }
0x392: {  	v10 =	vld.idx.msk [tilespmem:v1+s28+$0x0], $0xffff  }
0x393: {  	v5 =	vld.idx.msk [tilespmem:v2+s28+$0x0], $0xffff  }
0x394: {  	v3 =	vld.idx.msk [tilespmem:v3+s28+$0x0], $0xffff  }
0x395: {  	v0 =	vld.idx.msk [tilespmem:v4+s28+$0x0], $0xffff  }
0x396: {  	s31 =	simm.s32 $0x1C740;
	v1 =	vld.idx.msk [tilespmem:v6+s28+$0x0], $0xffff  }
0x397: {  	v2 =	vld.idx.msk [tilespmem:v7+s28+$0x0], $0xffff;
	[tilespmem:s31+$0x30] =	vst v9  }
0x398: {  	s1 =	simm.s32 $0x187C0;
	s0 =	simm.s32 $0x0;
	v4 =	vld.idx.msk [tilespmem:v8+s28+$0x0], $0xffff;
	[tilespmem:s31+$0xFFFFFFD0] =	vst v10  }
.LBB2_34:
0x399: {  	v6 =	vld [tilespmem:s1+$0x30];
	s0 =	sadd.s32 $0x80, s0;
	[tilespmem:s31+$0xFFFFFFE0] =	vst v5  }
0x39a: {  	v5 =	vld [tilespmem:s1+$0xFFFFFFD0];
	p5 =	slt.u32 s0, $0xF80;
	[tilespmem:s31+$0xFFFFFFF0] =	vst v3  }
0x39b: {  	v3 =	vld [tilespmem:s1+$0xFFFFFFE0];
	[tilespmem:s31+$0x0] =	vst v0  }
0x39c: {  	v0 =	vld [tilespmem:s1+$0xFFFFFFF0];
	[tilespmem:s31+$0x10] =	vst v1  }
0x39d: {  	v1 =	vld [tilespmem:s1+$0x0];
	[tilespmem:s31+$0x20] =	vst v2  }
0x39e: {  	v2 =	vld [tilespmem:s1+$0x10];
	[tilespmem:s31+$0xFFFFFFC0] =	vst v4  }
0x39f: {  	v4 =	vld [tilespmem:s1+$0x20]  }
0x3a0: {  	v7 =	vld [tilespmem:s1+$0xFFFFFFC0]  }
0x3a1: {  	v6 =	vld.idx.msk [tilespmem:v6+s28+$0x0], $0xffff  }
0x3a2: {  	v8 =	vld.idx.msk [tilespmem:v5+s28+$0x0], $0xffff  }
0x3a3: {  	v5 =	vld.idx.msk [tilespmem:v3+s28+$0x0], $0xffff  }
.Ltmp16:
0x3a4: {  	v3 =	vld.idx.msk [tilespmem:v0+s28+$0x0], $0xffff;
	(pc) =	sbr.rel @p5 .LBB2_34-.Ltmp16, $4  }
0x3a5: {  	v0 =	vld.idx.msk [tilespmem:v1+s28+$0x0], $0xffff  }
0x3a6: {  	s31 =	sadd.s32 $0x80, s31;
	v1 =	vld.idx.msk [tilespmem:v2+s28+$0x0], $0xffff  }
0x3a7: {  	v2 =	vld.idx.msk [tilespmem:v4+s28+$0x0], $0xffff;
	[tilespmem:s31+$0x30] =	vst v6  }
0x3a8: {  	s1 =	sadd.s32 $0x80, s1;
	v4 =	vld.idx.msk [tilespmem:v7+s28+$0x0], $0xffff;
	[tilespmem:s31+$0xFFFFFFD0] =	vst v8  }
0x3a9: {  	[tilespmem:s31+$0xFFFFFFE0] =	vst v5  }
0x3aa: {  	[tilespmem:s31+$0xFFFFFFF0] =	vst v3  }
0x3ab: {  	[tilespmem:s31+$0x0] =	vst v0  }
0x3ac: {  	[tilespmem:s31+$0x10] =	vst v1  }
0x3ad: {  	[tilespmem:s31+$0x20] =	vst v2  }
0x3ae: {  	[tilespmem:s31+$0xFFFFFFC0] =	vst v4  }
0x3af: {  	s0 =	sld [smem:$0x7E9];
	_ =	sdelay $0x2  }
0x3b0: {  	[hbm4b:s0+s20] =	stream.strided.scatter [tilespmem:s24], [sflag:$0x2], $0x1000, s21, s20, $0x38;
	[tilespmem:$0x1E700] =	vst v63  }
0x3b1: {  	_ =	swait.ge [sflag:s29], $0x1000  }
0x3b2: {  	[sflag:s29] =	ssyncset.done $0x0  }
0x3b3: {  	s2 =	simm.s32 $0x19770;
	[sflag:s29] =	ssyncadd.s32 $0xFFFFF000  }
0x3b4: {  	v0 =	vld [tilespmem:s2+$0x0]  }
0x3b5: {  	v1 =	vld [tilespmem:s2+$0xFFFFFFA0]  }
0x3b6: {  	v2 =	vld [tilespmem:s2+$0xFFFFFFB0]  }
0x3b7: {  	v3 =	vld [tilespmem:s2+$0xFFFFFFC0]  }
0x3b8: {  	v4 =	vld [tilespmem:s2+$0xFFFFFFD0]  }
0x3b9: {  	v6 =	vld [tilespmem:s2+$0xFFFFFFE0]  }
0x3ba: {  	v7 =	vld [tilespmem:s2+$0xFFFFFFF0]  }
0x3bb: {  	v8 =	vld [tilespmem:s2+$0xFFFFFF90]  }
0x3bc: {  	v9 =	vld.idx.msk [tilespmem:v0+s28+$0x0], $0xffff  }
0x3bd: {  	v10 =	vld.idx.msk [tilespmem:v1+s28+$0x0], $0xffff  }
0x3be: {  	v5 =	vld.idx.msk [tilespmem:v2+s28+$0x0], $0xffff  }
0x3bf: {  	v3 =	vld.idx.msk [tilespmem:v3+s28+$0x0], $0xffff  }
0x3c0: {  	v0 =	vld.idx.msk [tilespmem:v4+s28+$0x0], $0xffff  }
0x3c1: {  	s31 =	simm.s32 $0x1D740;
	v1 =	vld.idx.msk [tilespmem:v6+s28+$0x0], $0xffff  }
0x3c2: {  	v2 =	vld.idx.msk [tilespmem:v7+s28+$0x0], $0xffff;
	[tilespmem:s31+$0x30] =	vst v9  }
0x3c3: {  	s1 =	simm.s32 $0x197F0;
	s0 =	simm.s32 $0x0;
	v4 =	vld.idx.msk [tilespmem:v8+s28+$0x0], $0xffff;
	[tilespmem:s31+$0xFFFFFFD0] =	vst v10  }
.LBB2_36:
0x3c4: {  	v6 =	vld [tilespmem:s1+$0x0];
	s0 =	sadd.s32 $0x80, s0;
	[tilespmem:s31+$0xFFFFFFE0] =	vst v5  }
0x3c5: {  	v5 =	vld [tilespmem:s1+$0xFFFFFFA0];
	p5 =	slt.u32 s0, $0xF80;
	[tilespmem:s31+$0xFFFFFFF0] =	vst v3  }
0x3c6: {  	v3 =	vld [tilespmem:s1+$0xFFFFFFB0];
	[tilespmem:s31+$0x0] =	vst v0  }
0x3c7: {  	v0 =	vld [tilespmem:s1+$0xFFFFFFC0];
	[tilespmem:s31+$0x10] =	vst v1  }
0x3c8: {  	v1 =	vld [tilespmem:s1+$0xFFFFFFD0];
	[tilespmem:s31+$0x20] =	vst v2  }
0x3c9: {  	v2 =	vld [tilespmem:s1+$0xFFFFFFE0];
	[tilespmem:s31+$0xFFFFFFC0] =	vst v4  }
0x3ca: {  	v4 =	vld [tilespmem:s1+$0xFFFFFFF0]  }
0x3cb: {  	v7 =	vld [tilespmem:s1+$0xFFFFFF90]  }
0x3cc: {  	v6 =	vld.idx.msk [tilespmem:v6+s28+$0x0], $0xffff  }
0x3cd: {  	v8 =	vld.idx.msk [tilespmem:v5+s28+$0x0], $0xffff  }
0x3ce: {  	v5 =	vld.idx.msk [tilespmem:v3+s28+$0x0], $0xffff  }
.Ltmp17:
0x3cf: {  	v3 =	vld.idx.msk [tilespmem:v0+s28+$0x0], $0xffff;
	(pc) =	sbr.rel @p5 .LBB2_36-.Ltmp17, $4  }
0x3d0: {  	v0 =	vld.idx.msk [tilespmem:v1+s28+$0x0], $0xffff  }
0x3d1: {  	s31 =	sadd.s32 $0x80, s31;
	v1 =	vld.idx.msk [tilespmem:v2+s28+$0x0], $0xffff  }
0x3d2: {  	v2 =	vld.idx.msk [tilespmem:v4+s28+$0x0], $0xffff;
	[tilespmem:s31+$0x30] =	vst v6  }
0x3d3: {  	s1 =	sadd.s32 $0x80, s1;
	v4 =	vld.idx.msk [tilespmem:v7+s28+$0x0], $0xffff;
	[tilespmem:s31+$0xFFFFFFD0] =	vst v8  }
0x3d4: {  	[tilespmem:s31+$0xFFFFFFE0] =	vst v5  }
0x3d5: {  	[tilespmem:s31+$0xFFFFFFF0] =	vst v3  }
0x3d6: {  	[tilespmem:s31+$0x0] =	vst v0  }
0x3d7: {  	[tilespmem:s31+$0x10] =	vst v1  }
0x3d8: {  	[tilespmem:s31+$0x20] =	vst v2  }
0x3d9: {  	[tilespmem:s31+$0xFFFFFFC0] =	vst v4  }
0x3da: {  	s0 =	sld [smem:$0x7EA];
	_ =	sdelay $0x2  }
0x3db: {  	[hbm4b:s0+s20] =	stream.strided.scatter [tilespmem:s25], [sflag:$0x3], $0x1000, s21, s20, $0x38;
	[tilespmem:$0x1E700] =	vst v63  }
0x3dc: {  	_ =	swait.ge [sflag:s26], $0x1000  }
0x3dd: {  	[sflag:s26] =	ssyncset.done $0x0  }
0x3de: {  	s2 =	simm.s32 $0x1A770;
	[sflag:s26] =	ssyncadd.s32 $0xFFFFF000  }
0x3df: {  	v0 =	vld [tilespmem:s2+$0x0]  }
0x3e0: {  	v1 =	vld [tilespmem:s2+$0xFFFFFFA0]  }
0x3e1: {  	v2 =	vld [tilespmem:s2+$0xFFFFFFB0]  }
0x3e2: {  	v3 =	vld [tilespmem:s2+$0xFFFFFFC0]  }
0x3e3: {  	v4 =	vld [tilespmem:s2+$0xFFFFFFD0]  }
0x3e4: {  	v6 =	vld [tilespmem:s2+$0xFFFFFFE0]  }
0x3e5: {  	v7 =	vld [tilespmem:s2+$0xFFFFFFF0]  }
0x3e6: {  	v8 =	vld [tilespmem:s2+$0xFFFFFF90]  }
0x3e7: {  	v9 =	vld.idx.msk [tilespmem:v0+s28+$0x0], $0xffff  }
0x3e8: {  	v10 =	vld.idx.msk [tilespmem:v1+s28+$0x0], $0xffff  }
0x3e9: {  	v5 =	vld.idx.msk [tilespmem:v2+s28+$0x0], $0xffff  }
0x3ea: {  	v3 =	vld.idx.msk [tilespmem:v3+s28+$0x0], $0xffff  }
0x3eb: {  	v0 =	vld.idx.msk [tilespmem:v4+s28+$0x0], $0xffff  }
0x3ec: {  	s31 =	simm.s32 $0x1C740;
	v1 =	vld.idx.msk [tilespmem:v6+s28+$0x0], $0xffff  }
0x3ed: {  	v2 =	vld.idx.msk [tilespmem:v7+s28+$0x0], $0xffff;
	[tilespmem:s31+$0x30] =	vst v9  }
0x3ee: {  	s1 =	simm.s32 $0x1A7F0;
	s0 =	simm.s32 $0x0;
	v4 =	vld.idx.msk [tilespmem:v8+s28+$0x0], $0xffff;
	[tilespmem:s31+$0xFFFFFFD0] =	vst v10  }
.LBB2_38:
0x3ef: {  	v6 =	vld [tilespmem:s1+$0x0];
	s0 =	sadd.s32 $0x80, s0;
	[tilespmem:s31+$0xFFFFFFE0] =	vst v5  }
0x3f0: {  	v5 =	vld [tilespmem:s1+$0xFFFFFFA0];
	p5 =	slt.u32 s0, $0xF80;
	[tilespmem:s31+$0xFFFFFFF0] =	vst v3  }
0x3f1: {  	v3 =	vld [tilespmem:s1+$0xFFFFFFB0];
	[tilespmem:s31+$0x0] =	vst v0  }
0x3f2: {  	v0 =	vld [tilespmem:s1+$0xFFFFFFC0];
	[tilespmem:s31+$0x10] =	vst v1  }
0x3f3: {  	v1 =	vld [tilespmem:s1+$0xFFFFFFD0];
	[tilespmem:s31+$0x20] =	vst v2  }
0x3f4: {  	v2 =	vld [tilespmem:s1+$0xFFFFFFE0];
	[tilespmem:s31+$0xFFFFFFC0] =	vst v4  }
0x3f5: {  	v4 =	vld [tilespmem:s1+$0xFFFFFFF0]  }
0x3f6: {  	v7 =	vld [tilespmem:s1+$0xFFFFFF90]  }
0x3f7: {  	v6 =	vld.idx.msk [tilespmem:v6+s28+$0x0], $0xffff  }
0x3f8: {  	v8 =	vld.idx.msk [tilespmem:v5+s28+$0x0], $0xffff  }
0x3f9: {  	v5 =	vld.idx.msk [tilespmem:v3+s28+$0x0], $0xffff  }
.Ltmp18:
0x3fa: {  	v3 =	vld.idx.msk [tilespmem:v0+s28+$0x0], $0xffff;
	(pc) =	sbr.rel @p5 .LBB2_38-.Ltmp18, $4  }
0x3fb: {  	v0 =	vld.idx.msk [tilespmem:v1+s28+$0x0], $0xffff  }
0x3fc: {  	s31 =	sadd.s32 $0x80, s31;
	v1 =	vld.idx.msk [tilespmem:v2+s28+$0x0], $0xffff  }
0x3fd: {  	v2 =	vld.idx.msk [tilespmem:v4+s28+$0x0], $0xffff;
	[tilespmem:s31+$0x30] =	vst v6  }
0x3fe: {  	s1 =	sadd.s32 $0x80, s1;
	v4 =	vld.idx.msk [tilespmem:v7+s28+$0x0], $0xffff;
	[tilespmem:s31+$0xFFFFFFD0] =	vst v8  }
0x3ff: {  	[tilespmem:s31+$0xFFFFFFE0] =	vst v5  }
0x400: {  	[tilespmem:s31+$0xFFFFFFF0] =	vst v3  }
0x401: {  	[tilespmem:s31+$0x0] =	vst v0  }
0x402: {  	[tilespmem:s31+$0x10] =	vst v1  }
0x403: {  	[tilespmem:s31+$0x20] =	vst v2  }
0x404: {  	[tilespmem:s31+$0xFFFFFFC0] =	vst v4  }
0x405: {  	s0 =	sld [smem:$0x7EB];
	_ =	sdelay $0x2  }
0x406: {  	[hbm4b:s0+s20] =	stream.strided.scatter [tilespmem:s24], [sflag:$0x2], $0x1000, s21, s20, $0x38;
	[tilespmem:$0x1E700] =	vst v63  }
0x407: {  	_ =	swait.ge [sflag:s29], $0x1000  }
0x408: {  	[sflag:s29] =	ssyncset.done $0x0  }
0x409: {  	s2 =	simm.s32 $0x1B770;
	[sflag:s29] =	ssyncadd.s32 $0xFFFFF000  }
0x40a: {  	v0 =	vld [tilespmem:s2+$0x0]  }
0x40b: {  	v1 =	vld [tilespmem:s2+$0xFFFFFFA0]  }
0x40c: {  	v2 =	vld [tilespmem:s2+$0xFFFFFFB0]  }
0x40d: {  	v3 =	vld [tilespmem:s2+$0xFFFFFFC0]  }
0x40e: {  	v4 =	vld [tilespmem:s2+$0xFFFFFFD0]  }
0x40f: {  	v6 =	vld [tilespmem:s2+$0xFFFFFFE0]  }
0x410: {  	v7 =	vld [tilespmem:s2+$0xFFFFFFF0]  }
0x411: {  	v8 =	vld [tilespmem:s2+$0xFFFFFF90]  }
0x412: {  	v9 =	vld.idx.msk [tilespmem:v0+s28+$0x0], $0xffff  }
0x413: {  	v10 =	vld.idx.msk [tilespmem:v1+s28+$0x0], $0xffff  }
0x414: {  	v5 =	vld.idx.msk [tilespmem:v2+s28+$0x0], $0xffff  }
0x415: {  	v3 =	vld.idx.msk [tilespmem:v3+s28+$0x0], $0xffff  }
0x416: {  	v0 =	vld.idx.msk [tilespmem:v4+s28+$0x0], $0xffff  }
0x417: {  	s31 =	simm.s32 $0x1D740;
	v1 =	vld.idx.msk [tilespmem:v6+s28+$0x0], $0xffff  }
0x418: {  	v2 =	vld.idx.msk [tilespmem:v7+s28+$0x0], $0xffff;
	[tilespmem:s31+$0x30] =	vst v9  }
0x419: {  	s1 =	simm.s32 $0x1B7F0;
	s0 =	simm.s32 $0x0;
	v4 =	vld.idx.msk [tilespmem:v8+s28+$0x0], $0xffff;
	[tilespmem:s31+$0xFFFFFFD0] =	vst v10  }
.LBB2_40:
0x41a: {  	v6 =	vld [tilespmem:s1+$0x0];
	s0 =	sadd.s32 $0x80, s0;
	[tilespmem:s31+$0xFFFFFFE0] =	vst v5  }
0x41b: {  	v5 =	vld [tilespmem:s1+$0xFFFFFFA0];
	p5 =	slt.u32 s0, $0xF80;
	[tilespmem:s31+$0xFFFFFFF0] =	vst v3  }
0x41c: {  	v3 =	vld [tilespmem:s1+$0xFFFFFFB0];
	[tilespmem:s31+$0x0] =	vst v0  }
0x41d: {  	v0 =	vld [tilespmem:s1+$0xFFFFFFC0];
	[tilespmem:s31+$0x10] =	vst v1  }
0x41e: {  	v1 =	vld [tilespmem:s1+$0xFFFFFFD0];
	[tilespmem:s31+$0x20] =	vst v2  }
0x41f: {  	v2 =	vld [tilespmem:s1+$0xFFFFFFE0];
	[tilespmem:s31+$0xFFFFFFC0] =	vst v4  }
0x420: {  	v4 =	vld [tilespmem:s1+$0xFFFFFFF0]  }
0x421: {  	v7 =	vld [tilespmem:s1+$0xFFFFFF90]  }
0x422: {  	v6 =	vld.idx.msk [tilespmem:v6+s28+$0x0], $0xffff  }
0x423: {  	v8 =	vld.idx.msk [tilespmem:v5+s28+$0x0], $0xffff  }
0x424: {  	v5 =	vld.idx.msk [tilespmem:v3+s28+$0x0], $0xffff  }
.Ltmp19:
0x425: {  	v3 =	vld.idx.msk [tilespmem:v0+s28+$0x0], $0xffff;
	(pc) =	sbr.rel @p5 .LBB2_40-.Ltmp19, $4  }
0x426: {  	v0 =	vld.idx.msk [tilespmem:v1+s28+$0x0], $0xffff  }
0x427: {  	s31 =	sadd.s32 $0x80, s31;
	v1 =	vld.idx.msk [tilespmem:v2+s28+$0x0], $0xffff  }
0x428: {  	v2 =	vld.idx.msk [tilespmem:v4+s28+$0x0], $0xffff;
	[tilespmem:s31+$0x30] =	vst v6  }
0x429: {  	s1 =	sadd.s32 $0x80, s1;
	v4 =	vld.idx.msk [tilespmem:v7+s28+$0x0], $0xffff;
	[tilespmem:s31+$0xFFFFFFD0] =	vst v8  }
0x42a: {  	[tilespmem:s31+$0xFFFFFFE0] =	vst v5  }
0x42b: {  	[tilespmem:s31+$0xFFFFFFF0] =	vst v3  }
0x42c: {  	[tilespmem:s31+$0x0] =	vst v0  }
0x42d: {  	[tilespmem:s31+$0x10] =	vst v1  }
0x42e: {  	[tilespmem:s31+$0x20] =	vst v2  }
0x42f: {  	[tilespmem:s31+$0xFFFFFFC0] =	vst v4  }
0x430: {  	s0 =	sld [smem:$0x7EC]  }
0x431: {  	s1 =	sld [smem:$0x7CF];
	_ =	sdelay $0x1  }
0x432: {  	[hbm4b:s0+s20] =	stream.strided.scatter [tilespmem:s25], [sflag:$0x3], $0x1000, s21, s20, $0x38;
	[tilespmem:$0x1E700] =	vst v63  }
0x433: {  	p5 =	seq.s32 s1, $0x1  }
0x434: {  	s2 =	rddreg [dreg:$0x15];
	s0 =	simm.s32 @!p5 $0x80  }
0x435: {  	[tilespmem:s28], [sflag:$0x1] =	stream.strided.gather [hbm4b:s2+s20], $0x18700, s21, s20, $0x38;
	[tilespmem:$0x1E700] =	vst v63  }
0x436: {  	s1 =	simm.s32 @!p5 $0x400;
	s31 =	simm.s32 @!p5 $0x18700;
	s2 =	rddreg [dreg:$0x9]  }
0x437: {  	[tilespmem:s31], [sflag:$0x4] =	stream.strided.gather @!p5 [hbm4b:s2+s0], $0x4000, s1, s0, $0x38;
	[tilespmem:$0x1E700] =	vst v63  }
0x438: {  	s0 =	simm.s32 @!p5 $0x4  }
0x439: {  	_ =	swait.ge @!p5 [sflag:s0], $0x4000  }
0x43a: {  	[sflag:s0] =	ssyncset.done @!p5 $0x0  }
0x43b: {  	[sflag:s0] =	ssyncadd.s32 @!p5 $0xFFFFC000  }
0x43c: {  	_ =	swait.ge [sflag:s23], $0x18700  }
0x43d: {  	[sflag:s23] =	ssyncset.done $0x0  }
0x43e: {  	[sflag:s23] =	ssyncadd.s32 $0xFFFE7900  }
0x43f: {  	_ =	swait.ge [sflag:s26], $0x1000  }
0x440: {  	[sflag:s26] =	ssyncset.done $0x0  }
0x441: {  	s2 =	simm.s32 $0x18740;
	[sflag:s26] =	ssyncadd.s32 $0xFFFFF000  }
0x442: {  	v0 =	vld [tilespmem:s2+$0x30]  }
0x443: {  	v1 =	vld [tilespmem:s2+$0xFFFFFFD0]  }
0x444: {  	v2 =	vld [tilespmem:s2+$0xFFFFFFE0]  }
0x445: {  	v3 =	vld [tilespmem:s2+$0xFFFFFFF0]  }
0x446: {  	v4 =	vld [tilespmem:s2+$0x0]  }
0x447: {  	v6 =	vld [tilespmem:s2+$0x10]  }
0x448: {  	v7 =	vld [tilespmem:s2+$0x20]  }
0x449: {  	v8 =	vld [tilespmem:s2+$0xFFFFFFC0]  }
0x44a: {  	v9 =	vld.idx.msk [tilespmem:v0+s28+$0x0], $0xffff  }
0x44b: {  	v10 =	vld.idx.msk [tilespmem:v1+s28+$0x0], $0xffff  }
0x44c: {  	v5 =	vld.idx.msk [tilespmem:v2+s28+$0x0], $0xffff  }
0x44d: {  	v3 =	vld.idx.msk [tilespmem:v3+s28+$0x0], $0xffff  }
0x44e: {  	v0 =	vld.idx.msk [tilespmem:v4+s28+$0x0], $0xffff  }
0x44f: {  	s31 =	simm.s32 $0x1C740;
	v1 =	vld.idx.msk [tilespmem:v6+s28+$0x0], $0xffff  }
0x450: {  	v2 =	vld.idx.msk [tilespmem:v7+s28+$0x0], $0xffff;
	[tilespmem:s31+$0x30] =	vst v9  }
0x451: {  	s1 =	simm.s32 $0x187C0;
	s0 =	simm.s32 $0x0;
	v4 =	vld.idx.msk [tilespmem:v8+s28+$0x0], $0xffff;
	[tilespmem:s31+$0xFFFFFFD0] =	vst v10  }
.LBB2_42:
0x452: {  	v6 =	vld [tilespmem:s1+$0x30];
	s0 =	sadd.s32 $0x80, s0;
	[tilespmem:s31+$0xFFFFFFE0] =	vst v5  }
0x453: {  	v5 =	vld [tilespmem:s1+$0xFFFFFFD0];
	p5 =	slt.u32 s0, $0xF80;
	[tilespmem:s31+$0xFFFFFFF0] =	vst v3  }
0x454: {  	v3 =	vld [tilespmem:s1+$0xFFFFFFE0];
	[tilespmem:s31+$0x0] =	vst v0  }
0x455: {  	v0 =	vld [tilespmem:s1+$0xFFFFFFF0];
	[tilespmem:s31+$0x10] =	vst v1  }
0x456: {  	v1 =	vld [tilespmem:s1+$0x0];
	[tilespmem:s31+$0x20] =	vst v2  }
0x457: {  	v2 =	vld [tilespmem:s1+$0x10];
	[tilespmem:s31+$0xFFFFFFC0] =	vst v4  }
0x458: {  	v4 =	vld [tilespmem:s1+$0x20]  }
0x459: {  	v7 =	vld [tilespmem:s1+$0xFFFFFFC0]  }
0x45a: {  	v6 =	vld.idx.msk [tilespmem:v6+s28+$0x0], $0xffff  }
0x45b: {  	v8 =	vld.idx.msk [tilespmem:v5+s28+$0x0], $0xffff  }
0x45c: {  	v5 =	vld.idx.msk [tilespmem:v3+s28+$0x0], $0xffff  }
.Ltmp20:
0x45d: {  	v3 =	vld.idx.msk [tilespmem:v0+s28+$0x0], $0xffff;
	(pc) =	sbr.rel @p5 .LBB2_42-.Ltmp20, $4  }
0x45e: {  	v0 =	vld.idx.msk [tilespmem:v1+s28+$0x0], $0xffff  }
0x45f: {  	s31 =	sadd.s32 $0x80, s31;
	v1 =	vld.idx.msk [tilespmem:v2+s28+$0x0], $0xffff  }
0x460: {  	v2 =	vld.idx.msk [tilespmem:v4+s28+$0x0], $0xffff;
	[tilespmem:s31+$0x30] =	vst v6  }
0x461: {  	s1 =	sadd.s32 $0x80, s1;
	v4 =	vld.idx.msk [tilespmem:v7+s28+$0x0], $0xffff;
	[tilespmem:s31+$0xFFFFFFD0] =	vst v8  }
0x462: {  	[tilespmem:s31+$0xFFFFFFE0] =	vst v5  }
0x463: {  	[tilespmem:s31+$0xFFFFFFF0] =	vst v3  }
0x464: {  	[tilespmem:s31+$0x0] =	vst v0  }
0x465: {  	[tilespmem:s31+$0x10] =	vst v1  }
0x466: {  	[tilespmem:s31+$0x20] =	vst v2  }
0x467: {  	[tilespmem:s31+$0xFFFFFFC0] =	vst v4  }
0x468: {  	s0 =	sld [smem:$0x7ED];
	_ =	sdelay $0x2  }
0x469: {  	[hbm4b:s0+s20] =	stream.strided.scatter [tilespmem:s24], [sflag:$0x2], $0x1000, s21, s20, $0x38;
	[tilespmem:$0x1E700] =	vst v63  }
0x46a: {  	_ =	swait.ge [sflag:s29], $0x1000  }
0x46b: {  	[sflag:s29] =	ssyncset.done $0x0  }
0x46c: {  	s2 =	simm.s32 $0x19770;
	[sflag:s29] =	ssyncadd.s32 $0xFFFFF000  }
0x46d: {  	v0 =	vld [tilespmem:s2+$0x0]  }
0x46e: {  	v1 =	vld [tilespmem:s2+$0xFFFFFFA0]  }
0x46f: {  	v2 =	vld [tilespmem:s2+$0xFFFFFFB0]  }
0x470: {  	v3 =	vld [tilespmem:s2+$0xFFFFFFC0]  }
0x471: {  	v4 =	vld [tilespmem:s2+$0xFFFFFFD0]  }
0x472: {  	v6 =	vld [tilespmem:s2+$0xFFFFFFE0]  }
0x473: {  	v7 =	vld [tilespmem:s2+$0xFFFFFFF0]  }
0x474: {  	v8 =	vld [tilespmem:s2+$0xFFFFFF90]  }
0x475: {  	v9 =	vld.idx.msk [tilespmem:v0+s28+$0x0], $0xffff  }
0x476: {  	v10 =	vld.idx.msk [tilespmem:v1+s28+$0x0], $0xffff  }
0x477: {  	v5 =	vld.idx.msk [tilespmem:v2+s28+$0x0], $0xffff  }
0x478: {  	v3 =	vld.idx.msk [tilespmem:v3+s28+$0x0], $0xffff  }
0x479: {  	v0 =	vld.idx.msk [tilespmem:v4+s28+$0x0], $0xffff  }
0x47a: {  	s31 =	simm.s32 $0x1D740;
	v1 =	vld.idx.msk [tilespmem:v6+s28+$0x0], $0xffff  }
0x47b: {  	v2 =	vld.idx.msk [tilespmem:v7+s28+$0x0], $0xffff;
	[tilespmem:s31+$0x30] =	vst v9  }
0x47c: {  	s1 =	simm.s32 $0x197F0;
	s0 =	simm.s32 $0x0;
	v4 =	vld.idx.msk [tilespmem:v8+s28+$0x0], $0xffff;
	[tilespmem:s31+$0xFFFFFFD0] =	vst v10  }
.LBB2_44:
0x47d: {  	v6 =	vld [tilespmem:s1+$0x0];
	s0 =	sadd.s32 $0x80, s0;
	[tilespmem:s31+$0xFFFFFFE0] =	vst v5  }
0x47e: {  	v5 =	vld [tilespmem:s1+$0xFFFFFFA0];
	p5 =	slt.u32 s0, $0xF80;
	[tilespmem:s31+$0xFFFFFFF0] =	vst v3  }
0x47f: {  	v3 =	vld [tilespmem:s1+$0xFFFFFFB0];
	[tilespmem:s31+$0x0] =	vst v0  }
0x480: {  	v0 =	vld [tilespmem:s1+$0xFFFFFFC0];
	[tilespmem:s31+$0x10] =	vst v1  }
0x481: {  	v1 =	vld [tilespmem:s1+$0xFFFFFFD0];
	[tilespmem:s31+$0x20] =	vst v2  }
0x482: {  	v2 =	vld [tilespmem:s1+$0xFFFFFFE0];
	[tilespmem:s31+$0xFFFFFFC0] =	vst v4  }
0x483: {  	v4 =	vld [tilespmem:s1+$0xFFFFFFF0]  }
0x484: {  	v7 =	vld [tilespmem:s1+$0xFFFFFF90]  }
0x485: {  	v6 =	vld.idx.msk [tilespmem:v6+s28+$0x0], $0xffff  }
0x486: {  	v8 =	vld.idx.msk [tilespmem:v5+s28+$0x0], $0xffff  }
0x487: {  	v5 =	vld.idx.msk [tilespmem:v3+s28+$0x0], $0xffff  }
.Ltmp21:
0x488: {  	v3 =	vld.idx.msk [tilespmem:v0+s28+$0x0], $0xffff;
	(pc) =	sbr.rel @p5 .LBB2_44-.Ltmp21, $4  }
0x489: {  	v0 =	vld.idx.msk [tilespmem:v1+s28+$0x0], $0xffff  }
0x48a: {  	s31 =	sadd.s32 $0x80, s31;
	v1 =	vld.idx.msk [tilespmem:v2+s28+$0x0], $0xffff  }
0x48b: {  	v2 =	vld.idx.msk [tilespmem:v4+s28+$0x0], $0xffff;
	[tilespmem:s31+$0x30] =	vst v6  }
0x48c: {  	s1 =	sadd.s32 $0x80, s1;
	v4 =	vld.idx.msk [tilespmem:v7+s28+$0x0], $0xffff;
	[tilespmem:s31+$0xFFFFFFD0] =	vst v8  }
0x48d: {  	[tilespmem:s31+$0xFFFFFFE0] =	vst v5  }
0x48e: {  	[tilespmem:s31+$0xFFFFFFF0] =	vst v3  }
0x48f: {  	[tilespmem:s31+$0x0] =	vst v0  }
0x490: {  	[tilespmem:s31+$0x10] =	vst v1  }
0x491: {  	[tilespmem:s31+$0x20] =	vst v2  }
0x492: {  	[tilespmem:s31+$0xFFFFFFC0] =	vst v4  }
0x493: {  	s0 =	sld [smem:$0x7EE];
	_ =	sdelay $0x2  }
0x494: {  	[hbm4b:s0+s20] =	stream.strided.scatter [tilespmem:s25], [sflag:$0x3], $0x1000, s21, s20, $0x38;
	[tilespmem:$0x1E700] =	vst v63  }
0x495: {  	_ =	swait.ge [sflag:s26], $0x1000  }
0x496: {  	[sflag:s26] =	ssyncset.done $0x0  }
0x497: {  	s2 =	simm.s32 $0x1A770;
	[sflag:s26] =	ssyncadd.s32 $0xFFFFF000  }
0x498: {  	v0 =	vld [tilespmem:s2+$0x0]  }
0x499: {  	v1 =	vld [tilespmem:s2+$0xFFFFFFA0]  }
0x49a: {  	v2 =	vld [tilespmem:s2+$0xFFFFFFB0]  }
0x49b: {  	v3 =	vld [tilespmem:s2+$0xFFFFFFC0]  }
0x49c: {  	v4 =	vld [tilespmem:s2+$0xFFFFFFD0]  }
0x49d: {  	v6 =	vld [tilespmem:s2+$0xFFFFFFE0]  }
0x49e: {  	v7 =	vld [tilespmem:s2+$0xFFFFFFF0]  }
0x49f: {  	v8 =	vld [tilespmem:s2+$0xFFFFFF90]  }
0x4a0: {  	v9 =	vld.idx.msk [tilespmem:v0+s28+$0x0], $0xffff  }
0x4a1: {  	v10 =	vld.idx.msk [tilespmem:v1+s28+$0x0], $0xffff  }
0x4a2: {  	v5 =	vld.idx.msk [tilespmem:v2+s28+$0x0], $0xffff  }
0x4a3: {  	v3 =	vld.idx.msk [tilespmem:v3+s28+$0x0], $0xffff  }
0x4a4: {  	v0 =	vld.idx.msk [tilespmem:v4+s28+$0x0], $0xffff  }
0x4a5: {  	s31 =	simm.s32 $0x1C740;
	v1 =	vld.idx.msk [tilespmem:v6+s28+$0x0], $0xffff  }
0x4a6: {  	v2 =	vld.idx.msk [tilespmem:v7+s28+$0x0], $0xffff;
	[tilespmem:s31+$0x30] =	vst v9  }
0x4a7: {  	s1 =	simm.s32 $0x1A7F0;
	s0 =	simm.s32 $0x0;
	v4 =	vld.idx.msk [tilespmem:v8+s28+$0x0], $0xffff;
	[tilespmem:s31+$0xFFFFFFD0] =	vst v10  }
.LBB2_46:
0x4a8: {  	v6 =	vld [tilespmem:s1+$0x0];
	s0 =	sadd.s32 $0x80, s0;
	[tilespmem:s31+$0xFFFFFFE0] =	vst v5  }
0x4a9: {  	v5 =	vld [tilespmem:s1+$0xFFFFFFA0];
	p5 =	slt.u32 s0, $0xF80;
	[tilespmem:s31+$0xFFFFFFF0] =	vst v3  }
0x4aa: {  	v3 =	vld [tilespmem:s1+$0xFFFFFFB0];
	[tilespmem:s31+$0x0] =	vst v0  }
0x4ab: {  	v0 =	vld [tilespmem:s1+$0xFFFFFFC0];
	[tilespmem:s31+$0x10] =	vst v1  }
0x4ac: {  	v1 =	vld [tilespmem:s1+$0xFFFFFFD0];
	[tilespmem:s31+$0x20] =	vst v2  }
0x4ad: {  	v2 =	vld [tilespmem:s1+$0xFFFFFFE0];
	[tilespmem:s31+$0xFFFFFFC0] =	vst v4  }
0x4ae: {  	v4 =	vld [tilespmem:s1+$0xFFFFFFF0]  }
0x4af: {  	v7 =	vld [tilespmem:s1+$0xFFFFFF90]  }
0x4b0: {  	v6 =	vld.idx.msk [tilespmem:v6+s28+$0x0], $0xffff  }
0x4b1: {  	v8 =	vld.idx.msk [tilespmem:v5+s28+$0x0], $0xffff  }
0x4b2: {  	v5 =	vld.idx.msk [tilespmem:v3+s28+$0x0], $0xffff  }
.Ltmp22:
0x4b3: {  	v3 =	vld.idx.msk [tilespmem:v0+s28+$0x0], $0xffff;
	(pc) =	sbr.rel @p5 .LBB2_46-.Ltmp22, $4  }
0x4b4: {  	v0 =	vld.idx.msk [tilespmem:v1+s28+$0x0], $0xffff  }
0x4b5: {  	s31 =	sadd.s32 $0x80, s31;
	v1 =	vld.idx.msk [tilespmem:v2+s28+$0x0], $0xffff  }
0x4b6: {  	v2 =	vld.idx.msk [tilespmem:v4+s28+$0x0], $0xffff;
	[tilespmem:s31+$0x30] =	vst v6  }
0x4b7: {  	s1 =	sadd.s32 $0x80, s1;
	v4 =	vld.idx.msk [tilespmem:v7+s28+$0x0], $0xffff;
	[tilespmem:s31+$0xFFFFFFD0] =	vst v8  }
0x4b8: {  	[tilespmem:s31+$0xFFFFFFE0] =	vst v5  }
0x4b9: {  	[tilespmem:s31+$0xFFFFFFF0] =	vst v3  }
0x4ba: {  	[tilespmem:s31+$0x0] =	vst v0  }
0x4bb: {  	[tilespmem:s31+$0x10] =	vst v1  }
0x4bc: {  	[tilespmem:s31+$0x20] =	vst v2  }
0x4bd: {  	[tilespmem:s31+$0xFFFFFFC0] =	vst v4  }
0x4be: {  	s0 =	sld [smem:$0x7EF];
	_ =	sdelay $0x2  }
0x4bf: {  	[hbm4b:s0+s20] =	stream.strided.scatter [tilespmem:s24], [sflag:$0x2], $0x1000, s21, s20, $0x38;
	[tilespmem:$0x1E700] =	vst v63  }
0x4c0: {  	_ =	swait.ge [sflag:s29], $0x1000  }
0x4c1: {  	[sflag:s29] =	ssyncset.done $0x0  }
0x4c2: {  	s2 =	simm.s32 $0x1B770;
	[sflag:s29] =	ssyncadd.s32 $0xFFFFF000  }
0x4c3: {  	v0 =	vld [tilespmem:s2+$0x0]  }
0x4c4: {  	v1 =	vld [tilespmem:s2+$0xFFFFFFA0]  }
0x4c5: {  	v2 =	vld [tilespmem:s2+$0xFFFFFFB0]  }
0x4c6: {  	v3 =	vld [tilespmem:s2+$0xFFFFFFC0]  }
0x4c7: {  	v4 =	vld [tilespmem:s2+$0xFFFFFFD0]  }
0x4c8: {  	v6 =	vld [tilespmem:s2+$0xFFFFFFE0]  }
0x4c9: {  	v7 =	vld [tilespmem:s2+$0xFFFFFFF0]  }
0x4ca: {  	v8 =	vld [tilespmem:s2+$0xFFFFFF90]  }
0x4cb: {  	v9 =	vld.idx.msk [tilespmem:v0+s28+$0x0], $0xffff  }
0x4cc: {  	v10 =	vld.idx.msk [tilespmem:v1+s28+$0x0], $0xffff  }
0x4cd: {  	v5 =	vld.idx.msk [tilespmem:v2+s28+$0x0], $0xffff  }
0x4ce: {  	v3 =	vld.idx.msk [tilespmem:v3+s28+$0x0], $0xffff  }
0x4cf: {  	v0 =	vld.idx.msk [tilespmem:v4+s28+$0x0], $0xffff  }
0x4d0: {  	s31 =	simm.s32 $0x1D740;
	v1 =	vld.idx.msk [tilespmem:v6+s28+$0x0], $0xffff  }
0x4d1: {  	v2 =	vld.idx.msk [tilespmem:v7+s28+$0x0], $0xffff;
	[tilespmem:s31+$0x30] =	vst v9  }
0x4d2: {  	s1 =	simm.s32 $0x1B7F0;
	s0 =	simm.s32 $0x0;
	v4 =	vld.idx.msk [tilespmem:v8+s28+$0x0], $0xffff;
	[tilespmem:s31+$0xFFFFFFD0] =	vst v10  }
.LBB2_48:
0x4d3: {  	v6 =	vld [tilespmem:s1+$0x0];
	s0 =	sadd.s32 $0x80, s0;
	[tilespmem:s31+$0xFFFFFFE0] =	vst v5  }
0x4d4: {  	v5 =	vld [tilespmem:s1+$0xFFFFFFA0];
	p5 =	slt.u32 s0, $0xF80;
	[tilespmem:s31+$0xFFFFFFF0] =	vst v3  }
0x4d5: {  	v3 =	vld [tilespmem:s1+$0xFFFFFFB0];
	[tilespmem:s31+$0x0] =	vst v0  }
0x4d6: {  	v0 =	vld [tilespmem:s1+$0xFFFFFFC0];
	[tilespmem:s31+$0x10] =	vst v1  }
0x4d7: {  	v1 =	vld [tilespmem:s1+$0xFFFFFFD0];
	[tilespmem:s31+$0x20] =	vst v2  }
0x4d8: {  	v2 =	vld [tilespmem:s1+$0xFFFFFFE0];
	[tilespmem:s31+$0xFFFFFFC0] =	vst v4  }
0x4d9: {  	v4 =	vld [tilespmem:s1+$0xFFFFFFF0]  }
0x4da: {  	v7 =	vld [tilespmem:s1+$0xFFFFFF90]  }
0x4db: {  	v6 =	vld.idx.msk [tilespmem:v6+s28+$0x0], $0xffff  }
0x4dc: {  	v8 =	vld.idx.msk [tilespmem:v5+s28+$0x0], $0xffff  }
0x4dd: {  	v5 =	vld.idx.msk [tilespmem:v3+s28+$0x0], $0xffff  }
.Ltmp23:
0x4de: {  	v3 =	vld.idx.msk [tilespmem:v0+s28+$0x0], $0xffff;
	(pc) =	sbr.rel @p5 .LBB2_48-.Ltmp23, $4  }
0x4df: {  	v0 =	vld.idx.msk [tilespmem:v1+s28+$0x0], $0xffff  }
0x4e0: {  	s31 =	sadd.s32 $0x80, s31;
	v1 =	vld.idx.msk [tilespmem:v2+s28+$0x0], $0xffff  }
0x4e1: {  	v2 =	vld.idx.msk [tilespmem:v4+s28+$0x0], $0xffff;
	[tilespmem:s31+$0x30] =	vst v6  }
0x4e2: {  	s1 =	sadd.s32 $0x80, s1;
	v4 =	vld.idx.msk [tilespmem:v7+s28+$0x0], $0xffff;
	[tilespmem:s31+$0xFFFFFFD0] =	vst v8  }
0x4e3: {  	[tilespmem:s31+$0xFFFFFFE0] =	vst v5  }
0x4e4: {  	[tilespmem:s31+$0xFFFFFFF0] =	vst v3  }
0x4e5: {  	[tilespmem:s31+$0x0] =	vst v0  }
0x4e6: {  	[tilespmem:s31+$0x10] =	vst v1  }
0x4e7: {  	[tilespmem:s31+$0x20] =	vst v2  }
0x4e8: {  	[tilespmem:s31+$0xFFFFFFC0] =	vst v4  }
0x4e9: {  	s0 =	sld [smem:$0x7F0]  }
0x4ea: {  	s1 =	sld [smem:$0x7D0];
	_ =	sdelay $0x1  }
0x4eb: {  	[hbm4b:s0+s20] =	stream.strided.scatter [tilespmem:s25], [sflag:$0x3], $0x1000, s21, s20, $0x38;
	[tilespmem:$0x1E700] =	vst v63  }
0x4ec: {  	p5 =	seq.s32 s1, $0x1  }
0x4ed: {  	s2 =	rddreg [dreg:$0x16];
	s0 =	simm.s32 @!p5 $0x80  }
0x4ee: {  	[tilespmem:s28], [sflag:$0x1] =	stream.strided.gather [hbm4b:s2+s20], $0x18700, s21, s20, $0x38;
	[tilespmem:$0x1E700] =	vst v63  }
0x4ef: {  	s1 =	simm.s32 @!p5 $0x400;
	s31 =	simm.s32 @!p5 $0x18700;
	s2 =	rddreg [dreg:$0xa]  }
0x4f0: {  	[tilespmem:s31], [sflag:$0x4] =	stream.strided.gather @!p5 [hbm4b:s2+s0], $0x4000, s1, s0, $0x38;
	[tilespmem:$0x1E700] =	vst v63  }
0x4f1: {  	s0 =	simm.s32 @!p5 $0x4  }
0x4f2: {  	_ =	swait.ge @!p5 [sflag:s0], $0x4000  }
0x4f3: {  	[sflag:s0] =	ssyncset.done @!p5 $0x0  }
0x4f4: {  	[sflag:s0] =	ssyncadd.s32 @!p5 $0xFFFFC000  }
0x4f5: {  	_ =	swait.ge [sflag:s23], $0x18700  }
0x4f6: {  	[sflag:s23] =	ssyncset.done $0x0  }
0x4f7: {  	[sflag:s23] =	ssyncadd.s32 $0xFFFE7900  }
0x4f8: {  	_ =	swait.ge [sflag:s26], $0x1000  }
0x4f9: {  	[sflag:s26] =	ssyncset.done $0x0  }
0x4fa: {  	s2 =	simm.s32 $0x18740;
	[sflag:s26] =	ssyncadd.s32 $0xFFFFF000  }
0x4fb: {  	v0 =	vld [tilespmem:s2+$0x30]  }
0x4fc: {  	v1 =	vld [tilespmem:s2+$0xFFFFFFD0]  }
0x4fd: {  	v2 =	vld [tilespmem:s2+$0xFFFFFFE0]  }
0x4fe: {  	v3 =	vld [tilespmem:s2+$0xFFFFFFF0]  }
0x4ff: {  	v4 =	vld [tilespmem:s2+$0x0]  }
0x500: {  	v6 =	vld [tilespmem:s2+$0x10]  }
0x501: {  	v7 =	vld [tilespmem:s2+$0x20]  }
0x502: {  	v8 =	vld [tilespmem:s2+$0xFFFFFFC0]  }
0x503: {  	v9 =	vld.idx.msk [tilespmem:v0+s28+$0x0], $0xffff  }
0x504: {  	v10 =	vld.idx.msk [tilespmem:v1+s28+$0x0], $0xffff  }
0x505: {  	v5 =	vld.idx.msk [tilespmem:v2+s28+$0x0], $0xffff  }
0x506: {  	v3 =	vld.idx.msk [tilespmem:v3+s28+$0x0], $0xffff  }
0x507: {  	v0 =	vld.idx.msk [tilespmem:v4+s28+$0x0], $0xffff  }
0x508: {  	s31 =	simm.s32 $0x1C740;
	v1 =	vld.idx.msk [tilespmem:v6+s28+$0x0], $0xffff  }
0x509: {  	v2 =	vld.idx.msk [tilespmem:v7+s28+$0x0], $0xffff;
	[tilespmem:s31+$0x30] =	vst v9  }
0x50a: {  	s1 =	simm.s32 $0x187C0;
	s0 =	simm.s32 $0x0;
	v4 =	vld.idx.msk [tilespmem:v8+s28+$0x0], $0xffff;
	[tilespmem:s31+$0xFFFFFFD0] =	vst v10  }
.LBB2_50:
0x50b: {  	v6 =	vld [tilespmem:s1+$0x30];
	s0 =	sadd.s32 $0x80, s0;
	[tilespmem:s31+$0xFFFFFFE0] =	vst v5  }
0x50c: {  	v5 =	vld [tilespmem:s1+$0xFFFFFFD0];
	p5 =	slt.u32 s0, $0xF80;
	[tilespmem:s31+$0xFFFFFFF0] =	vst v3  }
0x50d: {  	v3 =	vld [tilespmem:s1+$0xFFFFFFE0];
	[tilespmem:s31+$0x0] =	vst v0  }
0x50e: {  	v0 =	vld [tilespmem:s1+$0xFFFFFFF0];
	[tilespmem:s31+$0x10] =	vst v1  }
0x50f: {  	v1 =	vld [tilespmem:s1+$0x0];
	[tilespmem:s31+$0x20] =	vst v2  }
0x510: {  	v2 =	vld [tilespmem:s1+$0x10];
	[tilespmem:s31+$0xFFFFFFC0] =	vst v4  }
0x511: {  	v4 =	vld [tilespmem:s1+$0x20]  }
0x512: {  	v7 =	vld [tilespmem:s1+$0xFFFFFFC0]  }
0x513: {  	v6 =	vld.idx.msk [tilespmem:v6+s28+$0x0], $0xffff  }
0x514: {  	v8 =	vld.idx.msk [tilespmem:v5+s28+$0x0], $0xffff  }
0x515: {  	v5 =	vld.idx.msk [tilespmem:v3+s28+$0x0], $0xffff  }
.Ltmp24:
0x516: {  	v3 =	vld.idx.msk [tilespmem:v0+s28+$0x0], $0xffff;
	(pc) =	sbr.rel @p5 .LBB2_50-.Ltmp24, $4  }
0x517: {  	v0 =	vld.idx.msk [tilespmem:v1+s28+$0x0], $0xffff  }
0x518: {  	s31 =	sadd.s32 $0x80, s31;
	v1 =	vld.idx.msk [tilespmem:v2+s28+$0x0], $0xffff  }
0x519: {  	v2 =	vld.idx.msk [tilespmem:v4+s28+$0x0], $0xffff;
	[tilespmem:s31+$0x30] =	vst v6  }
0x51a: {  	s1 =	sadd.s32 $0x80, s1;
	v4 =	vld.idx.msk [tilespmem:v7+s28+$0x0], $0xffff;
	[tilespmem:s31+$0xFFFFFFD0] =	vst v8  }
0x51b: {  	[tilespmem:s31+$0xFFFFFFE0] =	vst v5  }
0x51c: {  	[tilespmem:s31+$0xFFFFFFF0] =	vst v3  }
0x51d: {  	[tilespmem:s31+$0x0] =	vst v0  }
0x51e: {  	[tilespmem:s31+$0x10] =	vst v1  }
0x51f: {  	[tilespmem:s31+$0x20] =	vst v2  }
0x520: {  	[tilespmem:s31+$0xFFFFFFC0] =	vst v4  }
0x521: {  	s0 =	sld [smem:$0x7F1];
	_ =	sdelay $0x2  }
0x522: {  	[hbm4b:s0+s20] =	stream.strided.scatter [tilespmem:s24], [sflag:$0x2], $0x1000, s21, s20, $0x38;
	[tilespmem:$0x1E700] =	vst v63  }
0x523: {  	_ =	swait.ge [sflag:s29], $0x1000  }
0x524: {  	[sflag:s29] =	ssyncset.done $0x0  }
0x525: {  	s2 =	simm.s32 $0x19770;
	[sflag:s29] =	ssyncadd.s32 $0xFFFFF000  }
0x526: {  	v0 =	vld [tilespmem:s2+$0x0]  }
0x527: {  	v1 =	vld [tilespmem:s2+$0xFFFFFFA0]  }
0x528: {  	v2 =	vld [tilespmem:s2+$0xFFFFFFB0]  }
0x529: {  	v3 =	vld [tilespmem:s2+$0xFFFFFFC0]  }
0x52a: {  	v4 =	vld [tilespmem:s2+$0xFFFFFFD0]  }
0x52b: {  	v6 =	vld [tilespmem:s2+$0xFFFFFFE0]  }
0x52c: {  	v7 =	vld [tilespmem:s2+$0xFFFFFFF0]  }
0x52d: {  	v8 =	vld [tilespmem:s2+$0xFFFFFF90]  }
0x52e: {  	v9 =	vld.idx.msk [tilespmem:v0+s28+$0x0], $0xffff  }
0x52f: {  	v10 =	vld.idx.msk [tilespmem:v1+s28+$0x0], $0xffff  }
0x530: {  	v5 =	vld.idx.msk [tilespmem:v2+s28+$0x0], $0xffff  }
0x531: {  	v3 =	vld.idx.msk [tilespmem:v3+s28+$0x0], $0xffff  }
0x532: {  	v0 =	vld.idx.msk [tilespmem:v4+s28+$0x0], $0xffff  }
0x533: {  	s31 =	simm.s32 $0x1D740;
	v1 =	vld.idx.msk [tilespmem:v6+s28+$0x0], $0xffff  }
0x534: {  	v2 =	vld.idx.msk [tilespmem:v7+s28+$0x0], $0xffff;
	[tilespmem:s31+$0x30] =	vst v9  }
0x535: {  	s1 =	simm.s32 $0x197F0;
	s0 =	simm.s32 $0x0;
	v4 =	vld.idx.msk [tilespmem:v8+s28+$0x0], $0xffff;
	[tilespmem:s31+$0xFFFFFFD0] =	vst v10  }
.LBB2_52:
0x536: {  	v6 =	vld [tilespmem:s1+$0x0];
	s0 =	sadd.s32 $0x80, s0;
	[tilespmem:s31+$0xFFFFFFE0] =	vst v5  }
0x537: {  	v5 =	vld [tilespmem:s1+$0xFFFFFFA0];
	p5 =	slt.u32 s0, $0xF80;
	[tilespmem:s31+$0xFFFFFFF0] =	vst v3  }
0x538: {  	v3 =	vld [tilespmem:s1+$0xFFFFFFB0];
	[tilespmem:s31+$0x0] =	vst v0  }
0x539: {  	v0 =	vld [tilespmem:s1+$0xFFFFFFC0];
	[tilespmem:s31+$0x10] =	vst v1  }
0x53a: {  	v1 =	vld [tilespmem:s1+$0xFFFFFFD0];
	[tilespmem:s31+$0x20] =	vst v2  }
0x53b: {  	v2 =	vld [tilespmem:s1+$0xFFFFFFE0];
	[tilespmem:s31+$0xFFFFFFC0] =	vst v4  }
0x53c: {  	v4 =	vld [tilespmem:s1+$0xFFFFFFF0]  }
0x53d: {  	v7 =	vld [tilespmem:s1+$0xFFFFFF90]  }
0x53e: {  	v6 =	vld.idx.msk [tilespmem:v6+s28+$0x0], $0xffff  }
0x53f: {  	v8 =	vld.idx.msk [tilespmem:v5+s28+$0x0], $0xffff  }
0x540: {  	v5 =	vld.idx.msk [tilespmem:v3+s28+$0x0], $0xffff  }
.Ltmp25:
0x541: {  	v3 =	vld.idx.msk [tilespmem:v0+s28+$0x0], $0xffff;
	(pc) =	sbr.rel @p5 .LBB2_52-.Ltmp25, $4  }
0x542: {  	v0 =	vld.idx.msk [tilespmem:v1+s28+$0x0], $0xffff  }
0x543: {  	s31 =	sadd.s32 $0x80, s31;
	v1 =	vld.idx.msk [tilespmem:v2+s28+$0x0], $0xffff  }
0x544: {  	v2 =	vld.idx.msk [tilespmem:v4+s28+$0x0], $0xffff;
	[tilespmem:s31+$0x30] =	vst v6  }
0x545: {  	s1 =	sadd.s32 $0x80, s1;
	v4 =	vld.idx.msk [tilespmem:v7+s28+$0x0], $0xffff;
	[tilespmem:s31+$0xFFFFFFD0] =	vst v8  }
0x546: {  	[tilespmem:s31+$0xFFFFFFE0] =	vst v5  }
0x547: {  	[tilespmem:s31+$0xFFFFFFF0] =	vst v3  }
0x548: {  	[tilespmem:s31+$0x0] =	vst v0  }
0x549: {  	[tilespmem:s31+$0x10] =	vst v1  }
0x54a: {  	[tilespmem:s31+$0x20] =	vst v2  }
0x54b: {  	[tilespmem:s31+$0xFFFFFFC0] =	vst v4  }
0x54c: {  	s0 =	sld [smem:$0x7F2];
	_ =	sdelay $0x2  }
0x54d: {  	[hbm4b:s0+s20] =	stream.strided.scatter [tilespmem:s25], [sflag:$0x3], $0x1000, s21, s20, $0x38;
	[tilespmem:$0x1E700] =	vst v63  }
0x54e: {  	_ =	swait.ge [sflag:s26], $0x1000  }
0x54f: {  	[sflag:s26] =	ssyncset.done $0x0  }
0x550: {  	s2 =	simm.s32 $0x1A770;
	[sflag:s26] =	ssyncadd.s32 $0xFFFFF000  }
0x551: {  	v0 =	vld [tilespmem:s2+$0x0]  }
0x552: {  	v1 =	vld [tilespmem:s2+$0xFFFFFFA0]  }
0x553: {  	v2 =	vld [tilespmem:s2+$0xFFFFFFB0]  }
0x554: {  	v3 =	vld [tilespmem:s2+$0xFFFFFFC0]  }
0x555: {  	v4 =	vld [tilespmem:s2+$0xFFFFFFD0]  }
0x556: {  	v6 =	vld [tilespmem:s2+$0xFFFFFFE0]  }
0x557: {  	v7 =	vld [tilespmem:s2+$0xFFFFFFF0]  }
0x558: {  	v8 =	vld [tilespmem:s2+$0xFFFFFF90]  }
0x559: {  	v9 =	vld.idx.msk [tilespmem:v0+s28+$0x0], $0xffff  }
0x55a: {  	v10 =	vld.idx.msk [tilespmem:v1+s28+$0x0], $0xffff  }
0x55b: {  	v5 =	vld.idx.msk [tilespmem:v2+s28+$0x0], $0xffff  }
0x55c: {  	v3 =	vld.idx.msk [tilespmem:v3+s28+$0x0], $0xffff  }
0x55d: {  	v0 =	vld.idx.msk [tilespmem:v4+s28+$0x0], $0xffff  }
0x55e: {  	s31 =	simm.s32 $0x1C740;
	v1 =	vld.idx.msk [tilespmem:v6+s28+$0x0], $0xffff  }
0x55f: {  	v2 =	vld.idx.msk [tilespmem:v7+s28+$0x0], $0xffff;
	[tilespmem:s31+$0x30] =	vst v9  }
0x560: {  	s1 =	simm.s32 $0x1A7F0;
	s0 =	simm.s32 $0x0;
	v4 =	vld.idx.msk [tilespmem:v8+s28+$0x0], $0xffff;
	[tilespmem:s31+$0xFFFFFFD0] =	vst v10  }
.LBB2_54:
0x561: {  	v6 =	vld [tilespmem:s1+$0x0];
	s0 =	sadd.s32 $0x80, s0;
	[tilespmem:s31+$0xFFFFFFE0] =	vst v5  }
0x562: {  	v5 =	vld [tilespmem:s1+$0xFFFFFFA0];
	p5 =	slt.u32 s0, $0xF80;
	[tilespmem:s31+$0xFFFFFFF0] =	vst v3  }
0x563: {  	v3 =	vld [tilespmem:s1+$0xFFFFFFB0];
	[tilespmem:s31+$0x0] =	vst v0  }
0x564: {  	v0 =	vld [tilespmem:s1+$0xFFFFFFC0];
	[tilespmem:s31+$0x10] =	vst v1  }
0x565: {  	v1 =	vld [tilespmem:s1+$0xFFFFFFD0];
	[tilespmem:s31+$0x20] =	vst v2  }
0x566: {  	v2 =	vld [tilespmem:s1+$0xFFFFFFE0];
	[tilespmem:s31+$0xFFFFFFC0] =	vst v4  }
0x567: {  	v4 =	vld [tilespmem:s1+$0xFFFFFFF0]  }
0x568: {  	v7 =	vld [tilespmem:s1+$0xFFFFFF90]  }
0x569: {  	v6 =	vld.idx.msk [tilespmem:v6+s28+$0x0], $0xffff  }
0x56a: {  	v8 =	vld.idx.msk [tilespmem:v5+s28+$0x0], $0xffff  }
0x56b: {  	v5 =	vld.idx.msk [tilespmem:v3+s28+$0x0], $0xffff  }
.Ltmp26:
0x56c: {  	v3 =	vld.idx.msk [tilespmem:v0+s28+$0x0], $0xffff;
	(pc) =	sbr.rel @p5 .LBB2_54-.Ltmp26, $4  }
0x56d: {  	v0 =	vld.idx.msk [tilespmem:v1+s28+$0x0], $0xffff  }
0x56e: {  	s31 =	sadd.s32 $0x80, s31;
	v1 =	vld.idx.msk [tilespmem:v2+s28+$0x0], $0xffff  }
0x56f: {  	v2 =	vld.idx.msk [tilespmem:v4+s28+$0x0], $0xffff;
	[tilespmem:s31+$0x30] =	vst v6  }
0x570: {  	s1 =	sadd.s32 $0x80, s1;
	v4 =	vld.idx.msk [tilespmem:v7+s28+$0x0], $0xffff;
	[tilespmem:s31+$0xFFFFFFD0] =	vst v8  }
0x571: {  	[tilespmem:s31+$0xFFFFFFE0] =	vst v5  }
0x572: {  	[tilespmem:s31+$0xFFFFFFF0] =	vst v3  }
0x573: {  	[tilespmem:s31+$0x0] =	vst v0  }
0x574: {  	[tilespmem:s31+$0x10] =	vst v1  }
0x575: {  	[tilespmem:s31+$0x20] =	vst v2  }
0x576: {  	[tilespmem:s31+$0xFFFFFFC0] =	vst v4  }
0x577: {  	s0 =	sld [smem:$0x7F3];
	_ =	sdelay $0x2  }
0x578: {  	[hbm4b:s0+s20] =	stream.strided.scatter [tilespmem:s24], [sflag:$0x2], $0x1000, s21, s20, $0x38;
	[tilespmem:$0x1E700] =	vst v63  }
0x579: {  	_ =	swait.ge [sflag:s29], $0x1000  }
0x57a: {  	[sflag:s29] =	ssyncset.done $0x0  }
0x57b: {  	s2 =	simm.s32 $0x1B770;
	[sflag:s29] =	ssyncadd.s32 $0xFFFFF000  }
0x57c: {  	v0 =	vld [tilespmem:s2+$0x0]  }
0x57d: {  	v1 =	vld [tilespmem:s2+$0xFFFFFFA0]  }
0x57e: {  	v2 =	vld [tilespmem:s2+$0xFFFFFFB0]  }
0x57f: {  	v3 =	vld [tilespmem:s2+$0xFFFFFFC0]  }
0x580: {  	v4 =	vld [tilespmem:s2+$0xFFFFFFD0]  }
0x581: {  	v6 =	vld [tilespmem:s2+$0xFFFFFFE0]  }
0x582: {  	v7 =	vld [tilespmem:s2+$0xFFFFFFF0]  }
0x583: {  	v8 =	vld [tilespmem:s2+$0xFFFFFF90]  }
0x584: {  	v9 =	vld.idx.msk [tilespmem:v0+s28+$0x0], $0xffff  }
0x585: {  	v10 =	vld.idx.msk [tilespmem:v1+s28+$0x0], $0xffff  }
0x586: {  	v5 =	vld.idx.msk [tilespmem:v2+s28+$0x0], $0xffff  }
0x587: {  	v3 =	vld.idx.msk [tilespmem:v3+s28+$0x0], $0xffff  }
0x588: {  	v0 =	vld.idx.msk [tilespmem:v4+s28+$0x0], $0xffff  }
0x589: {  	s31 =	simm.s32 $0x1D740;
	v1 =	vld.idx.msk [tilespmem:v6+s28+$0x0], $0xffff  }
0x58a: {  	v2 =	vld.idx.msk [tilespmem:v7+s28+$0x0], $0xffff;
	[tilespmem:s31+$0x30] =	vst v9  }
0x58b: {  	s1 =	simm.s32 $0x1B7F0;
	s0 =	simm.s32 $0x0;
	v4 =	vld.idx.msk [tilespmem:v8+s28+$0x0], $0xffff;
	[tilespmem:s31+$0xFFFFFFD0] =	vst v10  }
.LBB2_56:
0x58c: {  	v6 =	vld [tilespmem:s1+$0x0];
	s0 =	sadd.s32 $0x80, s0;
	[tilespmem:s31+$0xFFFFFFE0] =	vst v5  }
0x58d: {  	v5 =	vld [tilespmem:s1+$0xFFFFFFA0];
	p5 =	slt.u32 s0, $0xF80;
	[tilespmem:s31+$0xFFFFFFF0] =	vst v3  }
0x58e: {  	v3 =	vld [tilespmem:s1+$0xFFFFFFB0];
	[tilespmem:s31+$0x0] =	vst v0  }
0x58f: {  	v0 =	vld [tilespmem:s1+$0xFFFFFFC0];
	[tilespmem:s31+$0x10] =	vst v1  }
0x590: {  	v1 =	vld [tilespmem:s1+$0xFFFFFFD0];
	[tilespmem:s31+$0x20] =	vst v2  }
0x591: {  	v2 =	vld [tilespmem:s1+$0xFFFFFFE0];
	[tilespmem:s31+$0xFFFFFFC0] =	vst v4  }
0x592: {  	v4 =	vld [tilespmem:s1+$0xFFFFFFF0]  }
0x593: {  	v7 =	vld [tilespmem:s1+$0xFFFFFF90]  }
0x594: {  	v6 =	vld.idx.msk [tilespmem:v6+s28+$0x0], $0xffff  }
0x595: {  	v8 =	vld.idx.msk [tilespmem:v5+s28+$0x0], $0xffff  }
0x596: {  	v5 =	vld.idx.msk [tilespmem:v3+s28+$0x0], $0xffff  }
.Ltmp27:
0x597: {  	v3 =	vld.idx.msk [tilespmem:v0+s28+$0x0], $0xffff;
	(pc) =	sbr.rel @p5 .LBB2_56-.Ltmp27, $4  }
0x598: {  	v0 =	vld.idx.msk [tilespmem:v1+s28+$0x0], $0xffff  }
0x599: {  	s31 =	sadd.s32 $0x80, s31;
	v1 =	vld.idx.msk [tilespmem:v2+s28+$0x0], $0xffff  }
0x59a: {  	v2 =	vld.idx.msk [tilespmem:v4+s28+$0x0], $0xffff;
	[tilespmem:s31+$0x30] =	vst v6  }
0x59b: {  	s1 =	sadd.s32 $0x80, s1;
	v4 =	vld.idx.msk [tilespmem:v7+s28+$0x0], $0xffff;
	[tilespmem:s31+$0xFFFFFFD0] =	vst v8  }
0x59c: {  	[tilespmem:s31+$0xFFFFFFE0] =	vst v5  }
0x59d: {  	[tilespmem:s31+$0xFFFFFFF0] =	vst v3  }
0x59e: {  	[tilespmem:s31+$0x0] =	vst v0  }
0x59f: {  	[tilespmem:s31+$0x10] =	vst v1  }
0x5a0: {  	[tilespmem:s31+$0x20] =	vst v2  }
0x5a1: {  	[tilespmem:s31+$0xFFFFFFC0] =	vst v4  }
0x5a2: {  	s0 =	sld [smem:$0x7F4];
	_ =	sdelay $0x2  }
0x5a3: {  	[hbm4b:s0+s20] =	stream.strided.scatter [tilespmem:s25], [sflag:$0x3], $0x1000, s21, s20, $0x38;
	[tilespmem:$0x1E700] =	vst v63  }
0x5a4: {  	s31 =	simm.s32 @!p6 $0x18700;
	s1 =	rddreg [dreg:$0x17]  }
0x5a5: {  	[tilespmem:s28], [sflag:$0x1] =	stream.strided.gather [hbm4b:s1+s20], $0x18700, s21, s20, $0x38;
	[tilespmem:$0x1E700] =	vst v63  }
0x5a6: {  	s2 =	rddreg [dreg:$0xb];
	s0 =	simm.s32 @!p6 $0x80;
	s1 =	simm.s32 @!p6 $0x400  }
0x5a7: {  	[tilespmem:s31], [sflag:$0x4] =	stream.strided.gather @!p6 [hbm4b:s2+s0], $0x4000, s1, s0, $0x38;
	[tilespmem:$0x1E700] =	vst v63  }
0x5a8: {  	s0 =	simm.s32 @!p6 $0x4  }
0x5a9: {  	_ =	swait.ge @!p6 [sflag:s0], $0x4000  }
0x5aa: {  	[sflag:s0] =	ssyncset.done @!p6 $0x0  }
0x5ab: {  	[sflag:s0] =	ssyncadd.s32 @!p6 $0xFFFFC000  }
0x5ac: {  	_ =	swait.ge [sflag:s23], $0x18700  }
0x5ad: {  	[sflag:s23] =	ssyncset.done $0x0  }
0x5ae: {  	[sflag:s23] =	ssyncadd.s32 $0xFFFE7900  }
0x5af: {  	_ =	swait.ge [sflag:s26], $0x1000  }
0x5b0: {  	[sflag:s26] =	ssyncset.done $0x0  }
0x5b1: {  	s2 =	simm.s32 $0x18740;
	[sflag:s26] =	ssyncadd.s32 $0xFFFFF000  }
0x5b2: {  	v0 =	vld [tilespmem:s2+$0x30]  }
0x5b3: {  	v1 =	vld [tilespmem:s2+$0xFFFFFFD0]  }
0x5b4: {  	v2 =	vld [tilespmem:s2+$0xFFFFFFE0]  }
0x5b5: {  	v3 =	vld [tilespmem:s2+$0xFFFFFFF0]  }
0x5b6: {  	v4 =	vld [tilespmem:s2+$0x0]  }
0x5b7: {  	v6 =	vld [tilespmem:s2+$0x10]  }
0x5b8: {  	v7 =	vld [tilespmem:s2+$0x20]  }
0x5b9: {  	v8 =	vld [tilespmem:s2+$0xFFFFFFC0]  }
0x5ba: {  	v9 =	vld.idx.msk [tilespmem:v0+s28+$0x0], $0xffff  }
0x5bb: {  	v10 =	vld.idx.msk [tilespmem:v1+s28+$0x0], $0xffff  }
0x5bc: {  	v5 =	vld.idx.msk [tilespmem:v2+s28+$0x0], $0xffff  }
0x5bd: {  	v3 =	vld.idx.msk [tilespmem:v3+s28+$0x0], $0xffff  }
0x5be: {  	v0 =	vld.idx.msk [tilespmem:v4+s28+$0x0], $0xffff  }
0x5bf: {  	s31 =	simm.s32 $0x1C740;
	v1 =	vld.idx.msk [tilespmem:v6+s28+$0x0], $0xffff  }
0x5c0: {  	v2 =	vld.idx.msk [tilespmem:v7+s28+$0x0], $0xffff;
	[tilespmem:s31+$0x30] =	vst v9  }
0x5c1: {  	s1 =	simm.s32 $0x187C0;
	s0 =	simm.s32 $0x0;
	v4 =	vld.idx.msk [tilespmem:v8+s28+$0x0], $0xffff;
	[tilespmem:s31+$0xFFFFFFD0] =	vst v10  }
.LBB2_58:
0x5c2: {  	v6 =	vld [tilespmem:s1+$0x30];
	s0 =	sadd.s32 $0x80, s0;
	[tilespmem:s31+$0xFFFFFFE0] =	vst v5  }
0x5c3: {  	v5 =	vld [tilespmem:s1+$0xFFFFFFD0];
	p5 =	slt.u32 s0, $0xF80;
	[tilespmem:s31+$0xFFFFFFF0] =	vst v3  }
0x5c4: {  	v3 =	vld [tilespmem:s1+$0xFFFFFFE0];
	[tilespmem:s31+$0x0] =	vst v0  }
0x5c5: {  	v0 =	vld [tilespmem:s1+$0xFFFFFFF0];
	[tilespmem:s31+$0x10] =	vst v1  }
0x5c6: {  	v1 =	vld [tilespmem:s1+$0x0];
	[tilespmem:s31+$0x20] =	vst v2  }
0x5c7: {  	v2 =	vld [tilespmem:s1+$0x10];
	[tilespmem:s31+$0xFFFFFFC0] =	vst v4  }
0x5c8: {  	v4 =	vld [tilespmem:s1+$0x20]  }
0x5c9: {  	v7 =	vld [tilespmem:s1+$0xFFFFFFC0]  }
0x5ca: {  	v6 =	vld.idx.msk [tilespmem:v6+s28+$0x0], $0xffff  }
0x5cb: {  	v8 =	vld.idx.msk [tilespmem:v5+s28+$0x0], $0xffff  }
0x5cc: {  	v5 =	vld.idx.msk [tilespmem:v3+s28+$0x0], $0xffff  }
.Ltmp28:
0x5cd: {  	v3 =	vld.idx.msk [tilespmem:v0+s28+$0x0], $0xffff;
	(pc) =	sbr.rel @p5 .LBB2_58-.Ltmp28, $4  }
0x5ce: {  	v0 =	vld.idx.msk [tilespmem:v1+s28+$0x0], $0xffff  }
0x5cf: {  	s31 =	sadd.s32 $0x80, s31;
	v1 =	vld.idx.msk [tilespmem:v2+s28+$0x0], $0xffff  }
0x5d0: {  	v2 =	vld.idx.msk [tilespmem:v4+s28+$0x0], $0xffff;
	[tilespmem:s31+$0x30] =	vst v6  }
0x5d1: {  	s1 =	sadd.s32 $0x80, s1;
	v4 =	vld.idx.msk [tilespmem:v7+s28+$0x0], $0xffff;
	[tilespmem:s31+$0xFFFFFFD0] =	vst v8  }
0x5d2: {  	[tilespmem:s31+$0xFFFFFFE0] =	vst v5  }
0x5d3: {  	[tilespmem:s31+$0xFFFFFFF0] =	vst v3  }
0x5d4: {  	[tilespmem:s31+$0x0] =	vst v0  }
0x5d5: {  	[tilespmem:s31+$0x10] =	vst v1  }
0x5d6: {  	[tilespmem:s31+$0x20] =	vst v2  }
0x5d7: {  	[tilespmem:s31+$0xFFFFFFC0] =	vst v4  }
0x5d8: {  	s0 =	sld [smem:$0x7F5];
	_ =	sdelay $0x2  }
0x5d9: {  	[hbm4b:s0+s20] =	stream.strided.scatter [tilespmem:s24], [sflag:$0x2], $0x1000, s21, s20, $0x38;
	[tilespmem:$0x1E700] =	vst v63  }
0x5da: {  	_ =	swait.ge [sflag:s29], $0x1000  }
0x5db: {  	[sflag:s29] =	ssyncset.done $0x0  }
0x5dc: {  	s2 =	simm.s32 $0x19770;
	[sflag:s29] =	ssyncadd.s32 $0xFFFFF000  }
0x5dd: {  	v0 =	vld [tilespmem:s2+$0x0]  }
0x5de: {  	v1 =	vld [tilespmem:s2+$0xFFFFFFA0]  }
0x5df: {  	v2 =	vld [tilespmem:s2+$0xFFFFFFB0]  }
0x5e0: {  	v3 =	vld [tilespmem:s2+$0xFFFFFFC0]  }
0x5e1: {  	v4 =	vld [tilespmem:s2+$0xFFFFFFD0]  }
0x5e2: {  	v6 =	vld [tilespmem:s2+$0xFFFFFFE0]  }
0x5e3: {  	v7 =	vld [tilespmem:s2+$0xFFFFFFF0]  }
0x5e4: {  	v8 =	vld [tilespmem:s2+$0xFFFFFF90]  }
0x5e5: {  	v9 =	vld.idx.msk [tilespmem:v0+s28+$0x0], $0xffff  }
0x5e6: {  	v10 =	vld.idx.msk [tilespmem:v1+s28+$0x0], $0xffff  }
0x5e7: {  	v5 =	vld.idx.msk [tilespmem:v2+s28+$0x0], $0xffff  }
0x5e8: {  	v3 =	vld.idx.msk [tilespmem:v3+s28+$0x0], $0xffff  }
0x5e9: {  	v0 =	vld.idx.msk [tilespmem:v4+s28+$0x0], $0xffff  }
0x5ea: {  	s31 =	simm.s32 $0x1D740;
	v1 =	vld.idx.msk [tilespmem:v6+s28+$0x0], $0xffff  }
0x5eb: {  	v2 =	vld.idx.msk [tilespmem:v7+s28+$0x0], $0xffff;
	[tilespmem:s31+$0x30] =	vst v9  }
0x5ec: {  	s1 =	simm.s32 $0x197F0;
	s0 =	simm.s32 $0x0;
	v4 =	vld.idx.msk [tilespmem:v8+s28+$0x0], $0xffff;
	[tilespmem:s31+$0xFFFFFFD0] =	vst v10  }
.LBB2_60:
0x5ed: {  	v6 =	vld [tilespmem:s1+$0x0];
	s0 =	sadd.s32 $0x80, s0;
	[tilespmem:s31+$0xFFFFFFE0] =	vst v5  }
0x5ee: {  	v5 =	vld [tilespmem:s1+$0xFFFFFFA0];
	p5 =	slt.u32 s0, $0xF80;
	[tilespmem:s31+$0xFFFFFFF0] =	vst v3  }
0x5ef: {  	v3 =	vld [tilespmem:s1+$0xFFFFFFB0];
	[tilespmem:s31+$0x0] =	vst v0  }
0x5f0: {  	v0 =	vld [tilespmem:s1+$0xFFFFFFC0];
	[tilespmem:s31+$0x10] =	vst v1  }
0x5f1: {  	v1 =	vld [tilespmem:s1+$0xFFFFFFD0];
	[tilespmem:s31+$0x20] =	vst v2  }
0x5f2: {  	v2 =	vld [tilespmem:s1+$0xFFFFFFE0];
	[tilespmem:s31+$0xFFFFFFC0] =	vst v4  }
0x5f3: {  	v4 =	vld [tilespmem:s1+$0xFFFFFFF0]  }
0x5f4: {  	v7 =	vld [tilespmem:s1+$0xFFFFFF90]  }
0x5f5: {  	v6 =	vld.idx.msk [tilespmem:v6+s28+$0x0], $0xffff  }
0x5f6: {  	v8 =	vld.idx.msk [tilespmem:v5+s28+$0x0], $0xffff  }
0x5f7: {  	v5 =	vld.idx.msk [tilespmem:v3+s28+$0x0], $0xffff  }
.Ltmp29:
0x5f8: {  	v3 =	vld.idx.msk [tilespmem:v0+s28+$0x0], $0xffff;
	(pc) =	sbr.rel @p5 .LBB2_60-.Ltmp29, $4  }
0x5f9: {  	v0 =	vld.idx.msk [tilespmem:v1+s28+$0x0], $0xffff  }
0x5fa: {  	s31 =	sadd.s32 $0x80, s31;
	v1 =	vld.idx.msk [tilespmem:v2+s28+$0x0], $0xffff  }
0x5fb: {  	v2 =	vld.idx.msk [tilespmem:v4+s28+$0x0], $0xffff;
	[tilespmem:s31+$0x30] =	vst v6  }
0x5fc: {  	s1 =	sadd.s32 $0x80, s1;
	v4 =	vld.idx.msk [tilespmem:v7+s28+$0x0], $0xffff;
	[tilespmem:s31+$0xFFFFFFD0] =	vst v8  }
0x5fd: {  	[tilespmem:s31+$0xFFFFFFE0] =	vst v5  }
0x5fe: {  	[tilespmem:s31+$0xFFFFFFF0] =	vst v3  }
0x5ff: {  	[tilespmem:s31+$0x0] =	vst v0  }
0x600: {  	[tilespmem:s31+$0x10] =	vst v1  }
0x601: {  	[tilespmem:s31+$0x20] =	vst v2  }
0x602: {  	[tilespmem:s31+$0xFFFFFFC0] =	vst v4  }
0x603: {  	s0 =	sld [smem:$0x7F6];
	_ =	sdelay $0x2  }
0x604: {  	[hbm4b:s0+s20] =	stream.strided.scatter [tilespmem:s25], [sflag:$0x3], $0x1000, s21, s20, $0x38;
	[tilespmem:$0x1E700] =	vst v63  }
0x605: {  	_ =	swait.ge [sflag:s26], $0x1000  }
0x606: {  	[sflag:s26] =	ssyncset.done $0x0  }
0x607: {  	s2 =	simm.s32 $0x1A770;
	[sflag:s26] =	ssyncadd.s32 $0xFFFFF000  }
0x608: {  	v0 =	vld [tilespmem:s2+$0x0]  }
0x609: {  	v1 =	vld [tilespmem:s2+$0xFFFFFFA0]  }
0x60a: {  	v2 =	vld [tilespmem:s2+$0xFFFFFFB0]  }
0x60b: {  	v3 =	vld [tilespmem:s2+$0xFFFFFFC0]  }
0x60c: {  	v4 =	vld [tilespmem:s2+$0xFFFFFFD0]  }
0x60d: {  	v6 =	vld [tilespmem:s2+$0xFFFFFFE0]  }
0x60e: {  	v7 =	vld [tilespmem:s2+$0xFFFFFFF0]  }
0x60f: {  	v8 =	vld [tilespmem:s2+$0xFFFFFF90]  }
0x610: {  	v9 =	vld.idx.msk [tilespmem:v0+s28+$0x0], $0xffff  }
0x611: {  	v10 =	vld.idx.msk [tilespmem:v1+s28+$0x0], $0xffff  }
0x612: {  	v5 =	vld.idx.msk [tilespmem:v2+s28+$0x0], $0xffff  }
0x613: {  	v3 =	vld.idx.msk [tilespmem:v3+s28+$0x0], $0xffff  }
0x614: {  	v0 =	vld.idx.msk [tilespmem:v4+s28+$0x0], $0xffff  }
0x615: {  	s31 =	simm.s32 $0x1C740;
	v1 =	vld.idx.msk [tilespmem:v6+s28+$0x0], $0xffff  }
0x616: {  	v2 =	vld.idx.msk [tilespmem:v7+s28+$0x0], $0xffff;
	[tilespmem:s31+$0x30] =	vst v9  }
0x617: {  	s1 =	simm.s32 $0x1A7F0;
	s0 =	simm.s32 $0x0;
	v4 =	vld.idx.msk [tilespmem:v8+s28+$0x0], $0xffff;
	[tilespmem:s31+$0xFFFFFFD0] =	vst v10  }
.LBB2_62:
0x618: {  	v6 =	vld [tilespmem:s1+$0x0];
	s0 =	sadd.s32 $0x80, s0;
	[tilespmem:s31+$0xFFFFFFE0] =	vst v5  }
0x619: {  	v5 =	vld [tilespmem:s1+$0xFFFFFFA0];
	p5 =	slt.u32 s0, $0xF80;
	[tilespmem:s31+$0xFFFFFFF0] =	vst v3  }
0x61a: {  	v3 =	vld [tilespmem:s1+$0xFFFFFFB0];
	[tilespmem:s31+$0x0] =	vst v0  }
0x61b: {  	v0 =	vld [tilespmem:s1+$0xFFFFFFC0];
	[tilespmem:s31+$0x10] =	vst v1  }
0x61c: {  	v1 =	vld [tilespmem:s1+$0xFFFFFFD0];
	[tilespmem:s31+$0x20] =	vst v2  }
0x61d: {  	v2 =	vld [tilespmem:s1+$0xFFFFFFE0];
	[tilespmem:s31+$0xFFFFFFC0] =	vst v4  }
0x61e: {  	v4 =	vld [tilespmem:s1+$0xFFFFFFF0]  }
0x61f: {  	v7 =	vld [tilespmem:s1+$0xFFFFFF90]  }
0x620: {  	v6 =	vld.idx.msk [tilespmem:v6+s28+$0x0], $0xffff  }
0x621: {  	v8 =	vld.idx.msk [tilespmem:v5+s28+$0x0], $0xffff  }
0x622: {  	v5 =	vld.idx.msk [tilespmem:v3+s28+$0x0], $0xffff  }
.Ltmp30:
0x623: {  	v3 =	vld.idx.msk [tilespmem:v0+s28+$0x0], $0xffff;
	(pc) =	sbr.rel @p5 .LBB2_62-.Ltmp30, $4  }
0x624: {  	v0 =	vld.idx.msk [tilespmem:v1+s28+$0x0], $0xffff  }
0x625: {  	s31 =	sadd.s32 $0x80, s31;
	v1 =	vld.idx.msk [tilespmem:v2+s28+$0x0], $0xffff  }
0x626: {  	v2 =	vld.idx.msk [tilespmem:v4+s28+$0x0], $0xffff;
	[tilespmem:s31+$0x30] =	vst v6  }
0x627: {  	s1 =	sadd.s32 $0x80, s1;
	v4 =	vld.idx.msk [tilespmem:v7+s28+$0x0], $0xffff;
	[tilespmem:s31+$0xFFFFFFD0] =	vst v8  }
0x628: {  	[tilespmem:s31+$0xFFFFFFE0] =	vst v5  }
0x629: {  	[tilespmem:s31+$0xFFFFFFF0] =	vst v3  }
0x62a: {  	[tilespmem:s31+$0x0] =	vst v0  }
0x62b: {  	[tilespmem:s31+$0x10] =	vst v1  }
0x62c: {  	[tilespmem:s31+$0x20] =	vst v2  }
0x62d: {  	[tilespmem:s31+$0xFFFFFFC0] =	vst v4  }
0x62e: {  	s0 =	sld [smem:$0x7F7];
	_ =	sdelay $0x2  }
0x62f: {  	[hbm4b:s0+s20] =	stream.strided.scatter [tilespmem:s24], [sflag:$0x2], $0x1000, s21, s20, $0x38;
	[tilespmem:$0x1E700] =	vst v63  }
0x630: {  	_ =	swait.ge [sflag:s29], $0x1000  }
0x631: {  	[sflag:s29] =	ssyncset.done $0x0  }
0x632: {  	s2 =	simm.s32 $0x1B770;
	[sflag:s29] =	ssyncadd.s32 $0xFFFFF000  }
0x633: {  	v0 =	vld [tilespmem:s2+$0x0]  }
0x634: {  	v1 =	vld [tilespmem:s2+$0xFFFFFFA0]  }
0x635: {  	v2 =	vld [tilespmem:s2+$0xFFFFFFB0]  }
0x636: {  	v3 =	vld [tilespmem:s2+$0xFFFFFFC0]  }
0x637: {  	v4 =	vld [tilespmem:s2+$0xFFFFFFD0]  }
0x638: {  	v6 =	vld [tilespmem:s2+$0xFFFFFFE0]  }
0x639: {  	v7 =	vld [tilespmem:s2+$0xFFFFFFF0]  }
0x63a: {  	v8 =	vld [tilespmem:s2+$0xFFFFFF90]  }
0x63b: {  	v9 =	vld.idx.msk [tilespmem:v0+s28+$0x0], $0xffff  }
0x63c: {  	v10 =	vld.idx.msk [tilespmem:v1+s28+$0x0], $0xffff  }
0x63d: {  	v5 =	vld.idx.msk [tilespmem:v2+s28+$0x0], $0xffff  }
0x63e: {  	v3 =	vld.idx.msk [tilespmem:v3+s28+$0x0], $0xffff  }
0x63f: {  	v0 =	vld.idx.msk [tilespmem:v4+s28+$0x0], $0xffff  }
0x640: {  	s31 =	simm.s32 $0x1D740;
	v1 =	vld.idx.msk [tilespmem:v6+s28+$0x0], $0xffff  }
0x641: {  	v2 =	vld.idx.msk [tilespmem:v7+s28+$0x0], $0xffff;
	[tilespmem:s31+$0x30] =	vst v9  }
0x642: {  	s1 =	simm.s32 $0x1B7F0;
	s0 =	simm.s32 $0x0;
	v4 =	vld.idx.msk [tilespmem:v8+s28+$0x0], $0xffff;
	[tilespmem:s31+$0xFFFFFFD0] =	vst v10  }
.LBB2_64:
0x643: {  	v6 =	vld [tilespmem:s1+$0x0];
	s0 =	sadd.s32 $0x80, s0;
	[tilespmem:s31+$0xFFFFFFE0] =	vst v5  }
0x644: {  	v5 =	vld [tilespmem:s1+$0xFFFFFFA0];
	p5 =	slt.u32 s0, $0xF80;
	[tilespmem:s31+$0xFFFFFFF0] =	vst v3  }
0x645: {  	v3 =	vld [tilespmem:s1+$0xFFFFFFB0];
	[tilespmem:s31+$0x0] =	vst v0  }
0x646: {  	v0 =	vld [tilespmem:s1+$0xFFFFFFC0];
	[tilespmem:s31+$0x10] =	vst v1  }
0x647: {  	v1 =	vld [tilespmem:s1+$0xFFFFFFD0];
	[tilespmem:s31+$0x20] =	vst v2  }
0x648: {  	v2 =	vld [tilespmem:s1+$0xFFFFFFE0];
	[tilespmem:s31+$0xFFFFFFC0] =	vst v4  }
0x649: {  	v4 =	vld [tilespmem:s1+$0xFFFFFFF0]  }
0x64a: {  	v7 =	vld [tilespmem:s1+$0xFFFFFF90]  }
0x64b: {  	v6 =	vld.idx.msk [tilespmem:v6+s28+$0x0], $0xffff  }
0x64c: {  	v8 =	vld.idx.msk [tilespmem:v5+s28+$0x0], $0xffff  }
0x64d: {  	v5 =	vld.idx.msk [tilespmem:v3+s28+$0x0], $0xffff  }
.Ltmp31:
0x64e: {  	v3 =	vld.idx.msk [tilespmem:v0+s28+$0x0], $0xffff;
	(pc) =	sbr.rel @p5 .LBB2_64-.Ltmp31, $4  }
0x64f: {  	v0 =	vld.idx.msk [tilespmem:v1+s28+$0x0], $0xffff  }
0x650: {  	s31 =	sadd.s32 $0x80, s31;
	v1 =	vld.idx.msk [tilespmem:v2+s28+$0x0], $0xffff  }
0x651: {  	v2 =	vld.idx.msk [tilespmem:v4+s28+$0x0], $0xffff;
	[tilespmem:s31+$0x30] =	vst v6  }
0x652: {  	s1 =	sadd.s32 $0x80, s1;
	v4 =	vld.idx.msk [tilespmem:v7+s28+$0x0], $0xffff;
	[tilespmem:s31+$0xFFFFFFD0] =	vst v8  }
0x653: {  	[tilespmem:s31+$0xFFFFFFE0] =	vst v5  }
0x654: {  	[tilespmem:s31+$0xFFFFFFF0] =	vst v3  }
0x655: {  	[tilespmem:s31+$0x0] =	vst v0  }
0x656: {  	[tilespmem:s31+$0x10] =	vst v1  }
0x657: {  	[tilespmem:s31+$0x20] =	vst v2  }
0x658: {  	[tilespmem:s31+$0xFFFFFFC0] =	vst v4  }
0x659: {  	s0 =	sld [smem:$0x7F8];
	_ =	sdelay $0x2  }
0x65a: {  	[hbm4b:s0+s20] =	stream.strided.scatter [tilespmem:s25], [sflag:$0x3], $0x1000, s21, s20, $0x38;
	[tilespmem:$0x1E700] =	vst v63  }
0x65b: {  	s31 =	simm.s32 @!p0 $0x18700;
	s1 =	rddreg [dreg:$0x18]  }
0x65c: {  	[tilespmem:s28], [sflag:$0x1] =	stream.strided.gather [hbm4b:s1+s20], $0x18700, s21, s20, $0x38;
	[tilespmem:$0x1E700] =	vst v63  }
0x65d: {  	s2 =	rddreg [dreg:$0xc];
	s0 =	simm.s32 @!p0 $0x80;
	s1 =	simm.s32 @!p0 $0x400  }
0x65e: {  	[tilespmem:s31], [sflag:$0x4] =	stream.strided.gather @!p0 [hbm4b:s2+s0], $0x4000, s1, s0, $0x38;
	[tilespmem:$0x1E700] =	vst v63  }
0x65f: {  	s0 =	simm.s32 @!p0 $0x4  }
0x660: {  	_ =	swait.ge @!p0 [sflag:s0], $0x4000  }
0x661: {  	[sflag:s0] =	ssyncset.done @!p0 $0x0  }
0x662: {  	[sflag:s0] =	ssyncadd.s32 @!p0 $0xFFFFC000  }
0x663: {  	_ =	swait.ge [sflag:s23], $0x18700  }
0x664: {  	[sflag:s23] =	ssyncset.done $0x0  }
0x665: {  	[sflag:s23] =	ssyncadd.s32 $0xFFFE7900  }
0x666: {  	_ =	swait.ge [sflag:s26], $0x1000  }
0x667: {  	[sflag:s26] =	ssyncset.done $0x0  }
0x668: {  	s2 =	simm.s32 $0x18740;
	[sflag:s26] =	ssyncadd.s32 $0xFFFFF000  }
0x669: {  	v0 =	vld [tilespmem:s2+$0x30]  }
0x66a: {  	v1 =	vld [tilespmem:s2+$0xFFFFFFD0]  }
0x66b: {  	v2 =	vld [tilespmem:s2+$0xFFFFFFE0]  }
0x66c: {  	v3 =	vld [tilespmem:s2+$0xFFFFFFF0]  }
0x66d: {  	v4 =	vld [tilespmem:s2+$0x0]  }
0x66e: {  	v6 =	vld [tilespmem:s2+$0x10]  }
0x66f: {  	v7 =	vld [tilespmem:s2+$0x20]  }
0x670: {  	v8 =	vld [tilespmem:s2+$0xFFFFFFC0]  }
0x671: {  	v9 =	vld.idx.msk [tilespmem:v0+s28+$0x0], $0xffff  }
0x672: {  	v10 =	vld.idx.msk [tilespmem:v1+s28+$0x0], $0xffff  }
0x673: {  	v5 =	vld.idx.msk [tilespmem:v2+s28+$0x0], $0xffff  }
0x674: {  	v3 =	vld.idx.msk [tilespmem:v3+s28+$0x0], $0xffff  }
0x675: {  	v0 =	vld.idx.msk [tilespmem:v4+s28+$0x0], $0xffff  }
0x676: {  	s31 =	simm.s32 $0x1C740;
	v1 =	vld.idx.msk [tilespmem:v6+s28+$0x0], $0xffff  }
0x677: {  	v2 =	vld.idx.msk [tilespmem:v7+s28+$0x0], $0xffff;
	[tilespmem:s31+$0x30] =	vst v9  }
0x678: {  	s1 =	simm.s32 $0x187C0;
	s0 =	simm.s32 $0x0;
	v4 =	vld.idx.msk [tilespmem:v8+s28+$0x0], $0xffff;
	[tilespmem:s31+$0xFFFFFFD0] =	vst v10  }
.LBB2_66:
0x679: {  	v6 =	vld [tilespmem:s1+$0x30];
	s0 =	sadd.s32 $0x80, s0;
	[tilespmem:s31+$0xFFFFFFE0] =	vst v5  }
0x67a: {  	v5 =	vld [tilespmem:s1+$0xFFFFFFD0];
	p5 =	slt.u32 s0, $0xF80;
	[tilespmem:s31+$0xFFFFFFF0] =	vst v3  }
0x67b: {  	v3 =	vld [tilespmem:s1+$0xFFFFFFE0];
	[tilespmem:s31+$0x0] =	vst v0  }
0x67c: {  	v0 =	vld [tilespmem:s1+$0xFFFFFFF0];
	[tilespmem:s31+$0x10] =	vst v1  }
0x67d: {  	v1 =	vld [tilespmem:s1+$0x0];
	[tilespmem:s31+$0x20] =	vst v2  }
0x67e: {  	v2 =	vld [tilespmem:s1+$0x10];
	[tilespmem:s31+$0xFFFFFFC0] =	vst v4  }
0x67f: {  	v4 =	vld [tilespmem:s1+$0x20]  }
0x680: {  	v7 =	vld [tilespmem:s1+$0xFFFFFFC0]  }
0x681: {  	v6 =	vld.idx.msk [tilespmem:v6+s28+$0x0], $0xffff  }
0x682: {  	v8 =	vld.idx.msk [tilespmem:v5+s28+$0x0], $0xffff  }
0x683: {  	v5 =	vld.idx.msk [tilespmem:v3+s28+$0x0], $0xffff  }
.Ltmp32:
0x684: {  	v3 =	vld.idx.msk [tilespmem:v0+s28+$0x0], $0xffff;
	(pc) =	sbr.rel @p5 .LBB2_66-.Ltmp32, $4  }
0x685: {  	v0 =	vld.idx.msk [tilespmem:v1+s28+$0x0], $0xffff  }
0x686: {  	s31 =	sadd.s32 $0x80, s31;
	v1 =	vld.idx.msk [tilespmem:v2+s28+$0x0], $0xffff  }
0x687: {  	v2 =	vld.idx.msk [tilespmem:v4+s28+$0x0], $0xffff;
	[tilespmem:s31+$0x30] =	vst v6  }
0x688: {  	s1 =	sadd.s32 $0x80, s1;
	v4 =	vld.idx.msk [tilespmem:v7+s28+$0x0], $0xffff;
	[tilespmem:s31+$0xFFFFFFD0] =	vst v8  }
0x689: {  	[tilespmem:s31+$0xFFFFFFE0] =	vst v5  }
0x68a: {  	[tilespmem:s31+$0xFFFFFFF0] =	vst v3  }
0x68b: {  	[tilespmem:s31+$0x0] =	vst v0  }
0x68c: {  	[tilespmem:s31+$0x10] =	vst v1  }
0x68d: {  	[tilespmem:s31+$0x20] =	vst v2  }
0x68e: {  	[tilespmem:s31+$0xFFFFFFC0] =	vst v4  }
0x68f: {  	s0 =	sld [smem:$0x7F9];
	_ =	sdelay $0x2  }
0x690: {  	[hbm4b:s0+s20] =	stream.strided.scatter [tilespmem:s24], [sflag:$0x2], $0x1000, s21, s20, $0x38;
	[tilespmem:$0x1E700] =	vst v63  }
0x691: {  	_ =	swait.ge [sflag:s29], $0x1000  }
0x692: {  	[sflag:s29] =	ssyncset.done $0x0  }
0x693: {  	s2 =	simm.s32 $0x19770;
	[sflag:s29] =	ssyncadd.s32 $0xFFFFF000  }
0x694: {  	v0 =	vld [tilespmem:s2+$0x0]  }
0x695: {  	v1 =	vld [tilespmem:s2+$0xFFFFFFA0]  }
0x696: {  	v2 =	vld [tilespmem:s2+$0xFFFFFFB0]  }
0x697: {  	v3 =	vld [tilespmem:s2+$0xFFFFFFC0]  }
0x698: {  	v4 =	vld [tilespmem:s2+$0xFFFFFFD0]  }
0x699: {  	v6 =	vld [tilespmem:s2+$0xFFFFFFE0]  }
0x69a: {  	v7 =	vld [tilespmem:s2+$0xFFFFFFF0]  }
0x69b: {  	v8 =	vld [tilespmem:s2+$0xFFFFFF90]  }
0x69c: {  	v9 =	vld.idx.msk [tilespmem:v0+s28+$0x0], $0xffff  }
0x69d: {  	v10 =	vld.idx.msk [tilespmem:v1+s28+$0x0], $0xffff  }
0x69e: {  	v5 =	vld.idx.msk [tilespmem:v2+s28+$0x0], $0xffff  }
0x69f: {  	v3 =	vld.idx.msk [tilespmem:v3+s28+$0x0], $0xffff  }
0x6a0: {  	v0 =	vld.idx.msk [tilespmem:v4+s28+$0x0], $0xffff  }
0x6a1: {  	s31 =	simm.s32 $0x1D740;
	v1 =	vld.idx.msk [tilespmem:v6+s28+$0x0], $0xffff  }
0x6a2: {  	v2 =	vld.idx.msk [tilespmem:v7+s28+$0x0], $0xffff;
	[tilespmem:s31+$0x30] =	vst v9  }
0x6a3: {  	s1 =	simm.s32 $0x197F0;
	s0 =	simm.s32 $0x0;
	v4 =	vld.idx.msk [tilespmem:v8+s28+$0x0], $0xffff;
	[tilespmem:s31+$0xFFFFFFD0] =	vst v10  }
.LBB2_68:
0x6a4: {  	v6 =	vld [tilespmem:s1+$0x0];
	s0 =	sadd.s32 $0x80, s0;
	[tilespmem:s31+$0xFFFFFFE0] =	vst v5  }
0x6a5: {  	v5 =	vld [tilespmem:s1+$0xFFFFFFA0];
	p5 =	slt.u32 s0, $0xF80;
	[tilespmem:s31+$0xFFFFFFF0] =	vst v3  }
0x6a6: {  	v3 =	vld [tilespmem:s1+$0xFFFFFFB0];
	[tilespmem:s31+$0x0] =	vst v0  }
0x6a7: {  	v0 =	vld [tilespmem:s1+$0xFFFFFFC0];
	[tilespmem:s31+$0x10] =	vst v1  }
0x6a8: {  	v1 =	vld [tilespmem:s1+$0xFFFFFFD0];
	[tilespmem:s31+$0x20] =	vst v2  }
0x6a9: {  	v2 =	vld [tilespmem:s1+$0xFFFFFFE0];
	[tilespmem:s31+$0xFFFFFFC0] =	vst v4  }
0x6aa: {  	v4 =	vld [tilespmem:s1+$0xFFFFFFF0]  }
0x6ab: {  	v7 =	vld [tilespmem:s1+$0xFFFFFF90]  }
0x6ac: {  	v6 =	vld.idx.msk [tilespmem:v6+s28+$0x0], $0xffff  }
0x6ad: {  	v8 =	vld.idx.msk [tilespmem:v5+s28+$0x0], $0xffff  }
0x6ae: {  	v5 =	vld.idx.msk [tilespmem:v3+s28+$0x0], $0xffff  }
.Ltmp33:
0x6af: {  	v3 =	vld.idx.msk [tilespmem:v0+s28+$0x0], $0xffff;
	(pc) =	sbr.rel @p5 .LBB2_68-.Ltmp33, $4  }
0x6b0: {  	v0 =	vld.idx.msk [tilespmem:v1+s28+$0x0], $0xffff  }
0x6b1: {  	s31 =	sadd.s32 $0x80, s31;
	v1 =	vld.idx.msk [tilespmem:v2+s28+$0x0], $0xffff  }
0x6b2: {  	v2 =	vld.idx.msk [tilespmem:v4+s28+$0x0], $0xffff;
	[tilespmem:s31+$0x30] =	vst v6  }
0x6b3: {  	s1 =	sadd.s32 $0x80, s1;
	v4 =	vld.idx.msk [tilespmem:v7+s28+$0x0], $0xffff;
	[tilespmem:s31+$0xFFFFFFD0] =	vst v8  }
0x6b4: {  	[tilespmem:s31+$0xFFFFFFE0] =	vst v5  }
0x6b5: {  	[tilespmem:s31+$0xFFFFFFF0] =	vst v3  }
0x6b6: {  	[tilespmem:s31+$0x0] =	vst v0  }
0x6b7: {  	[tilespmem:s31+$0x10] =	vst v1  }
0x6b8: {  	[tilespmem:s31+$0x20] =	vst v2  }
0x6b9: {  	[tilespmem:s31+$0xFFFFFFC0] =	vst v4  }
0x6ba: {  	s0 =	sld [smem:$0x7FA];
	_ =	sdelay $0x2  }
0x6bb: {  	[hbm4b:s0+s20] =	stream.strided.scatter [tilespmem:s25], [sflag:$0x3], $0x1000, s21, s20, $0x38;
	[tilespmem:$0x1E700] =	vst v63  }
0x6bc: {  	_ =	swait.ge [sflag:s26], $0x1000  }
0x6bd: {  	[sflag:s26] =	ssyncset.done $0x0  }
0x6be: {  	s2 =	simm.s32 $0x1A770;
	[sflag:s26] =	ssyncadd.s32 $0xFFFFF000  }
0x6bf: {  	v0 =	vld [tilespmem:s2+$0x0]  }
0x6c0: {  	v1 =	vld [tilespmem:s2+$0xFFFFFFA0]  }
0x6c1: {  	v2 =	vld [tilespmem:s2+$0xFFFFFFB0]  }
0x6c2: {  	v3 =	vld [tilespmem:s2+$0xFFFFFFC0]  }
0x6c3: {  	v4 =	vld [tilespmem:s2+$0xFFFFFFD0]  }
0x6c4: {  	v6 =	vld [tilespmem:s2+$0xFFFFFFE0]  }
0x6c5: {  	v7 =	vld [tilespmem:s2+$0xFFFFFFF0]  }
0x6c6: {  	v8 =	vld [tilespmem:s2+$0xFFFFFF90]  }
0x6c7: {  	v9 =	vld.idx.msk [tilespmem:v0+s28+$0x0], $0xffff  }
0x6c8: {  	v10 =	vld.idx.msk [tilespmem:v1+s28+$0x0], $0xffff  }
0x6c9: {  	v5 =	vld.idx.msk [tilespmem:v2+s28+$0x0], $0xffff  }
0x6ca: {  	v3 =	vld.idx.msk [tilespmem:v3+s28+$0x0], $0xffff  }
0x6cb: {  	v0 =	vld.idx.msk [tilespmem:v4+s28+$0x0], $0xffff  }
0x6cc: {  	s31 =	simm.s32 $0x1C740;
	v1 =	vld.idx.msk [tilespmem:v6+s28+$0x0], $0xffff  }
0x6cd: {  	v2 =	vld.idx.msk [tilespmem:v7+s28+$0x0], $0xffff;
	[tilespmem:s31+$0x30] =	vst v9  }
0x6ce: {  	s1 =	simm.s32 $0x1A7F0;
	s0 =	simm.s32 $0x0;
	v4 =	vld.idx.msk [tilespmem:v8+s28+$0x0], $0xffff;
	[tilespmem:s31+$0xFFFFFFD0] =	vst v10  }
.LBB2_70:
0x6cf: {  	v6 =	vld [tilespmem:s1+$0x0];
	s0 =	sadd.s32 $0x80, s0;
	[tilespmem:s31+$0xFFFFFFE0] =	vst v5  }
0x6d0: {  	v5 =	vld [tilespmem:s1+$0xFFFFFFA0];
	p5 =	slt.u32 s0, $0xF80;
	[tilespmem:s31+$0xFFFFFFF0] =	vst v3  }
0x6d1: {  	v3 =	vld [tilespmem:s1+$0xFFFFFFB0];
	[tilespmem:s31+$0x0] =	vst v0  }
0x6d2: {  	v0 =	vld [tilespmem:s1+$0xFFFFFFC0];
	[tilespmem:s31+$0x10] =	vst v1  }
0x6d3: {  	v1 =	vld [tilespmem:s1+$0xFFFFFFD0];
	[tilespmem:s31+$0x20] =	vst v2  }
0x6d4: {  	v2 =	vld [tilespmem:s1+$0xFFFFFFE0];
	[tilespmem:s31+$0xFFFFFFC0] =	vst v4  }
0x6d5: {  	v4 =	vld [tilespmem:s1+$0xFFFFFFF0]  }
0x6d6: {  	v7 =	vld [tilespmem:s1+$0xFFFFFF90]  }
0x6d7: {  	v6 =	vld.idx.msk [tilespmem:v6+s28+$0x0], $0xffff  }
0x6d8: {  	v8 =	vld.idx.msk [tilespmem:v5+s28+$0x0], $0xffff  }
0x6d9: {  	v5 =	vld.idx.msk [tilespmem:v3+s28+$0x0], $0xffff  }
.Ltmp34:
0x6da: {  	v3 =	vld.idx.msk [tilespmem:v0+s28+$0x0], $0xffff;
	(pc) =	sbr.rel @p5 .LBB2_70-.Ltmp34, $4  }
0x6db: {  	v0 =	vld.idx.msk [tilespmem:v1+s28+$0x0], $0xffff  }
0x6dc: {  	s31 =	sadd.s32 $0x80, s31;
	v1 =	vld.idx.msk [tilespmem:v2+s28+$0x0], $0xffff  }
0x6dd: {  	v2 =	vld.idx.msk [tilespmem:v4+s28+$0x0], $0xffff;
	[tilespmem:s31+$0x30] =	vst v6  }
0x6de: {  	s1 =	sadd.s32 $0x80, s1;
	v4 =	vld.idx.msk [tilespmem:v7+s28+$0x0], $0xffff;
	[tilespmem:s31+$0xFFFFFFD0] =	vst v8  }
0x6df: {  	[tilespmem:s31+$0xFFFFFFE0] =	vst v5  }
0x6e0: {  	[tilespmem:s31+$0xFFFFFFF0] =	vst v3  }
0x6e1: {  	[tilespmem:s31+$0x0] =	vst v0  }
0x6e2: {  	[tilespmem:s31+$0x10] =	vst v1  }
0x6e3: {  	[tilespmem:s31+$0x20] =	vst v2  }
0x6e4: {  	[tilespmem:s31+$0xFFFFFFC0] =	vst v4  }
0x6e5: {  	s0 =	sld [smem:$0x7FB];
	_ =	sdelay $0x2  }
0x6e6: {  	[hbm4b:s0+s20] =	stream.strided.scatter [tilespmem:s24], [sflag:$0x2], $0x1000, s21, s20, $0x38;
	[tilespmem:$0x1E700] =	vst v63  }
0x6e7: {  	_ =	swait.ge [sflag:s29], $0x1000  }
0x6e8: {  	[sflag:s29] =	ssyncset.done $0x0  }
0x6e9: {  	s2 =	simm.s32 $0x1B770;
	[sflag:s29] =	ssyncadd.s32 $0xFFFFF000  }
0x6ea: {  	v0 =	vld [tilespmem:s2+$0x0]  }
0x6eb: {  	v1 =	vld [tilespmem:s2+$0xFFFFFFA0]  }
0x6ec: {  	v2 =	vld [tilespmem:s2+$0xFFFFFFB0]  }
0x6ed: {  	v3 =	vld [tilespmem:s2+$0xFFFFFFC0]  }
0x6ee: {  	v4 =	vld [tilespmem:s2+$0xFFFFFFD0]  }
0x6ef: {  	v6 =	vld [tilespmem:s2+$0xFFFFFFE0]  }
0x6f0: {  	v7 =	vld [tilespmem:s2+$0xFFFFFFF0]  }
0x6f1: {  	v8 =	vld [tilespmem:s2+$0xFFFFFF90]  }
0x6f2: {  	v9 =	vld.idx.msk [tilespmem:v0+s28+$0x0], $0xffff  }
0x6f3: {  	v10 =	vld.idx.msk [tilespmem:v1+s28+$0x0], $0xffff  }
0x6f4: {  	v5 =	vld.idx.msk [tilespmem:v2+s28+$0x0], $0xffff  }
0x6f5: {  	v3 =	vld.idx.msk [tilespmem:v3+s28+$0x0], $0xffff  }
0x6f6: {  	v0 =	vld.idx.msk [tilespmem:v4+s28+$0x0], $0xffff  }
0x6f7: {  	s31 =	simm.s32 $0x1D740;
	v1 =	vld.idx.msk [tilespmem:v6+s28+$0x0], $0xffff  }
0x6f8: {  	v2 =	vld.idx.msk [tilespmem:v7+s28+$0x0], $0xffff;
	[tilespmem:s31+$0x30] =	vst v9  }
0x6f9: {  	s1 =	simm.s32 $0x1B7F0;
	s0 =	simm.s32 $0x0;
	v4 =	vld.idx.msk [tilespmem:v8+s28+$0x0], $0xffff;
	[tilespmem:s31+$0xFFFFFFD0] =	vst v10  }
.LBB2_72:
0x6fa: {  	v6 =	vld [tilespmem:s1+$0x0];
	s0 =	sadd.s32 $0x80, s0;
	[tilespmem:s31+$0xFFFFFFE0] =	vst v5  }
0x6fb: {  	v5 =	vld [tilespmem:s1+$0xFFFFFFA0];
	p5 =	slt.u32 s0, $0xF80;
	[tilespmem:s31+$0xFFFFFFF0] =	vst v3  }
0x6fc: {  	v3 =	vld [tilespmem:s1+$0xFFFFFFB0];
	[tilespmem:s31+$0x0] =	vst v0  }
0x6fd: {  	v0 =	vld [tilespmem:s1+$0xFFFFFFC0];
	[tilespmem:s31+$0x10] =	vst v1  }
0x6fe: {  	v1 =	vld [tilespmem:s1+$0xFFFFFFD0];
	[tilespmem:s31+$0x20] =	vst v2  }
0x6ff: {  	v2 =	vld [tilespmem:s1+$0xFFFFFFE0];
	[tilespmem:s31+$0xFFFFFFC0] =	vst v4  }
0x700: {  	v4 =	vld [tilespmem:s1+$0xFFFFFFF0]  }
0x701: {  	v7 =	vld [tilespmem:s1+$0xFFFFFF90]  }
0x702: {  	v6 =	vld.idx.msk [tilespmem:v6+s28+$0x0], $0xffff  }
0x703: {  	v8 =	vld.idx.msk [tilespmem:v5+s28+$0x0], $0xffff  }
0x704: {  	v5 =	vld.idx.msk [tilespmem:v3+s28+$0x0], $0xffff  }
.Ltmp35:
0x705: {  	v3 =	vld.idx.msk [tilespmem:v0+s28+$0x0], $0xffff;
	(pc) =	sbr.rel @p5 .LBB2_72-.Ltmp35, $4  }
0x706: {  	v0 =	vld.idx.msk [tilespmem:v1+s28+$0x0], $0xffff  }
0x707: {  	s31 =	sadd.s32 $0x80, s31;
	v1 =	vld.idx.msk [tilespmem:v2+s28+$0x0], $0xffff  }
0x708: {  	v2 =	vld.idx.msk [tilespmem:v4+s28+$0x0], $0xffff;
	[tilespmem:s31+$0x30] =	vst v6  }
0x709: {  	s1 =	sadd.s32 $0x80, s1;
	v4 =	vld.idx.msk [tilespmem:v7+s28+$0x0], $0xffff;
	[tilespmem:s31+$0xFFFFFFD0] =	vst v8  }
0x70a: {  	[tilespmem:s31+$0xFFFFFFE0] =	vst v5  }
0x70b: {  	[tilespmem:s31+$0xFFFFFFF0] =	vst v3  }
0x70c: {  	[tilespmem:s31+$0x0] =	vst v0  }
0x70d: {  	[tilespmem:s31+$0x10] =	vst v1  }
0x70e: {  	[tilespmem:s31+$0x20] =	vst v2  }
0x70f: {  	[tilespmem:s31+$0xFFFFFFC0] =	vst v4  }
0x710: {  	s0 =	sld [smem:$0x7FC];
	_ =	sdelay $0x2  }
0x711: {  	[hbm4b:s0+s20] =	stream.strided.scatter [tilespmem:s25], [sflag:$0x3], $0x1000, s21, s20, $0x38;
	[tilespmem:$0x1E700] =	vst v63  }
0x712: {  	s31 =	simm.s32 @!p1 $0x18700;
	s1 =	rddreg [dreg:$0x19]  }
0x713: {  	[tilespmem:s28], [sflag:$0x1] =	stream.strided.gather [hbm4b:s1+s20], $0x18700, s21, s20, $0x38;
	[tilespmem:$0x1E700] =	vst v63  }
0x714: {  	s2 =	rddreg [dreg:$0xd];
	s0 =	simm.s32 @!p1 $0x80;
	s1 =	simm.s32 @!p1 $0x400  }
0x715: {  	[tilespmem:s31], [sflag:$0x4] =	stream.strided.gather @!p1 [hbm4b:s2+s0], $0x4000, s1, s0, $0x38;
	[tilespmem:$0x1E700] =	vst v63  }
0x716: {  	s0 =	simm.s32 @!p1 $0x4  }
0x717: {  	_ =	swait.ge @!p1 [sflag:s0], $0x4000  }
0x718: {  	[sflag:s0] =	ssyncset.done @!p1 $0x0  }
0x719: {  	[sflag:s0] =	ssyncadd.s32 @!p1 $0xFFFFC000  }
0x71a: {  	_ =	swait.ge [sflag:s23], $0x18700  }
0x71b: {  	[sflag:s23] =	ssyncset.done $0x0  }
0x71c: {  	[sflag:s23] =	ssyncadd.s32 $0xFFFE7900  }
0x71d: {  	_ =	swait.ge [sflag:s26], $0x1000  }
0x71e: {  	[sflag:s26] =	ssyncset.done $0x0  }
0x71f: {  	s2 =	simm.s32 $0x18740;
	[sflag:s26] =	ssyncadd.s32 $0xFFFFF000  }
0x720: {  	v0 =	vld [tilespmem:s2+$0x30]  }
0x721: {  	v1 =	vld [tilespmem:s2+$0xFFFFFFD0]  }
0x722: {  	v2 =	vld [tilespmem:s2+$0xFFFFFFE0]  }
0x723: {  	v3 =	vld [tilespmem:s2+$0xFFFFFFF0]  }
0x724: {  	v4 =	vld [tilespmem:s2+$0x0]  }
0x725: {  	v6 =	vld [tilespmem:s2+$0x10]  }
0x726: {  	v7 =	vld [tilespmem:s2+$0x20]  }
0x727: {  	v8 =	vld [tilespmem:s2+$0xFFFFFFC0]  }
0x728: {  	v9 =	vld.idx.msk [tilespmem:v0+s28+$0x0], $0xffff  }
0x729: {  	v10 =	vld.idx.msk [tilespmem:v1+s28+$0x0], $0xffff  }
0x72a: {  	v5 =	vld.idx.msk [tilespmem:v2+s28+$0x0], $0xffff  }
0x72b: {  	v3 =	vld.idx.msk [tilespmem:v3+s28+$0x0], $0xffff  }
0x72c: {  	v0 =	vld.idx.msk [tilespmem:v4+s28+$0x0], $0xffff  }
0x72d: {  	s31 =	simm.s32 $0x1C740;
	v1 =	vld.idx.msk [tilespmem:v6+s28+$0x0], $0xffff  }
0x72e: {  	v2 =	vld.idx.msk [tilespmem:v7+s28+$0x0], $0xffff;
	[tilespmem:s31+$0x30] =	vst v9  }
0x72f: {  	s1 =	simm.s32 $0x187C0;
	s0 =	simm.s32 $0x0;
	v4 =	vld.idx.msk [tilespmem:v8+s28+$0x0], $0xffff;
	[tilespmem:s31+$0xFFFFFFD0] =	vst v10  }
.LBB2_74:
0x730: {  	v6 =	vld [tilespmem:s1+$0x30];
	s0 =	sadd.s32 $0x80, s0;
	[tilespmem:s31+$0xFFFFFFE0] =	vst v5  }
0x731: {  	v5 =	vld [tilespmem:s1+$0xFFFFFFD0];
	p5 =	slt.u32 s0, $0xF80;
	[tilespmem:s31+$0xFFFFFFF0] =	vst v3  }
0x732: {  	v3 =	vld [tilespmem:s1+$0xFFFFFFE0];
	[tilespmem:s31+$0x0] =	vst v0  }
0x733: {  	v0 =	vld [tilespmem:s1+$0xFFFFFFF0];
	[tilespmem:s31+$0x10] =	vst v1  }
0x734: {  	v1 =	vld [tilespmem:s1+$0x0];
	[tilespmem:s31+$0x20] =	vst v2  }
0x735: {  	v2 =	vld [tilespmem:s1+$0x10];
	[tilespmem:s31+$0xFFFFFFC0] =	vst v4  }
0x736: {  	v4 =	vld [tilespmem:s1+$0x20]  }
0x737: {  	v7 =	vld [tilespmem:s1+$0xFFFFFFC0]  }
0x738: {  	v6 =	vld.idx.msk [tilespmem:v6+s28+$0x0], $0xffff  }
0x739: {  	v8 =	vld.idx.msk [tilespmem:v5+s28+$0x0], $0xffff  }
0x73a: {  	v5 =	vld.idx.msk [tilespmem:v3+s28+$0x0], $0xffff  }
.Ltmp36:
0x73b: {  	v3 =	vld.idx.msk [tilespmem:v0+s28+$0x0], $0xffff;
	(pc) =	sbr.rel @p5 .LBB2_74-.Ltmp36, $4  }
0x73c: {  	v0 =	vld.idx.msk [tilespmem:v1+s28+$0x0], $0xffff  }
0x73d: {  	s31 =	sadd.s32 $0x80, s31;
	v1 =	vld.idx.msk [tilespmem:v2+s28+$0x0], $0xffff  }
0x73e: {  	v2 =	vld.idx.msk [tilespmem:v4+s28+$0x0], $0xffff;
	[tilespmem:s31+$0x30] =	vst v6  }
0x73f: {  	s1 =	sadd.s32 $0x80, s1;
	v4 =	vld.idx.msk [tilespmem:v7+s28+$0x0], $0xffff;
	[tilespmem:s31+$0xFFFFFFD0] =	vst v8  }
0x740: {  	[tilespmem:s31+$0xFFFFFFE0] =	vst v5  }
0x741: {  	[tilespmem:s31+$0xFFFFFFF0] =	vst v3  }
0x742: {  	[tilespmem:s31+$0x0] =	vst v0  }
0x743: {  	[tilespmem:s31+$0x10] =	vst v1  }
0x744: {  	[tilespmem:s31+$0x20] =	vst v2  }
0x745: {  	[tilespmem:s31+$0xFFFFFFC0] =	vst v4  }
0x746: {  	[hbm4b:s3+s20] =	stream.strided.scatter [tilespmem:s24], [sflag:$0x2], $0x1000, s21, s20, $0x38;
	[tilespmem:$0x1E700] =	vst v63  }
0x747: {  	_ =	swait.ge [sflag:s29], $0x1000  }
0x748: {  	[sflag:s29] =	ssyncset.done $0x0  }
0x749: {  	s0 =	simm.s32 $0x19770;
	[sflag:s29] =	ssyncadd.s32 $0xFFFFF000  }
0x74a: {  	v0 =	vld [tilespmem:s0+$0x0]  }
0x74b: {  	v1 =	vld [tilespmem:s0+$0xFFFFFFA0]  }
0x74c: {  	v2 =	vld [tilespmem:s0+$0xFFFFFFB0]  }
0x74d: {  	v3 =	vld [tilespmem:s0+$0xFFFFFFC0]  }
0x74e: {  	v4 =	vld [tilespmem:s0+$0xFFFFFFD0]  }
0x74f: {  	v6 =	vld [tilespmem:s0+$0xFFFFFFE0]  }
0x750: {  	v7 =	vld [tilespmem:s0+$0xFFFFFFF0]  }
0x751: {  	v8 =	vld [tilespmem:s0+$0xFFFFFF90]  }
0x752: {  	v9 =	vld.idx.msk [tilespmem:v0+s28+$0x0], $0xffff  }
0x753: {  	v10 =	vld.idx.msk [tilespmem:v1+s28+$0x0], $0xffff  }
0x754: {  	v5 =	vld.idx.msk [tilespmem:v2+s28+$0x0], $0xffff  }
0x755: {  	v3 =	vld.idx.msk [tilespmem:v3+s28+$0x0], $0xffff  }
0x756: {  	v0 =	vld.idx.msk [tilespmem:v4+s28+$0x0], $0xffff  }
0x757: {  	s31 =	simm.s32 $0x1D740;
	v1 =	vld.idx.msk [tilespmem:v6+s28+$0x0], $0xffff  }
0x758: {  	v2 =	vld.idx.msk [tilespmem:v7+s28+$0x0], $0xffff;
	[tilespmem:s31+$0x30] =	vst v9  }
0x759: {  	s1 =	simm.s32 $0x197F0;
	s0 =	simm.s32 $0x0;
	v4 =	vld.idx.msk [tilespmem:v8+s28+$0x0], $0xffff;
	[tilespmem:s31+$0xFFFFFFD0] =	vst v10  }
.LBB2_76:
0x75a: {  	v6 =	vld [tilespmem:s1+$0x0];
	s0 =	sadd.s32 $0x80, s0;
	[tilespmem:s31+$0xFFFFFFE0] =	vst v5  }
0x75b: {  	v5 =	vld [tilespmem:s1+$0xFFFFFFA0];
	p5 =	slt.u32 s0, $0xF80;
	[tilespmem:s31+$0xFFFFFFF0] =	vst v3  }
0x75c: {  	v3 =	vld [tilespmem:s1+$0xFFFFFFB0];
	[tilespmem:s31+$0x0] =	vst v0  }
0x75d: {  	v0 =	vld [tilespmem:s1+$0xFFFFFFC0];
	[tilespmem:s31+$0x10] =	vst v1  }
0x75e: {  	v1 =	vld [tilespmem:s1+$0xFFFFFFD0];
	[tilespmem:s31+$0x20] =	vst v2  }
0x75f: {  	v2 =	vld [tilespmem:s1+$0xFFFFFFE0];
	[tilespmem:s31+$0xFFFFFFC0] =	vst v4  }
0x760: {  	v4 =	vld [tilespmem:s1+$0xFFFFFFF0]  }
0x761: {  	v7 =	vld [tilespmem:s1+$0xFFFFFF90]  }
0x762: {  	v6 =	vld.idx.msk [tilespmem:v6+s28+$0x0], $0xffff  }
0x763: {  	v8 =	vld.idx.msk [tilespmem:v5+s28+$0x0], $0xffff  }
0x764: {  	v5 =	vld.idx.msk [tilespmem:v3+s28+$0x0], $0xffff  }
.Ltmp37:
0x765: {  	v3 =	vld.idx.msk [tilespmem:v0+s28+$0x0], $0xffff;
	(pc) =	sbr.rel @p5 .LBB2_76-.Ltmp37, $4  }
0x766: {  	v0 =	vld.idx.msk [tilespmem:v1+s28+$0x0], $0xffff  }
0x767: {  	s31 =	sadd.s32 $0x80, s31;
	v1 =	vld.idx.msk [tilespmem:v2+s28+$0x0], $0xffff  }
0x768: {  	v2 =	vld.idx.msk [tilespmem:v4+s28+$0x0], $0xffff;
	[tilespmem:s31+$0x30] =	vst v6  }
0x769: {  	s1 =	sadd.s32 $0x80, s1;
	v4 =	vld.idx.msk [tilespmem:v7+s28+$0x0], $0xffff;
	[tilespmem:s31+$0xFFFFFFD0] =	vst v8  }
0x76a: {  	[tilespmem:s31+$0xFFFFFFE0] =	vst v5  }
0x76b: {  	[tilespmem:s31+$0xFFFFFFF0] =	vst v3  }
0x76c: {  	[tilespmem:s31+$0x0] =	vst v0  }
0x76d: {  	[tilespmem:s31+$0x10] =	vst v1  }
0x76e: {  	[tilespmem:s31+$0x20] =	vst v2  }
0x76f: {  	[tilespmem:s31+$0xFFFFFFC0] =	vst v4  }
0x770: {  	[hbm4b:s4+s20] =	stream.strided.scatter [tilespmem:s25], [sflag:$0x3], $0x1000, s21, s20, $0x38;
	[tilespmem:$0x1E700] =	vst v63  }
0x771: {  	_ =	swait.ge [sflag:s26], $0x1000  }
0x772: {  	[sflag:s26] =	ssyncset.done $0x0  }
0x773: {  	s0 =	simm.s32 $0x1A770;
	[sflag:s26] =	ssyncadd.s32 $0xFFFFF000  }
0x774: {  	v0 =	vld [tilespmem:s0+$0x0]  }
0x775: {  	v1 =	vld [tilespmem:s0+$0xFFFFFFA0]  }
0x776: {  	v2 =	vld [tilespmem:s0+$0xFFFFFFB0]  }
0x777: {  	v3 =	vld [tilespmem:s0+$0xFFFFFFC0]  }
0x778: {  	v4 =	vld [tilespmem:s0+$0xFFFFFFD0]  }
0x779: {  	v6 =	vld [tilespmem:s0+$0xFFFFFFE0]  }
0x77a: {  	v7 =	vld [tilespmem:s0+$0xFFFFFFF0]  }
0x77b: {  	v8 =	vld [tilespmem:s0+$0xFFFFFF90]  }
0x77c: {  	v9 =	vld.idx.msk [tilespmem:v0+s28+$0x0], $0xffff  }
0x77d: {  	v10 =	vld.idx.msk [tilespmem:v1+s28+$0x0], $0xffff  }
0x77e: {  	v5 =	vld.idx.msk [tilespmem:v2+s28+$0x0], $0xffff  }
0x77f: {  	v3 =	vld.idx.msk [tilespmem:v3+s28+$0x0], $0xffff  }
0x780: {  	v0 =	vld.idx.msk [tilespmem:v4+s28+$0x0], $0xffff  }
0x781: {  	s31 =	simm.s32 $0x1C740;
	v1 =	vld.idx.msk [tilespmem:v6+s28+$0x0], $0xffff  }
0x782: {  	v2 =	vld.idx.msk [tilespmem:v7+s28+$0x0], $0xffff;
	[tilespmem:s31+$0x30] =	vst v9  }
0x783: {  	s1 =	simm.s32 $0x1A7F0;
	s0 =	simm.s32 $0x0;
	v4 =	vld.idx.msk [tilespmem:v8+s28+$0x0], $0xffff;
	[tilespmem:s31+$0xFFFFFFD0] =	vst v10  }
.LBB2_78:
0x784: {  	v6 =	vld [tilespmem:s1+$0x0];
	s0 =	sadd.s32 $0x80, s0;
	[tilespmem:s31+$0xFFFFFFE0] =	vst v5  }
0x785: {  	v5 =	vld [tilespmem:s1+$0xFFFFFFA0];
	p5 =	slt.u32 s0, $0xF80;
	[tilespmem:s31+$0xFFFFFFF0] =	vst v3  }
0x786: {  	v3 =	vld [tilespmem:s1+$0xFFFFFFB0];
	[tilespmem:s31+$0x0] =	vst v0  }
0x787: {  	v0 =	vld [tilespmem:s1+$0xFFFFFFC0];
	[tilespmem:s31+$0x10] =	vst v1  }
0x788: {  	v1 =	vld [tilespmem:s1+$0xFFFFFFD0];
	[tilespmem:s31+$0x20] =	vst v2  }
0x789: {  	v2 =	vld [tilespmem:s1+$0xFFFFFFE0];
	[tilespmem:s31+$0xFFFFFFC0] =	vst v4  }
0x78a: {  	v4 =	vld [tilespmem:s1+$0xFFFFFFF0]  }
0x78b: {  	v7 =	vld [tilespmem:s1+$0xFFFFFF90]  }
0x78c: {  	v6 =	vld.idx.msk [tilespmem:v6+s28+$0x0], $0xffff  }
0x78d: {  	v8 =	vld.idx.msk [tilespmem:v5+s28+$0x0], $0xffff  }
0x78e: {  	v5 =	vld.idx.msk [tilespmem:v3+s28+$0x0], $0xffff  }
.Ltmp38:
0x78f: {  	v3 =	vld.idx.msk [tilespmem:v0+s28+$0x0], $0xffff;
	(pc) =	sbr.rel @p5 .LBB2_78-.Ltmp38, $4  }
0x790: {  	v0 =	vld.idx.msk [tilespmem:v1+s28+$0x0], $0xffff  }
0x791: {  	s31 =	sadd.s32 $0x80, s31;
	v1 =	vld.idx.msk [tilespmem:v2+s28+$0x0], $0xffff  }
0x792: {  	v2 =	vld.idx.msk [tilespmem:v4+s28+$0x0], $0xffff;
	[tilespmem:s31+$0x30] =	vst v6  }
0x793: {  	s1 =	sadd.s32 $0x80, s1;
	v4 =	vld.idx.msk [tilespmem:v7+s28+$0x0], $0xffff;
	[tilespmem:s31+$0xFFFFFFD0] =	vst v8  }
0x794: {  	[tilespmem:s31+$0xFFFFFFE0] =	vst v5  }
0x795: {  	[tilespmem:s31+$0xFFFFFFF0] =	vst v3  }
0x796: {  	[tilespmem:s31+$0x0] =	vst v0  }
0x797: {  	[tilespmem:s31+$0x10] =	vst v1  }
0x798: {  	[tilespmem:s31+$0x20] =	vst v2  }
0x799: {  	[tilespmem:s31+$0xFFFFFFC0] =	vst v4  }
0x79a: {  	[hbm4b:s5+s20] =	stream.strided.scatter [tilespmem:s24], [sflag:$0x2], $0x1000, s21, s20, $0x38;
	[tilespmem:$0x1E700] =	vst v63  }
0x79b: {  	_ =	swait.ge [sflag:s29], $0x1000  }
0x79c: {  	[sflag:s29] =	ssyncset.done $0x0  }
0x79d: {  	s0 =	simm.s32 $0x1B770;
	[sflag:s29] =	ssyncadd.s32 $0xFFFFF000  }
0x79e: {  	v0 =	vld [tilespmem:s0+$0x0]  }
0x79f: {  	v1 =	vld [tilespmem:s0+$0xFFFFFFA0]  }
0x7a0: {  	v2 =	vld [tilespmem:s0+$0xFFFFFFB0]  }
0x7a1: {  	v3 =	vld [tilespmem:s0+$0xFFFFFFC0]  }
0x7a2: {  	v4 =	vld [tilespmem:s0+$0xFFFFFFD0]  }
0x7a3: {  	v6 =	vld [tilespmem:s0+$0xFFFFFFE0]  }
0x7a4: {  	v7 =	vld [tilespmem:s0+$0xFFFFFFF0]  }
0x7a5: {  	v8 =	vld [tilespmem:s0+$0xFFFFFF90]  }
0x7a6: {  	v9 =	vld.idx.msk [tilespmem:v0+s28+$0x0], $0xffff  }
0x7a7: {  	v10 =	vld.idx.msk [tilespmem:v1+s28+$0x0], $0xffff  }
0x7a8: {  	v5 =	vld.idx.msk [tilespmem:v2+s28+$0x0], $0xffff  }
0x7a9: {  	v3 =	vld.idx.msk [tilespmem:v3+s28+$0x0], $0xffff  }
0x7aa: {  	v0 =	vld.idx.msk [tilespmem:v4+s28+$0x0], $0xffff  }
0x7ab: {  	s31 =	simm.s32 $0x1D740;
	v1 =	vld.idx.msk [tilespmem:v6+s28+$0x0], $0xffff  }
0x7ac: {  	v2 =	vld.idx.msk [tilespmem:v7+s28+$0x0], $0xffff;
	[tilespmem:s31+$0x30] =	vst v9  }
0x7ad: {  	s1 =	simm.s32 $0x1B7F0;
	s0 =	simm.s32 $0x0;
	v4 =	vld.idx.msk [tilespmem:v8+s28+$0x0], $0xffff;
	[tilespmem:s31+$0xFFFFFFD0] =	vst v10  }
.LBB2_80:
0x7ae: {  	v6 =	vld [tilespmem:s1+$0x0];
	s0 =	sadd.s32 $0x80, s0;
	[tilespmem:s31+$0xFFFFFFE0] =	vst v5  }
0x7af: {  	v5 =	vld [tilespmem:s1+$0xFFFFFFA0];
	p5 =	slt.u32 s0, $0xF80;
	[tilespmem:s31+$0xFFFFFFF0] =	vst v3  }
0x7b0: {  	v3 =	vld [tilespmem:s1+$0xFFFFFFB0];
	[tilespmem:s31+$0x0] =	vst v0  }
0x7b1: {  	v0 =	vld [tilespmem:s1+$0xFFFFFFC0];
	[tilespmem:s31+$0x10] =	vst v1  }
0x7b2: {  	v1 =	vld [tilespmem:s1+$0xFFFFFFD0];
	[tilespmem:s31+$0x20] =	vst v2  }
0x7b3: {  	v2 =	vld [tilespmem:s1+$0xFFFFFFE0];
	[tilespmem:s31+$0xFFFFFFC0] =	vst v4  }
0x7b4: {  	v4 =	vld [tilespmem:s1+$0xFFFFFFF0]  }
0x7b5: {  	v7 =	vld [tilespmem:s1+$0xFFFFFF90]  }
0x7b6: {  	v6 =	vld.idx.msk [tilespmem:v6+s28+$0x0], $0xffff  }
0x7b7: {  	v8 =	vld.idx.msk [tilespmem:v5+s28+$0x0], $0xffff  }
0x7b8: {  	v5 =	vld.idx.msk [tilespmem:v3+s28+$0x0], $0xffff  }
.Ltmp39:
0x7b9: {  	v3 =	vld.idx.msk [tilespmem:v0+s28+$0x0], $0xffff;
	(pc) =	sbr.rel @p5 .LBB2_80-.Ltmp39, $4  }
0x7ba: {  	v0 =	vld.idx.msk [tilespmem:v1+s28+$0x0], $0xffff  }
0x7bb: {  	s31 =	sadd.s32 $0x80, s31;
	v1 =	vld.idx.msk [tilespmem:v2+s28+$0x0], $0xffff  }
0x7bc: {  	v2 =	vld.idx.msk [tilespmem:v4+s28+$0x0], $0xffff;
	[tilespmem:s31+$0x30] =	vst v6  }
0x7bd: {  	s1 =	sadd.s32 $0x80, s1;
	v4 =	vld.idx.msk [tilespmem:v7+s28+$0x0], $0xffff;
	[tilespmem:s31+$0xFFFFFFD0] =	vst v8  }
0x7be: {  	[tilespmem:s31+$0xFFFFFFE0] =	vst v5  }
0x7bf: {  	[tilespmem:s31+$0xFFFFFFF0] =	vst v3  }
0x7c0: {  	[tilespmem:s31+$0x0] =	vst v0  }
0x7c1: {  	[tilespmem:s31+$0x10] =	vst v1  }
0x7c2: {  	[tilespmem:s31+$0x20] =	vst v2  }
0x7c3: {  	[tilespmem:s31+$0xFFFFFFC0] =	vst v4  }
0x7c4: {  	[hbm4b:s6+s20] =	stream.strided.scatter [tilespmem:s25], [sflag:$0x3], $0x1000, s21, s20, $0x38;
	[tilespmem:$0x1E700] =	vst v63  }
0x7c5: {  	s1 =	simm.s32 @!p2 $0x400;
	s0 =	rddreg [dreg:$0x1a]  }
0x7c6: {  	[tilespmem:s28], [sflag:$0x1] =	stream.strided.gather [hbm4b:s0+s20], $0x18700, s21, s20, $0x38;
	[tilespmem:$0x1E700] =	vst v63  }
0x7c7: {  	s31 =	simm.s32 @!p2 $0x18700;
	s2 =	rddreg [dreg:$0xe];
	s0 =	simm.s32 @!p2 $0x80  }
0x7c8: {  	[tilespmem:s31], [sflag:$0x4] =	stream.strided.gather @!p2 [hbm4b:s2+s0], $0x4000, s1, s0, $0x38;
	[tilespmem:$0x1E700] =	vst v63  }
0x7c9: {  	s0 =	simm.s32 @!p2 $0x4  }
0x7ca: {  	_ =	swait.ge @!p2 [sflag:s0], $0x4000  }
0x7cb: {  	[sflag:s0] =	ssyncset.done @!p2 $0x0  }
0x7cc: {  	[sflag:s0] =	ssyncadd.s32 @!p2 $0xFFFFC000  }
0x7cd: {  	_ =	swait.ge [sflag:s23], $0x18700  }
0x7ce: {  	[sflag:s23] =	ssyncset.done $0x0  }
0x7cf: {  	[sflag:s23] =	ssyncadd.s32 $0xFFFE7900  }
0x7d0: {  	_ =	swait.ge [sflag:s26], $0x1000  }
0x7d1: {  	[sflag:s26] =	ssyncset.done $0x0  }
0x7d2: {  	s2 =	simm.s32 $0x18740;
	[sflag:s26] =	ssyncadd.s32 $0xFFFFF000  }
0x7d3: {  	v0 =	vld [tilespmem:s2+$0x30]  }
0x7d4: {  	v1 =	vld [tilespmem:s2+$0xFFFFFFD0]  }
0x7d5: {  	v2 =	vld [tilespmem:s2+$0xFFFFFFE0]  }
0x7d6: {  	v3 =	vld [tilespmem:s2+$0xFFFFFFF0]  }
0x7d7: {  	v4 =	vld [tilespmem:s2+$0x0]  }
0x7d8: {  	v6 =	vld [tilespmem:s2+$0x10]  }
0x7d9: {  	v7 =	vld [tilespmem:s2+$0x20]  }
0x7da: {  	v8 =	vld [tilespmem:s2+$0xFFFFFFC0]  }
0x7db: {  	v9 =	vld.idx.msk [tilespmem:v0+s28+$0x0], $0xffff  }
0x7dc: {  	v10 =	vld.idx.msk [tilespmem:v1+s28+$0x0], $0xffff  }
0x7dd: {  	v5 =	vld.idx.msk [tilespmem:v2+s28+$0x0], $0xffff  }
0x7de: {  	v3 =	vld.idx.msk [tilespmem:v3+s28+$0x0], $0xffff  }
0x7df: {  	v0 =	vld.idx.msk [tilespmem:v4+s28+$0x0], $0xffff  }
0x7e0: {  	s31 =	simm.s32 $0x1C740;
	v1 =	vld.idx.msk [tilespmem:v6+s28+$0x0], $0xffff  }
0x7e1: {  	v2 =	vld.idx.msk [tilespmem:v7+s28+$0x0], $0xffff;
	[tilespmem:s31+$0x30] =	vst v9  }
0x7e2: {  	s1 =	simm.s32 $0x187C0;
	s0 =	simm.s32 $0x0;
	v4 =	vld.idx.msk [tilespmem:v8+s28+$0x0], $0xffff;
	[tilespmem:s31+$0xFFFFFFD0] =	vst v10  }
.LBB2_82:
0x7e3: {  	v6 =	vld [tilespmem:s1+$0x30];
	s0 =	sadd.s32 $0x80, s0;
	[tilespmem:s31+$0xFFFFFFE0] =	vst v5  }
0x7e4: {  	v5 =	vld [tilespmem:s1+$0xFFFFFFD0];
	p5 =	slt.u32 s0, $0xF80;
	[tilespmem:s31+$0xFFFFFFF0] =	vst v3  }
0x7e5: {  	v3 =	vld [tilespmem:s1+$0xFFFFFFE0];
	[tilespmem:s31+$0x0] =	vst v0  }
0x7e6: {  	v0 =	vld [tilespmem:s1+$0xFFFFFFF0];
	[tilespmem:s31+$0x10] =	vst v1  }
0x7e7: {  	v1 =	vld [tilespmem:s1+$0x0];
	[tilespmem:s31+$0x20] =	vst v2  }
0x7e8: {  	v2 =	vld [tilespmem:s1+$0x10];
	[tilespmem:s31+$0xFFFFFFC0] =	vst v4  }
0x7e9: {  	v4 =	vld [tilespmem:s1+$0x20]  }
0x7ea: {  	v7 =	vld [tilespmem:s1+$0xFFFFFFC0]  }
0x7eb: {  	v6 =	vld.idx.msk [tilespmem:v6+s28+$0x0], $0xffff  }
0x7ec: {  	v8 =	vld.idx.msk [tilespmem:v5+s28+$0x0], $0xffff  }
0x7ed: {  	v5 =	vld.idx.msk [tilespmem:v3+s28+$0x0], $0xffff  }
.Ltmp40:
0x7ee: {  	v3 =	vld.idx.msk [tilespmem:v0+s28+$0x0], $0xffff;
	(pc) =	sbr.rel @p5 .LBB2_82-.Ltmp40, $4  }
0x7ef: {  	v0 =	vld.idx.msk [tilespmem:v1+s28+$0x0], $0xffff  }
0x7f0: {  	s31 =	sadd.s32 $0x80, s31;
	v1 =	vld.idx.msk [tilespmem:v2+s28+$0x0], $0xffff  }
0x7f1: {  	v2 =	vld.idx.msk [tilespmem:v4+s28+$0x0], $0xffff;
	[tilespmem:s31+$0x30] =	vst v6  }
0x7f2: {  	s1 =	sadd.s32 $0x80, s1;
	v4 =	vld.idx.msk [tilespmem:v7+s28+$0x0], $0xffff;
	[tilespmem:s31+$0xFFFFFFD0] =	vst v8  }
0x7f3: {  	[tilespmem:s31+$0xFFFFFFE0] =	vst v5  }
0x7f4: {  	[tilespmem:s31+$0xFFFFFFF0] =	vst v3  }
0x7f5: {  	[tilespmem:s31+$0x0] =	vst v0  }
0x7f6: {  	[tilespmem:s31+$0x10] =	vst v1  }
0x7f7: {  	[tilespmem:s31+$0x20] =	vst v2  }
0x7f8: {  	[tilespmem:s31+$0xFFFFFFC0] =	vst v4  }
0x7f9: {  	[hbm4b:s7+s20] =	stream.strided.scatter [tilespmem:s24], [sflag:$0x2], $0x1000, s21, s20, $0x38;
	[tilespmem:$0x1E700] =	vst v63  }
0x7fa: {  	_ =	swait.ge [sflag:s29], $0x1000  }
0x7fb: {  	[sflag:s29] =	ssyncset.done $0x0  }
0x7fc: {  	s0 =	simm.s32 $0x19770;
	[sflag:s29] =	ssyncadd.s32 $0xFFFFF000  }
0x7fd: {  	v0 =	vld [tilespmem:s0+$0x0]  }
0x7fe: {  	v1 =	vld [tilespmem:s0+$0xFFFFFFA0]  }
0x7ff: {  	v2 =	vld [tilespmem:s0+$0xFFFFFFB0]  }
0x800: {  	v3 =	vld [tilespmem:s0+$0xFFFFFFC0]  }
0x801: {  	v4 =	vld [tilespmem:s0+$0xFFFFFFD0]  }
0x802: {  	v6 =	vld [tilespmem:s0+$0xFFFFFFE0]  }
0x803: {  	v7 =	vld [tilespmem:s0+$0xFFFFFFF0]  }
0x804: {  	v8 =	vld [tilespmem:s0+$0xFFFFFF90]  }
0x805: {  	v9 =	vld.idx.msk [tilespmem:v0+s28+$0x0], $0xffff  }
0x806: {  	v10 =	vld.idx.msk [tilespmem:v1+s28+$0x0], $0xffff  }
0x807: {  	v5 =	vld.idx.msk [tilespmem:v2+s28+$0x0], $0xffff  }
0x808: {  	v3 =	vld.idx.msk [tilespmem:v3+s28+$0x0], $0xffff  }
0x809: {  	v0 =	vld.idx.msk [tilespmem:v4+s28+$0x0], $0xffff  }
0x80a: {  	s31 =	simm.s32 $0x1D740;
	v1 =	vld.idx.msk [tilespmem:v6+s28+$0x0], $0xffff  }
0x80b: {  	v2 =	vld.idx.msk [tilespmem:v7+s28+$0x0], $0xffff;
	[tilespmem:s31+$0x30] =	vst v9  }
0x80c: {  	s1 =	simm.s32 $0x197F0;
	s0 =	simm.s32 $0x0;
	v4 =	vld.idx.msk [tilespmem:v8+s28+$0x0], $0xffff;
	[tilespmem:s31+$0xFFFFFFD0] =	vst v10  }
.LBB2_84:
0x80d: {  	v6 =	vld [tilespmem:s1+$0x0];
	s0 =	sadd.s32 $0x80, s0;
	[tilespmem:s31+$0xFFFFFFE0] =	vst v5  }
0x80e: {  	v5 =	vld [tilespmem:s1+$0xFFFFFFA0];
	p5 =	slt.u32 s0, $0xF80;
	[tilespmem:s31+$0xFFFFFFF0] =	vst v3  }
0x80f: {  	v3 =	vld [tilespmem:s1+$0xFFFFFFB0];
	[tilespmem:s31+$0x0] =	vst v0  }
0x810: {  	v0 =	vld [tilespmem:s1+$0xFFFFFFC0];
	[tilespmem:s31+$0x10] =	vst v1  }
0x811: {  	v1 =	vld [tilespmem:s1+$0xFFFFFFD0];
	[tilespmem:s31+$0x20] =	vst v2  }
0x812: {  	v2 =	vld [tilespmem:s1+$0xFFFFFFE0];
	[tilespmem:s31+$0xFFFFFFC0] =	vst v4  }
0x813: {  	v4 =	vld [tilespmem:s1+$0xFFFFFFF0]  }
0x814: {  	v7 =	vld [tilespmem:s1+$0xFFFFFF90]  }
0x815: {  	v6 =	vld.idx.msk [tilespmem:v6+s28+$0x0], $0xffff  }
0x816: {  	v8 =	vld.idx.msk [tilespmem:v5+s28+$0x0], $0xffff  }
0x817: {  	v5 =	vld.idx.msk [tilespmem:v3+s28+$0x0], $0xffff  }
.Ltmp41:
0x818: {  	v3 =	vld.idx.msk [tilespmem:v0+s28+$0x0], $0xffff;
	(pc) =	sbr.rel @p5 .LBB2_84-.Ltmp41, $4  }
0x819: {  	v0 =	vld.idx.msk [tilespmem:v1+s28+$0x0], $0xffff  }
0x81a: {  	s31 =	sadd.s32 $0x80, s31;
	v1 =	vld.idx.msk [tilespmem:v2+s28+$0x0], $0xffff  }
0x81b: {  	v2 =	vld.idx.msk [tilespmem:v4+s28+$0x0], $0xffff;
	[tilespmem:s31+$0x30] =	vst v6  }
0x81c: {  	s1 =	sadd.s32 $0x80, s1;
	v4 =	vld.idx.msk [tilespmem:v7+s28+$0x0], $0xffff;
	[tilespmem:s31+$0xFFFFFFD0] =	vst v8  }
0x81d: {  	[tilespmem:s31+$0xFFFFFFE0] =	vst v5  }
0x81e: {  	[tilespmem:s31+$0xFFFFFFF0] =	vst v3  }
0x81f: {  	[tilespmem:s31+$0x0] =	vst v0  }
0x820: {  	[tilespmem:s31+$0x10] =	vst v1  }
0x821: {  	[tilespmem:s31+$0x20] =	vst v2  }
0x822: {  	[tilespmem:s31+$0xFFFFFFC0] =	vst v4  }
0x823: {  	[hbm4b:s8+s20] =	stream.strided.scatter [tilespmem:s25], [sflag:$0x3], $0x1000, s21, s20, $0x38;
	[tilespmem:$0x1E700] =	vst v63  }
0x824: {  	_ =	swait.ge [sflag:s26], $0x1000  }
0x825: {  	[sflag:s26] =	ssyncset.done $0x0  }
0x826: {  	s0 =	simm.s32 $0x1A770;
	[sflag:s26] =	ssyncadd.s32 $0xFFFFF000  }
0x827: {  	v0 =	vld [tilespmem:s0+$0x0]  }
0x828: {  	v1 =	vld [tilespmem:s0+$0xFFFFFFA0]  }
0x829: {  	v2 =	vld [tilespmem:s0+$0xFFFFFFB0]  }
0x82a: {  	v3 =	vld [tilespmem:s0+$0xFFFFFFC0]  }
0x82b: {  	v4 =	vld [tilespmem:s0+$0xFFFFFFD0]  }
0x82c: {  	v6 =	vld [tilespmem:s0+$0xFFFFFFE0]  }
0x82d: {  	v7 =	vld [tilespmem:s0+$0xFFFFFFF0]  }
0x82e: {  	v8 =	vld [tilespmem:s0+$0xFFFFFF90]  }
0x82f: {  	v9 =	vld.idx.msk [tilespmem:v0+s28+$0x0], $0xffff  }
0x830: {  	v10 =	vld.idx.msk [tilespmem:v1+s28+$0x0], $0xffff  }
0x831: {  	v5 =	vld.idx.msk [tilespmem:v2+s28+$0x0], $0xffff  }
0x832: {  	v3 =	vld.idx.msk [tilespmem:v3+s28+$0x0], $0xffff  }
0x833: {  	v0 =	vld.idx.msk [tilespmem:v4+s28+$0x0], $0xffff  }
0x834: {  	s31 =	simm.s32 $0x1C740;
	v1 =	vld.idx.msk [tilespmem:v6+s28+$0x0], $0xffff  }
0x835: {  	v2 =	vld.idx.msk [tilespmem:v7+s28+$0x0], $0xffff;
	[tilespmem:s31+$0x30] =	vst v9  }
0x836: {  	s1 =	simm.s32 $0x1A7F0;
	s0 =	simm.s32 $0x0;
	v4 =	vld.idx.msk [tilespmem:v8+s28+$0x0], $0xffff;
	[tilespmem:s31+$0xFFFFFFD0] =	vst v10  }
.LBB2_86:
0x837: {  	v6 =	vld [tilespmem:s1+$0x0];
	s0 =	sadd.s32 $0x80, s0;
	[tilespmem:s31+$0xFFFFFFE0] =	vst v5  }
0x838: {  	v5 =	vld [tilespmem:s1+$0xFFFFFFA0];
	p5 =	slt.u32 s0, $0xF80;
	[tilespmem:s31+$0xFFFFFFF0] =	vst v3  }
0x839: {  	v3 =	vld [tilespmem:s1+$0xFFFFFFB0];
	[tilespmem:s31+$0x0] =	vst v0  }
0x83a: {  	v0 =	vld [tilespmem:s1+$0xFFFFFFC0];
	[tilespmem:s31+$0x10] =	vst v1  }
0x83b: {  	v1 =	vld [tilespmem:s1+$0xFFFFFFD0];
	[tilespmem:s31+$0x20] =	vst v2  }
0x83c: {  	v2 =	vld [tilespmem:s1+$0xFFFFFFE0];
	[tilespmem:s31+$0xFFFFFFC0] =	vst v4  }
0x83d: {  	v4 =	vld [tilespmem:s1+$0xFFFFFFF0]  }
0x83e: {  	v7 =	vld [tilespmem:s1+$0xFFFFFF90]  }
0x83f: {  	v6 =	vld.idx.msk [tilespmem:v6+s28+$0x0], $0xffff  }
0x840: {  	v8 =	vld.idx.msk [tilespmem:v5+s28+$0x0], $0xffff  }
0x841: {  	v5 =	vld.idx.msk [tilespmem:v3+s28+$0x0], $0xffff  }
.Ltmp42:
0x842: {  	v3 =	vld.idx.msk [tilespmem:v0+s28+$0x0], $0xffff;
	(pc) =	sbr.rel @p5 .LBB2_86-.Ltmp42, $4  }
0x843: {  	v0 =	vld.idx.msk [tilespmem:v1+s28+$0x0], $0xffff  }
0x844: {  	s31 =	sadd.s32 $0x80, s31;
	v1 =	vld.idx.msk [tilespmem:v2+s28+$0x0], $0xffff  }
0x845: {  	v2 =	vld.idx.msk [tilespmem:v4+s28+$0x0], $0xffff;
	[tilespmem:s31+$0x30] =	vst v6  }
0x846: {  	s1 =	sadd.s32 $0x80, s1;
	v4 =	vld.idx.msk [tilespmem:v7+s28+$0x0], $0xffff;
	[tilespmem:s31+$0xFFFFFFD0] =	vst v8  }
0x847: {  	[tilespmem:s31+$0xFFFFFFE0] =	vst v5  }
0x848: {  	[tilespmem:s31+$0xFFFFFFF0] =	vst v3  }
0x849: {  	[tilespmem:s31+$0x0] =	vst v0  }
0x84a: {  	[tilespmem:s31+$0x10] =	vst v1  }
0x84b: {  	[tilespmem:s31+$0x20] =	vst v2  }
0x84c: {  	[tilespmem:s31+$0xFFFFFFC0] =	vst v4  }
0x84d: {  	[hbm4b:s9+s20] =	stream.strided.scatter [tilespmem:s24], [sflag:$0x2], $0x1000, s21, s20, $0x38;
	[tilespmem:$0x1E700] =	vst v63  }
0x84e: {  	_ =	swait.ge [sflag:s29], $0x1000  }
0x84f: {  	[sflag:s29] =	ssyncset.done $0x0  }
0x850: {  	s0 =	simm.s32 $0x1B770;
	[sflag:s29] =	ssyncadd.s32 $0xFFFFF000  }
0x851: {  	v0 =	vld [tilespmem:s0+$0x0]  }
0x852: {  	v1 =	vld [tilespmem:s0+$0xFFFFFFA0]  }
0x853: {  	v2 =	vld [tilespmem:s0+$0xFFFFFFB0]  }
0x854: {  	v3 =	vld [tilespmem:s0+$0xFFFFFFC0]  }
0x855: {  	v4 =	vld [tilespmem:s0+$0xFFFFFFD0]  }
0x856: {  	v6 =	vld [tilespmem:s0+$0xFFFFFFE0]  }
0x857: {  	v7 =	vld [tilespmem:s0+$0xFFFFFFF0]  }
0x858: {  	v8 =	vld [tilespmem:s0+$0xFFFFFF90]  }
0x859: {  	v9 =	vld.idx.msk [tilespmem:v0+s28+$0x0], $0xffff  }
0x85a: {  	v10 =	vld.idx.msk [tilespmem:v1+s28+$0x0], $0xffff  }
0x85b: {  	v5 =	vld.idx.msk [tilespmem:v2+s28+$0x0], $0xffff  }
0x85c: {  	v3 =	vld.idx.msk [tilespmem:v3+s28+$0x0], $0xffff  }
0x85d: {  	v0 =	vld.idx.msk [tilespmem:v4+s28+$0x0], $0xffff  }
0x85e: {  	s31 =	simm.s32 $0x1D740;
	v1 =	vld.idx.msk [tilespmem:v6+s28+$0x0], $0xffff  }
0x85f: {  	v2 =	vld.idx.msk [tilespmem:v7+s28+$0x0], $0xffff;
	[tilespmem:s31+$0x30] =	vst v9  }
0x860: {  	s1 =	simm.s32 $0x1B7F0;
	s0 =	simm.s32 $0x0;
	v4 =	vld.idx.msk [tilespmem:v8+s28+$0x0], $0xffff;
	[tilespmem:s31+$0xFFFFFFD0] =	vst v10  }
.LBB2_88:
0x861: {  	v6 =	vld [tilespmem:s1+$0x0];
	s0 =	sadd.s32 $0x80, s0;
	[tilespmem:s31+$0xFFFFFFE0] =	vst v5  }
0x862: {  	v5 =	vld [tilespmem:s1+$0xFFFFFFA0];
	p5 =	slt.u32 s0, $0xF80;
	[tilespmem:s31+$0xFFFFFFF0] =	vst v3  }
0x863: {  	v3 =	vld [tilespmem:s1+$0xFFFFFFB0];
	[tilespmem:s31+$0x0] =	vst v0  }
0x864: {  	v0 =	vld [tilespmem:s1+$0xFFFFFFC0];
	[tilespmem:s31+$0x10] =	vst v1  }
0x865: {  	v1 =	vld [tilespmem:s1+$0xFFFFFFD0];
	[tilespmem:s31+$0x20] =	vst v2  }
0x866: {  	v2 =	vld [tilespmem:s1+$0xFFFFFFE0];
	[tilespmem:s31+$0xFFFFFFC0] =	vst v4  }
0x867: {  	v4 =	vld [tilespmem:s1+$0xFFFFFFF0]  }
0x868: {  	v7 =	vld [tilespmem:s1+$0xFFFFFF90]  }
0x869: {  	v6 =	vld.idx.msk [tilespmem:v6+s28+$0x0], $0xffff  }
0x86a: {  	v8 =	vld.idx.msk [tilespmem:v5+s28+$0x0], $0xffff  }
0x86b: {  	v5 =	vld.idx.msk [tilespmem:v3+s28+$0x0], $0xffff  }
.Ltmp43:
0x86c: {  	v3 =	vld.idx.msk [tilespmem:v0+s28+$0x0], $0xffff;
	(pc) =	sbr.rel @p5 .LBB2_88-.Ltmp43, $4  }
0x86d: {  	v0 =	vld.idx.msk [tilespmem:v1+s28+$0x0], $0xffff  }
0x86e: {  	s31 =	sadd.s32 $0x80, s31;
	v1 =	vld.idx.msk [tilespmem:v2+s28+$0x0], $0xffff  }
0x86f: {  	v2 =	vld.idx.msk [tilespmem:v4+s28+$0x0], $0xffff;
	[tilespmem:s31+$0x30] =	vst v6  }
0x870: {  	s1 =	sadd.s32 $0x80, s1;
	v4 =	vld.idx.msk [tilespmem:v7+s28+$0x0], $0xffff;
	[tilespmem:s31+$0xFFFFFFD0] =	vst v8  }
0x871: {  	[tilespmem:s31+$0xFFFFFFE0] =	vst v5  }
0x872: {  	[tilespmem:s31+$0xFFFFFFF0] =	vst v3  }
0x873: {  	[tilespmem:s31+$0x0] =	vst v0  }
0x874: {  	[tilespmem:s31+$0x10] =	vst v1  }
0x875: {  	[tilespmem:s31+$0x20] =	vst v2  }
0x876: {  	[tilespmem:s31+$0xFFFFFFC0] =	vst v4  }
0x877: {  	[hbm4b:s10+s20] =	stream.strided.scatter [tilespmem:s25], [sflag:$0x3], $0x1000, s21, s20, $0x38;
	[tilespmem:$0x1E700] =	vst v63  }
0x878: {  	s1 =	simm.s32 @!p3 $0x400;
	s0 =	rddreg [dreg:$0x1b]  }
0x879: {  	[tilespmem:s28], [sflag:$0x1] =	stream.strided.gather [hbm4b:s0+s20], $0x18700, s21, s20, $0x38;
	[tilespmem:$0x1E700] =	vst v63  }
0x87a: {  	s31 =	simm.s32 @!p3 $0x18700;
	s2 =	rddreg [dreg:$0xf];
	s0 =	simm.s32 @!p3 $0x80  }
0x87b: {  	[tilespmem:s31], [sflag:$0x4] =	stream.strided.gather @!p3 [hbm4b:s2+s0], $0x4000, s1, s0, $0x38;
	[tilespmem:$0x1E700] =	vst v63  }
0x87c: {  	s0 =	simm.s32 @!p3 $0x4  }
0x87d: {  	_ =	swait.ge @!p3 [sflag:s0], $0x4000  }
0x87e: {  	[sflag:s0] =	ssyncset.done @!p3 $0x0  }
0x87f: {  	[sflag:s0] =	ssyncadd.s32 @!p3 $0xFFFFC000  }
0x880: {  	_ =	swait.ge [sflag:s23], $0x18700  }
0x881: {  	[sflag:s23] =	ssyncset.done $0x0  }
0x882: {  	[sflag:s23] =	ssyncadd.s32 $0xFFFE7900  }
0x883: {  	_ =	swait.ge [sflag:s26], $0x1000  }
0x884: {  	[sflag:s26] =	ssyncset.done $0x0  }
0x885: {  	s2 =	simm.s32 $0x18740;
	[sflag:s26] =	ssyncadd.s32 $0xFFFFF000  }
0x886: {  	v0 =	vld [tilespmem:s2+$0x30]  }
0x887: {  	v1 =	vld [tilespmem:s2+$0xFFFFFFD0]  }
0x888: {  	v2 =	vld [tilespmem:s2+$0xFFFFFFE0]  }
0x889: {  	v3 =	vld [tilespmem:s2+$0xFFFFFFF0]  }
0x88a: {  	v4 =	vld [tilespmem:s2+$0x0]  }
0x88b: {  	v6 =	vld [tilespmem:s2+$0x10]  }
0x88c: {  	v7 =	vld [tilespmem:s2+$0x20]  }
0x88d: {  	v8 =	vld [tilespmem:s2+$0xFFFFFFC0]  }
0x88e: {  	v9 =	vld.idx.msk [tilespmem:v0+s28+$0x0], $0xffff  }
0x88f: {  	v10 =	vld.idx.msk [tilespmem:v1+s28+$0x0], $0xffff  }
0x890: {  	v5 =	vld.idx.msk [tilespmem:v2+s28+$0x0], $0xffff  }
0x891: {  	v3 =	vld.idx.msk [tilespmem:v3+s28+$0x0], $0xffff  }
0x892: {  	v0 =	vld.idx.msk [tilespmem:v4+s28+$0x0], $0xffff  }
0x893: {  	s31 =	simm.s32 $0x1C740;
	v1 =	vld.idx.msk [tilespmem:v6+s28+$0x0], $0xffff  }
0x894: {  	v2 =	vld.idx.msk [tilespmem:v7+s28+$0x0], $0xffff;
	[tilespmem:s31+$0x30] =	vst v9  }
0x895: {  	s1 =	simm.s32 $0x187C0;
	s0 =	simm.s32 $0x0;
	v4 =	vld.idx.msk [tilespmem:v8+s28+$0x0], $0xffff;
	[tilespmem:s31+$0xFFFFFFD0] =	vst v10  }
.LBB2_90:
0x896: {  	v6 =	vld [tilespmem:s1+$0x30];
	s0 =	sadd.s32 $0x80, s0;
	[tilespmem:s31+$0xFFFFFFE0] =	vst v5  }
0x897: {  	v5 =	vld [tilespmem:s1+$0xFFFFFFD0];
	p5 =	slt.u32 s0, $0xF80;
	[tilespmem:s31+$0xFFFFFFF0] =	vst v3  }
0x898: {  	v3 =	vld [tilespmem:s1+$0xFFFFFFE0];
	[tilespmem:s31+$0x0] =	vst v0  }
0x899: {  	v0 =	vld [tilespmem:s1+$0xFFFFFFF0];
	[tilespmem:s31+$0x10] =	vst v1  }
0x89a: {  	v1 =	vld [tilespmem:s1+$0x0];
	[tilespmem:s31+$0x20] =	vst v2  }
0x89b: {  	v2 =	vld [tilespmem:s1+$0x10];
	[tilespmem:s31+$0xFFFFFFC0] =	vst v4  }
0x89c: {  	v4 =	vld [tilespmem:s1+$0x20]  }
0x89d: {  	v7 =	vld [tilespmem:s1+$0xFFFFFFC0]  }
0x89e: {  	v6 =	vld.idx.msk [tilespmem:v6+s28+$0x0], $0xffff  }
0x89f: {  	v8 =	vld.idx.msk [tilespmem:v5+s28+$0x0], $0xffff  }
0x8a0: {  	v5 =	vld.idx.msk [tilespmem:v3+s28+$0x0], $0xffff  }
.Ltmp44:
0x8a1: {  	v3 =	vld.idx.msk [tilespmem:v0+s28+$0x0], $0xffff;
	(pc) =	sbr.rel @p5 .LBB2_90-.Ltmp44, $4  }
0x8a2: {  	v0 =	vld.idx.msk [tilespmem:v1+s28+$0x0], $0xffff  }
0x8a3: {  	s31 =	sadd.s32 $0x80, s31;
	v1 =	vld.idx.msk [tilespmem:v2+s28+$0x0], $0xffff  }
0x8a4: {  	v2 =	vld.idx.msk [tilespmem:v4+s28+$0x0], $0xffff;
	[tilespmem:s31+$0x30] =	vst v6  }
0x8a5: {  	s1 =	sadd.s32 $0x80, s1;
	v4 =	vld.idx.msk [tilespmem:v7+s28+$0x0], $0xffff;
	[tilespmem:s31+$0xFFFFFFD0] =	vst v8  }
0x8a6: {  	[tilespmem:s31+$0xFFFFFFE0] =	vst v5  }
0x8a7: {  	[tilespmem:s31+$0xFFFFFFF0] =	vst v3  }
0x8a8: {  	[tilespmem:s31+$0x0] =	vst v0  }
0x8a9: {  	[tilespmem:s31+$0x10] =	vst v1  }
0x8aa: {  	[tilespmem:s31+$0x20] =	vst v2  }
0x8ab: {  	[tilespmem:s31+$0xFFFFFFC0] =	vst v4  }
0x8ac: {  	[hbm4b:s11+s20] =	stream.strided.scatter [tilespmem:s24], [sflag:$0x2], $0x1000, s21, s20, $0x38;
	[tilespmem:$0x1E700] =	vst v63  }
0x8ad: {  	_ =	swait.ge [sflag:s29], $0x1000  }
0x8ae: {  	[sflag:s29] =	ssyncset.done $0x0  }
0x8af: {  	s0 =	simm.s32 $0x19770;
	[sflag:s29] =	ssyncadd.s32 $0xFFFFF000  }
0x8b0: {  	v0 =	vld [tilespmem:s0+$0x0]  }
0x8b1: {  	v1 =	vld [tilespmem:s0+$0xFFFFFFA0]  }
0x8b2: {  	v2 =	vld [tilespmem:s0+$0xFFFFFFB0]  }
0x8b3: {  	v3 =	vld [tilespmem:s0+$0xFFFFFFC0]  }
0x8b4: {  	v4 =	vld [tilespmem:s0+$0xFFFFFFD0]  }
0x8b5: {  	v6 =	vld [tilespmem:s0+$0xFFFFFFE0]  }
0x8b6: {  	v7 =	vld [tilespmem:s0+$0xFFFFFFF0]  }
0x8b7: {  	v8 =	vld [tilespmem:s0+$0xFFFFFF90]  }
0x8b8: {  	v9 =	vld.idx.msk [tilespmem:v0+s28+$0x0], $0xffff  }
0x8b9: {  	v10 =	vld.idx.msk [tilespmem:v1+s28+$0x0], $0xffff  }
0x8ba: {  	v5 =	vld.idx.msk [tilespmem:v2+s28+$0x0], $0xffff  }
0x8bb: {  	v3 =	vld.idx.msk [tilespmem:v3+s28+$0x0], $0xffff  }
0x8bc: {  	v0 =	vld.idx.msk [tilespmem:v4+s28+$0x0], $0xffff  }
0x8bd: {  	s31 =	simm.s32 $0x1D740;
	v1 =	vld.idx.msk [tilespmem:v6+s28+$0x0], $0xffff  }
0x8be: {  	v2 =	vld.idx.msk [tilespmem:v7+s28+$0x0], $0xffff;
	[tilespmem:s31+$0x30] =	vst v9  }
0x8bf: {  	s1 =	simm.s32 $0x197F0;
	s0 =	simm.s32 $0x0;
	v4 =	vld.idx.msk [tilespmem:v8+s28+$0x0], $0xffff;
	[tilespmem:s31+$0xFFFFFFD0] =	vst v10  }
.LBB2_92:
0x8c0: {  	v6 =	vld [tilespmem:s1+$0x0];
	s0 =	sadd.s32 $0x80, s0;
	[tilespmem:s31+$0xFFFFFFE0] =	vst v5  }
0x8c1: {  	v5 =	vld [tilespmem:s1+$0xFFFFFFA0];
	p5 =	slt.u32 s0, $0xF80;
	[tilespmem:s31+$0xFFFFFFF0] =	vst v3  }
0x8c2: {  	v3 =	vld [tilespmem:s1+$0xFFFFFFB0];
	[tilespmem:s31+$0x0] =	vst v0  }
0x8c3: {  	v0 =	vld [tilespmem:s1+$0xFFFFFFC0];
	[tilespmem:s31+$0x10] =	vst v1  }
0x8c4: {  	v1 =	vld [tilespmem:s1+$0xFFFFFFD0];
	[tilespmem:s31+$0x20] =	vst v2  }
0x8c5: {  	v2 =	vld [tilespmem:s1+$0xFFFFFFE0];
	[tilespmem:s31+$0xFFFFFFC0] =	vst v4  }
0x8c6: {  	v4 =	vld [tilespmem:s1+$0xFFFFFFF0]  }
0x8c7: {  	v7 =	vld [tilespmem:s1+$0xFFFFFF90]  }
0x8c8: {  	v6 =	vld.idx.msk [tilespmem:v6+s28+$0x0], $0xffff  }
0x8c9: {  	v8 =	vld.idx.msk [tilespmem:v5+s28+$0x0], $0xffff  }
0x8ca: {  	v5 =	vld.idx.msk [tilespmem:v3+s28+$0x0], $0xffff  }
.Ltmp45:
0x8cb: {  	v3 =	vld.idx.msk [tilespmem:v0+s28+$0x0], $0xffff;
	(pc) =	sbr.rel @p5 .LBB2_92-.Ltmp45, $4  }
0x8cc: {  	v0 =	vld.idx.msk [tilespmem:v1+s28+$0x0], $0xffff  }
0x8cd: {  	s31 =	sadd.s32 $0x80, s31;
	v1 =	vld.idx.msk [tilespmem:v2+s28+$0x0], $0xffff  }
0x8ce: {  	v2 =	vld.idx.msk [tilespmem:v4+s28+$0x0], $0xffff;
	[tilespmem:s31+$0x30] =	vst v6  }
0x8cf: {  	s1 =	sadd.s32 $0x80, s1;
	v4 =	vld.idx.msk [tilespmem:v7+s28+$0x0], $0xffff;
	[tilespmem:s31+$0xFFFFFFD0] =	vst v8  }
0x8d0: {  	[tilespmem:s31+$0xFFFFFFE0] =	vst v5  }
0x8d1: {  	[tilespmem:s31+$0xFFFFFFF0] =	vst v3  }
0x8d2: {  	[tilespmem:s31+$0x0] =	vst v0  }
0x8d3: {  	[tilespmem:s31+$0x10] =	vst v1  }
0x8d4: {  	[tilespmem:s31+$0x20] =	vst v2  }
0x8d5: {  	[tilespmem:s31+$0xFFFFFFC0] =	vst v4  }
0x8d6: {  	[hbm4b:s12+s20] =	stream.strided.scatter [tilespmem:s25], [sflag:$0x3], $0x1000, s21, s20, $0x38;
	[tilespmem:$0x1E700] =	vst v63  }
0x8d7: {  	_ =	swait.ge [sflag:s26], $0x1000  }
0x8d8: {  	[sflag:s26] =	ssyncset.done $0x0  }
0x8d9: {  	s0 =	simm.s32 $0x1A770;
	[sflag:s26] =	ssyncadd.s32 $0xFFFFF000  }
0x8da: {  	v0 =	vld [tilespmem:s0+$0x0]  }
0x8db: {  	v1 =	vld [tilespmem:s0+$0xFFFFFFA0]  }
0x8dc: {  	v2 =	vld [tilespmem:s0+$0xFFFFFFB0]  }
0x8dd: {  	v3 =	vld [tilespmem:s0+$0xFFFFFFC0]  }
0x8de: {  	v4 =	vld [tilespmem:s0+$0xFFFFFFD0]  }
0x8df: {  	v6 =	vld [tilespmem:s0+$0xFFFFFFE0]  }
0x8e0: {  	v7 =	vld [tilespmem:s0+$0xFFFFFFF0]  }
0x8e1: {  	v8 =	vld [tilespmem:s0+$0xFFFFFF90]  }
0x8e2: {  	v9 =	vld.idx.msk [tilespmem:v0+s28+$0x0], $0xffff  }
0x8e3: {  	v10 =	vld.idx.msk [tilespmem:v1+s28+$0x0], $0xffff  }
0x8e4: {  	v5 =	vld.idx.msk [tilespmem:v2+s28+$0x0], $0xffff  }
0x8e5: {  	v3 =	vld.idx.msk [tilespmem:v3+s28+$0x0], $0xffff  }
0x8e6: {  	v0 =	vld.idx.msk [tilespmem:v4+s28+$0x0], $0xffff  }
0x8e7: {  	s31 =	simm.s32 $0x1C740;
	v1 =	vld.idx.msk [tilespmem:v6+s28+$0x0], $0xffff  }
0x8e8: {  	v2 =	vld.idx.msk [tilespmem:v7+s28+$0x0], $0xffff;
	[tilespmem:s31+$0x30] =	vst v9  }
0x8e9: {  	s1 =	simm.s32 $0x1A7F0;
	s0 =	simm.s32 $0x0;
	v4 =	vld.idx.msk [tilespmem:v8+s28+$0x0], $0xffff;
	[tilespmem:s31+$0xFFFFFFD0] =	vst v10  }
.LBB2_94:
0x8ea: {  	v6 =	vld [tilespmem:s1+$0x0];
	s0 =	sadd.s32 $0x80, s0;
	[tilespmem:s31+$0xFFFFFFE0] =	vst v5  }
0x8eb: {  	v5 =	vld [tilespmem:s1+$0xFFFFFFA0];
	p5 =	slt.u32 s0, $0xF80;
	[tilespmem:s31+$0xFFFFFFF0] =	vst v3  }
0x8ec: {  	v3 =	vld [tilespmem:s1+$0xFFFFFFB0];
	[tilespmem:s31+$0x0] =	vst v0  }
0x8ed: {  	v0 =	vld [tilespmem:s1+$0xFFFFFFC0];
	[tilespmem:s31+$0x10] =	vst v1  }
0x8ee: {  	v1 =	vld [tilespmem:s1+$0xFFFFFFD0];
	[tilespmem:s31+$0x20] =	vst v2  }
0x8ef: {  	v2 =	vld [tilespmem:s1+$0xFFFFFFE0];
	[tilespmem:s31+$0xFFFFFFC0] =	vst v4  }
0x8f0: {  	v4 =	vld [tilespmem:s1+$0xFFFFFFF0]  }
0x8f1: {  	v7 =	vld [tilespmem:s1+$0xFFFFFF90]  }
0x8f2: {  	v6 =	vld.idx.msk [tilespmem:v6+s28+$0x0], $0xffff  }
0x8f3: {  	v8 =	vld.idx.msk [tilespmem:v5+s28+$0x0], $0xffff  }
0x8f4: {  	v5 =	vld.idx.msk [tilespmem:v3+s28+$0x0], $0xffff  }
.Ltmp46:
0x8f5: {  	v3 =	vld.idx.msk [tilespmem:v0+s28+$0x0], $0xffff;
	(pc) =	sbr.rel @p5 .LBB2_94-.Ltmp46, $4  }
0x8f6: {  	v0 =	vld.idx.msk [tilespmem:v1+s28+$0x0], $0xffff  }
0x8f7: {  	s31 =	sadd.s32 $0x80, s31;
	v1 =	vld.idx.msk [tilespmem:v2+s28+$0x0], $0xffff  }
0x8f8: {  	v2 =	vld.idx.msk [tilespmem:v4+s28+$0x0], $0xffff;
	[tilespmem:s31+$0x30] =	vst v6  }
0x8f9: {  	s1 =	sadd.s32 $0x80, s1;
	v4 =	vld.idx.msk [tilespmem:v7+s28+$0x0], $0xffff;
	[tilespmem:s31+$0xFFFFFFD0] =	vst v8  }
0x8fa: {  	[tilespmem:s31+$0xFFFFFFE0] =	vst v5  }
0x8fb: {  	[tilespmem:s31+$0xFFFFFFF0] =	vst v3  }
0x8fc: {  	[tilespmem:s31+$0x0] =	vst v0  }
0x8fd: {  	[tilespmem:s31+$0x10] =	vst v1  }
0x8fe: {  	[tilespmem:s31+$0x20] =	vst v2  }
0x8ff: {  	[tilespmem:s31+$0xFFFFFFC0] =	vst v4  }
0x900: {  	[hbm4b:s13+s20] =	stream.strided.scatter [tilespmem:s24], [sflag:$0x2], $0x1000, s21, s20, $0x38;
	[tilespmem:$0x1E700] =	vst v63  }
0x901: {  	_ =	swait.ge [sflag:s29], $0x1000  }
0x902: {  	[sflag:s29] =	ssyncset.done $0x0  }
0x903: {  	s0 =	simm.s32 $0x1B770;
	[sflag:s29] =	ssyncadd.s32 $0xFFFFF000  }
0x904: {  	v0 =	vld [tilespmem:s0+$0x0]  }
0x905: {  	v1 =	vld [tilespmem:s0+$0xFFFFFFA0]  }
0x906: {  	v2 =	vld [tilespmem:s0+$0xFFFFFFB0]  }
0x907: {  	v3 =	vld [tilespmem:s0+$0xFFFFFFC0]  }
0x908: {  	v4 =	vld [tilespmem:s0+$0xFFFFFFD0]  }
0x909: {  	v6 =	vld [tilespmem:s0+$0xFFFFFFE0]  }
0x90a: {  	v7 =	vld [tilespmem:s0+$0xFFFFFFF0]  }
0x90b: {  	v8 =	vld [tilespmem:s0+$0xFFFFFF90]  }
0x90c: {  	v9 =	vld.idx.msk [tilespmem:v0+s28+$0x0], $0xffff  }
0x90d: {  	v10 =	vld.idx.msk [tilespmem:v1+s28+$0x0], $0xffff  }
0x90e: {  	v5 =	vld.idx.msk [tilespmem:v2+s28+$0x0], $0xffff  }
0x90f: {  	v3 =	vld.idx.msk [tilespmem:v3+s28+$0x0], $0xffff  }
0x910: {  	v0 =	vld.idx.msk [tilespmem:v4+s28+$0x0], $0xffff  }
0x911: {  	s31 =	simm.s32 $0x1D740;
	v1 =	vld.idx.msk [tilespmem:v6+s28+$0x0], $0xffff  }
0x912: {  	v2 =	vld.idx.msk [tilespmem:v7+s28+$0x0], $0xffff;
	[tilespmem:s31+$0x30] =	vst v9  }
0x913: {  	s1 =	simm.s32 $0x1B7F0;
	s0 =	simm.s32 $0x0;
	v4 =	vld.idx.msk [tilespmem:v8+s28+$0x0], $0xffff;
	[tilespmem:s31+$0xFFFFFFD0] =	vst v10  }
.LBB2_96:
0x914: {  	v6 =	vld [tilespmem:s1+$0x0];
	s0 =	sadd.s32 $0x80, s0;
	[tilespmem:s31+$0xFFFFFFE0] =	vst v5  }
0x915: {  	v5 =	vld [tilespmem:s1+$0xFFFFFFA0];
	p5 =	slt.u32 s0, $0xF80;
	[tilespmem:s31+$0xFFFFFFF0] =	vst v3  }
0x916: {  	v3 =	vld [tilespmem:s1+$0xFFFFFFB0];
	[tilespmem:s31+$0x0] =	vst v0  }
0x917: {  	v0 =	vld [tilespmem:s1+$0xFFFFFFC0];
	[tilespmem:s31+$0x10] =	vst v1  }
0x918: {  	v1 =	vld [tilespmem:s1+$0xFFFFFFD0];
	[tilespmem:s31+$0x20] =	vst v2  }
0x919: {  	v2 =	vld [tilespmem:s1+$0xFFFFFFE0];
	[tilespmem:s31+$0xFFFFFFC0] =	vst v4  }
0x91a: {  	v4 =	vld [tilespmem:s1+$0xFFFFFFF0]  }
0x91b: {  	v7 =	vld [tilespmem:s1+$0xFFFFFF90]  }
0x91c: {  	v6 =	vld.idx.msk [tilespmem:v6+s28+$0x0], $0xffff  }
0x91d: {  	v8 =	vld.idx.msk [tilespmem:v5+s28+$0x0], $0xffff  }
0x91e: {  	v5 =	vld.idx.msk [tilespmem:v3+s28+$0x0], $0xffff  }
.Ltmp47:
0x91f: {  	v3 =	vld.idx.msk [tilespmem:v0+s28+$0x0], $0xffff;
	(pc) =	sbr.rel @p5 .LBB2_96-.Ltmp47, $4  }
0x920: {  	v0 =	vld.idx.msk [tilespmem:v1+s28+$0x0], $0xffff  }
0x921: {  	s31 =	sadd.s32 $0x80, s31;
	v1 =	vld.idx.msk [tilespmem:v2+s28+$0x0], $0xffff  }
0x922: {  	v2 =	vld.idx.msk [tilespmem:v4+s28+$0x0], $0xffff;
	[tilespmem:s31+$0x30] =	vst v6  }
0x923: {  	s1 =	sadd.s32 $0x80, s1;
	v4 =	vld.idx.msk [tilespmem:v7+s28+$0x0], $0xffff;
	[tilespmem:s31+$0xFFFFFFD0] =	vst v8  }
0x924: {  	[tilespmem:s31+$0xFFFFFFE0] =	vst v5  }
0x925: {  	[tilespmem:s31+$0xFFFFFFF0] =	vst v3  }
0x926: {  	[tilespmem:s31+$0x0] =	vst v0  }
0x927: {  	[tilespmem:s31+$0x10] =	vst v1  }
0x928: {  	[tilespmem:s31+$0x20] =	vst v2  }
0x929: {  	[tilespmem:s31+$0xFFFFFFC0] =	vst v4  }
0x92a: {  	[hbm4b:s14+s20] =	stream.strided.scatter [tilespmem:s25], [sflag:$0x3], $0x1000, s21, s20, $0x38;
	[tilespmem:$0x1E700] =	vst v63  }
0x92b: {  	s1 =	simm.s32 @!p4 $0x400;
	s0 =	rddreg [dreg:$0x1c]  }
0x92c: {  	[tilespmem:s28], [sflag:$0x1] =	stream.strided.gather [hbm4b:s0+s20], $0x18700, s21, s20, $0x38;
	[tilespmem:$0x1E700] =	vst v63  }
0x92d: {  	s31 =	simm.s32 @!p4 $0x18700;
	s2 =	rddreg [dreg:$0x1d];
	s0 =	simm.s32 @!p4 $0x80  }
0x92e: {  	[tilespmem:s31], [sflag:$0x4] =	stream.strided.gather @!p4 [hbm4b:s2+s0], $0x4000, s1, s0, $0x38;
	[tilespmem:$0x1E700] =	vst v63  }
0x92f: {  	s0 =	simm.s32 @!p4 $0x4  }
0x930: {  	_ =	swait.ge @!p4 [sflag:s0], $0x4000  }
0x931: {  	[sflag:s0] =	ssyncset.done @!p4 $0x0  }
0x932: {  	[sflag:s0] =	ssyncadd.s32 @!p4 $0xFFFFC000  }
0x933: {  	_ =	swait.ge [sflag:s23], $0x18700  }
0x934: {  	[sflag:s23] =	ssyncset.done $0x0  }
0x935: {  	[sflag:s23] =	ssyncadd.s32 $0xFFFE7900  }
0x936: {  	_ =	swait.ge [sflag:s26], $0x1000  }
0x937: {  	[sflag:s26] =	ssyncset.done $0x0  }
0x938: {  	s2 =	simm.s32 $0x18740;
	[sflag:s26] =	ssyncadd.s32 $0xFFFFF000  }
0x939: {  	v0 =	vld [tilespmem:s2+$0x30]  }
0x93a: {  	v1 =	vld [tilespmem:s2+$0xFFFFFFD0]  }
0x93b: {  	v2 =	vld [tilespmem:s2+$0xFFFFFFE0]  }
0x93c: {  	v3 =	vld [tilespmem:s2+$0xFFFFFFF0]  }
0x93d: {  	v4 =	vld [tilespmem:s2+$0x0]  }
0x93e: {  	v6 =	vld [tilespmem:s2+$0x10]  }
0x93f: {  	v7 =	vld [tilespmem:s2+$0x20]  }
0x940: {  	v8 =	vld [tilespmem:s2+$0xFFFFFFC0]  }
0x941: {  	v9 =	vld.idx.msk [tilespmem:v0+s28+$0x0], $0xffff  }
0x942: {  	v10 =	vld.idx.msk [tilespmem:v1+s28+$0x0], $0xffff  }
0x943: {  	v5 =	vld.idx.msk [tilespmem:v2+s28+$0x0], $0xffff  }
0x944: {  	v3 =	vld.idx.msk [tilespmem:v3+s28+$0x0], $0xffff  }
0x945: {  	v0 =	vld.idx.msk [tilespmem:v4+s28+$0x0], $0xffff  }
0x946: {  	s31 =	simm.s32 $0x1C740;
	v1 =	vld.idx.msk [tilespmem:v6+s28+$0x0], $0xffff  }
0x947: {  	v2 =	vld.idx.msk [tilespmem:v7+s28+$0x0], $0xffff;
	[tilespmem:s31+$0x30] =	vst v9  }
0x948: {  	s1 =	simm.s32 $0x187C0;
	s0 =	simm.s32 $0x0;
	v4 =	vld.idx.msk [tilespmem:v8+s28+$0x0], $0xffff;
	[tilespmem:s31+$0xFFFFFFD0] =	vst v10  }
.LBB2_98:
0x949: {  	v6 =	vld [tilespmem:s1+$0x30];
	s0 =	sadd.s32 $0x80, s0;
	[tilespmem:s31+$0xFFFFFFE0] =	vst v5  }
0x94a: {  	v5 =	vld [tilespmem:s1+$0xFFFFFFD0];
	p5 =	slt.u32 s0, $0xF80;
	[tilespmem:s31+$0xFFFFFFF0] =	vst v3  }
0x94b: {  	v3 =	vld [tilespmem:s1+$0xFFFFFFE0];
	[tilespmem:s31+$0x0] =	vst v0  }
0x94c: {  	v0 =	vld [tilespmem:s1+$0xFFFFFFF0];
	[tilespmem:s31+$0x10] =	vst v1  }
0x94d: {  	v1 =	vld [tilespmem:s1+$0x0];
	[tilespmem:s31+$0x20] =	vst v2  }
0x94e: {  	v2 =	vld [tilespmem:s1+$0x10];
	[tilespmem:s31+$0xFFFFFFC0] =	vst v4  }
0x94f: {  	v4 =	vld [tilespmem:s1+$0x20]  }
0x950: {  	v7 =	vld [tilespmem:s1+$0xFFFFFFC0]  }
0x951: {  	v6 =	vld.idx.msk [tilespmem:v6+s28+$0x0], $0xffff  }
0x952: {  	v8 =	vld.idx.msk [tilespmem:v5+s28+$0x0], $0xffff  }
0x953: {  	v5 =	vld.idx.msk [tilespmem:v3+s28+$0x0], $0xffff  }
.Ltmp48:
0x954: {  	v3 =	vld.idx.msk [tilespmem:v0+s28+$0x0], $0xffff;
	(pc) =	sbr.rel @p5 .LBB2_98-.Ltmp48, $4  }
0x955: {  	v0 =	vld.idx.msk [tilespmem:v1+s28+$0x0], $0xffff  }
0x956: {  	s31 =	sadd.s32 $0x80, s31;
	v1 =	vld.idx.msk [tilespmem:v2+s28+$0x0], $0xffff  }
0x957: {  	v2 =	vld.idx.msk [tilespmem:v4+s28+$0x0], $0xffff;
	[tilespmem:s31+$0x30] =	vst v6  }
0x958: {  	s1 =	sadd.s32 $0x80, s1;
	v4 =	vld.idx.msk [tilespmem:v7+s28+$0x0], $0xffff;
	[tilespmem:s31+$0xFFFFFFD0] =	vst v8  }
0x959: {  	[tilespmem:s31+$0xFFFFFFE0] =	vst v5  }
0x95a: {  	[tilespmem:s31+$0xFFFFFFF0] =	vst v3  }
0x95b: {  	[tilespmem:s31+$0x0] =	vst v0  }
0x95c: {  	[tilespmem:s31+$0x10] =	vst v1  }
0x95d: {  	[tilespmem:s31+$0x20] =	vst v2  }
0x95e: {  	[tilespmem:s31+$0xFFFFFFC0] =	vst v4  }
0x95f: {  	[hbm4b:s15+s20] =	stream.strided.scatter [tilespmem:s24], [sflag:$0x2], $0x1000, s21, s20, $0x38;
	[tilespmem:$0x1E700] =	vst v63  }
0x960: {  	_ =	swait.ge [sflag:s29], $0x1000  }
0x961: {  	[sflag:s29] =	ssyncset.done $0x0  }
0x962: {  	s0 =	simm.s32 $0x19770;
	[sflag:s29] =	ssyncadd.s32 $0xFFFFF000  }
0x963: {  	v0 =	vld [tilespmem:s0+$0x0]  }
0x964: {  	v1 =	vld [tilespmem:s0+$0xFFFFFFA0]  }
0x965: {  	v2 =	vld [tilespmem:s0+$0xFFFFFFB0]  }
0x966: {  	v3 =	vld [tilespmem:s0+$0xFFFFFFC0]  }
0x967: {  	v4 =	vld [tilespmem:s0+$0xFFFFFFD0]  }
0x968: {  	v6 =	vld [tilespmem:s0+$0xFFFFFFE0]  }
0x969: {  	v7 =	vld [tilespmem:s0+$0xFFFFFFF0]  }
0x96a: {  	v8 =	vld [tilespmem:s0+$0xFFFFFF90]  }
0x96b: {  	v9 =	vld.idx.msk [tilespmem:v0+s28+$0x0], $0xffff  }
0x96c: {  	v10 =	vld.idx.msk [tilespmem:v1+s28+$0x0], $0xffff  }
0x96d: {  	v5 =	vld.idx.msk [tilespmem:v2+s28+$0x0], $0xffff  }
0x96e: {  	v3 =	vld.idx.msk [tilespmem:v3+s28+$0x0], $0xffff  }
0x96f: {  	v0 =	vld.idx.msk [tilespmem:v4+s28+$0x0], $0xffff  }
0x970: {  	s31 =	simm.s32 $0x1D740;
	v1 =	vld.idx.msk [tilespmem:v6+s28+$0x0], $0xffff  }
0x971: {  	v2 =	vld.idx.msk [tilespmem:v7+s28+$0x0], $0xffff;
	[tilespmem:s31+$0x30] =	vst v9  }
0x972: {  	s1 =	simm.s32 $0x197F0;
	s0 =	simm.s32 $0x0;
	v4 =	vld.idx.msk [tilespmem:v8+s28+$0x0], $0xffff;
	[tilespmem:s31+$0xFFFFFFD0] =	vst v10  }
.LBB2_100:
0x973: {  	v6 =	vld [tilespmem:s1+$0x0];
	s0 =	sadd.s32 $0x80, s0;
	[tilespmem:s31+$0xFFFFFFE0] =	vst v5  }
0x974: {  	v5 =	vld [tilespmem:s1+$0xFFFFFFA0];
	p5 =	slt.u32 s0, $0xF80;
	[tilespmem:s31+$0xFFFFFFF0] =	vst v3  }
0x975: {  	v3 =	vld [tilespmem:s1+$0xFFFFFFB0];
	[tilespmem:s31+$0x0] =	vst v0  }
0x976: {  	v0 =	vld [tilespmem:s1+$0xFFFFFFC0];
	[tilespmem:s31+$0x10] =	vst v1  }
0x977: {  	v1 =	vld [tilespmem:s1+$0xFFFFFFD0];
	[tilespmem:s31+$0x20] =	vst v2  }
0x978: {  	v2 =	vld [tilespmem:s1+$0xFFFFFFE0];
	[tilespmem:s31+$0xFFFFFFC0] =	vst v4  }
0x979: {  	v4 =	vld [tilespmem:s1+$0xFFFFFFF0]  }
0x97a: {  	v7 =	vld [tilespmem:s1+$0xFFFFFF90]  }
0x97b: {  	v6 =	vld.idx.msk [tilespmem:v6+s28+$0x0], $0xffff  }
0x97c: {  	v8 =	vld.idx.msk [tilespmem:v5+s28+$0x0], $0xffff  }
0x97d: {  	v5 =	vld.idx.msk [tilespmem:v3+s28+$0x0], $0xffff  }
.Ltmp49:
0x97e: {  	v3 =	vld.idx.msk [tilespmem:v0+s28+$0x0], $0xffff;
	(pc) =	sbr.rel @p5 .LBB2_100-.Ltmp49, $4  }
0x97f: {  	v0 =	vld.idx.msk [tilespmem:v1+s28+$0x0], $0xffff  }
0x980: {  	s31 =	sadd.s32 $0x80, s31;
	v1 =	vld.idx.msk [tilespmem:v2+s28+$0x0], $0xffff  }
0x981: {  	v2 =	vld.idx.msk [tilespmem:v4+s28+$0x0], $0xffff;
	[tilespmem:s31+$0x30] =	vst v6  }
0x982: {  	s1 =	sadd.s32 $0x80, s1;
	v4 =	vld.idx.msk [tilespmem:v7+s28+$0x0], $0xffff;
	[tilespmem:s31+$0xFFFFFFD0] =	vst v8  }
0x983: {  	[tilespmem:s31+$0xFFFFFFE0] =	vst v5  }
0x984: {  	[tilespmem:s31+$0xFFFFFFF0] =	vst v3  }
0x985: {  	[tilespmem:s31+$0x0] =	vst v0  }
0x986: {  	[tilespmem:s31+$0x10] =	vst v1  }
0x987: {  	[tilespmem:s31+$0x20] =	vst v2  }
0x988: {  	[tilespmem:s31+$0xFFFFFFC0] =	vst v4  }
0x989: {  	[hbm4b:s16+s20] =	stream.strided.scatter [tilespmem:s25], [sflag:$0x3], $0x1000, s21, s20, $0x38;
	[tilespmem:$0x1E700] =	vst v63  }
0x98a: {  	_ =	swait.ge [sflag:s26], $0x1000  }
0x98b: {  	[sflag:s26] =	ssyncset.done $0x0  }
0x98c: {  	s0 =	simm.s32 $0x1A770;
	[sflag:s26] =	ssyncadd.s32 $0xFFFFF000  }
0x98d: {  	v0 =	vld [tilespmem:s0+$0x0]  }
0x98e: {  	v1 =	vld [tilespmem:s0+$0xFFFFFFA0]  }
0x98f: {  	v2 =	vld [tilespmem:s0+$0xFFFFFFB0]  }
0x990: {  	v3 =	vld [tilespmem:s0+$0xFFFFFFC0]  }
0x991: {  	v4 =	vld [tilespmem:s0+$0xFFFFFFD0]  }
0x992: {  	v6 =	vld [tilespmem:s0+$0xFFFFFFE0]  }
0x993: {  	v7 =	vld [tilespmem:s0+$0xFFFFFFF0]  }
0x994: {  	v8 =	vld [tilespmem:s0+$0xFFFFFF90]  }
0x995: {  	v9 =	vld.idx.msk [tilespmem:v0+s28+$0x0], $0xffff  }
0x996: {  	v10 =	vld.idx.msk [tilespmem:v1+s28+$0x0], $0xffff  }
0x997: {  	v5 =	vld.idx.msk [tilespmem:v2+s28+$0x0], $0xffff  }
0x998: {  	v3 =	vld.idx.msk [tilespmem:v3+s28+$0x0], $0xffff  }
0x999: {  	v0 =	vld.idx.msk [tilespmem:v4+s28+$0x0], $0xffff  }
0x99a: {  	s31 =	simm.s32 $0x1C740;
	v1 =	vld.idx.msk [tilespmem:v6+s28+$0x0], $0xffff  }
0x99b: {  	v2 =	vld.idx.msk [tilespmem:v7+s28+$0x0], $0xffff;
	[tilespmem:s31+$0x30] =	vst v9  }
0x99c: {  	s1 =	simm.s32 $0x1A7F0;
	s0 =	simm.s32 $0x0;
	v4 =	vld.idx.msk [tilespmem:v8+s28+$0x0], $0xffff;
	[tilespmem:s31+$0xFFFFFFD0] =	vst v10  }
.LBB2_102:
0x99d: {  	v6 =	vld [tilespmem:s1+$0x0];
	s0 =	sadd.s32 $0x80, s0;
	[tilespmem:s31+$0xFFFFFFE0] =	vst v5  }
0x99e: {  	v5 =	vld [tilespmem:s1+$0xFFFFFFA0];
	p5 =	slt.u32 s0, $0xF80;
	[tilespmem:s31+$0xFFFFFFF0] =	vst v3  }
0x99f: {  	v3 =	vld [tilespmem:s1+$0xFFFFFFB0];
	[tilespmem:s31+$0x0] =	vst v0  }
0x9a0: {  	v0 =	vld [tilespmem:s1+$0xFFFFFFC0];
	[tilespmem:s31+$0x10] =	vst v1  }
0x9a1: {  	v1 =	vld [tilespmem:s1+$0xFFFFFFD0];
	[tilespmem:s31+$0x20] =	vst v2  }
0x9a2: {  	v2 =	vld [tilespmem:s1+$0xFFFFFFE0];
	[tilespmem:s31+$0xFFFFFFC0] =	vst v4  }
0x9a3: {  	v4 =	vld [tilespmem:s1+$0xFFFFFFF0]  }
0x9a4: {  	v7 =	vld [tilespmem:s1+$0xFFFFFF90]  }
0x9a5: {  	v6 =	vld.idx.msk [tilespmem:v6+s28+$0x0], $0xffff  }
0x9a6: {  	v8 =	vld.idx.msk [tilespmem:v5+s28+$0x0], $0xffff  }
0x9a7: {  	v5 =	vld.idx.msk [tilespmem:v3+s28+$0x0], $0xffff  }
.Ltmp50:
0x9a8: {  	v3 =	vld.idx.msk [tilespmem:v0+s28+$0x0], $0xffff;
	(pc) =	sbr.rel @p5 .LBB2_102-.Ltmp50, $4  }
0x9a9: {  	v0 =	vld.idx.msk [tilespmem:v1+s28+$0x0], $0xffff  }
0x9aa: {  	s31 =	sadd.s32 $0x80, s31;
	v1 =	vld.idx.msk [tilespmem:v2+s28+$0x0], $0xffff  }
0x9ab: {  	v2 =	vld.idx.msk [tilespmem:v4+s28+$0x0], $0xffff;
	[tilespmem:s31+$0x30] =	vst v6  }
0x9ac: {  	s1 =	sadd.s32 $0x80, s1;
	v4 =	vld.idx.msk [tilespmem:v7+s28+$0x0], $0xffff;
	[tilespmem:s31+$0xFFFFFFD0] =	vst v8  }
0x9ad: {  	[tilespmem:s31+$0xFFFFFFE0] =	vst v5  }
0x9ae: {  	[tilespmem:s31+$0xFFFFFFF0] =	vst v3  }
0x9af: {  	[tilespmem:s31+$0x0] =	vst v0  }
0x9b0: {  	[tilespmem:s31+$0x10] =	vst v1  }
0x9b1: {  	[tilespmem:s31+$0x20] =	vst v2  }
0x9b2: {  	[tilespmem:s31+$0xFFFFFFC0] =	vst v4  }
0x9b3: {  	[hbm4b:s17+s20] =	stream.strided.scatter [tilespmem:s24], [sflag:$0x2], $0x1000, s21, s20, $0x38;
	[tilespmem:$0x1E700] =	vst v63  }
0x9b4: {  	_ =	swait.ge [sflag:s29], $0x1000  }
0x9b5: {  	[sflag:s29] =	ssyncset.done $0x0  }
0x9b6: {  	s0 =	simm.s32 $0x1B770;
	[sflag:s29] =	ssyncadd.s32 $0xFFFFF000  }
0x9b7: {  	v0 =	vld [tilespmem:s0+$0x0]  }
0x9b8: {  	v1 =	vld [tilespmem:s0+$0xFFFFFFA0]  }
0x9b9: {  	v2 =	vld [tilespmem:s0+$0xFFFFFFB0]  }
0x9ba: {  	v3 =	vld [tilespmem:s0+$0xFFFFFFC0]  }
0x9bb: {  	v4 =	vld [tilespmem:s0+$0xFFFFFFD0]  }
0x9bc: {  	v6 =	vld [tilespmem:s0+$0xFFFFFFE0]  }
0x9bd: {  	v7 =	vld [tilespmem:s0+$0xFFFFFFF0]  }
0x9be: {  	v8 =	vld [tilespmem:s0+$0xFFFFFF90]  }
0x9bf: {  	v9 =	vld.idx.msk [tilespmem:v0+s28+$0x0], $0xffff  }
0x9c0: {  	v10 =	vld.idx.msk [tilespmem:v1+s28+$0x0], $0xffff  }
0x9c1: {  	v5 =	vld.idx.msk [tilespmem:v2+s28+$0x0], $0xffff  }
0x9c2: {  	v3 =	vld.idx.msk [tilespmem:v3+s28+$0x0], $0xffff  }
0x9c3: {  	v0 =	vld.idx.msk [tilespmem:v4+s28+$0x0], $0xffff  }
0x9c4: {  	s31 =	simm.s32 $0x1D740;
	v1 =	vld.idx.msk [tilespmem:v6+s28+$0x0], $0xffff  }
0x9c5: {  	v2 =	vld.idx.msk [tilespmem:v7+s28+$0x0], $0xffff;
	[tilespmem:s31+$0x30] =	vst v9  }
0x9c6: {  	s1 =	simm.s32 $0x1B7F0;
	s0 =	simm.s32 $0x0;
	v4 =	vld.idx.msk [tilespmem:v8+s28+$0x0], $0xffff;
	[tilespmem:s31+$0xFFFFFFD0] =	vst v10  }
.LBB2_104:
0x9c7: {  	v6 =	vld [tilespmem:s1+$0x0];
	s0 =	sadd.s32 $0x80, s0;
	[tilespmem:s31+$0xFFFFFFE0] =	vst v5  }
0x9c8: {  	v5 =	vld [tilespmem:s1+$0xFFFFFFA0];
	p5 =	slt.u32 s0, $0xF80;
	[tilespmem:s31+$0xFFFFFFF0] =	vst v3  }
0x9c9: {  	v3 =	vld [tilespmem:s1+$0xFFFFFFB0];
	[tilespmem:s31+$0x0] =	vst v0  }
0x9ca: {  	v0 =	vld [tilespmem:s1+$0xFFFFFFC0];
	[tilespmem:s31+$0x10] =	vst v1  }
0x9cb: {  	v1 =	vld [tilespmem:s1+$0xFFFFFFD0];
	[tilespmem:s31+$0x20] =	vst v2  }
0x9cc: {  	v2 =	vld [tilespmem:s1+$0xFFFFFFE0];
	[tilespmem:s31+$0xFFFFFFC0] =	vst v4  }
0x9cd: {  	v4 =	vld [tilespmem:s1+$0xFFFFFFF0]  }
0x9ce: {  	v7 =	vld [tilespmem:s1+$0xFFFFFF90]  }
0x9cf: {  	v6 =	vld.idx.msk [tilespmem:v6+s28+$0x0], $0xffff  }
0x9d0: {  	v8 =	vld.idx.msk [tilespmem:v5+s28+$0x0], $0xffff  }
0x9d1: {  	v5 =	vld.idx.msk [tilespmem:v3+s28+$0x0], $0xffff  }
.Ltmp51:
0x9d2: {  	v3 =	vld.idx.msk [tilespmem:v0+s28+$0x0], $0xffff;
	(pc) =	sbr.rel @p5 .LBB2_104-.Ltmp51, $4  }
0x9d3: {  	v0 =	vld.idx.msk [tilespmem:v1+s28+$0x0], $0xffff  }
0x9d4: {  	s31 =	sadd.s32 $0x80, s31;
	v1 =	vld.idx.msk [tilespmem:v2+s28+$0x0], $0xffff  }
0x9d5: {  	v2 =	vld.idx.msk [tilespmem:v4+s28+$0x0], $0xffff;
	[tilespmem:s31+$0x30] =	vst v6  }
0x9d6: {  	s1 =	sadd.s32 $0x80, s1;
	v4 =	vld.idx.msk [tilespmem:v7+s28+$0x0], $0xffff;
	[tilespmem:s31+$0xFFFFFFD0] =	vst v8  }
0x9d7: {  	[tilespmem:s31+$0xFFFFFFE0] =	vst v5  }
0x9d8: {  	[tilespmem:s31+$0xFFFFFFF0] =	vst v3  }
0x9d9: {  	[tilespmem:s31+$0x0] =	vst v0  }
0x9da: {  	[tilespmem:s31+$0x10] =	vst v1  }
0x9db: {  	[tilespmem:s31+$0x20] =	vst v2  }
0x9dc: {  	s30 =	sadd.s32 $0x1, s30;
	[tilespmem:s31+$0xFFFFFFC0] =	vst v4  }
0x9dd: {  	[hbm4b:s18+s20] =	stream.strided.scatter [tilespmem:s25], [sflag:$0x3], $0x1000, s21, s20, $0x38;
	[tilespmem:$0x1E700] =	vst v63  }
0x9de: {  	p5 =	sne.s32 s30, s19;
	_ =	swait.ge [sflag:s26], $0x1000  }
.Ltmp52:
0x9df: {  	[sflag:s26] =	ssyncset.done $0x0;
	(pc) =	sbr.rel @p5 .LBB2_1-.Ltmp52, $4  }
0x9e0: {  	[sflag:s26] =	ssyncadd.s32 $0xFFFFF000  }
0x9e1: {  	_ =	swait.ge [sflag:s29], $0x1000  }
0x9e2: {  	[sflag:s29] =	ssyncset.done $0x0  }
0x9e3: {  	[sflag:s29] =	ssyncadd.s32 $0xFFFFF000  }
0x9e4: {  	_ =	sfence.sel $0x180000  }
0x9e5: {  	[bflag:$0x0] =	sbarrier.arrive $0xFFFF  }
0x9e6: {  	_ =	strace $0x90000047  }
0x9e7: {  	s0 =	stileid.u32;
	[bflag:$0x2] =	sbarrier.arrive $0xFFFF  }
0x9e8: {  	p0 =	sne.s32 s0, $0x0;
	s0 =	rddreg [dreg:$0x3]  }
0x9e9: {  	s0 =	sadd.s32 @!p0 $0x100000, s0  }
0x9ea: {  	[sflag:s0] =	ssyncadd.tile.s32 @!p0 $0x1;
	_ =	shalt  }
.Lfunc_end2:
_tile_overlayer_lowered:
.L_overlay_start_2:
0x9eb: {  	(tag) =	ssettag $0x2  }
0x9ec: {  	s0 =	rddreg [dreg:$0x0];
	s2 =	stileid.u32  }
0x9ed: {  	s1 =	rddreg [dreg:$0x1];
	p0 =	sne.s32 s2, $0x0  }
0x9ee: {  	s3 =	rddreg [dreg:$0x2];
	[bflag:$0x3] =	sbarrier.arrive $0xFFFF;
	s2 =	simm.s32 @!p0 $0x1C04  }
0x9ef: {  	[timem:s3], [sflag:s2] =	dma.local @!p0 [hbm:s0], s1  }
0x9f0: {  	s0 =	simm.s32 @!p0 $0x4  }
0x9f1: {  	_ =	swait.ge @!p0 [sflag:s0], s1  }
0x9f2: {  	s1 =	ssub.s32 @!p0 $0x0, s1;
	[sflag:s0] =	ssyncset.done @!p0 $0x0  }
0x9f3: {  	[sflag:s0] =	ssyncadd.s32 @!p0 s1  }
0x9f4: {  	[bflag:$0x3] =	sbarrier.arrive $0xFFFF  }
0x9f5: {  	_ =	shalt  }

</sc_bundles>
